<compile_context>
chip_gen: v7x
topology: tpu7x:2x2x1
jax: 0.10.2.dev20260603
libtpu: 0.0.44.dev20260713+nightly
codegen_flags: <defaults>
</compile_context>

<pallas_src>
import jax
import jax.numpy as jnp
from jax import lax
from jax.experimental import pallas as pl
from jax.experimental.pallas import tpu as pltpu
from jax.experimental.pallas import tpu_sc as plsc

DD = 2.0
B = 4
F = 96
H = 224
W = 224
NC, NS = 2, 16
WPI = 7
NWK = B * WPI
RB = H // WPI
NVC = W // 16
FSC = 48
FTC = F - FSC
FB = 6
NFB = FSC // FB
ROWS = FSC + 2
PWORDS = ROWS * 128
QOFF = FSC * 128
COFF = (FSC + 1) * 128
TSTRIPE = 32
NTS = H // TSTRIPE


def _sc_body(feats_hbm, labels_hbm, out_hbm,
             lblbuf, addrbuf, buf0, buf1, partial, sem0, sem1):
    wid = lax.axis_index("s") * NC + lax.axis_index("c")

    @pl.when(wid < NWK)
    def _():
        img = wid // WPI
        r0 = (wid % WPI) * RB
        zeros16 = jnp.zeros((16,), jnp.float32)
        ones16 = jnp.ones((16,), jnp.float32)
        iota16 = lax.iota(jnp.int32, 16)
        bufs = (buf0, buf1)
        sems = (sem0, sem1)

        def start(blk, b):
            pltpu.async_copy(
                feats_hbm.at[pl.ds(img * F + blk * FB, FB),
                             pl.ds(r0, RB), :],
                bufs[b], sems[b])

        def wait(blk, b):
            pltpu.make_async_copy(
                feats_hbm.at[pl.ds(img * F + blk * FB, FB),
                             pl.ds(r0, RB), :],
                bufs[b], sems[b]).wait()

        pltpu.sync_copy(labels_hbm.at[img, pl.ds(r0, RB), :], lblbuf)
        start(0, 0)
        start(1, 1)

        def zero_body(i, _):
            for k in range(8):
                partial[pl.ds(i * 128 + 16 * k, 16)] = zeros16
            return 0

        lax.fori_loop(0, ROWS, zero_body, 0)

        def addr_row(r, _):
            for c in range(NVC):
                a = lblbuf[r, pl.ds(c * 16, 16)] * 16 + iota16
                addrbuf[r, pl.ds(c * 16, 16)] = a
                plsc.addupdate_scatter(partial, [a + COFF], ones16)
            return 0

        lax.fori_loop(0, RB, addr_row, 0)

        def process(buf, blk):
            rowbase = blk * (FB * 128)
            sbases = [rowbase + f * 128 for f in range(FB)]

            def px_row(r, _):
                for c in range(NVC):
                    a = addrbuf[r, pl.ds(c * 16, 16)]
                    vs = [buf[f, r, pl.ds(c * 16, 16)] for f in range(FB)]
                    for f in range(FB):
                        plsc.addupdate_scatter(
                            partial, [a + sbases[f]], vs[f])
                    sq = [v * v for v in vs]
                    while len(sq) > 1:
                        s2 = [sq[2 * j] + sq[2 * j + 1]
                              for j in range(len(sq) // 2)]
                        if len(sq) % 2:
                            s2[-1] = s2[-1] + sq[-1]
                        sq = s2
                    plsc.addupdate_scatter(partial, [a + QOFF], sq[0])
                return 0

            lax.fori_loop(0, RB, px_row, 0)

        def pair_body(g2, _):
            g = g2 * 2
            wait(g, 0)
            process(buf0, g)

            @pl.when(g + 2 < NFB)
            def _():
                start(g + 2, 0)

            wait(g + 1, 1)
            process(buf1, g + 1)

            @pl.when(g + 3 < NFB)
            def _():
                start(g + 3, 1)

            return 0

        lax.fori_loop(0, NFB // 2, pair_body, 0)

        pltpu.sync_copy(partial, out_hbm.at[pl.ds(wid * PWORDS, PWORDS)])


_sc_call = pl.kernel(
    _sc_body,
    out_type=jax.ShapeDtypeStruct((NWK * PWORDS,), jnp.float32),
    mesh=plsc.VectorSubcoreMesh(
        core_axis_name="c", subcore_axis_name="s",
        num_cores=NC, num_subcores=NS),
    scratch_types=[
        pltpu.VMEM((RB, W), jnp.int32),
        pltpu.VMEM((RB, W), jnp.int32),
        pltpu.VMEM((FB, RB, W), jnp.float32),
        pltpu.VMEM((FB, RB, W), jnp.float32),
        pltpu.VMEM((PWORDS,), jnp.float32),
        pltpu.SemaphoreType.DMA,
        pltpu.SemaphoreType.DMA,
    ],
    compiler_params=pltpu.CompilerParams(needs_layout_passes=False),
)


def _tc_stats_body(f_ref, l_ref, s_ref, q_ref):
    t = pl.program_id(1)

    @pl.when(t == 0)
    def _():
        s_ref[...] = jnp.zeros_like(s_ref)
        q_ref[...] = jnp.zeros_like(q_ref)

    feats = f_ref[...]
    lbl = l_ref[0]
    qpx = jnp.sum(feats * feats, axis=0)
    svals = []
    qvals = []
    for c in range(8):
        mf = (lbl == c).astype(jnp.float32)
        if c > 0:
            svals.append(jnp.sum(feats * mf[None], axis=(1, 2)))
        qvals.append(jnp.sum(qpx * mf))
    s_ref[0, 1:8, :] += jnp.stack(svals, axis=0)
    q_ref[0, 0, :] += jnp.stack(qvals)


_tc_stats_call = pl.pallas_call(
    _tc_stats_body,
    grid=(B, NTS),
    in_specs=[
        pl.BlockSpec((FTC, TSTRIPE, W),
                     lambda i, t: (2 * i + 1, t, 0)),
        pl.BlockSpec((1, TSTRIPE, W), lambda i, t: (i, t, 0)),
    ],
    out_specs=[
        pl.BlockSpec((1, 8, FTC), lambda i, t: (i, 0, 0)),
        pl.BlockSpec((1, 1, 8), lambda i, t: (i, 0, 0)),
    ],
    out_shape=[
        jax.ShapeDtypeStruct((B, 8, FTC), jnp.float32),
        jax.ShapeDtypeStruct((B, 1, 8), jnp.float32),
    ],
)


def _epi_body(p_ref, st_ref, qt_ref, o_ref):
    col = lax.broadcasted_iota(jnp.int32, (128, 8), 0)
    cls = lax.broadcasted_iota(jnp.int32, (128, 8), 1)
    E = ((col // 16) == cls).astype(jnp.float32)
    rs = []
    for img in range(B):
        Pimg = p_ref[img * WPI]
        for k in range(1, WPI):
            Pimg = Pimg + p_ref[img * WPI + k]
        rs.append(jnp.dot(Pimg, E, preferred_element_type=jnp.float32))
    R = jnp.concatenate(rs, axis=0)

    ia = lax.broadcasted_iota(jnp.int32, (8, 8), 0)
    ib = lax.broadcasted_iota(jnp.int32, (8, 8), 1)
    eye = (ia == ib).astype(jnp.float32)
    upper = (ia < ib).astype(jnp.float32)
    clsrow = lax.broadcasted_iota(jnp.int32, (1, 8), 1)
    fa = lax.broadcasted_iota(jnp.int32, (FTC, FTC), 0)
    fb = lax.broadcasted_iota(jnp.int32, (FTC, FTC), 1)
    eyef = (fa == fb).astype(jnp.float32)

    total = jnp.zeros((), jnp.float32)
    for img in range(B):
        S_sc = lax.slice(R, (img * ROWS, 0), (img * ROWS + FSC, 8))
        Q = (lax.slice(R, (img * ROWS + FSC, 0), (img * ROWS + FSC + 1, 8))
             + qt_ref[img])
        C = lax.slice(R, (img * ROWS + FSC + 1, 0), (img * ROWS + ROWS, 8))
        S_tc = lax.dot_general(eyef, st_ref[img], (((1,), (1,)), ((), ())),
                               preferred_element_type=jnp.float32)
        S = jnp.concatenate([S_sc, S_tc], axis=0)
        size = jnp.maximum(C, 1.0)
        pres = (C > 0.5).astype(jnp.float32)
        s2 = jnp.sum(S * S, axis=0, keepdims=True)
        inner = jnp.where(clsrow == 0, Q, Q - s2 / size)
        var_loss = jnp.sum(pres * inner / size)

        M = jnp.where(clsrow == 0, 0.0, S / size)
        G = lax.dot_general(M, M, (((0,), (0,)), ((), ())),
                            preferred_element_type=jnp.float32)
        diag_col = jnp.sum(G * eye, axis=1, keepdims=True)
        n2_row = jnp.sum(M * M, axis=0, keepdims=True)
        d2 = jnp.maximum(diag_col + n2_row - 2.0 * G, 0.0)
        dist = jnp.sqrt(d2)
        pen = jnp.where(dist < 2.0 * DD, (2.0 * DD - dist) ** 2, 0.0)
        pres_col = jnp.sum(eye * pres, axis=1, keepdims=True)
        nc = jnp.sum(pres)
        denom = jnp.maximum(nc - 1.0, 1.0)
        dist_loss = jnp.sum(upper * pres_col * pres * pen) / denom
        tot = (var_loss + dist_loss) / jnp.maximum(nc, 1.0)
        total = total + jnp.where(nc <= 1.0, 0.0, tot)

    o_ref[...] = jnp.reshape(total / B, (1, 1))


_epi_call = pl.pallas_call(
    _epi_body,
    out_shape=jax.ShapeDtypeStruct((1, 1), jnp.float32),
    in_specs=[
        pl.BlockSpec((NWK, ROWS, 128), lambda: (0, 0, 0)),
        pl.BlockSpec((B, 8, FTC), lambda: (0, 0, 0)),
        pl.BlockSpec((B, 1, 8), lambda: (0, 0, 0)),
    ],
    out_specs=pl.BlockSpec((1, 1), lambda: (0, 0)),
)


@jax.jit
def kernel(features_batch, labels_batch):
    feats = features_batch.reshape(B * F, H, W)
    partials = _sc_call(feats, labels_batch)
    s_tc, q_tc = _tc_stats_call(feats, labels_batch)
    p3 = partials.reshape(NWK, ROWS, 128)
    loss = _epi_call(p3, s_tc, q_tc)
    return loss.reshape(1)

# --- scband reference (transcript-rebuilt; emitter-appended) ---
"""Pipeline reference for scband-costume-loss-30872224924168 (READ-ONLY COPY).

The authoritative reference and input builder live on the scoring server;
editing this copy changes nothing except your own understanding.
"""

import jax, jax.numpy as jnp
import numpy as np

DD = 2.0


def _contrastive_loss_single(features, label):
    # features: (d, h, w); label: (h, w) traced int array with values in [0, 8)
    d, h, w = features.shape
    feats = jnp.transpose(features, (1, 2, 0)).reshape(h * w, d)
    label = jnp.reshape(label, (h * w,))
    num_candidates = 8
    var_loss = jnp.zeros((), dtype=jnp.float32)
    dist_loss = jnp.zeros((), dtype=jnp.float32)
    means = []
    present = []
    for instance in range(num_candidates):
        mask = label == instance
        count = jnp.sum(mask)
        size = jnp.maximum(count, 1).astype(feats.dtype)
        maskf = mask.astype(feats.dtype)[:, None]
        if instance == 0:
            mean = jnp.zeros((d,), dtype=feats.dtype)
            dist2mean = jnp.sum((feats ** 2) * maskf, axis=1)
        else:
            mean = jnp.sum(feats * maskf, axis=0) / size
            dists = (feats - mean) * maskf
            dist2mean = jnp.sum(dists ** 2, axis=1)
        var_loss = var_loss + jnp.where(count > 0, jnp.sum(dist2mean) / size, 0.0)
        means.append(mean)
        present.append(count > 0)
    means = jnp.stack(means)
    present = jnp.stack(present)
    num_clusters = jnp.sum(present).astype(jnp.float32)
    denom = jnp.maximum(num_clusters - 1.0, 1.0)
    for i in range(num_candidates):
        for j in range(i + 1, num_candidates):
            dist = jnp.linalg.norm(means[i] - means[j])
            pen = jnp.where(dist < DD * 2, (2.0 * DD - dist) ** 2, 0.0)
            pair = jnp.logical_and(present[i], present[j])
            dist_loss = dist_loss + jnp.where(pair, pen / denom, 0.0)
    total_loss = (var_loss + dist_loss) / jnp.maximum(num_clusters, 1.0)
    return jnp.where(num_clusters <= 1.0, jnp.zeros((), dtype=jnp.float32), total_loss)


def setup_inputs(seed: int = 0) -> dict:
    key = jax.random.key(seed)
    k1, k2 = jax.random.split(key)
    features_batch = jax.random.normal(k1, (4, 96, 224, 224), dtype=jnp.float32)
    labels_batch = jax.random.randint(k2, (4, 224, 224), 0, 8, dtype=jnp.int32)
    return {"features_batch": features_batch, "labels_batch": labels_batch}


def reference(features_batch, labels_batch):
    batch_size = features_batch.shape[0]
    running = jnp.zeros((), dtype=jnp.float32)
    for i in range(batch_size):
        running = running + _contrastive_loss_single(features_batch[i], labels_batch[i])
    return jnp.reshape(running / batch_size, (1,))

if __name__ == "__main__":
    import jax
    _d = setup_inputs()
    print(jax.jit(kernel)(*tuple(_d.values())))

</pallas_src>

<mosaic_0001>
#map = affine_map<(d0, d1) -> (0, 0, 0)>
#map1 = affine_map<(d0, d1) -> (0)>
module attributes {stable_mosaic.version = 14 : i64} {
  func.func @_sc_body(%arg0: i32, %arg1: i32, %arg2: memref<384x224x224xf32, #tpu.memory_space<hbm>>, %arg3: memref<4x224x224xi32, #tpu.memory_space<hbm>>, %arg4: memref<179200xf32, #tpu.memory_space<hbm>>, %arg5: memref<32x224xi32, #tpu.memory_space<vmem>>, %arg6: memref<32x224xi32, #tpu.memory_space<vmem>>, %arg7: memref<6x32x224xf32, #tpu.memory_space<vmem>>, %arg8: memref<6x32x224xf32, #tpu.memory_space<vmem>>, %arg9: memref<6400xf32, #tpu.memory_space<vmem>>, %arg10: memref<!tpu.dma_semaphore, #tpu.memory_space<semaphore_mem>>, %arg11: memref<!tpu.dma_semaphore, #tpu.memory_space<semaphore_mem>>) attributes {dimension_semantics = [#tpu.dimension_semantics<core_parallel>, #tpu.dimension_semantics<subcore_parallel>], iteration_bounds = array<i64: 2, 16>, scalar_prefetch = 0 : i64, scratch_operands = 7 : i64, tpu.core_type = #tpu.core_type<sc_vector_subcore>, window_params = [{transform_indices = #map}, {transform_indices = #map}, {transform_indices = #map1}]} {
    %mul3A = arith.constant 2 : i32
    %mul3A_0 = arith.muli %arg1, %mul3A : i32
    %add3A = arith.addi %mul3A_0, %arg0 : i32
    %lt3A = arith.constant 28 : i32
    %lt3A_1 = arith.cmpi slt, %add3A, %lt3A : i32
    %convert_element_type3A = arith.extui %lt3A_1 : i1 to i32
    %cond3A = arith.constant 0 : i32
    %cond3A_2 = arith.cmpi ne, %convert_element_type3A, %cond3A : i32
    scf.if %cond3A_2 {
      %jit3A = arith.constant 7 : i32
      %div3A = arith.divsi %add3A, %jit3A : i32
      %sign3A = arith.constant 0 : i32
      %sign3A_3 = arith.cmpi sgt, %add3A, %sign3A : i32
      %sign3A_4 = arith.extui %sign3A_3 : i1 to i32
      %sign3A_5 = arith.constant 0 : i32
      %sign3A_6 = arith.cmpi slt, %add3A, %sign3A_5 : i32
      %sign3A_7 = arith.extui %sign3A_6 : i1 to i32
      %sign3A_8 = arith.subi %sign3A_4, %sign3A_7 : i32
      %sign3A_9 = arith.constant 0 : i32
      %sign3A_10 = arith.cmpi sgt, %jit3A, %sign3A_9 : i32
      %sign3A_11 = arith.extui %sign3A_10 : i1 to i32
      %sign3A_12 = arith.constant 0 : i32
      %sign3A_13 = arith.cmpi slt, %jit3A, %sign3A_12 : i32
      %sign3A_14 = arith.extui %sign3A_13 : i1 to i32
      %sign3A_15 = arith.subi %sign3A_11, %sign3A_14 : i32
      %ne3A = arith.cmpi ne, %sign3A_8, %sign3A_15 : i32
      %rem3A = arith.remsi %add3A, %jit3A : i32
      %ne3A_16 = arith.constant 0 : i32
      %ne3A_17 = arith.cmpi ne, %rem3A, %ne3A_16 : i32
      %and3A = arith.andi %ne3A, %ne3A_17 : i1
      %sub3A = arith.constant 1 : i32
      %sub3A_18 = arith.subi %div3A, %sub3A : i32
      %select_n3A = arith.select %and3A, %sub3A_18, %div3A : i32
      %jit3A_19 = arith.constant 7 : i32
      %eq3A = arith.constant 0 : i32
      %eq3A_20 = arith.cmpi eq, %jit3A_19, %eq3A : i32
      %jit3A_21 = arith.constant 1 : i32
      %select_n3A_22 = arith.select %eq3A_20, %jit3A_21, %jit3A_19 : i32
      %rem3A_23 = arith.remsi %add3A, %select_n3A_22 : i32
      %ne3A_24 = arith.constant 0 : i32
      %ne3A_25 = arith.cmpi ne, %rem3A_23, %ne3A_24 : i32
      %lt3A_26 = arith.constant 0 : i32
      %lt3A_27 = arith.cmpi slt, %rem3A_23, %lt3A_26 : i32
      %lt3A_28 = arith.constant 0 : i32
      %lt3A_29 = arith.cmpi slt, %select_n3A_22, %lt3A_28 : i32
      %ne3A_30 = arith.xori %lt3A_27, %lt3A_29 : i1
      %and3A_31 = arith.andi %ne3A_30, %ne3A_25 : i1
      %add3A_32 = arith.addi %rem3A_23, %select_n3A_22 : i32
      %select_n3A_33 = arith.select %and3A_31, %add3A_32, %rem3A_23 : i32
      %mul3A_34 = arith.constant 32 : i32
      %mul3A_35 = arith.muli %select_n3A_33, %mul3A_34 : i32
      %broadcast_in_dim3A = arith.constant 0.000000e+00 : f32
      %broadcast_in_dim3A_36 = vector.broadcast %broadcast_in_dim3A : f32 to vector<16xf32>
      %broadcast_in_dim3A_37 = arith.constant 1.000000e+00 : f32
      %broadcast_in_dim3A_38 = vector.broadcast %broadcast_in_dim3A_37 : f32 to vector<16xf32>
      %iota3A = tpu.iota {dimensions = array<i32: 0>} : vector<16xi32>
      "tpu.region"() ({
        %run_scoped3A = tpu.sem_alloc : memref<!tpu.dma_semaphore, #tpu.memory_space<semaphore_mem>>
        %dma_start3A_76 = arith.constant 0 : i32
        %dma_start3A_77 = tpu.memref_slice %arg3[%select_n3A, %mul3A_35, %dma_start3A_76] : memref<4x224x224xi32, #tpu.memory_space<hbm>> -> memref<1x32x224xi32, #tpu.memory_space<hbm>>
        %dma_start3A_78 = tpu.memref_squeeze %dma_start3A_77 : memref<1x32x224xi32, #tpu.memory_space<hbm>> -> memref<32x224xi32, #tpu.memory_space<hbm>>
        %dma_start3A_79 = arith.constant 0 : i32
        %dma_start3A_80 = tpu.memref_slice %arg3[%select_n3A, %mul3A_35, %dma_start3A_79] : memref<4x224x224xi32, #tpu.memory_space<hbm>> -> memref<1x32x224xi32, #tpu.memory_space<hbm>>
        %dma_start3A_81 = tpu.memref_squeeze %dma_start3A_80 : memref<1x32x224xi32, #tpu.memory_space<hbm>> -> memref<32x224xi32, #tpu.memory_space<hbm>>
        tpu.enqueue_dma source(%dma_start3A_81 : memref<32x224xi32, #tpu.memory_space<hbm>>) target(%arg5 : memref<32x224xi32, #tpu.memory_space<vmem>>) target_semaphore(%run_scoped3A : memref<!tpu.dma_semaphore, #tpu.memory_space<semaphore_mem>>)
        %dma_wait3A = arith.constant 0 : i32
        %dma_wait3A_82 = tpu.memref_slice %arg3[%select_n3A, %mul3A_35, %dma_wait3A] : memref<4x224x224xi32, #tpu.memory_space<hbm>> -> memref<1x32x224xi32, #tpu.memory_space<hbm>>
        %dma_wait3A_83 = tpu.memref_squeeze %dma_wait3A_82 : memref<1x32x224xi32, #tpu.memory_space<hbm>> -> memref<32x224xi32, #tpu.memory_space<hbm>>
        %dma_wait3A_84 = arith.constant 0 : i32
        %dma_wait3A_85 = tpu.memref_slice %arg3[%select_n3A, %mul3A_35, %dma_wait3A_84] : memref<4x224x224xi32, #tpu.memory_space<hbm>> -> memref<1x32x224xi32, #tpu.memory_space<hbm>>
        %dma_wait3A_86 = tpu.memref_squeeze %dma_wait3A_85 : memref<1x32x224xi32, #tpu.memory_space<hbm>> -> memref<32x224xi32, #tpu.memory_space<hbm>>
        tpu.wait_dma2 semaphore(%run_scoped3A : memref<!tpu.dma_semaphore, #tpu.memory_space<semaphore_mem>>) src(%dma_wait3A_86 : memref<32x224xi32, #tpu.memory_space<hbm>>) dst(%arg5 : memref<32x224xi32, #tpu.memory_space<vmem>>)
        tpu.yield
      }) : () -> ()
      %mul3A_39 = arith.constant 96 : i32
      %mul3A_40 = arith.muli %select_n3A, %mul3A_39 : i32
      %add3A_41 = arith.constant 0 : i32
      %add3A_42 = arith.addi %mul3A_40, %add3A_41 : i32
      %dma_start3A = arith.constant 0 : i32
      %dma_start3A_43 = tpu.memref_slice %arg2[%add3A_42, %mul3A_35, %dma_start3A] : memref<384x224x224xf32, #tpu.memory_space<hbm>> -> memref<6x32x224xf32, #tpu.memory_space<hbm>>
      %dma_start3A_44 = arith.constant 0 : i32
      %dma_start3A_45 = tpu.memref_slice %arg2[%add3A_42, %mul3A_35, %dma_start3A_44] : memref<384x224x224xf32, #tpu.memory_space<hbm>> -> memref<6x32x224xf32, #tpu.memory_space<hbm>>
      tpu.enqueue_dma source(%dma_start3A_45 : memref<6x32x224xf32, #tpu.memory_space<hbm>>) target(%arg7 : memref<6x32x224xf32, #tpu.memory_space<vmem>>) target_semaphore(%arg10 : memref<!tpu.dma_semaphore, #tpu.memory_space<semaphore_mem>>)
      %mul3A_46 = arith.constant 96 : i32
      %mul3A_47 = arith.muli %select_n3A, %mul3A_46 : i32
      %add3A_48 = arith.constant 6 : i32
      %add3A_49 = arith.addi %mul3A_47, %add3A_48 : i32
      %dma_start3A_50 = arith.constant 0 : i32
      %dma_start3A_51 = tpu.memref_slice %arg2[%add3A_49, %mul3A_35, %dma_start3A_50] : memref<384x224x224xf32, #tpu.memory_space<hbm>> -> memref<6x32x224xf32, #tpu.memory_space<hbm>>
      %dma_start3A_52 = arith.constant 0 : i32
      %dma_start3A_53 = tpu.memref_slice %arg2[%add3A_49, %mul3A_35, %dma_start3A_52] : memref<384x224x224xf32, #tpu.memory_space<hbm>> -> memref<6x32x224xf32, #tpu.memory_space<hbm>>
      tpu.enqueue_dma source(%dma_start3A_53 : memref<6x32x224xf32, #tpu.memory_space<hbm>>) target(%arg8 : memref<6x32x224xf32, #tpu.memory_space<vmem>>) target_semaphore(%arg11 : memref<!tpu.dma_semaphore, #tpu.memory_space<semaphore_mem>>)
      %scan3A = arith.constant 0 : i32
      %scan3A_54 = arith.constant 0 : i32
      %scan3A_55 = arith.constant 50 : i32
      %scan3A_56 = arith.addi %scan3A_54, %scan3A_55 : i32
      %scan3A_57 = arith.constant 1 : i32
      %scan3A_58 = scf.for %scan3A_76 = %scan3A_54 to %scan3A_56 step %scan3A_57 iter_args(%scan3A_77 = %scan3A) -> (i32)  : i32 {
        %mul3A_78 = arith.constant 128 : i32
        %mul3A_79 = arith.muli %scan3A_76, %mul3A_78 : i32
        %add3A_80 = arith.constant 0 : i32
        %add3A_81 = arith.addi %mul3A_79, %add3A_80 : i32
        %swap3A = arith.index_cast %add3A_81 : i32 to index
        %swap3A_82 = tpu.vector_load %arg9[%swap3A] {strides = array<i32>} : memref<6400xf32, #tpu.memory_space<vmem>>, vector<16xf32>,
        tpu.vector_store %arg9[%swap3A], %broadcast_in_dim3A_36 {strides = array<i32>} : memref<6400xf32, #tpu.memory_space<vmem>>, vector<16xf32>,
        %mul3A_83 = arith.constant 128 : i32
        %mul3A_84 = arith.muli %scan3A_76, %mul3A_83 : i32
        %add3A_85 = arith.constant 16 : i32
        %add3A_86 = arith.addi %mul3A_84, %add3A_85 : i32
        %swap3A_87 = arith.index_cast %add3A_86 : i32 to index
        %swap3A_88 = tpu.vector_load %arg9[%swap3A_87] {strides = array<i32>} : memref<6400xf32, #tpu.memory_space<vmem>>, vector<16xf32>,
        tpu.vector_store %arg9[%swap3A_87], %broadcast_in_dim3A_36 {strides = array<i32>} : memref<6400xf32, #tpu.memory_space<vmem>>, vector<16xf32>,
        %mul3A_89 = arith.constant 128 : i32
        %mul3A_90 = arith.muli %scan3A_76, %mul3A_89 : i32
        %add3A_91 = arith.constant 32 : i32
        %add3A_92 = arith.addi %mul3A_90, %add3A_91 : i32
        %swap3A_93 = arith.index_cast %add3A_92 : i32 to index
        %swap3A_94 = tpu.vector_load %arg9[%swap3A_93] {strides = array<i32>} : memref<6400xf32, #tpu.memory_space<vmem>>, vector<16xf32>,
        tpu.vector_store %arg9[%swap3A_93], %broadcast_in_dim3A_36 {strides = array<i32>} : memref<6400xf32, #tpu.memory_space<vmem>>, vector<16xf32>,
        %mul3A_95 = arith.constant 128 : i32
        %mul3A_96 = arith.muli %scan3A_76, %mul3A_95 : i32
        %add3A_97 = arith.constant 48 : i32
        %add3A_98 = arith.addi %mul3A_96, %add3A_97 : i32
        %swap3A_99 = arith.index_cast %add3A_98 : i32 to index
        %swap3A_100 = tpu.vector_load %arg9[%swap3A_99] {strides = array<i32>} : memref<6400xf32, #tpu.memory_space<vmem>>, vector<16xf32>,
        tpu.vector_store %arg9[%swap3A_99], %broadcast_in_dim3A_36 {strides = array<i32>} : memref<6400xf32, #tpu.memory_space<vmem>>, vector<16xf32>,
        %mul3A_101 = arith.constant 128 : i32
        %mul3A_102 = arith.muli %scan3A_76, %mul3A_101 : i32
        %add3A_103 = arith.constant 64 : i32
        %add3A_104 = arith.addi %mul3A_102, %add3A_103 : i32
        %swap3A_105 = arith.index_cast %add3A_104 : i32 to index
        %swap3A_106 = tpu.vector_load %arg9[%swap3A_105] {strides = array<i32>} : memref<6400xf32, #tpu.memory_space<vmem>>, vector<16xf32>,
        tpu.vector_store %arg9[%swap3A_105], %broadcast_in_dim3A_36 {strides = array<i32>} : memref<6400xf32, #tpu.memory_space<vmem>>, vector<16xf32>,
        %mul3A_107 = arith.constant 128 : i32
        %mul3A_108 = arith.muli %scan3A_76, %mul3A_107 : i32
        %add3A_109 = arith.constant 80 : i32
        %add3A_110 = arith.addi %mul3A_108, %add3A_109 : i32
        %swap3A_111 = arith.index_cast %add3A_110 : i32 to index
        %swap3A_112 = tpu.vector_load %arg9[%swap3A_111] {strides = array<i32>} : memref<6400xf32, #tpu.memory_space<vmem>>, vector<16xf32>,
        tpu.vector_store %arg9[%swap3A_111], %broadcast_in_dim3A_36 {strides = array<i32>} : memref<6400xf32, #tpu.memory_space<vmem>>, vector<16xf32>,
        %mul3A_113 = arith.constant 128 : i32
        %mul3A_114 = arith.muli %scan3A_76, %mul3A_113 : i32
        %add3A_115 = arith.constant 96 : i32
        %add3A_116 = arith.addi %mul3A_114, %add3A_115 : i32
        %swap3A_117 = arith.index_cast %add3A_116 : i32 to index
        %swap3A_118 = tpu.vector_load %arg9[%swap3A_117] {strides = array<i32>} : memref<6400xf32, #tpu.memory_space<vmem>>, vector<16xf32>,
        tpu.vector_store %arg9[%swap3A_117], %broadcast_in_dim3A_36 {strides = array<i32>} : memref<6400xf32, #tpu.memory_space<vmem>>, vector<16xf32>,
        %mul3A_119 = arith.constant 128 : i32
        %mul3A_120 = arith.muli %scan3A_76, %mul3A_119 : i32
        %add3A_121 = arith.constant 112 : i32
        %add3A_122 = arith.addi %mul3A_120, %add3A_121 : i32
        %swap3A_123 = arith.index_cast %add3A_122 : i32 to index
        %swap3A_124 = tpu.vector_load %arg9[%swap3A_123] {strides = array<i32>} : memref<6400xf32, #tpu.memory_space<vmem>>, vector<16xf32>,
        tpu.vector_store %arg9[%swap3A_123], %broadcast_in_dim3A_36 {strides = array<i32>} : memref<6400xf32, #tpu.memory_space<vmem>>, vector<16xf32>,
        %scan3A_125 = arith.constant 0 : i32
        scf.yield %scan3A_125 : i32
      }
      %scan3A_59 = arith.constant 50 : i32
      %scan3A_60 = arith.constant 0 : i32
      %scan3A_61 = arith.constant 0 : i32
      %scan3A_62 = arith.constant 32 : i32
      %scan3A_63 = arith.addi %scan3A_61, %scan3A_62 : i32
      %scan3A_64 = arith.constant 1 : i32
      %scan3A_65 = scf.for %scan3A_76 = %scan3A_61 to %scan3A_63 step %scan3A_64 iter_args(%scan3A_77 = %scan3A_60) -> (i32)  : i32 {
        %get3A = arith.index_cast %scan3A_76 : i32 to index
        %get3A_78 = arith.constant 0 : index
        %get3A_79 = tpu.vector_load %arg5[%get3A, %get3A_78] {strides = array<i32>} : memref<32x224xi32, #tpu.memory_space<vmem>>, vector<16xi32>,
        %mul3A_80 = arith.constant 16 : i32
        %mul3A_81 = vector.broadcast %mul3A_80 : i32 to vector<16xi32>
        %mul3A_82 = arith.muli %get3A_79, %mul3A_81 : vector<16xi32>
        %add3A_83 = arith.addi %mul3A_82, %iota3A : vector<16xi32>
        %swap3A = arith.index_cast %scan3A_76 : i32 to index
        %swap3A_84 = arith.constant 0 : index
        %swap3A_85 = tpu.vector_load %arg6[%swap3A, %swap3A_84] {strides = array<i32>} : memref<32x224xi32, #tpu.memory_space<vmem>>, vector<16xi32>,
        tpu.vector_store %arg6[%swap3A, %swap3A_84], %add3A_83 {strides = array<i32>} : memref<32x224xi32, #tpu.memory_space<vmem>>, vector<16xi32>,
        %add3A_86 = arith.constant 6272 : i32
        %add3A_87 = vector.broadcast %add3A_86 : i32 to vector<16xi32>
        %add3A_88 = arith.addi %add3A_83, %add3A_87 : vector<16xi32>
        tpu.vector_store_idx %arg9[%add3A_88], %broadcast_in_dim3A_38 {add = true} : memref<6400xf32, #tpu.memory_space<vmem>>[vector<16xi32>], vector<16xf32>,
        %get3A_89 = arith.index_cast %scan3A_76 : i32 to index
        %get3A_90 = arith.constant 16 : index
        %get3A_91 = tpu.vector_load %arg5[%get3A_89, %get3A_90] {strides = array<i32>} : memref<32x224xi32, #tpu.memory_space<vmem>>, vector<16xi32>,
        %mul3A_92 = arith.constant 16 : i32
        %mul3A_93 = vector.broadcast %mul3A_92 : i32 to vector<16xi32>
        %mul3A_94 = arith.muli %get3A_91, %mul3A_93 : vector<16xi32>
        %add3A_95 = arith.addi %mul3A_94, %iota3A : vector<16xi32>
        %swap3A_96 = arith.index_cast %scan3A_76 : i32 to index
        %swap3A_97 = arith.constant 16 : index
        %swap3A_98 = tpu.vector_load %arg6[%swap3A_96, %swap3A_97] {strides = array<i32>} : memref<32x224xi32, #tpu.memory_space<vmem>>, vector<16xi32>,
        tpu.vector_store %arg6[%swap3A_96, %swap3A_97], %add3A_95 {strides = array<i32>} : memref<32x224xi32, #tpu.memory_space<vmem>>, vector<16xi32>,
        %add3A_99 = arith.constant 6272 : i32
        %add3A_100 = vector.broadcast %add3A_99 : i32 to vector<16xi32>
        %add3A_101 = arith.addi %add3A_95, %add3A_100 : vector<16xi32>
        tpu.vector_store_idx %arg9[%add3A_101], %broadcast_in_dim3A_38 {add = true} : memref<6400xf32, #tpu.memory_space<vmem>>[vector<16xi32>], vector<16xf32>,
        %get3A_102 = arith.index_cast %scan3A_76 : i32 to index
        %get3A_103 = arith.constant 32 : index
        %get3A_104 = tpu.vector_load %arg5[%get3A_102, %get3A_103] {strides = array<i32>} : memref<32x224xi32, #tpu.memory_space<vmem>>, vector<16xi32>,
        %mul3A_105 = arith.constant 16 : i32
        %mul3A_106 = vector.broadcast %mul3A_105 : i32 to vector<16xi32>
        %mul3A_107 = arith.muli %get3A_104, %mul3A_106 : vector<16xi32>
        %add3A_108 = arith.addi %mul3A_107, %iota3A : vector<16xi32>
        %swap3A_109 = arith.index_cast %scan3A_76 : i32 to index
        %swap3A_110 = arith.constant 32 : index
        %swap3A_111 = tpu.vector_load %arg6[%swap3A_109, %swap3A_110] {strides = array<i32>} : memref<32x224xi32, #tpu.memory_space<vmem>>, vector<16xi32>,
        tpu.vector_store %arg6[%swap3A_109, %swap3A_110], %add3A_108 {strides = array<i32>} : memref<32x224xi32, #tpu.memory_space<vmem>>, vector<16xi32>,
        %add3A_112 = arith.constant 6272 : i32
        %add3A_113 = vector.broadcast %add3A_112 : i32 to vector<16xi32>
        %add3A_114 = arith.addi %add3A_108, %add3A_113 : vector<16xi32>
        tpu.vector_store_idx %arg9[%add3A_114], %broadcast_in_dim3A_38 {add = true} : memref<6400xf32, #tpu.memory_space<vmem>>[vector<16xi32>], vector<16xf32>,
        %get3A_115 = arith.index_cast %scan3A_76 : i32 to index
        %get3A_116 = arith.constant 48 : index
        %get3A_117 = tpu.vector_load %arg5[%get3A_115, %get3A_116] {strides = array<i32>} : memref<32x224xi32, #tpu.memory_space<vmem>>, vector<16xi32>,
        %mul3A_118 = arith.constant 16 : i32
        %mul3A_119 = vector.broadcast %mul3A_118 : i32 to vector<16xi32>
        %mul3A_120 = arith.muli %get3A_117, %mul3A_119 : vector<16xi32>
        %add3A_121 = arith.addi %mul3A_120, %iota3A : vector<16xi32>
        %swap3A_122 = arith.index_cast %scan3A_76 : i32 to index
        %swap3A_123 = arith.constant 48 : index
        %swap3A_124 = tpu.vector_load %arg6[%swap3A_122, %swap3A_123] {strides = array<i32>} : memref<32x224xi32, #tpu.memory_space<vmem>>, vector<16xi32>,
        tpu.vector_store %arg6[%swap3A_122, %swap3A_123], %add3A_121 {strides = array<i32>} : memref<32x224xi32, #tpu.memory_space<vmem>>, vector<16xi32>,
        %add3A_125 = arith.constant 6272 : i32
        %add3A_126 = vector.broadcast %add3A_125 : i32 to vector<16xi32>
        %add3A_127 = arith.addi %add3A_121, %add3A_126 : vector<16xi32>
        tpu.vector_store_idx %arg9[%add3A_127], %broadcast_in_dim3A_38 {add = true} : memref<6400xf32, #tpu.memory_space<vmem>>[vector<16xi32>], vector<16xf32>,
        %get3A_128 = arith.index_cast %scan3A_76 : i32 to index
        %get3A_129 = arith.constant 64 : index
        %get3A_130 = tpu.vector_load %arg5[%get3A_128, %get3A_129] {strides = array<i32>} : memref<32x224xi32, #tpu.memory_space<vmem>>, vector<16xi32>,
        %mul3A_131 = arith.constant 16 : i32
        %mul3A_132 = vector.broadcast %mul3A_131 : i32 to vector<16xi32>
        %mul3A_133 = arith.muli %get3A_130, %mul3A_132 : vector<16xi32>
        %add3A_134 = arith.addi %mul3A_133, %iota3A : vector<16xi32>
        %swap3A_135 = arith.index_cast %scan3A_76 : i32 to index
        %swap3A_136 = arith.constant 64 : index
        %swap3A_137 = tpu.vector_load %arg6[%swap3A_135, %swap3A_136] {strides = array<i32>} : memref<32x224xi32, #tpu.memory_space<vmem>>, vector<16xi32>,
        tpu.vector_store %arg6[%swap3A_135, %swap3A_136], %add3A_134 {strides = array<i32>} : memref<32x224xi32, #tpu.memory_space<vmem>>, vector<16xi32>,
        %add3A_138 = arith.constant 6272 : i32
        %add3A_139 = vector.broadcast %add3A_138 : i32 to vector<16xi32>
        %add3A_140 = arith.addi %add3A_134, %add3A_139 : vector<16xi32>
        tpu.vector_store_idx %arg9[%add3A_140], %broadcast_in_dim3A_38 {add = true} : memref<6400xf32, #tpu.memory_space<vmem>>[vector<16xi32>], vector<16xf32>,
        %get3A_141 = arith.index_cast %scan3A_76 : i32 to index
        %get3A_142 = arith.constant 80 : index
        %get3A_143 = tpu.vector_load %arg5[%get3A_141, %get3A_142] {strides = array<i32>} : memref<32x224xi32, #tpu.memory_space<vmem>>, vector<16xi32>,
        %mul3A_144 = arith.constant 16 : i32
        %mul3A_145 = vector.broadcast %mul3A_144 : i32 to vector<16xi32>
        %mul3A_146 = arith.muli %get3A_143, %mul3A_145 : vector<16xi32>
        %add3A_147 = arith.addi %mul3A_146, %iota3A : vector<16xi32>
        %swap3A_148 = arith.index_cast %scan3A_76 : i32 to index
        %swap3A_149 = arith.constant 80 : index
        %swap3A_150 = tpu.vector_load %arg6[%swap3A_148, %swap3A_149] {strides = array<i32>} : memref<32x224xi32, #tpu.memory_space<vmem>>, vector<16xi32>,
        tpu.vector_store %arg6[%swap3A_148, %swap3A_149], %add3A_147 {strides = array<i32>} : memref<32x224xi32, #tpu.memory_space<vmem>>, vector<16xi32>,
        %add3A_151 = arith.constant 6272 : i32
        %add3A_152 = vector.broadcast %add3A_151 : i32 to vector<16xi32>
        %add3A_153 = arith.addi %add3A_147, %add3A_152 : vector<16xi32>
        tpu.vector_store_idx %arg9[%add3A_153], %broadcast_in_dim3A_38 {add = true} : memref<6400xf32, #tpu.memory_space<vmem>>[vector<16xi32>], vector<16xf32>,
        %get3A_154 = arith.index_cast %scan3A_76 : i32 to index
        %get3A_155 = arith.constant 96 : index
        %get3A_156 = tpu.vector_load %arg5[%get3A_154, %get3A_155] {strides = array<i32>} : memref<32x224xi32, #tpu.memory_space<vmem>>, vector<16xi32>,
        %mul3A_157 = arith.constant 16 : i32
        %mul3A_158 = vector.broadcast %mul3A_157 : i32 to vector<16xi32>
        %mul3A_159 = arith.muli %get3A_156, %mul3A_158 : vector<16xi32>
        %add3A_160 = arith.addi %mul3A_159, %iota3A : vector<16xi32>
        %swap3A_161 = arith.index_cast %scan3A_76 : i32 to index
        %swap3A_162 = arith.constant 96 : index
        %swap3A_163 = tpu.vector_load %arg6[%swap3A_161, %swap3A_162] {strides = array<i32>} : memref<32x224xi32, #tpu.memory_space<vmem>>, vector<16xi32>,
        tpu.vector_store %arg6[%swap3A_161, %swap3A_162], %add3A_160 {strides = array<i32>} : memref<32x224xi32, #tpu.memory_space<vmem>>, vector<16xi32>,
        %add3A_164 = arith.constant 6272 : i32
        %add3A_165 = vector.broadcast %add3A_164 : i32 to vector<16xi32>
        %add3A_166 = arith.addi %add3A_160, %add3A_165 : vector<16xi32>
        tpu.vector_store_idx %arg9[%add3A_166], %broadcast_in_dim3A_38 {add = true} : memref<6400xf32, #tpu.memory_space<vmem>>[vector<16xi32>], vector<16xf32>,
        %get3A_167 = arith.index_cast %scan3A_76 : i32 to index
        %get3A_168 = arith.constant 112 : index
        %get3A_169 = tpu.vector_load %arg5[%get3A_167, %get3A_168] {strides = array<i32>} : memref<32x224xi32, #tpu.memory_space<vmem>>, vector<16xi32>,
        %mul3A_170 = arith.constant 16 : i32
        %mul3A_171 = vector.broadcast %mul3A_170 : i32 to vector<16xi32>
        %mul3A_172 = arith.muli %get3A_169, %mul3A_171 : vector<16xi32>
        %add3A_173 = arith.addi %mul3A_172, %iota3A : vector<16xi32>
        %swap3A_174 = arith.index_cast %scan3A_76 : i32 to index
        %swap3A_175 = arith.constant 112 : index
        %swap3A_176 = tpu.vector_load %arg6[%swap3A_174, %swap3A_175] {strides = array<i32>} : memref<32x224xi32, #tpu.memory_space<vmem>>, vector<16xi32>,
        tpu.vector_store %arg6[%swap3A_174, %swap3A_175], %add3A_173 {strides = array<i32>} : memref<32x224xi32, #tpu.memory_space<vmem>>, vector<16xi32>,
        %add3A_177 = arith.constant 6272 : i32
        %add3A_178 = vector.broadcast %add3A_177 : i32 to vector<16xi32>
        %add3A_179 = arith.addi %add3A_173, %add3A_178 : vector<16xi32>
        tpu.vector_store_idx %arg9[%add3A_179], %broadcast_in_dim3A_38 {add = true} : memref<6400xf32, #tpu.memory_space<vmem>>[vector<16xi32>], vector<16xf32>,
        %get3A_180 = arith.index_cast %scan3A_76 : i32 to index
        %get3A_181 = arith.constant 128 : index
        %get3A_182 = tpu.vector_load %arg5[%get3A_180, %get3A_181] {strides = array<i32>} : memref<32x224xi32, #tpu.memory_space<vmem>>, vector<16xi32>,
        %mul3A_183 = arith.constant 16 : i32
        %mul3A_184 = vector.broadcast %mul3A_183 : i32 to vector<16xi32>
        %mul3A_185 = arith.muli %get3A_182, %mul3A_184 : vector<16xi32>
        %add3A_186 = arith.addi %mul3A_185, %iota3A : vector<16xi32>
        %swap3A_187 = arith.index_cast %scan3A_76 : i32 to index
        %swap3A_188 = arith.constant 128 : index
        %swap3A_189 = tpu.vector_load %arg6[%swap3A_187, %swap3A_188] {strides = array<i32>} : memref<32x224xi32, #tpu.memory_space<vmem>>, vector<16xi32>,
        tpu.vector_store %arg6[%swap3A_187, %swap3A_188], %add3A_186 {strides = array<i32>} : memref<32x224xi32, #tpu.memory_space<vmem>>, vector<16xi32>,
        %add3A_190 = arith.constant 6272 : i32
        %add3A_191 = vector.broadcast %add3A_190 : i32 to vector<16xi32>
        %add3A_192 = arith.addi %add3A_186, %add3A_191 : vector<16xi32>
        tpu.vector_store_idx %arg9[%add3A_192], %broadcast_in_dim3A_38 {add = true} : memref<6400xf32, #tpu.memory_space<vmem>>[vector<16xi32>], vector<16xf32>,
        %get3A_193 = arith.index_cast %scan3A_76 : i32 to index
        %get3A_194 = arith.constant 144 : index
        %get3A_195 = tpu.vector_load %arg5[%get3A_193, %get3A_194] {strides = array<i32>} : memref<32x224xi32, #tpu.memory_space<vmem>>, vector<16xi32>,
        %mul3A_196 = arith.constant 16 : i32
        %mul3A_197 = vector.broadcast %mul3A_196 : i32 to vector<16xi32>
        %mul3A_198 = arith.muli %get3A_195, %mul3A_197 : vector<16xi32>
        %add3A_199 = arith.addi %mul3A_198, %iota3A : vector<16xi32>
        %swap3A_200 = arith.index_cast %scan3A_76 : i32 to index
        %swap3A_201 = arith.constant 144 : index
        %swap3A_202 = tpu.vector_load %arg6[%swap3A_200, %swap3A_201] {strides = array<i32>} : memref<32x224xi32, #tpu.memory_space<vmem>>, vector<16xi32>,
        tpu.vector_store %arg6[%swap3A_200, %swap3A_201], %add3A_199 {strides = array<i32>} : memref<32x224xi32, #tpu.memory_space<vmem>>, vector<16xi32>,
        %add3A_203 = arith.constant 6272 : i32
        %add3A_204 = vector.broadcast %add3A_203 : i32 to vector<16xi32>
        %add3A_205 = arith.addi %add3A_199, %add3A_204 : vector<16xi32>
        tpu.vector_store_idx %arg9[%add3A_205], %broadcast_in_dim3A_38 {add = true} : memref<6400xf32, #tpu.memory_space<vmem>>[vector<16xi32>], vector<16xf32>,
        %get3A_206 = arith.index_cast %scan3A_76 : i32 to index
        %get3A_207 = arith.constant 160 : index
        %get3A_208 = tpu.vector_load %arg5[%get3A_206, %get3A_207] {strides = array<i32>} : memref<32x224xi32, #tpu.memory_space<vmem>>, vector<16xi32>,
        %mul3A_209 = arith.constant 16 : i32
        %mul3A_210 = vector.broadcast %mul3A_209 : i32 to vector<16xi32>
        %mul3A_211 = arith.muli %get3A_208, %mul3A_210 : vector<16xi32>
        %add3A_212 = arith.addi %mul3A_211, %iota3A : vector<16xi32>
        %swap3A_213 = arith.index_cast %scan3A_76 : i32 to index
        %swap3A_214 = arith.constant 160 : index
        %swap3A_215 = tpu.vector_load %arg6[%swap3A_213, %swap3A_214] {strides = array<i32>} : memref<32x224xi32, #tpu.memory_space<vmem>>, vector<16xi32>,
        tpu.vector_store %arg6[%swap3A_213, %swap3A_214], %add3A_212 {strides = array<i32>} : memref<32x224xi32, #tpu.memory_space<vmem>>, vector<16xi32>,
        %add3A_216 = arith.constant 6272 : i32
        %add3A_217 = vector.broadcast %add3A_216 : i32 to vector<16xi32>
        %add3A_218 = arith.addi %add3A_212, %add3A_217 : vector<16xi32>
        tpu.vector_store_idx %arg9[%add3A_218], %broadcast_in_dim3A_38 {add = true} : memref<6400xf32, #tpu.memory_space<vmem>>[vector<16xi32>], vector<16xf32>,
        %get3A_219 = arith.index_cast %scan3A_76 : i32 to index
        %get3A_220 = arith.constant 176 : index
        %get3A_221 = tpu.vector_load %arg5[%get3A_219, %get3A_220] {strides = array<i32>} : memref<32x224xi32, #tpu.memory_space<vmem>>, vector<16xi32>,
        %mul3A_222 = arith.constant 16 : i32
        %mul3A_223 = vector.broadcast %mul3A_222 : i32 to vector<16xi32>
        %mul3A_224 = arith.muli %get3A_221, %mul3A_223 : vector<16xi32>
        %add3A_225 = arith.addi %mul3A_224, %iota3A : vector<16xi32>
        %swap3A_226 = arith.index_cast %scan3A_76 : i32 to index
        %swap3A_227 = arith.constant 176 : index
        %swap3A_228 = tpu.vector_load %arg6[%swap3A_226, %swap3A_227] {strides = array<i32>} : memref<32x224xi32, #tpu.memory_space<vmem>>, vector<16xi32>,
        tpu.vector_store %arg6[%swap3A_226, %swap3A_227], %add3A_225 {strides = array<i32>} : memref<32x224xi32, #tpu.memory_space<vmem>>, vector<16xi32>,
        %add3A_229 = arith.constant 6272 : i32
        %add3A_230 = vector.broadcast %add3A_229 : i32 to vector<16xi32>
        %add3A_231 = arith.addi %add3A_225, %add3A_230 : vector<16xi32>
        tpu.vector_store_idx %arg9[%add3A_231], %broadcast_in_dim3A_38 {add = true} : memref<6400xf32, #tpu.memory_space<vmem>>[vector<16xi32>], vector<16xf32>,
        %get3A_232 = arith.index_cast %scan3A_76 : i32 to index
        %get3A_233 = arith.constant 192 : index
        %get3A_234 = tpu.vector_load %arg5[%get3A_232, %get3A_233] {strides = array<i32>} : memref<32x224xi32, #tpu.memory_space<vmem>>, vector<16xi32>,
        %mul3A_235 = arith.constant 16 : i32
        %mul3A_236 = vector.broadcast %mul3A_235 : i32 to vector<16xi32>
        %mul3A_237 = arith.muli %get3A_234, %mul3A_236 : vector<16xi32>
        %add3A_238 = arith.addi %mul3A_237, %iota3A : vector<16xi32>
        %swap3A_239 = arith.index_cast %scan3A_76 : i32 to index
        %swap3A_240 = arith.constant 192 : index
        %swap3A_241 = tpu.vector_load %arg6[%swap3A_239, %swap3A_240] {strides = array<i32>} : memref<32x224xi32, #tpu.memory_space<vmem>>, vector<16xi32>,
        tpu.vector_store %arg6[%swap3A_239, %swap3A_240], %add3A_238 {strides = array<i32>} : memref<32x224xi32, #tpu.memory_space<vmem>>, vector<16xi32>,
        %add3A_242 = arith.constant 6272 : i32
        %add3A_243 = vector.broadcast %add3A_242 : i32 to vector<16xi32>
        %add3A_244 = arith.addi %add3A_238, %add3A_243 : vector<16xi32>
        tpu.vector_store_idx %arg9[%add3A_244], %broadcast_in_dim3A_38 {add = true} : memref<6400xf32, #tpu.memory_space<vmem>>[vector<16xi32>], vector<16xf32>,
        %get3A_245 = arith.index_cast %scan3A_76 : i32 to index
        %get3A_246 = arith.constant 208 : index
        %get3A_247 = tpu.vector_load %arg5[%get3A_245, %get3A_246] {strides = array<i32>} : memref<32x224xi32, #tpu.memory_space<vmem>>, vector<16xi32>,
        %mul3A_248 = arith.constant 16 : i32
        %mul3A_249 = vector.broadcast %mul3A_248 : i32 to vector<16xi32>
        %mul3A_250 = arith.muli %get3A_247, %mul3A_249 : vector<16xi32>
        %add3A_251 = arith.addi %mul3A_250, %iota3A : vector<16xi32>
        %swap3A_252 = arith.index_cast %scan3A_76 : i32 to index
        %swap3A_253 = arith.constant 208 : index
        %swap3A_254 = tpu.vector_load %arg6[%swap3A_252, %swap3A_253] {strides = array<i32>} : memref<32x224xi32, #tpu.memory_space<vmem>>, vector<16xi32>,
        tpu.vector_store %arg6[%swap3A_252, %swap3A_253], %add3A_251 {strides = array<i32>} : memref<32x224xi32, #tpu.memory_space<vmem>>, vector<16xi32>,
        %add3A_255 = arith.constant 6272 : i32
        %add3A_256 = vector.broadcast %add3A_255 : i32 to vector<16xi32>
        %add3A_257 = arith.addi %add3A_251, %add3A_256 : vector<16xi32>
        tpu.vector_store_idx %arg9[%add3A_257], %broadcast_in_dim3A_38 {add = true} : memref<6400xf32, #tpu.memory_space<vmem>>[vector<16xi32>], vector<16xf32>,
        %scan3A_258 = arith.constant 0 : i32
        scf.yield %scan3A_258 : i32
      }
      %scan3A_66 = arith.constant 32 : i32
      %scan3A_67 = arith.constant 0 : i32
      %scan3A_68 = arith.constant 0 : i32
      %scan3A_69 = arith.constant 4 : i32
      %scan3A_70 = arith.addi %scan3A_68, %scan3A_69 : i32
      %scan3A_71 = arith.constant 1 : i32
      %scan3A_72 = scf.for %scan3A_76 = %scan3A_68 to %scan3A_70 step %scan3A_71 iter_args(%scan3A_77 = %scan3A_67) -> (i32)  : i32 {
        %mul3A_78 = arith.constant 2 : i32
        %mul3A_79 = arith.muli %scan3A_76, %mul3A_78 : i32
        %mul3A_80 = arith.constant 96 : i32
        %mul3A_81 = arith.muli %select_n3A, %mul3A_80 : i32
        %mul3A_82 = arith.constant 6 : i32
        %mul3A_83 = arith.muli %mul3A_79, %mul3A_82 : i32
        %add3A_84 = arith.addi %mul3A_81, %mul3A_83 : i32
        %dma_wait3A = arith.constant 0 : i32
        %dma_wait3A_85 = tpu.memref_slice %arg2[%add3A_84, %mul3A_35, %dma_wait3A] : memref<384x224x224xf32, #tpu.memory_space<hbm>> -> memref<6x32x224xf32, #tpu.memory_space<hbm>>
        %dma_wait3A_86 = arith.constant 0 : i32
        %dma_wait3A_87 = tpu.memref_slice %arg2[%add3A_84, %mul3A_35, %dma_wait3A_86] : memref<384x224x224xf32, #tpu.memory_space<hbm>> -> memref<6x32x224xf32, #tpu.memory_space<hbm>>
        tpu.wait_dma2 semaphore(%arg10 : memref<!tpu.dma_semaphore, #tpu.memory_space<semaphore_mem>>) src(%dma_wait3A_87 : memref<6x32x224xf32, #tpu.memory_space<hbm>>) dst(%arg7 : memref<6x32x224xf32, #tpu.memory_space<vmem>>)
        %mul3A_88 = arith.constant 768 : i32
        %mul3A_89 = arith.muli %mul3A_79, %mul3A_88 : i32
        %add3A_90 = arith.constant 0 : i32
        %add3A_91 = arith.addi %mul3A_89, %add3A_90 : i32
        %add3A_92 = arith.constant 128 : i32
        %add3A_93 = arith.addi %mul3A_89, %add3A_92 : i32
        %add3A_94 = arith.constant 256 : i32
        %add3A_95 = arith.addi %mul3A_89, %add3A_94 : i32
        %add3A_96 = arith.constant 384 : i32
        %add3A_97 = arith.addi %mul3A_89, %add3A_96 : i32
        %add3A_98 = arith.constant 512 : i32
        %add3A_99 = arith.addi %mul3A_89, %add3A_98 : i32
        %add3A_100 = arith.constant 640 : i32
        %add3A_101 = arith.addi %mul3A_89, %add3A_100 : i32
        %scan3A_102 = arith.constant 0 : i32
        %scan3A_103 = arith.constant 0 : i32
        %scan3A_104 = arith.constant 32 : i32
        %scan3A_105 = arith.addi %scan3A_103, %scan3A_104 : i32
        %scan3A_106 = arith.constant 1 : i32
        %scan3A_107 = scf.for %scan3A_158 = %scan3A_103 to %scan3A_105 step %scan3A_106 iter_args(%scan3A_159 = %scan3A_102) -> (i32)  : i32 {
          %get3A = arith.index_cast %scan3A_158 : i32 to index
          %get3A_160 = arith.constant 0 : index
          %get3A_161 = tpu.vector_load %arg6[%get3A, %get3A_160] {strides = array<i32>} : memref<32x224xi32, #tpu.memory_space<vmem>>, vector<16xi32>,
          %get3A_162 = arith.constant 0 : i32
          %get3A_163 = arith.index_cast %get3A_162 : i32 to index
          %get3A_164 = arith.index_cast %scan3A_158 : i32 to index
          %get3A_165 = arith.constant 0 : index
          %get3A_166 = tpu.vector_load %arg7[%get3A_163, %get3A_164, %get3A_165] {strides = array<i32>} : memref<6x32x224xf32, #tpu.memory_space<vmem>>, vector<16xf32>,
          %get3A_167 = arith.constant 1 : i32
          %get3A_168 = arith.index_cast %get3A_167 : i32 to index
          %get3A_169 = arith.index_cast %scan3A_158 : i32 to index
          %get3A_170 = arith.constant 0 : index
          %get3A_171 = tpu.vector_load %arg7[%get3A_168, %get3A_169, %get3A_170] {strides = array<i32>} : memref<6x32x224xf32, #tpu.memory_space<vmem>>, vector<16xf32>,
          %get3A_172 = arith.constant 2 : i32
          %get3A_173 = arith.index_cast %get3A_172 : i32 to index
          %get3A_174 = arith.index_cast %scan3A_158 : i32 to index
          %get3A_175 = arith.constant 0 : index
          %get3A_176 = tpu.vector_load %arg7[%get3A_173, %get3A_174, %get3A_175] {strides = array<i32>} : memref<6x32x224xf32, #tpu.memory_space<vmem>>, vector<16xf32>,
          %get3A_177 = arith.constant 3 : i32
          %get3A_178 = arith.index_cast %get3A_177 : i32 to index
          %get3A_179 = arith.index_cast %scan3A_158 : i32 to index
          %get3A_180 = arith.constant 0 : index
          %get3A_181 = tpu.vector_load %arg7[%get3A_178, %get3A_179, %get3A_180] {strides = array<i32>} : memref<6x32x224xf32, #tpu.memory_space<vmem>>, vector<16xf32>,
          %get3A_182 = arith.constant 4 : i32
          %get3A_183 = arith.index_cast %get3A_182 : i32 to index
          %get3A_184 = arith.index_cast %scan3A_158 : i32 to index
          %get3A_185 = arith.constant 0 : index
          %get3A_186 = tpu.vector_load %arg7[%get3A_183, %get3A_184, %get3A_185] {strides = array<i32>} : memref<6x32x224xf32, #tpu.memory_space<vmem>>, vector<16xf32>,
          %get3A_187 = arith.constant 5 : i32
          %get3A_188 = arith.index_cast %get3A_187 : i32 to index
          %get3A_189 = arith.index_cast %scan3A_158 : i32 to index
          %get3A_190 = arith.constant 0 : index
          %get3A_191 = tpu.vector_load %arg7[%get3A_188, %get3A_189, %get3A_190] {strides = array<i32>} : memref<6x32x224xf32, #tpu.memory_space<vmem>>, vector<16xf32>,
          %add3A_192 = vector.broadcast %add3A_91 : i32 to vector<16xi32>
          %add3A_193 = arith.addi %get3A_161, %add3A_192 : vector<16xi32>
          tpu.vector_store_idx %arg9[%add3A_193], %get3A_166 {add = true} : memref<6400xf32, #tpu.memory_space<vmem>>[vector<16xi32>], vector<16xf32>,
          %add3A_194 = vector.broadcast %add3A_93 : i32 to vector<16xi32>
          %add3A_195 = arith.addi %get3A_161, %add3A_194 : vector<16xi32>
          tpu.vector_store_idx %arg9[%add3A_195], %get3A_171 {add = true} : memref<6400xf32, #tpu.memory_space<vmem>>[vector<16xi32>], vector<16xf32>,
          %add3A_196 = vector.broadcast %add3A_95 : i32 to vector<16xi32>
          %add3A_197 = arith.addi %get3A_161, %add3A_196 : vector<16xi32>
          tpu.vector_store_idx %arg9[%add3A_197], %get3A_176 {add = true} : memref<6400xf32, #tpu.memory_space<vmem>>[vector<16xi32>], vector<16xf32>,
          %add3A_198 = vector.broadcast %add3A_97 : i32 to vector<16xi32>
          %add3A_199 = arith.addi %get3A_161, %add3A_198 : vector<16xi32>
          tpu.vector_store_idx %arg9[%add3A_199], %get3A_181 {add = true} : memref<6400xf32, #tpu.memory_space<vmem>>[vector<16xi32>], vector<16xf32>,
          %add3A_200 = vector.broadcast %add3A_99 : i32 to vector<16xi32>
          %add3A_201 = arith.addi %get3A_161, %add3A_200 : vector<16xi32>
          tpu.vector_store_idx %arg9[%add3A_201], %get3A_186 {add = true} : memref<6400xf32, #tpu.memory_space<vmem>>[vector<16xi32>], vector<16xf32>,
          %add3A_202 = vector.broadcast %add3A_101 : i32 to vector<16xi32>
          %add3A_203 = arith.addi %get3A_161, %add3A_202 : vector<16xi32>
          tpu.vector_store_idx %arg9[%add3A_203], %get3A_191 {add = true} : memref<6400xf32, #tpu.memory_space<vmem>>[vector<16xi32>], vector<16xf32>,
          %mul3A_204 = arith.mulf %get3A_166, %get3A_166 : vector<16xf32>
          %mul3A_205 = arith.mulf %get3A_171, %get3A_171 : vector<16xf32>
          %mul3A_206 = arith.mulf %get3A_176, %get3A_176 : vector<16xf32>
          %mul3A_207 = arith.mulf %get3A_181, %get3A_181 : vector<16xf32>
          %mul3A_208 = arith.mulf %get3A_186, %get3A_186 : vector<16xf32>
          %mul3A_209 = arith.mulf %get3A_191, %get3A_191 : vector<16xf32>
          %add3A_210 = arith.addf %mul3A_204, %mul3A_205 : vector<16xf32>
          %add3A_211 = arith.addf %mul3A_206, %mul3A_207 : vector<16xf32>
          %add3A_212 = arith.addf %mul3A_208, %mul3A_209 : vector<16xf32>
          %add3A_213 = arith.addf %add3A_210, %add3A_211 : vector<16xf32>
          %add3A_214 = arith.addf %add3A_213, %add3A_212 : vector<16xf32>
          %add3A_215 = arith.constant 6144 : i32
          %add3A_216 = vector.broadcast %add3A_215 : i32 to vector<16xi32>
          %add3A_217 = arith.addi %get3A_161, %add3A_216 : vector<16xi32>
          tpu.vector_store_idx %arg9[%add3A_217], %add3A_214 {add = true} : memref<6400xf32, #tpu.memory_space<vmem>>[vector<16xi32>], vector<16xf32>,
          %get3A_218 = arith.index_cast %scan3A_158 : i32 to index
          %get3A_219 = arith.constant 16 : index
          %get3A_220 = tpu.vector_load %arg6[%get3A_218, %get3A_219] {strides = array<i32>} : memref<32x224xi32, #tpu.memory_space<vmem>>, vector<16xi32>,
          %get3A_221 = arith.constant 0 : i32
          %get3A_222 = arith.index_cast %get3A_221 : i32 to index
          %get3A_223 = arith.index_cast %scan3A_158 : i32 to index
          %get3A_224 = arith.constant 16 : index
          %get3A_225 = tpu.vector_load %arg7[%get3A_222, %get3A_223, %get3A_224] {strides = array<i32>} : memref<6x32x224xf32, #tpu.memory_space<vmem>>, vector<16xf32>,
          %get3A_226 = arith.constant 1 : i32
          %get3A_227 = arith.index_cast %get3A_226 : i32 to index
          %get3A_228 = arith.index_cast %scan3A_158 : i32 to index
          %get3A_229 = arith.constant 16 : index
          %get3A_230 = tpu.vector_load %arg7[%get3A_227, %get3A_228, %get3A_229] {strides = array<i32>} : memref<6x32x224xf32, #tpu.memory_space<vmem>>, vector<16xf32>,
          %get3A_231 = arith.constant 2 : i32
          %get3A_232 = arith.index_cast %get3A_231 : i32 to index
          %get3A_233 = arith.index_cast %scan3A_158 : i32 to index
          %get3A_234 = arith.constant 16 : index
          %get3A_235 = tpu.vector_load %arg7[%get3A_232, %get3A_233, %get3A_234] {strides = array<i32>} : memref<6x32x224xf32, #tpu.memory_space<vmem>>, vector<16xf32>,
          %get3A_236 = arith.constant 3 : i32
          %get3A_237 = arith.index_cast %get3A_236 : i32 to index
          %get3A_238 = arith.index_cast %scan3A_158 : i32 to index
          %get3A_239 = arith.constant 16 : index
          %get3A_240 = tpu.vector_load %arg7[%get3A_237, %get3A_238, %get3A_239] {strides = array<i32>} : memref<6x32x224xf32, #tpu.memory_space<vmem>>, vector<16xf32>,
          %get3A_241 = arith.constant 4 : i32
          %get3A_242 = arith.index_cast %get3A_241 : i32 to index
          %get3A_243 = arith.index_cast %scan3A_158 : i32 to index
          %get3A_244 = arith.constant 16 : index
          %get3A_245 = tpu.vector_load %arg7[%get3A_242, %get3A_243, %get3A_244] {strides = array<i32>} : memref<6x32x224xf32, #tpu.memory_space<vmem>>, vector<16xf32>,
          %get3A_246 = arith.constant 5 : i32
          %get3A_247 = arith.index_cast %get3A_246 : i32 to index
          %get3A_248 = arith.index_cast %scan3A_158 : i32 to index
          %get3A_249 = arith.constant 16 : index
          %get3A_250 = tpu.vector_load %arg7[%get3A_247, %get3A_248, %get3A_249] {strides = array<i32>} : memref<6x32x224xf32, #tpu.memory_space<vmem>>, vector<16xf32>,
          %add3A_251 = vector.broadcast %add3A_91 : i32 to vector<16xi32>
          %add3A_252 = arith.addi %get3A_220, %add3A_251 : vector<16xi32>
          tpu.vector_store_idx %arg9[%add3A_252], %get3A_225 {add = true} : memref<6400xf32, #tpu.memory_space<vmem>>[vector<16xi32>], vector<16xf32>,
          %add3A_253 = vector.broadcast %add3A_93 : i32 to vector<16xi32>
          %add3A_254 = arith.addi %get3A_220, %add3A_253 : vector<16xi32>
          tpu.vector_store_idx %arg9[%add3A_254], %get3A_230 {add = true} : memref<6400xf32, #tpu.memory_space<vmem>>[vector<16xi32>], vector<16xf32>,
          %add3A_255 = vector.broadcast %add3A_95 : i32 to vector<16xi32>
          %add3A_256 = arith.addi %get3A_220, %add3A_255 : vector<16xi32>
          tpu.vector_store_idx %arg9[%add3A_256], %get3A_235 {add = true} : memref<6400xf32, #tpu.memory_space<vmem>>[vector<16xi32>], vector<16xf32>,
          %add3A_257 = vector.broadcast %add3A_97 : i32 to vector<16xi32>
          %add3A_258 = arith.addi %get3A_220, %add3A_257 : vector<16xi32>
          tpu.vector_store_idx %arg9[%add3A_258], %get3A_240 {add = true} : memref<6400xf32, #tpu.memory_space<vmem>>[vector<16xi32>], vector<16xf32>,
          %add3A_259 = vector.broadcast %add3A_99 : i32 to vector<16xi32>
          %add3A_260 = arith.addi %get3A_220, %add3A_259 : vector<16xi32>
          tpu.vector_store_idx %arg9[%add3A_260], %get3A_245 {add = true} : memref<6400xf32, #tpu.memory_space<vmem>>[vector<16xi32>], vector<16xf32>,
          %add3A_261 = vector.broadcast %add3A_101 : i32 to vector<16xi32>
          %add3A_262 = arith.addi %get3A_220, %add3A_261 : vector<16xi32>
          tpu.vector_store_idx %arg9[%add3A_262], %get3A_250 {add = true} : memref<6400xf32, #tpu.memory_space<vmem>>[vector<16xi32>], vector<16xf32>,
          %mul3A_263 = arith.mulf %get3A_225, %get3A_225 : vector<16xf32>
          %mul3A_264 = arith.mulf %get3A_230, %get3A_230 : vector<16xf32>
          %mul3A_265 = arith.mulf %get3A_235, %get3A_235 : vector<16xf32>
          %mul3A_266 = arith.mulf %get3A_240, %get3A_240 : vector<16xf32>
          %mul3A_267 = arith.mulf %get3A_245, %get3A_245 : vector<16xf32>
          %mul3A_268 = arith.mulf %get3A_250, %get3A_250 : vector<16xf32>
          %add3A_269 = arith.addf %mul3A_263, %mul3A_264 : vector<16xf32>
          %add3A_270 = arith.addf %mul3A_265, %mul3A_266 : vector<16xf32>
          %add3A_271 = arith.addf %mul3A_267, %mul3A_268 : vector<16xf32>
          %add3A_272 = arith.addf %add3A_269, %add3A_270 : vector<16xf32>
          %add3A_273 = arith.addf %add3A_272, %add3A_271 : vector<16xf32>
          %add3A_274 = arith.constant 6144 : i32
          %add3A_275 = vector.broadcast %add3A_274 : i32 to vector<16xi32>
          %add3A_276 = arith.addi %get3A_220, %add3A_275 : vector<16xi32>
          tpu.vector_store_idx %arg9[%add3A_276], %add3A_273 {add = true} : memref<6400xf32, #tpu.memory_space<vmem>>[vector<16xi32>], vector<16xf32>,
          %get3A_277 = arith.index_cast %scan3A_158 : i32 to index
          %get3A_278 = arith.constant 32 : index
          %get3A_279 = tpu.vector_load %arg6[%get3A_277, %get3A_278] {strides = array<i32>} : memref<32x224xi32, #tpu.memory_space<vmem>>, vector<16xi32>,
          %get3A_280 = arith.constant 0 : i32
          %get3A_281 = arith.index_cast %get3A_280 : i32 to index
          %get3A_282 = arith.index_cast %scan3A_158 : i32 to index
          %get3A_283 = arith.constant 32 : index
          %get3A_284 = tpu.vector_load %arg7[%get3A_281, %get3A_282, %get3A_283] {strides = array<i32>} : memref<6x32x224xf32, #tpu.memory_space<vmem>>, vector<16xf32>,
          %get3A_285 = arith.constant 1 : i32
          %get3A_286 = arith.index_cast %get3A_285 : i32 to index
          %get3A_287 = arith.index_cast %scan3A_158 : i32 to index
          %get3A_288 = arith.constant 32 : index
          %get3A_289 = tpu.vector_load %arg7[%get3A_286, %get3A_287, %get3A_288] {strides = array<i32>} : memref<6x32x224xf32, #tpu.memory_space<vmem>>, vector<16xf32>,
          %get3A_290 = arith.constant 2 : i32
          %get3A_291 = arith.index_cast %get3A_290 : i32 to index
          %get3A_292 = arith.index_cast %scan3A_158 : i32 to index
          %get3A_293 = arith.constant 32 : index
          %get3A_294 = tpu.vector_load %arg7[%get3A_291, %get3A_292, %get3A_293] {strides = array<i32>} : memref<6x32x224xf32, #tpu.memory_space<vmem>>, vector<16xf32>,
          %get3A_295 = arith.constant 3 : i32
          %get3A_296 = arith.index_cast %get3A_295 : i32 to index
          %get3A_297 = arith.index_cast %scan3A_158 : i32 to index
          %get3A_298 = arith.constant 32 : index
          %get3A_299 = tpu.vector_load %arg7[%get3A_296, %get3A_297, %get3A_298] {strides = array<i32>} : memref<6x32x224xf32, #tpu.memory_space<vmem>>, vector<16xf32>,
          %get3A_300 = arith.constant 4 : i32
          %get3A_301 = arith.index_cast %get3A_300 : i32 to index
          %get3A_302 = arith.index_cast %scan3A_158 : i32 to index
          %get3A_303 = arith.constant 32 : index
          %get3A_304 = tpu.vector_load %arg7[%get3A_301, %get3A_302, %get3A_303] {strides = array<i32>} : memref<6x32x224xf32, #tpu.memory_space<vmem>>, vector<16xf32>,
          %get3A_305 = arith.constant 5 : i32
          %get3A_306 = arith.index_cast %get3A_305 : i32 to index
          %get3A_307 = arith.index_cast %scan3A_158 : i32 to index
          %get3A_308 = arith.constant 32 : index
          %get3A_309 = tpu.vector_load %arg7[%get3A_306, %get3A_307, %get3A_308] {strides = array<i32>} : memref<6x32x224xf32, #tpu.memory_space<vmem>>, vector<16xf32>,
          %add3A_310 = vector.broadcast %add3A_91 : i32 to vector<16xi32>
          %add3A_311 = arith.addi %get3A_279, %add3A_310 : vector<16xi32>
          tpu.vector_store_idx %arg9[%add3A_311], %get3A_284 {add = true} : memref<6400xf32, #tpu.memory_space<vmem>>[vector<16xi32>], vector<16xf32>,
          %add3A_312 = vector.broadcast %add3A_93 : i32 to vector<16xi32>
          %add3A_313 = arith.addi %get3A_279, %add3A_312 : vector<16xi32>
          tpu.vector_store_idx %arg9[%add3A_313], %get3A_289 {add = true} : memref<6400xf32, #tpu.memory_space<vmem>>[vector<16xi32>], vector<16xf32>,
          %add3A_314 = vector.broadcast %add3A_95 : i32 to vector<16xi32>
          %add3A_315 = arith.addi %get3A_279, %add3A_314 : vector<16xi32>
          tpu.vector_store_idx %arg9[%add3A_315], %get3A_294 {add = true} : memref<6400xf32, #tpu.memory_space<vmem>>[vector<16xi32>], vector<16xf32>,
          %add3A_316 = vector.broadcast %add3A_97 : i32 to vector<16xi32>
          %add3A_317 = arith.addi %get3A_279, %add3A_316 : vector<16xi32>
          tpu.vector_store_idx %arg9[%add3A_317], %get3A_299 {add = true} : memref<6400xf32, #tpu.memory_space<vmem>>[vector<16xi32>], vector<16xf32>,
          %add3A_318 = vector.broadcast %add3A_99 : i32 to vector<16xi32>
          %add3A_319 = arith.addi %get3A_279, %add3A_318 : vector<16xi32>
          tpu.vector_store_idx %arg9[%add3A_319], %get3A_304 {add = true} : memref<6400xf32, #tpu.memory_space<vmem>>[vector<16xi32>], vector<16xf32>,
          %add3A_320 = vector.broadcast %add3A_101 : i32 to vector<16xi32>
          %add3A_321 = arith.addi %get3A_279, %add3A_320 : vector<16xi32>
          tpu.vector_store_idx %arg9[%add3A_321], %get3A_309 {add = true} : memref<6400xf32, #tpu.memory_space<vmem>>[vector<16xi32>], vector<16xf32>,
          %mul3A_322 = arith.mulf %get3A_284, %get3A_284 : vector<16xf32>
          %mul3A_323 = arith.mulf %get3A_289, %get3A_289 : vector<16xf32>
          %mul3A_324 = arith.mulf %get3A_294, %get3A_294 : vector<16xf32>
          %mul3A_325 = arith.mulf %get3A_299, %get3A_299 : vector<16xf32>
          %mul3A_326 = arith.mulf %get3A_304, %get3A_304 : vector<16xf32>
          %mul3A_327 = arith.mulf %get3A_309, %get3A_309 : vector<16xf32>
          %add3A_328 = arith.addf %mul3A_322, %mul3A_323 : vector<16xf32>
          %add3A_329 = arith.addf %mul3A_324, %mul3A_325 : vector<16xf32>
          %add3A_330 = arith.addf %mul3A_326, %mul3A_327 : vector<16xf32>
          %add3A_331 = arith.addf %add3A_328, %add3A_329 : vector<16xf32>
          %add3A_332 = arith.addf %add3A_331, %add3A_330 : vector<16xf32>
          %add3A_333 = arith.constant 6144 : i32
          %add3A_334 = vector.broadcast %add3A_333 : i32 to vector<16xi32>
          %add3A_335 = arith.addi %get3A_279, %add3A_334 : vector<16xi32>
          tpu.vector_store_idx %arg9[%add3A_335], %add3A_332 {add = true} : memref<6400xf32, #tpu.memory_space<vmem>>[vector<16xi32>], vector<16xf32>,
          %get3A_336 = arith.index_cast %scan3A_158 : i32 to index
          %get3A_337 = arith.constant 48 : index
          %get3A_338 = tpu.vector_load %arg6[%get3A_336, %get3A_337] {strides = array<i32>} : memref<32x224xi32, #tpu.memory_space<vmem>>, vector<16xi32>,
          %get3A_339 = arith.constant 0 : i32
          %get3A_340 = arith.index_cast %get3A_339 : i32 to index
          %get3A_341 = arith.index_cast %scan3A_158 : i32 to index
          %get3A_342 = arith.constant 48 : index
          %get3A_343 = tpu.vector_load %arg7[%get3A_340, %get3A_341, %get3A_342] {strides = array<i32>} : memref<6x32x224xf32, #tpu.memory_space<vmem>>, vector<16xf32>,
          %get3A_344 = arith.constant 1 : i32
          %get3A_345 = arith.index_cast %get3A_344 : i32 to index
          %get3A_346 = arith.index_cast %scan3A_158 : i32 to index
          %get3A_347 = arith.constant 48 : index
          %get3A_348 = tpu.vector_load %arg7[%get3A_345, %get3A_346, %get3A_347] {strides = array<i32>} : memref<6x32x224xf32, #tpu.memory_space<vmem>>, vector<16xf32>,
          %get3A_349 = arith.constant 2 : i32
          %get3A_350 = arith.index_cast %get3A_349 : i32 to index
          %get3A_351 = arith.index_cast %scan3A_158 : i32 to index
          %get3A_352 = arith.constant 48 : index
          %get3A_353 = tpu.vector_load %arg7[%get3A_350, %get3A_351, %get3A_352] {strides = array<i32>} : memref<6x32x224xf32, #tpu.memory_space<vmem>>, vector<16xf32>,
          %get3A_354 = arith.constant 3 : i32
          %get3A_355 = arith.index_cast %get3A_354 : i32 to index
          %get3A_356 = arith.index_cast %scan3A_158 : i32 to index
          %get3A_357 = arith.constant 48 : index
          %get3A_358 = tpu.vector_load %arg7[%get3A_355, %get3A_356, %get3A_357] {strides = array<i32>} : memref<6x32x224xf32, #tpu.memory_space<vmem>>, vector<16xf32>,
          %get3A_359 = arith.constant 4 : i32
          %get3A_360 = arith.index_cast %get3A_359 : i32 to index
          %get3A_361 = arith.index_cast %scan3A_158 : i32 to index
          %get3A_362 = arith.constant 48 : index
          %get3A_363 = tpu.vector_load %arg7[%get3A_360, %get3A_361, %get3A_362] {strides = array<i32>} : memref<6x32x224xf32, #tpu.memory_space<vmem>>, vector<16xf32>,
          %get3A_364 = arith.constant 5 : i32
          %get3A_365 = arith.index_cast %get3A_364 : i32 to index
          %get3A_366 = arith.index_cast %scan3A_158 : i32 to index
          %get3A_367 = arith.constant 48 : index
          %get3A_368 = tpu.vector_load %arg7[%get3A_365, %get3A_366, %get3A_367] {strides = array<i32>} : memref<6x32x224xf32, #tpu.memory_space<vmem>>, vector<16xf32>,
          %add3A_369 = vector.broadcast %add3A_91 : i32 to vector<16xi32>
          %add3A_370 = arith.addi %get3A_338, %add3A_369 : vector<16xi32>
          tpu.vector_store_idx %arg9[%add3A_370], %get3A_343 {add = true} : memref<6400xf32, #tpu.memory_space<vmem>>[vector<16xi32>], vector<16xf32>,
          %add3A_371 = vector.broadcast %add3A_93 : i32 to vector<16xi32>
          %add3A_372 = arith.addi %get3A_338, %add3A_371 : vector<16xi32>
          tpu.vector_store_idx %arg9[%add3A_372], %get3A_348 {add = true} : memref<6400xf32, #tpu.memory_space<vmem>>[vector<16xi32>], vector<16xf32>,
          %add3A_373 = vector.broadcast %add3A_95 : i32 to vector<16xi32>
          %add3A_374 = arith.addi %get3A_338, %add3A_373 : vector<16xi32>
          tpu.vector_store_idx %arg9[%add3A_374], %get3A_353 {add = true} : memref<6400xf32, #tpu.memory_space<vmem>>[vector<16xi32>], vector<16xf32>,
          %add3A_375 = vector.broadcast %add3A_97 : i32 to vector<16xi32>
          %add3A_376 = arith.addi %get3A_338, %add3A_375 : vector<16xi32>
          tpu.vector_store_idx %arg9[%add3A_376], %get3A_358 {add = true} : memref<6400xf32, #tpu.memory_space<vmem>>[vector<16xi32>], vector<16xf32>,
          %add3A_377 = vector.broadcast %add3A_99 : i32 to vector<16xi32>
          %add3A_378 = arith.addi %get3A_338, %add3A_377 : vector<16xi32>
          tpu.vector_store_idx %arg9[%add3A_378], %get3A_363 {add = true} : memref<6400xf32, #tpu.memory_space<vmem>>[vector<16xi32>], vector<16xf32>,
          %add3A_379 = vector.broadcast %add3A_101 : i32 to vector<16xi32>
          %add3A_380 = arith.addi %get3A_338, %add3A_379 : vector<16xi32>
          tpu.vector_store_idx %arg9[%add3A_380], %get3A_368 {add = true} : memref<6400xf32, #tpu.memory_space<vmem>>[vector<16xi32>], vector<16xf32>,
          %mul3A_381 = arith.mulf %get3A_343, %get3A_343 : vector<16xf32>
          %mul3A_382 = arith.mulf %get3A_348, %get3A_348 : vector<16xf32>
          %mul3A_383 = arith.mulf %get3A_353, %get3A_353 : vector<16xf32>
          %mul3A_384 = arith.mulf %get3A_358, %get3A_358 : vector<16xf32>
          %mul3A_385 = arith.mulf %get3A_363, %get3A_363 : vector<16xf32>
          %mul3A_386 = arith.mulf %get3A_368, %get3A_368 : vector<16xf32>
          %add3A_387 = arith.addf %mul3A_381, %mul3A_382 : vector<16xf32>
          %add3A_388 = arith.addf %mul3A_383, %mul3A_384 : vector<16xf32>
          %add3A_389 = arith.addf %mul3A_385, %mul3A_386 : vector<16xf32>
          %add3A_390 = arith.addf %add3A_387, %add3A_388 : vector<16xf32>
          %add3A_391 = arith.addf %add3A_390, %add3A_389 : vector<16xf32>
          %add3A_392 = arith.constant 6144 : i32
          %add3A_393 = vector.broadcast %add3A_392 : i32 to vector<16xi32>
          %add3A_394 = arith.addi %get3A_338, %add3A_393 : vector<16xi32>
          tpu.vector_store_idx %arg9[%add3A_394], %add3A_391 {add = true} : memref<6400xf32, #tpu.memory_space<vmem>>[vector<16xi32>], vector<16xf32>,
          %get3A_395 = arith.index_cast %scan3A_158 : i32 to index
          %get3A_396 = arith.constant 64 : index
          %get3A_397 = tpu.vector_load %arg6[%get3A_395, %get3A_396] {strides = array<i32>} : memref<32x224xi32, #tpu.memory_space<vmem>>, vector<16xi32>,
          %get3A_398 = arith.constant 0 : i32
          %get3A_399 = arith.index_cast %get3A_398 : i32 to index
          %get3A_400 = arith.index_cast %scan3A_158 : i32 to index
          %get3A_401 = arith.constant 64 : index
          %get3A_402 = tpu.vector_load %arg7[%get3A_399, %get3A_400, %get3A_401] {strides = array<i32>} : memref<6x32x224xf32, #tpu.memory_space<vmem>>, vector<16xf32>,
          %get3A_403 = arith.constant 1 : i32
          %get3A_404 = arith.index_cast %get3A_403 : i32 to index
          %get3A_405 = arith.index_cast %scan3A_158 : i32 to index
          %get3A_406 = arith.constant 64 : index
          %get3A_407 = tpu.vector_load %arg7[%get3A_404, %get3A_405, %get3A_406] {strides = array<i32>} : memref<6x32x224xf32, #tpu.memory_space<vmem>>, vector<16xf32>,
          %get3A_408 = arith.constant 2 : i32
          %get3A_409 = arith.index_cast %get3A_408 : i32 to index
          %get3A_410 = arith.index_cast %scan3A_158 : i32 to index
          %get3A_411 = arith.constant 64 : index
          %get3A_412 = tpu.vector_load %arg7[%get3A_409, %get3A_410, %get3A_411] {strides = array<i32>} : memref<6x32x224xf32, #tpu.memory_space<vmem>>, vector<16xf32>,
          %get3A_413 = arith.constant 3 : i32
          %get3A_414 = arith.index_cast %get3A_413 : i32 to index
          %get3A_415 = arith.index_cast %scan3A_158 : i32 to index
          %get3A_416 = arith.constant 64 : index
          %get3A_417 = tpu.vector_load %arg7[%get3A_414, %get3A_415, %get3A_416] {strides = array<i32>} : memref<6x32x224xf32, #tpu.memory_space<vmem>>, vector<16xf32>,
          %get3A_418 = arith.constant 4 : i32
          %get3A_419 = arith.index_cast %get3A_418 : i32 to index
          %get3A_420 = arith.index_cast %scan3A_158 : i32 to index
          %get3A_421 = arith.constant 64 : index
          %get3A_422 = tpu.vector_load %arg7[%get3A_419, %get3A_420, %get3A_421] {strides = array<i32>} : memref<6x32x224xf32, #tpu.memory_space<vmem>>, vector<16xf32>,
          %get3A_423 = arith.constant 5 : i32
          %get3A_424 = arith.index_cast %get3A_423 : i32 to index
          %get3A_425 = arith.index_cast %scan3A_158 : i32 to index
          %get3A_426 = arith.constant 64 : index
          %get3A_427 = tpu.vector_load %arg7[%get3A_424, %get3A_425, %get3A_426] {strides = array<i32>} : memref<6x32x224xf32, #tpu.memory_space<vmem>>, vector<16xf32>,
          %add3A_428 = vector.broadcast %add3A_91 : i32 to vector<16xi32>
          %add3A_429 = arith.addi %get3A_397, %add3A_428 : vector<16xi32>
          tpu.vector_store_idx %arg9[%add3A_429], %get3A_402 {add = true} : memref<6400xf32, #tpu.memory_space<vmem>>[vector<16xi32>], vector<16xf32>,
          %add3A_430 = vector.broadcast %add3A_93 : i32 to vector<16xi32>
          %add3A_431 = arith.addi %get3A_397, %add3A_430 : vector<16xi32>
          tpu.vector_store_idx %arg9[%add3A_431], %get3A_407 {add = true} : memref<6400xf32, #tpu.memory_space<vmem>>[vector<16xi32>], vector<16xf32>,
          %add3A_432 = vector.broadcast %add3A_95 : i32 to vector<16xi32>
          %add3A_433 = arith.addi %get3A_397, %add3A_432 : vector<16xi32>
          tpu.vector_store_idx %arg9[%add3A_433], %get3A_412 {add = true} : memref<6400xf32, #tpu.memory_space<vmem>>[vector<16xi32>], vector<16xf32>,
          %add3A_434 = vector.broadcast %add3A_97 : i32 to vector<16xi32>
          %add3A_435 = arith.addi %get3A_397, %add3A_434 : vector<16xi32>
          tpu.vector_store_idx %arg9[%add3A_435], %get3A_417 {add = true} : memref<6400xf32, #tpu.memory_space<vmem>>[vector<16xi32>], vector<16xf32>,
          %add3A_436 = vector.broadcast %add3A_99 : i32 to vector<16xi32>
          %add3A_437 = arith.addi %get3A_397, %add3A_436 : vector<16xi32>
          tpu.vector_store_idx %arg9[%add3A_437], %get3A_422 {add = true} : memref<6400xf32, #tpu.memory_space<vmem>>[vector<16xi32>], vector<16xf32>,
          %add3A_438 = vector.broadcast %add3A_101 : i32 to vector<16xi32>
          %add3A_439 = arith.addi %get3A_397, %add3A_438 : vector<16xi32>
          tpu.vector_store_idx %arg9[%add3A_439], %get3A_427 {add = true} : memref<6400xf32, #tpu.memory_space<vmem>>[vector<16xi32>], vector<16xf32>,
          %mul3A_440 = arith.mulf %get3A_402, %get3A_402 : vector<16xf32>
          %mul3A_441 = arith.mulf %get3A_407, %get3A_407 : vector<16xf32>
          %mul3A_442 = arith.mulf %get3A_412, %get3A_412 : vector<16xf32>
          %mul3A_443 = arith.mulf %get3A_417, %get3A_417 : vector<16xf32>
          %mul3A_444 = arith.mulf %get3A_422, %get3A_422 : vector<16xf32>
          %mul3A_445 = arith.mulf %get3A_427, %get3A_427 : vector<16xf32>
          %add3A_446 = arith.addf %mul3A_440, %mul3A_441 : vector<16xf32>
          %add3A_447 = arith.addf %mul3A_442, %mul3A_443 : vector<16xf32>
          %add3A_448 = arith.addf %mul3A_444, %mul3A_445 : vector<16xf32>
          %add3A_449 = arith.addf %add3A_446, %add3A_447 : vector<16xf32>
          %add3A_450 = arith.addf %add3A_449, %add3A_448 : vector<16xf32>
          %add3A_451 = arith.constant 6144 : i32
          %add3A_452 = vector.broadcast %add3A_451 : i32 to vector<16xi32>
          %add3A_453 = arith.addi %get3A_397, %add3A_452 : vector<16xi32>
          tpu.vector_store_idx %arg9[%add3A_453], %add3A_450 {add = true} : memref<6400xf32, #tpu.memory_space<vmem>>[vector<16xi32>], vector<16xf32>,
          %get3A_454 = arith.index_cast %scan3A_158 : i32 to index
          %get3A_455 = arith.constant 80 : index
          %get3A_456 = tpu.vector_load %arg6[%get3A_454, %get3A_455] {strides = array<i32>} : memref<32x224xi32, #tpu.memory_space<vmem>>, vector<16xi32>,
          %get3A_457 = arith.constant 0 : i32
          %get3A_458 = arith.index_cast %get3A_457 : i32 to index
          %get3A_459 = arith.index_cast %scan3A_158 : i32 to index
          %get3A_460 = arith.constant 80 : index
          %get3A_461 = tpu.vector_load %arg7[%get3A_458, %get3A_459, %get3A_460] {strides = array<i32>} : memref<6x32x224xf32, #tpu.memory_space<vmem>>, vector<16xf32>,
          %get3A_462 = arith.constant 1 : i32
          %get3A_463 = arith.index_cast %get3A_462 : i32 to index
          %get3A_464 = arith.index_cast %scan3A_158 : i32 to index
          %get3A_465 = arith.constant 80 : index
          %get3A_466 = tpu.vector_load %arg7[%get3A_463, %get3A_464, %get3A_465] {strides = array<i32>} : memref<6x32x224xf32, #tpu.memory_space<vmem>>, vector<16xf32>,
          %get3A_467 = arith.constant 2 : i32
          %get3A_468 = arith.index_cast %get3A_467 : i32 to index
          %get3A_469 = arith.index_cast %scan3A_158 : i32 to index
          %get3A_470 = arith.constant 80 : index
          %get3A_471 = tpu.vector_load %arg7[%get3A_468, %get3A_469, %get3A_470] {strides = array<i32>} : memref<6x32x224xf32, #tpu.memory_space<vmem>>, vector<16xf32>,
          %get3A_472 = arith.constant 3 : i32
          %get3A_473 = arith.index_cast %get3A_472 : i32 to index
          %get3A_474 = arith.index_cast %scan3A_158 : i32 to index
          %get3A_475 = arith.constant 80 : index
          %get3A_476 = tpu.vector_load %arg7[%get3A_473, %get3A_474, %get3A_475] {strides = array<i32>} : memref<6x32x224xf32, #tpu.memory_space<vmem>>, vector<16xf32>,
          %get3A_477 = arith.constant 4 : i32
          %get3A_478 = arith.index_cast %get3A_477 : i32 to index
          %get3A_479 = arith.index_cast %scan3A_158 : i32 to index
          %get3A_480 = arith.constant 80 : index
          %get3A_481 = tpu.vector_load %arg7[%get3A_478, %get3A_479, %get3A_480] {strides = array<i32>} : memref<6x32x224xf32, #tpu.memory_space<vmem>>, vector<16xf32>,
          %get3A_482 = arith.constant 5 : i32
          %get3A_483 = arith.index_cast %get3A_482 : i32 to index
          %get3A_484 = arith.index_cast %scan3A_158 : i32 to index
          %get3A_485 = arith.constant 80 : index
          %get3A_486 = tpu.vector_load %arg7[%get3A_483, %get3A_484, %get3A_485] {strides = array<i32>} : memref<6x32x224xf32, #tpu.memory_space<vmem>>, vector<16xf32>,
          %add3A_487 = vector.broadcast %add3A_91 : i32 to vector<16xi32>
          %add3A_488 = arith.addi %get3A_456, %add3A_487 : vector<16xi32>
          tpu.vector_store_idx %arg9[%add3A_488], %get3A_461 {add = true} : memref<6400xf32, #tpu.memory_space<vmem>>[vector<16xi32>], vector<16xf32>,
          %add3A_489 = vector.broadcast %add3A_93 : i32 to vector<16xi32>
          %add3A_490 = arith.addi %get3A_456, %add3A_489 : vector<16xi32>
          tpu.vector_store_idx %arg9[%add3A_490], %get3A_466 {add = true} : memref<6400xf32, #tpu.memory_space<vmem>>[vector<16xi32>], vector<16xf32>,
          %add3A_491 = vector.broadcast %add3A_95 : i32 to vector<16xi32>
          %add3A_492 = arith.addi %get3A_456, %add3A_491 : vector<16xi32>
          tpu.vector_store_idx %arg9[%add3A_492], %get3A_471 {add = true} : memref<6400xf32, #tpu.memory_space<vmem>>[vector<16xi32>], vector<16xf32>,
          %add3A_493 = vector.broadcast %add3A_97 : i32 to vector<16xi32>
          %add3A_494 = arith.addi %get3A_456, %add3A_493 : vector<16xi32>
          tpu.vector_store_idx %arg9[%add3A_494], %get3A_476 {add = true} : memref<6400xf32, #tpu.memory_space<vmem>>[vector<16xi32>], vector<16xf32>,
          %add3A_495 = vector.broadcast %add3A_99 : i32 to vector<16xi32>
          %add3A_496 = arith.addi %get3A_456, %add3A_495 : vector<16xi32>
          tpu.vector_store_idx %arg9[%add3A_496], %get3A_481 {add = true} : memref<6400xf32, #tpu.memory_space<vmem>>[vector<16xi32>], vector<16xf32>,
          %add3A_497 = vector.broadcast %add3A_101 : i32 to vector<16xi32>
          %add3A_498 = arith.addi %get3A_456, %add3A_497 : vector<16xi32>
          tpu.vector_store_idx %arg9[%add3A_498], %get3A_486 {add = true} : memref<6400xf32, #tpu.memory_space<vmem>>[vector<16xi32>], vector<16xf32>,
          %mul3A_499 = arith.mulf %get3A_461, %get3A_461 : vector<16xf32>
          %mul3A_500 = arith.mulf %get3A_466, %get3A_466 : vector<16xf32>
          %mul3A_501 = arith.mulf %get3A_471, %get3A_471 : vector<16xf32>
          %mul3A_502 = arith.mulf %get3A_476, %get3A_476 : vector<16xf32>
          %mul3A_503 = arith.mulf %get3A_481, %get3A_481 : vector<16xf32>
          %mul3A_504 = arith.mulf %get3A_486, %get3A_486 : vector<16xf32>
          %add3A_505 = arith.addf %mul3A_499, %mul3A_500 : vector<16xf32>
          %add3A_506 = arith.addf %mul3A_501, %mul3A_502 : vector<16xf32>
          %add3A_507 = arith.addf %mul3A_503, %mul3A_504 : vector<16xf32>
          %add3A_508 = arith.addf %add3A_505, %add3A_506 : vector<16xf32>
          %add3A_509 = arith.addf %add3A_508, %add3A_507 : vector<16xf32>
          %add3A_510 = arith.constant 6144 : i32
          %add3A_511 = vector.broadcast %add3A_510 : i32 to vector<16xi32>
          %add3A_512 = arith.addi %get3A_456, %add3A_511 : vector<16xi32>
          tpu.vector_store_idx %arg9[%add3A_512], %add3A_509 {add = true} : memref<6400xf32, #tpu.memory_space<vmem>>[vector<16xi32>], vector<16xf32>,
          %get3A_513 = arith.index_cast %scan3A_158 : i32 to index
          %get3A_514 = arith.constant 96 : index
          %get3A_515 = tpu.vector_load %arg6[%get3A_513, %get3A_514] {strides = array<i32>} : memref<32x224xi32, #tpu.memory_space<vmem>>, vector<16xi32>,
          %get3A_516 = arith.constant 0 : i32
          %get3A_517 = arith.index_cast %get3A_516 : i32 to index
          %get3A_518 = arith.index_cast %scan3A_158 : i32 to index
          %get3A_519 = arith.constant 96 : index
          %get3A_520 = tpu.vector_load %arg7[%get3A_517, %get3A_518, %get3A_519] {strides = array<i32>} : memref<6x32x224xf32, #tpu.memory_space<vmem>>, vector<16xf32>,
          %get3A_521 = arith.constant 1 : i32
          %get3A_522 = arith.index_cast %get3A_521 : i32 to index
          %get3A_523 = arith.index_cast %scan3A_158 : i32 to index
          %get3A_524 = arith.constant 96 : index
          %get3A_525 = tpu.vector_load %arg7[%get3A_522, %get3A_523, %get3A_524] {strides = array<i32>} : memref<6x32x224xf32, #tpu.memory_space<vmem>>, vector<16xf32>,
          %get3A_526 = arith.constant 2 : i32
          %get3A_527 = arith.index_cast %get3A_526 : i32 to index
          %get3A_528 = arith.index_cast %scan3A_158 : i32 to index
          %get3A_529 = arith.constant 96 : index
          %get3A_530 = tpu.vector_load %arg7[%get3A_527, %get3A_528, %get3A_529] {strides = array<i32>} : memref<6x32x224xf32, #tpu.memory_space<vmem>>, vector<16xf32>,
          %get3A_531 = arith.constant 3 : i32
          %get3A_532 = arith.index_cast %get3A_531 : i32 to index
          %get3A_533 = arith.index_cast %scan3A_158 : i32 to index
          %get3A_534 = arith.constant 96 : index
          %get3A_535 = tpu.vector_load %arg7[%get3A_532, %get3A_533, %get3A_534] {strides = array<i32>} : memref<6x32x224xf32, #tpu.memory_space<vmem>>, vector<16xf32>,
          %get3A_536 = arith.constant 4 : i32
          %get3A_537 = arith.index_cast %get3A_536 : i32 to index
          %get3A_538 = arith.index_cast %scan3A_158 : i32 to index
          %get3A_539 = arith.constant 96 : index
          %get3A_540 = tpu.vector_load %arg7[%get3A_537, %get3A_538, %get3A_539] {strides = array<i32>} : memref<6x32x224xf32, #tpu.memory_space<vmem>>, vector<16xf32>,
          %get3A_541 = arith.constant 5 : i32
          %get3A_542 = arith.index_cast %get3A_541 : i32 to index
          %get3A_543 = arith.index_cast %scan3A_158 : i32 to index
          %get3A_544 = arith.constant 96 : index
          %get3A_545 = tpu.vector_load %arg7[%get3A_542, %get3A_543, %get3A_544] {strides = array<i32>} : memref<6x32x224xf32, #tpu.memory_space<vmem>>, vector<16xf32>,
          %add3A_546 = vector.broadcast %add3A_91 : i32 to vector<16xi32>
          %add3A_547 = arith.addi %get3A_515, %add3A_546 : vector<16xi32>
          tpu.vector_store_idx %arg9[%add3A_547], %get3A_520 {add = true} : memref<6400xf32, #tpu.memory_space<vmem>>[vector<16xi32>], vector<16xf32>,
          %add3A_548 = vector.broadcast %add3A_93 : i32 to vector<16xi32>
          %add3A_549 = arith.addi %get3A_515, %add3A_548 : vector<16xi32>
          tpu.vector_store_idx %arg9[%add3A_549], %get3A_525 {add = true} : memref<6400xf32, #tpu.memory_space<vmem>>[vector<16xi32>], vector<16xf32>,
          %add3A_550 = vector.broadcast %add3A_95 : i32 to vector<16xi32>
          %add3A_551 = arith.addi %get3A_515, %add3A_550 : vector<16xi32>
          tpu.vector_store_idx %arg9[%add3A_551], %get3A_530 {add = true} : memref<6400xf32, #tpu.memory_space<vmem>>[vector<16xi32>], vector<16xf32>,
          %add3A_552 = vector.broadcast %add3A_97 : i32 to vector<16xi32>
          %add3A_553 = arith.addi %get3A_515, %add3A_552 : vector<16xi32>
          tpu.vector_store_idx %arg9[%add3A_553], %get3A_535 {add = true} : memref<6400xf32, #tpu.memory_space<vmem>>[vector<16xi32>], vector<16xf32>,
          %add3A_554 = vector.broadcast %add3A_99 : i32 to vector<16xi32>
          %add3A_555 = arith.addi %get3A_515, %add3A_554 : vector<16xi32>
          tpu.vector_store_idx %arg9[%add3A_555], %get3A_540 {add = true} : memref<6400xf32, #tpu.memory_space<vmem>>[vector<16xi32>], vector<16xf32>,
          %add3A_556 = vector.broadcast %add3A_101 : i32 to vector<16xi32>
          %add3A_557 = arith.addi %get3A_515, %add3A_556 : vector<16xi32>
          tpu.vector_store_idx %arg9[%add3A_557], %get3A_545 {add = true} : memref<6400xf32, #tpu.memory_space<vmem>>[vector<16xi32>], vector<16xf32>,
          %mul3A_558 = arith.mulf %get3A_520, %get3A_520 : vector<16xf32>
          %mul3A_559 = arith.mulf %get3A_525, %get3A_525 : vector<16xf32>
          %mul3A_560 = arith.mulf %get3A_530, %get3A_530 : vector<16xf32>
          %mul3A_561 = arith.mulf %get3A_535, %get3A_535 : vector<16xf32>
          %mul3A_562 = arith.mulf %get3A_540, %get3A_540 : vector<16xf32>
          %mul3A_563 = arith.mulf %get3A_545, %get3A_545 : vector<16xf32>
          %add3A_564 = arith.addf %mul3A_558, %mul3A_559 : vector<16xf32>
          %add3A_565 = arith.addf %mul3A_560, %mul3A_561 : vector<16xf32>
          %add3A_566 = arith.addf %mul3A_562, %mul3A_563 : vector<16xf32>
          %add3A_567 = arith.addf %add3A_564, %add3A_565 : vector<16xf32>
          %add3A_568 = arith.addf %add3A_567, %add3A_566 : vector<16xf32>
          %add3A_569 = arith.constant 6144 : i32
          %add3A_570 = vector.broadcast %add3A_569 : i32 to vector<16xi32>
          %add3A_571 = arith.addi %get3A_515, %add3A_570 : vector<16xi32>
          tpu.vector_store_idx %arg9[%add3A_571], %add3A_568 {add = true} : memref<6400xf32, #tpu.memory_space<vmem>>[vector<16xi32>], vector<16xf32>,
          %get3A_572 = arith.index_cast %scan3A_158 : i32 to index
          %get3A_573 = arith.constant 112 : index
          %get3A_574 = tpu.vector_load %arg6[%get3A_572, %get3A_573] {strides = array<i32>} : memref<32x224xi32, #tpu.memory_space<vmem>>, vector<16xi32>,
          %get3A_575 = arith.constant 0 : i32
          %get3A_576 = arith.index_cast %get3A_575 : i32 to index
          %get3A_577 = arith.index_cast %scan3A_158 : i32 to index
          %get3A_578 = arith.constant 112 : index
          %get3A_579 = tpu.vector_load %arg7[%get3A_576, %get3A_577, %get3A_578] {strides = array<i32>} : memref<6x32x224xf32, #tpu.memory_space<vmem>>, vector<16xf32>,
          %get3A_580 = arith.constant 1 : i32
          %get3A_581 = arith.index_cast %get3A_580 : i32 to index
          %get3A_582 = arith.index_cast %scan3A_158 : i32 to index
          %get3A_583 = arith.constant 112 : index
          %get3A_584 = tpu.vector_load %arg7[%get3A_581, %get3A_582, %get3A_583] {strides = array<i32>} : memref<6x32x224xf32, #tpu.memory_space<vmem>>, vector<16xf32>,
          %get3A_585 = arith.constant 2 : i32
          %get3A_586 = arith.index_cast %get3A_585 : i32 to index
          %get3A_587 = arith.index_cast %scan3A_158 : i32 to index
          %get3A_588 = arith.constant 112 : index
          %get3A_589 = tpu.vector_load %arg7[%get3A_586, %get3A_587, %get3A_588] {strides = array<i32>} : memref<6x32x224xf32, #tpu.memory_space<vmem>>, vector<16xf32>,
          %get3A_590 = arith.constant 3 : i32
          %get3A_591 = arith.index_cast %get3A_590 : i32 to index
          %get3A_592 = arith.index_cast %scan3A_158 : i32 to index
          %get3A_593 = arith.constant 112 : index
          %get3A_594 = tpu.vector_load %arg7[%get3A_591, %get3A_592, %get3A_593] {strides = array<i32>} : memref<6x32x224xf32, #tpu.memory_space<vmem>>, vector<16xf32>,
          %get3A_595 = arith.constant 4 : i32
          %get3A_596 = arith.index_cast %get3A_595 : i32 to index
          %get3A_597 = arith.index_cast %scan3A_158 : i32 to index
          %get3A_598 = arith.constant 112 : index
          %get3A_599 = tpu.vector_load %arg7[%get3A_596, %get3A_597, %get3A_598] {strides = array<i32>} : memref<6x32x224xf32, #tpu.memory_space<vmem>>, vector<16xf32>,
          %get3A_600 = arith.constant 5 : i32
          %get3A_601 = arith.index_cast %get3A_600 : i32 to index
          %get3A_602 = arith.index_cast %scan3A_158 : i32 to index
          %get3A_603 = arith.constant 112 : index
          %get3A_604 = tpu.vector_load %arg7[%get3A_601, %get3A_602, %get3A_603] {strides = array<i32>} : memref<6x32x224xf32, #tpu.memory_space<vmem>>, vector<16xf32>,
          %add3A_605 = vector.broadcast %add3A_91 : i32 to vector<16xi32>
          %add3A_606 = arith.addi %get3A_574, %add3A_605 : vector<16xi32>
          tpu.vector_store_idx %arg9[%add3A_606], %get3A_579 {add = true} : memref<6400xf32, #tpu.memory_space<vmem>>[vector<16xi32>], vector<16xf32>,
          %add3A_607 = vector.broadcast %add3A_93 : i32 to vector<16xi32>
          %add3A_608 = arith.addi %get3A_574, %add3A_607 : vector<16xi32>
          tpu.vector_store_idx %arg9[%add3A_608], %get3A_584 {add = true} : memref<6400xf32, #tpu.memory_space<vmem>>[vector<16xi32>], vector<16xf32>,
          %add3A_609 = vector.broadcast %add3A_95 : i32 to vector<16xi32>
          %add3A_610 = arith.addi %get3A_574, %add3A_609 : vector<16xi32>
          tpu.vector_store_idx %arg9[%add3A_610], %get3A_589 {add = true} : memref<6400xf32, #tpu.memory_space<vmem>>[vector<16xi32>], vector<16xf32>,
          %add3A_611 = vector.broadcast %add3A_97 : i32 to vector<16xi32>
          %add3A_612 = arith.addi %get3A_574, %add3A_611 : vector<16xi32>
          tpu.vector_store_idx %arg9[%add3A_612], %get3A_594 {add = true} : memref<6400xf32, #tpu.memory_space<vmem>>[vector<16xi32>], vector<16xf32>,
          %add3A_613 = vector.broadcast %add3A_99 : i32 to vector<16xi32>
          %add3A_614 = arith.addi %get3A_574, %add3A_613 : vector<16xi32>
          tpu.vector_store_idx %arg9[%add3A_614], %get3A_599 {add = true} : memref<6400xf32, #tpu.memory_space<vmem>>[vector<16xi32>], vector<16xf32>,
          %add3A_615 = vector.broadcast %add3A_101 : i32 to vector<16xi32>
          %add3A_616 = arith.addi %get3A_574, %add3A_615 : vector<16xi32>
          tpu.vector_store_idx %arg9[%add3A_616], %get3A_604 {add = true} : memref<6400xf32, #tpu.memory_space<vmem>>[vector<16xi32>], vector<16xf32>,
          %mul3A_617 = arith.mulf %get3A_579, %get3A_579 : vector<16xf32>
          %mul3A_618 = arith.mulf %get3A_584, %get3A_584 : vector<16xf32>
          %mul3A_619 = arith.mulf %get3A_589, %get3A_589 : vector<16xf32>
          %mul3A_620 = arith.mulf %get3A_594, %get3A_594 : vector<16xf32>
          %mul3A_621 = arith.mulf %get3A_599, %get3A_599 : vector<16xf32>
          %mul3A_622 = arith.mulf %get3A_604, %get3A_604 : vector<16xf32>
          %add3A_623 = arith.addf %mul3A_617, %mul3A_618 : vector<16xf32>
          %add3A_624 = arith.addf %mul3A_619, %mul3A_620 : vector<16xf32>
          %add3A_625 = arith.addf %mul3A_621, %mul3A_622 : vector<16xf32>
          %add3A_626 = arith.addf %add3A_623, %add3A_624 : vector<16xf32>
          %add3A_627 = arith.addf %add3A_626, %add3A_625 : vector<16xf32>
          %add3A_628 = arith.constant 6144 : i32
          %add3A_629 = vector.broadcast %add3A_628 : i32 to vector<16xi32>
          %add3A_630 = arith.addi %get3A_574, %add3A_629 : vector<16xi32>
          tpu.vector_store_idx %arg9[%add3A_630], %add3A_627 {add = true} : memref<6400xf32, #tpu.memory_space<vmem>>[vector<16xi32>], vector<16xf32>,
          %get3A_631 = arith.index_cast %scan3A_158 : i32 to index
          %get3A_632 = arith.constant 128 : index
          %get3A_633 = tpu.vector_load %arg6[%get3A_631, %get3A_632] {strides = array<i32>} : memref<32x224xi32, #tpu.memory_space<vmem>>, vector<16xi32>,
          %get3A_634 = arith.constant 0 : i32
          %get3A_635 = arith.index_cast %get3A_634 : i32 to index
          %get3A_636 = arith.index_cast %scan3A_158 : i32 to index
          %get3A_637 = arith.constant 128 : index
          %get3A_638 = tpu.vector_load %arg7[%get3A_635, %get3A_636, %get3A_637] {strides = array<i32>} : memref<6x32x224xf32, #tpu.memory_space<vmem>>, vector<16xf32>,
          %get3A_639 = arith.constant 1 : i32
          %get3A_640 = arith.index_cast %get3A_639 : i32 to index
          %get3A_641 = arith.index_cast %scan3A_158 : i32 to index
          %get3A_642 = arith.constant 128 : index
          %get3A_643 = tpu.vector_load %arg7[%get3A_640, %get3A_641, %get3A_642] {strides = array<i32>} : memref<6x32x224xf32, #tpu.memory_space<vmem>>, vector<16xf32>,
          %get3A_644 = arith.constant 2 : i32
          %get3A_645 = arith.index_cast %get3A_644 : i32 to index
          %get3A_646 = arith.index_cast %scan3A_158 : i32 to index
          %get3A_647 = arith.constant 128 : index
          %get3A_648 = tpu.vector_load %arg7[%get3A_645, %get3A_646, %get3A_647] {strides = array<i32>} : memref<6x32x224xf32, #tpu.memory_space<vmem>>, vector<16xf32>,
          %get3A_649 = arith.constant 3 : i32
          %get3A_650 = arith.index_cast %get3A_649 : i32 to index
          %get3A_651 = arith.index_cast %scan3A_158 : i32 to index
          %get3A_652 = arith.constant 128 : index
          %get3A_653 = tpu.vector_load %arg7[%get3A_650, %get3A_651, %get3A_652] {strides = array<i32>} : memref<6x32x224xf32, #tpu.memory_space<vmem>>, vector<16xf32>,
          %get3A_654 = arith.constant 4 : i32
          %get3A_655 = arith.index_cast %get3A_654 : i32 to index
          %get3A_656 = arith.index_cast %scan3A_158 : i32 to index
          %get3A_657 = arith.constant 128 : index
          %get3A_658 = tpu.vector_load %arg7[%get3A_655, %get3A_656, %get3A_657] {strides = array<i32>} : memref<6x32x224xf32, #tpu.memory_space<vmem>>, vector<16xf32>,
          %get3A_659 = arith.constant 5 : i32
          %get3A_660 = arith.index_cast %get3A_659 : i32 to index
          %get3A_661 = arith.index_cast %scan3A_158 : i32 to index
          %get3A_662 = arith.constant 128 : index
          %get3A_663 = tpu.vector_load %arg7[%get3A_660, %get3A_661, %get3A_662] {strides = array<i32>} : memref<6x32x224xf32, #tpu.memory_space<vmem>>, vector<16xf32>,
          %add3A_664 = vector.broadcast %add3A_91 : i32 to vector<16xi32>
          %add3A_665 = arith.addi %get3A_633, %add3A_664 : vector<16xi32>
          tpu.vector_store_idx %arg9[%add3A_665], %get3A_638 {add = true} : memref<6400xf32, #tpu.memory_space<vmem>>[vector<16xi32>], vector<16xf32>,
          %add3A_666 = vector.broadcast %add3A_93 : i32 to vector<16xi32>
          %add3A_667 = arith.addi %get3A_633, %add3A_666 : vector<16xi32>
          tpu.vector_store_idx %arg9[%add3A_667], %get3A_643 {add = true} : memref<6400xf32, #tpu.memory_space<vmem>>[vector<16xi32>], vector<16xf32>,
          %add3A_668 = vector.broadcast %add3A_95 : i32 to vector<16xi32>
          %add3A_669 = arith.addi %get3A_633, %add3A_668 : vector<16xi32>
          tpu.vector_store_idx %arg9[%add3A_669], %get3A_648 {add = true} : memref<6400xf32, #tpu.memory_space<vmem>>[vector<16xi32>], vector<16xf32>,
          %add3A_670 = vector.broadcast %add3A_97 : i32 to vector<16xi32>
          %add3A_671 = arith.addi %get3A_633, %add3A_670 : vector<16xi32>
          tpu.vector_store_idx %arg9[%add3A_671], %get3A_653 {add = true} : memref<6400xf32, #tpu.memory_space<vmem>>[vector<16xi32>], vector<16xf32>,
          %add3A_672 = vector.broadcast %add3A_99 : i32 to vector<16xi32>
          %add3A_673 = arith.addi %get3A_633, %add3A_672 : vector<16xi32>
          tpu.vector_store_idx %arg9[%add3A_673], %get3A_658 {add = true} : memref<6400xf32, #tpu.memory_space<vmem>>[vector<16xi32>], vector<16xf32>,
          %add3A_674 = vector.broadcast %add3A_101 : i32 to vector<16xi32>
          %add3A_675 = arith.addi %get3A_633, %add3A_674 : vector<16xi32>
          tpu.vector_store_idx %arg9[%add3A_675], %get3A_663 {add = true} : memref<6400xf32, #tpu.memory_space<vmem>>[vector<16xi32>], vector<16xf32>,
          %mul3A_676 = arith.mulf %get3A_638, %get3A_638 : vector<16xf32>
          %mul3A_677 = arith.mulf %get3A_643, %get3A_643 : vector<16xf32>
          %mul3A_678 = arith.mulf %get3A_648, %get3A_648 : vector<16xf32>
          %mul3A_679 = arith.mulf %get3A_653, %get3A_653 : vector<16xf32>
          %mul3A_680 = arith.mulf %get3A_658, %get3A_658 : vector<16xf32>
          %mul3A_681 = arith.mulf %get3A_663, %get3A_663 : vector<16xf32>
          %add3A_682 = arith.addf %mul3A_676, %mul3A_677 : vector<16xf32>
          %add3A_683 = arith.addf %mul3A_678, %mul3A_679 : vector<16xf32>
          %add3A_684 = arith.addf %mul3A_680, %mul3A_681 : vector<16xf32>
          %add3A_685 = arith.addf %add3A_682, %add3A_683 : vector<16xf32>
          %add3A_686 = arith.addf %add3A_685, %add3A_684 : vector<16xf32>
          %add3A_687 = arith.constant 6144 : i32
          %add3A_688 = vector.broadcast %add3A_687 : i32 to vector<16xi32>
          %add3A_689 = arith.addi %get3A_633, %add3A_688 : vector<16xi32>
          tpu.vector_store_idx %arg9[%add3A_689], %add3A_686 {add = true} : memref<6400xf32, #tpu.memory_space<vmem>>[vector<16xi32>], vector<16xf32>,
          %get3A_690 = arith.index_cast %scan3A_158 : i32 to index
          %get3A_691 = arith.constant 144 : index
          %get3A_692 = tpu.vector_load %arg6[%get3A_690, %get3A_691] {strides = array<i32>} : memref<32x224xi32, #tpu.memory_space<vmem>>, vector<16xi32>,
          %get3A_693 = arith.constant 0 : i32
          %get3A_694 = arith.index_cast %get3A_693 : i32 to index
          %get3A_695 = arith.index_cast %scan3A_158 : i32 to index
          %get3A_696 = arith.constant 144 : index
          %get3A_697 = tpu.vector_load %arg7[%get3A_694, %get3A_695, %get3A_696] {strides = array<i32>} : memref<6x32x224xf32, #tpu.memory_space<vmem>>, vector<16xf32>,
          %get3A_698 = arith.constant 1 : i32
          %get3A_699 = arith.index_cast %get3A_698 : i32 to index
          %get3A_700 = arith.index_cast %scan3A_158 : i32 to index
          %get3A_701 = arith.constant 144 : index
          %get3A_702 = tpu.vector_load %arg7[%get3A_699, %get3A_700, %get3A_701] {strides = array<i32>} : memref<6x32x224xf32, #tpu.memory_space<vmem>>, vector<16xf32>,
          %get3A_703 = arith.constant 2 : i32
          %get3A_704 = arith.index_cast %get3A_703 : i32 to index
          %get3A_705 = arith.index_cast %scan3A_158 : i32 to index
          %get3A_706 = arith.constant 144 : index
          %get3A_707 = tpu.vector_load %arg7[%get3A_704, %get3A_705, %get3A_706] {strides = array<i32>} : memref<6x32x224xf32, #tpu.memory_space<vmem>>, vector<16xf32>,
          %get3A_708 = arith.constant 3 : i32
          %get3A_709 = arith.index_cast %get3A_708 : i32 to index
          %get3A_710 = arith.index_cast %scan3A_158 : i32 to index
          %get3A_711 = arith.constant 144 : index
          %get3A_712 = tpu.vector_load %arg7[%get3A_709, %get3A_710, %get3A_711] {strides = array<i32>} : memref<6x32x224xf32, #tpu.memory_space<vmem>>, vector<16xf32>,
          %get3A_713 = arith.constant 4 : i32
          %get3A_714 = arith.index_cast %get3A_713 : i32 to index
          %get3A_715 = arith.index_cast %scan3A_158 : i32 to index
          %get3A_716 = arith.constant 144 : index
          %get3A_717 = tpu.vector_load %arg7[%get3A_714, %get3A_715, %get3A_716] {strides = array<i32>} : memref<6x32x224xf32, #tpu.memory_space<vmem>>, vector<16xf32>,
          %get3A_718 = arith.constant 5 : i32
          %get3A_719 = arith.index_cast %get3A_718 : i32 to index
          %get3A_720 = arith.index_cast %scan3A_158 : i32 to index
          %get3A_721 = arith.constant 144 : index
          %get3A_722 = tpu.vector_load %arg7[%get3A_719, %get3A_720, %get3A_721] {strides = array<i32>} : memref<6x32x224xf32, #tpu.memory_space<vmem>>, vector<16xf32>,
          %add3A_723 = vector.broadcast %add3A_91 : i32 to vector<16xi32>
          %add3A_724 = arith.addi %get3A_692, %add3A_723 : vector<16xi32>
          tpu.vector_store_idx %arg9[%add3A_724], %get3A_697 {add = true} : memref<6400xf32, #tpu.memory_space<vmem>>[vector<16xi32>], vector<16xf32>,
          %add3A_725 = vector.broadcast %add3A_93 : i32 to vector<16xi32>
          %add3A_726 = arith.addi %get3A_692, %add3A_725 : vector<16xi32>
          tpu.vector_store_idx %arg9[%add3A_726], %get3A_702 {add = true} : memref<6400xf32, #tpu.memory_space<vmem>>[vector<16xi32>], vector<16xf32>,
          %add3A_727 = vector.broadcast %add3A_95 : i32 to vector<16xi32>
          %add3A_728 = arith.addi %get3A_692, %add3A_727 : vector<16xi32>
          tpu.vector_store_idx %arg9[%add3A_728], %get3A_707 {add = true} : memref<6400xf32, #tpu.memory_space<vmem>>[vector<16xi32>], vector<16xf32>,
          %add3A_729 = vector.broadcast %add3A_97 : i32 to vector<16xi32>
          %add3A_730 = arith.addi %get3A_692, %add3A_729 : vector<16xi32>
          tpu.vector_store_idx %arg9[%add3A_730], %get3A_712 {add = true} : memref<6400xf32, #tpu.memory_space<vmem>>[vector<16xi32>], vector<16xf32>,
          %add3A_731 = vector.broadcast %add3A_99 : i32 to vector<16xi32>
          %add3A_732 = arith.addi %get3A_692, %add3A_731 : vector<16xi32>
          tpu.vector_store_idx %arg9[%add3A_732], %get3A_717 {add = true} : memref<6400xf32, #tpu.memory_space<vmem>>[vector<16xi32>], vector<16xf32>,
          %add3A_733 = vector.broadcast %add3A_101 : i32 to vector<16xi32>
          %add3A_734 = arith.addi %get3A_692, %add3A_733 : vector<16xi32>
          tpu.vector_store_idx %arg9[%add3A_734], %get3A_722 {add = true} : memref<6400xf32, #tpu.memory_space<vmem>>[vector<16xi32>], vector<16xf32>,
          %mul3A_735 = arith.mulf %get3A_697, %get3A_697 : vector<16xf32>
          %mul3A_736 = arith.mulf %get3A_702, %get3A_702 : vector<16xf32>
          %mul3A_737 = arith.mulf %get3A_707, %get3A_707 : vector<16xf32>
          %mul3A_738 = arith.mulf %get3A_712, %get3A_712 : vector<16xf32>
          %mul3A_739 = arith.mulf %get3A_717, %get3A_717 : vector<16xf32>
          %mul3A_740 = arith.mulf %get3A_722, %get3A_722 : vector<16xf32>
          %add3A_741 = arith.addf %mul3A_735, %mul3A_736 : vector<16xf32>
          %add3A_742 = arith.addf %mul3A_737, %mul3A_738 : vector<16xf32>
          %add3A_743 = arith.addf %mul3A_739, %mul3A_740 : vector<16xf32>
          %add3A_744 = arith.addf %add3A_741, %add3A_742 : vector<16xf32>
          %add3A_745 = arith.addf %add3A_744, %add3A_743 : vector<16xf32>
          %add3A_746 = arith.constant 6144 : i32
          %add3A_747 = vector.broadcast %add3A_746 : i32 to vector<16xi32>
          %add3A_748 = arith.addi %get3A_692, %add3A_747 : vector<16xi32>
          tpu.vector_store_idx %arg9[%add3A_748], %add3A_745 {add = true} : memref<6400xf32, #tpu.memory_space<vmem>>[vector<16xi32>], vector<16xf32>,
          %get3A_749 = arith.index_cast %scan3A_158 : i32 to index
          %get3A_750 = arith.constant 160 : index
          %get3A_751 = tpu.vector_load %arg6[%get3A_749, %get3A_750] {strides = array<i32>} : memref<32x224xi32, #tpu.memory_space<vmem>>, vector<16xi32>,
          %get3A_752 = arith.constant 0 : i32
          %get3A_753 = arith.index_cast %get3A_752 : i32 to index
          %get3A_754 = arith.index_cast %scan3A_158 : i32 to index
          %get3A_755 = arith.constant 160 : index
          %get3A_756 = tpu.vector_load %arg7[%get3A_753, %get3A_754, %get3A_755] {strides = array<i32>} : memref<6x32x224xf32, #tpu.memory_space<vmem>>, vector<16xf32>,
          %get3A_757 = arith.constant 1 : i32
          %get3A_758 = arith.index_cast %get3A_757 : i32 to index
          %get3A_759 = arith.index_cast %scan3A_158 : i32 to index
          %get3A_760 = arith.constant 160 : index
          %get3A_761 = tpu.vector_load %arg7[%get3A_758, %get3A_759, %get3A_760] {strides = array<i32>} : memref<6x32x224xf32, #tpu.memory_space<vmem>>, vector<16xf32>,
          %get3A_762 = arith.constant 2 : i32
          %get3A_763 = arith.index_cast %get3A_762 : i32 to index
          %get3A_764 = arith.index_cast %scan3A_158 : i32 to index
          %get3A_765 = arith.constant 160 : index
          %get3A_766 = tpu.vector_load %arg7[%get3A_763, %get3A_764, %get3A_765] {strides = array<i32>} : memref<6x32x224xf32, #tpu.memory_space<vmem>>, vector<16xf32>,
          %get3A_767 = arith.constant 3 : i32
          %get3A_768 = arith.index_cast %get3A_767 : i32 to index
          %get3A_769 = arith.index_cast %scan3A_158 : i32 to index
          %get3A_770 = arith.constant 160 : index
          %get3A_771 = tpu.vector_load %arg7[%get3A_768, %get3A_769, %get3A_770] {strides = array<i32>} : memref<6x32x224xf32, #tpu.memory_space<vmem>>, vector<16xf32>,
          %get3A_772 = arith.constant 4 : i32
          %get3A_773 = arith.index_cast %get3A_772 : i32 to index
          %get3A_774 = arith.index_cast %scan3A_158 : i32 to index
          %get3A_775 = arith.constant 160 : index
          %get3A_776 = tpu.vector_load %arg7[%get3A_773, %get3A_774, %get3A_775] {strides = array<i32>} : memref<6x32x224xf32, #tpu.memory_space<vmem>>, vector<16xf32>,
          %get3A_777 = arith.constant 5 : i32
          %get3A_778 = arith.index_cast %get3A_777 : i32 to index
          %get3A_779 = arith.index_cast %scan3A_158 : i32 to index
          %get3A_780 = arith.constant 160 : index
          %get3A_781 = tpu.vector_load %arg7[%get3A_778, %get3A_779, %get3A_780] {strides = array<i32>} : memref<6x32x224xf32, #tpu.memory_space<vmem>>, vector<16xf32>,
          %add3A_782 = vector.broadcast %add3A_91 : i32 to vector<16xi32>
          %add3A_783 = arith.addi %get3A_751, %add3A_782 : vector<16xi32>
          tpu.vector_store_idx %arg9[%add3A_783], %get3A_756 {add = true} : memref<6400xf32, #tpu.memory_space<vmem>>[vector<16xi32>], vector<16xf32>,
          %add3A_784 = vector.broadcast %add3A_93 : i32 to vector<16xi32>
          %add3A_785 = arith.addi %get3A_751, %add3A_784 : vector<16xi32>
          tpu.vector_store_idx %arg9[%add3A_785], %get3A_761 {add = true} : memref<6400xf32, #tpu.memory_space<vmem>>[vector<16xi32>], vector<16xf32>,
          %add3A_786 = vector.broadcast %add3A_95 : i32 to vector<16xi32>
          %add3A_787 = arith.addi %get3A_751, %add3A_786 : vector<16xi32>
          tpu.vector_store_idx %arg9[%add3A_787], %get3A_766 {add = true} : memref<6400xf32, #tpu.memory_space<vmem>>[vector<16xi32>], vector<16xf32>,
          %add3A_788 = vector.broadcast %add3A_97 : i32 to vector<16xi32>
          %add3A_789 = arith.addi %get3A_751, %add3A_788 : vector<16xi32>
          tpu.vector_store_idx %arg9[%add3A_789], %get3A_771 {add = true} : memref<6400xf32, #tpu.memory_space<vmem>>[vector<16xi32>], vector<16xf32>,
          %add3A_790 = vector.broadcast %add3A_99 : i32 to vector<16xi32>
          %add3A_791 = arith.addi %get3A_751, %add3A_790 : vector<16xi32>
          tpu.vector_store_idx %arg9[%add3A_791], %get3A_776 {add = true} : memref<6400xf32, #tpu.memory_space<vmem>>[vector<16xi32>], vector<16xf32>,
          %add3A_792 = vector.broadcast %add3A_101 : i32 to vector<16xi32>
          %add3A_793 = arith.addi %get3A_751, %add3A_792 : vector<16xi32>
          tpu.vector_store_idx %arg9[%add3A_793], %get3A_781 {add = true} : memref<6400xf32, #tpu.memory_space<vmem>>[vector<16xi32>], vector<16xf32>,
          %mul3A_794 = arith.mulf %get3A_756, %get3A_756 : vector<16xf32>
          %mul3A_795 = arith.mulf %get3A_761, %get3A_761 : vector<16xf32>
          %mul3A_796 = arith.mulf %get3A_766, %get3A_766 : vector<16xf32>
          %mul3A_797 = arith.mulf %get3A_771, %get3A_771 : vector<16xf32>
          %mul3A_798 = arith.mulf %get3A_776, %get3A_776 : vector<16xf32>
          %mul3A_799 = arith.mulf %get3A_781, %get3A_781 : vector<16xf32>
          %add3A_800 = arith.addf %mul3A_794, %mul3A_795 : vector<16xf32>
          %add3A_801 = arith.addf %mul3A_796, %mul3A_797 : vector<16xf32>
          %add3A_802 = arith.addf %mul3A_798, %mul3A_799 : vector<16xf32>
          %add3A_803 = arith.addf %add3A_800, %add3A_801 : vector<16xf32>
          %add3A_804 = arith.addf %add3A_803, %add3A_802 : vector<16xf32>
          %add3A_805 = arith.constant 6144 : i32
          %add3A_806 = vector.broadcast %add3A_805 : i32 to vector<16xi32>
          %add3A_807 = arith.addi %get3A_751, %add3A_806 : vector<16xi32>
          tpu.vector_store_idx %arg9[%add3A_807], %add3A_804 {add = true} : memref<6400xf32, #tpu.memory_space<vmem>>[vector<16xi32>], vector<16xf32>,
          %get3A_808 = arith.index_cast %scan3A_158 : i32 to index
          %get3A_809 = arith.constant 176 : index
          %get3A_810 = tpu.vector_load %arg6[%get3A_808, %get3A_809] {strides = array<i32>} : memref<32x224xi32, #tpu.memory_space<vmem>>, vector<16xi32>,
          %get3A_811 = arith.constant 0 : i32
          %get3A_812 = arith.index_cast %get3A_811 : i32 to index
          %get3A_813 = arith.index_cast %scan3A_158 : i32 to index
          %get3A_814 = arith.constant 176 : index
          %get3A_815 = tpu.vector_load %arg7[%get3A_812, %get3A_813, %get3A_814] {strides = array<i32>} : memref<6x32x224xf32, #tpu.memory_space<vmem>>, vector<16xf32>,
          %get3A_816 = arith.constant 1 : i32
          %get3A_817 = arith.index_cast %get3A_816 : i32 to index
          %get3A_818 = arith.index_cast %scan3A_158 : i32 to index
          %get3A_819 = arith.constant 176 : index
          %get3A_820 = tpu.vector_load %arg7[%get3A_817, %get3A_818, %get3A_819] {strides = array<i32>} : memref<6x32x224xf32, #tpu.memory_space<vmem>>, vector<16xf32>,
          %get3A_821 = arith.constant 2 : i32
          %get3A_822 = arith.index_cast %get3A_821 : i32 to index
          %get3A_823 = arith.index_cast %scan3A_158 : i32 to index
          %get3A_824 = arith.constant 176 : index
          %get3A_825 = tpu.vector_load %arg7[%get3A_822, %get3A_823, %get3A_824] {strides = array<i32>} : memref<6x32x224xf32, #tpu.memory_space<vmem>>, vector<16xf32>,
          %get3A_826 = arith.constant 3 : i32
          %get3A_827 = arith.index_cast %get3A_826 : i32 to index
          %get3A_828 = arith.index_cast %scan3A_158 : i32 to index
          %get3A_829 = arith.constant 176 : index
          %get3A_830 = tpu.vector_load %arg7[%get3A_827, %get3A_828, %get3A_829] {strides = array<i32>} : memref<6x32x224xf32, #tpu.memory_space<vmem>>, vector<16xf32>,
          %get3A_831 = arith.constant 4 : i32
          %get3A_832 = arith.index_cast %get3A_831 : i32 to index
          %get3A_833 = arith.index_cast %scan3A_158 : i32 to index
          %get3A_834 = arith.constant 176 : index
          %get3A_835 = tpu.vector_load %arg7[%get3A_832, %get3A_833, %get3A_834] {strides = array<i32>} : memref<6x32x224xf32, #tpu.memory_space<vmem>>, vector<16xf32>,
          %get3A_836 = arith.constant 5 : i32
          %get3A_837 = arith.index_cast %get3A_836 : i32 to index
          %get3A_838 = arith.index_cast %scan3A_158 : i32 to index
          %get3A_839 = arith.constant 176 : index
          %get3A_840 = tpu.vector_load %arg7[%get3A_837, %get3A_838, %get3A_839] {strides = array<i32>} : memref<6x32x224xf32, #tpu.memory_space<vmem>>, vector<16xf32>,
          %add3A_841 = vector.broadcast %add3A_91 : i32 to vector<16xi32>
          %add3A_842 = arith.addi %get3A_810, %add3A_841 : vector<16xi32>
          tpu.vector_store_idx %arg9[%add3A_842], %get3A_815 {add = true} : memref<6400xf32, #tpu.memory_space<vmem>>[vector<16xi32>], vector<16xf32>,
          %add3A_843 = vector.broadcast %add3A_93 : i32 to vector<16xi32>
          %add3A_844 = arith.addi %get3A_810, %add3A_843 : vector<16xi32>
          tpu.vector_store_idx %arg9[%add3A_844], %get3A_820 {add = true} : memref<6400xf32, #tpu.memory_space<vmem>>[vector<16xi32>], vector<16xf32>,
          %add3A_845 = vector.broadcast %add3A_95 : i32 to vector<16xi32>
          %add3A_846 = arith.addi %get3A_810, %add3A_845 : vector<16xi32>
          tpu.vector_store_idx %arg9[%add3A_846], %get3A_825 {add = true} : memref<6400xf32, #tpu.memory_space<vmem>>[vector<16xi32>], vector<16xf32>,
          %add3A_847 = vector.broadcast %add3A_97 : i32 to vector<16xi32>
          %add3A_848 = arith.addi %get3A_810, %add3A_847 : vector<16xi32>
          tpu.vector_store_idx %arg9[%add3A_848], %get3A_830 {add = true} : memref<6400xf32, #tpu.memory_space<vmem>>[vector<16xi32>], vector<16xf32>,
          %add3A_849 = vector.broadcast %add3A_99 : i32 to vector<16xi32>
          %add3A_850 = arith.addi %get3A_810, %add3A_849 : vector<16xi32>
          tpu.vector_store_idx %arg9[%add3A_850], %get3A_835 {add = true} : memref<6400xf32, #tpu.memory_space<vmem>>[vector<16xi32>], vector<16xf32>,
          %add3A_851 = vector.broadcast %add3A_101 : i32 to vector<16xi32>
          %add3A_852 = arith.addi %get3A_810, %add3A_851 : vector<16xi32>
          tpu.vector_store_idx %arg9[%add3A_852], %get3A_840 {add = true} : memref<6400xf32, #tpu.memory_space<vmem>>[vector<16xi32>], vector<16xf32>,
          %mul3A_853 = arith.mulf %get3A_815, %get3A_815 : vector<16xf32>
          %mul3A_854 = arith.mulf %get3A_820, %get3A_820 : vector<16xf32>
          %mul3A_855 = arith.mulf %get3A_825, %get3A_825 : vector<16xf32>
          %mul3A_856 = arith.mulf %get3A_830, %get3A_830 : vector<16xf32>
          %mul3A_857 = arith.mulf %get3A_835, %get3A_835 : vector<16xf32>
          %mul3A_858 = arith.mulf %get3A_840, %get3A_840 : vector<16xf32>
          %add3A_859 = arith.addf %mul3A_853, %mul3A_854 : vector<16xf32>
          %add3A_860 = arith.addf %mul3A_855, %mul3A_856 : vector<16xf32>
          %add3A_861 = arith.addf %mul3A_857, %mul3A_858 : vector<16xf32>
          %add3A_862 = arith.addf %add3A_859, %add3A_860 : vector<16xf32>
          %add3A_863 = arith.addf %add3A_862, %add3A_861 : vector<16xf32>
          %add3A_864 = arith.constant 6144 : i32
          %add3A_865 = vector.broadcast %add3A_864 : i32 to vector<16xi32>
          %add3A_866 = arith.addi %get3A_810, %add3A_865 : vector<16xi32>
          tpu.vector_store_idx %arg9[%add3A_866], %add3A_863 {add = true} : memref<6400xf32, #tpu.memory_space<vmem>>[vector<16xi32>], vector<16xf32>,
          %get3A_867 = arith.index_cast %scan3A_158 : i32 to index
          %get3A_868 = arith.constant 192 : index
          %get3A_869 = tpu.vector_load %arg6[%get3A_867, %get3A_868] {strides = array<i32>} : memref<32x224xi32, #tpu.memory_space<vmem>>, vector<16xi32>,
          %get3A_870 = arith.constant 0 : i32
          %get3A_871 = arith.index_cast %get3A_870 : i32 to index
          %get3A_872 = arith.index_cast %scan3A_158 : i32 to index
          %get3A_873 = arith.constant 192 : index
          %get3A_874 = tpu.vector_load %arg7[%get3A_871, %get3A_872, %get3A_873] {strides = array<i32>} : memref<6x32x224xf32, #tpu.memory_space<vmem>>, vector<16xf32>,
          %get3A_875 = arith.constant 1 : i32
          %get3A_876 = arith.index_cast %get3A_875 : i32 to index
          %get3A_877 = arith.index_cast %scan3A_158 : i32 to index
          %get3A_878 = arith.constant 192 : index
          %get3A_879 = tpu.vector_load %arg7[%get3A_876, %get3A_877, %get3A_878] {strides = array<i32>} : memref<6x32x224xf32, #tpu.memory_space<vmem>>, vector<16xf32>,
          %get3A_880 = arith.constant 2 : i32
          %get3A_881 = arith.index_cast %get3A_880 : i32 to index
          %get3A_882 = arith.index_cast %scan3A_158 : i32 to index
          %get3A_883 = arith.constant 192 : index
          %get3A_884 = tpu.vector_load %arg7[%get3A_881, %get3A_882, %get3A_883] {strides = array<i32>} : memref<6x32x224xf32, #tpu.memory_space<vmem>>, vector<16xf32>,
          %get3A_885 = arith.constant 3 : i32
          %get3A_886 = arith.index_cast %get3A_885 : i32 to index
          %get3A_887 = arith.index_cast %scan3A_158 : i32 to index
          %get3A_888 = arith.constant 192 : index
          %get3A_889 = tpu.vector_load %arg7[%get3A_886, %get3A_887, %get3A_888] {strides = array<i32>} : memref<6x32x224xf32, #tpu.memory_space<vmem>>, vector<16xf32>,
          %get3A_890 = arith.constant 4 : i32
          %get3A_891 = arith.index_cast %get3A_890 : i32 to index
          %get3A_892 = arith.index_cast %scan3A_158 : i32 to index
          %get3A_893 = arith.constant 192 : index
          %get3A_894 = tpu.vector_load %arg7[%get3A_891, %get3A_892, %get3A_893] {strides = array<i32>} : memref<6x32x224xf32, #tpu.memory_space<vmem>>, vector<16xf32>,
          %get3A_895 = arith.constant 5 : i32
          %get3A_896 = arith.index_cast %get3A_895 : i32 to index
          %get3A_897 = arith.index_cast %scan3A_158 : i32 to index
          %get3A_898 = arith.constant 192 : index
          %get3A_899 = tpu.vector_load %arg7[%get3A_896, %get3A_897, %get3A_898] {strides = array<i32>} : memref<6x32x224xf32, #tpu.memory_space<vmem>>, vector<16xf32>,
          %add3A_900 = vector.broadcast %add3A_91 : i32 to vector<16xi32>
          %add3A_901 = arith.addi %get3A_869, %add3A_900 : vector<16xi32>
          tpu.vector_store_idx %arg9[%add3A_901], %get3A_874 {add = true} : memref<6400xf32, #tpu.memory_space<vmem>>[vector<16xi32>], vector<16xf32>,
          %add3A_902 = vector.broadcast %add3A_93 : i32 to vector<16xi32>
          %add3A_903 = arith.addi %get3A_869, %add3A_902 : vector<16xi32>
          tpu.vector_store_idx %arg9[%add3A_903], %get3A_879 {add = true} : memref<6400xf32, #tpu.memory_space<vmem>>[vector<16xi32>], vector<16xf32>,
          %add3A_904 = vector.broadcast %add3A_95 : i32 to vector<16xi32>
          %add3A_905 = arith.addi %get3A_869, %add3A_904 : vector<16xi32>
          tpu.vector_store_idx %arg9[%add3A_905], %get3A_884 {add = true} : memref<6400xf32, #tpu.memory_space<vmem>>[vector<16xi32>], vector<16xf32>,
          %add3A_906 = vector.broadcast %add3A_97 : i32 to vector<16xi32>
          %add3A_907 = arith.addi %get3A_869, %add3A_906 : vector<16xi32>
          tpu.vector_store_idx %arg9[%add3A_907], %get3A_889 {add = true} : memref<6400xf32, #tpu.memory_space<vmem>>[vector<16xi32>], vector<16xf32>,
          %add3A_908 = vector.broadcast %add3A_99 : i32 to vector<16xi32>
          %add3A_909 = arith.addi %get3A_869, %add3A_908 : vector<16xi32>
          tpu.vector_store_idx %arg9[%add3A_909], %get3A_894 {add = true} : memref<6400xf32, #tpu.memory_space<vmem>>[vector<16xi32>], vector<16xf32>,
          %add3A_910 = vector.broadcast %add3A_101 : i32 to vector<16xi32>
          %add3A_911 = arith.addi %get3A_869, %add3A_910 : vector<16xi32>
          tpu.vector_store_idx %arg9[%add3A_911], %get3A_899 {add = true} : memref<6400xf32, #tpu.memory_space<vmem>>[vector<16xi32>], vector<16xf32>,
          %mul3A_912 = arith.mulf %get3A_874, %get3A_874 : vector<16xf32>
          %mul3A_913 = arith.mulf %get3A_879, %get3A_879 : vector<16xf32>
          %mul3A_914 = arith.mulf %get3A_884, %get3A_884 : vector<16xf32>
          %mul3A_915 = arith.mulf %get3A_889, %get3A_889 : vector<16xf32>
          %mul3A_916 = arith.mulf %get3A_894, %get3A_894 : vector<16xf32>
          %mul3A_917 = arith.mulf %get3A_899, %get3A_899 : vector<16xf32>
          %add3A_918 = arith.addf %mul3A_912, %mul3A_913 : vector<16xf32>
          %add3A_919 = arith.addf %mul3A_914, %mul3A_915 : vector<16xf32>
          %add3A_920 = arith.addf %mul3A_916, %mul3A_917 : vector<16xf32>
          %add3A_921 = arith.addf %add3A_918, %add3A_919 : vector<16xf32>
          %add3A_922 = arith.addf %add3A_921, %add3A_920 : vector<16xf32>
          %add3A_923 = arith.constant 6144 : i32
          %add3A_924 = vector.broadcast %add3A_923 : i32 to vector<16xi32>
          %add3A_925 = arith.addi %get3A_869, %add3A_924 : vector<16xi32>
          tpu.vector_store_idx %arg9[%add3A_925], %add3A_922 {add = true} : memref<6400xf32, #tpu.memory_space<vmem>>[vector<16xi32>], vector<16xf32>,
          %get3A_926 = arith.index_cast %scan3A_158 : i32 to index
          %get3A_927 = arith.constant 208 : index
          %get3A_928 = tpu.vector_load %arg6[%get3A_926, %get3A_927] {strides = array<i32>} : memref<32x224xi32, #tpu.memory_space<vmem>>, vector<16xi32>,
          %get3A_929 = arith.constant 0 : i32
          %get3A_930 = arith.index_cast %get3A_929 : i32 to index
          %get3A_931 = arith.index_cast %scan3A_158 : i32 to index
          %get3A_932 = arith.constant 208 : index
          %get3A_933 = tpu.vector_load %arg7[%get3A_930, %get3A_931, %get3A_932] {strides = array<i32>} : memref<6x32x224xf32, #tpu.memory_space<vmem>>, vector<16xf32>,
          %get3A_934 = arith.constant 1 : i32
          %get3A_935 = arith.index_cast %get3A_934 : i32 to index
          %get3A_936 = arith.index_cast %scan3A_158 : i32 to index
          %get3A_937 = arith.constant 208 : index
          %get3A_938 = tpu.vector_load %arg7[%get3A_935, %get3A_936, %get3A_937] {strides = array<i32>} : memref<6x32x224xf32, #tpu.memory_space<vmem>>, vector<16xf32>,
          %get3A_939 = arith.constant 2 : i32
          %get3A_940 = arith.index_cast %get3A_939 : i32 to index
          %get3A_941 = arith.index_cast %scan3A_158 : i32 to index
          %get3A_942 = arith.constant 208 : index
          %get3A_943 = tpu.vector_load %arg7[%get3A_940, %get3A_941, %get3A_942] {strides = array<i32>} : memref<6x32x224xf32, #tpu.memory_space<vmem>>, vector<16xf32>,
          %get3A_944 = arith.constant 3 : i32
          %get3A_945 = arith.index_cast %get3A_944 : i32 to index
          %get3A_946 = arith.index_cast %scan3A_158 : i32 to index
          %get3A_947 = arith.constant 208 : index
          %get3A_948 = tpu.vector_load %arg7[%get3A_945, %get3A_946, %get3A_947] {strides = array<i32>} : memref<6x32x224xf32, #tpu.memory_space<vmem>>, vector<16xf32>,
          %get3A_949 = arith.constant 4 : i32
          %get3A_950 = arith.index_cast %get3A_949 : i32 to index
          %get3A_951 = arith.index_cast %scan3A_158 : i32 to index
          %get3A_952 = arith.constant 208 : index
          %get3A_953 = tpu.vector_load %arg7[%get3A_950, %get3A_951, %get3A_952] {strides = array<i32>} : memref<6x32x224xf32, #tpu.memory_space<vmem>>, vector<16xf32>,
          %get3A_954 = arith.constant 5 : i32
          %get3A_955 = arith.index_cast %get3A_954 : i32 to index
          %get3A_956 = arith.index_cast %scan3A_158 : i32 to index
          %get3A_957 = arith.constant 208 : index
          %get3A_958 = tpu.vector_load %arg7[%get3A_955, %get3A_956, %get3A_957] {strides = array<i32>} : memref<6x32x224xf32, #tpu.memory_space<vmem>>, vector<16xf32>,
          %add3A_959 = vector.broadcast %add3A_91 : i32 to vector<16xi32>
          %add3A_960 = arith.addi %get3A_928, %add3A_959 : vector<16xi32>
          tpu.vector_store_idx %arg9[%add3A_960], %get3A_933 {add = true} : memref<6400xf32, #tpu.memory_space<vmem>>[vector<16xi32>], vector<16xf32>,
          %add3A_961 = vector.broadcast %add3A_93 : i32 to vector<16xi32>
          %add3A_962 = arith.addi %get3A_928, %add3A_961 : vector<16xi32>
          tpu.vector_store_idx %arg9[%add3A_962], %get3A_938 {add = true} : memref<6400xf32, #tpu.memory_space<vmem>>[vector<16xi32>], vector<16xf32>,
          %add3A_963 = vector.broadcast %add3A_95 : i32 to vector<16xi32>
          %add3A_964 = arith.addi %get3A_928, %add3A_963 : vector<16xi32>
          tpu.vector_store_idx %arg9[%add3A_964], %get3A_943 {add = true} : memref<6400xf32, #tpu.memory_space<vmem>>[vector<16xi32>], vector<16xf32>,
          %add3A_965 = vector.broadcast %add3A_97 : i32 to vector<16xi32>
          %add3A_966 = arith.addi %get3A_928, %add3A_965 : vector<16xi32>
          tpu.vector_store_idx %arg9[%add3A_966], %get3A_948 {add = true} : memref<6400xf32, #tpu.memory_space<vmem>>[vector<16xi32>], vector<16xf32>,
          %add3A_967 = vector.broadcast %add3A_99 : i32 to vector<16xi32>
          %add3A_968 = arith.addi %get3A_928, %add3A_967 : vector<16xi32>
          tpu.vector_store_idx %arg9[%add3A_968], %get3A_953 {add = true} : memref<6400xf32, #tpu.memory_space<vmem>>[vector<16xi32>], vector<16xf32>,
          %add3A_969 = vector.broadcast %add3A_101 : i32 to vector<16xi32>
          %add3A_970 = arith.addi %get3A_928, %add3A_969 : vector<16xi32>
          tpu.vector_store_idx %arg9[%add3A_970], %get3A_958 {add = true} : memref<6400xf32, #tpu.memory_space<vmem>>[vector<16xi32>], vector<16xf32>,
          %mul3A_971 = arith.mulf %get3A_933, %get3A_933 : vector<16xf32>
          %mul3A_972 = arith.mulf %get3A_938, %get3A_938 : vector<16xf32>
          %mul3A_973 = arith.mulf %get3A_943, %get3A_943 : vector<16xf32>
          %mul3A_974 = arith.mulf %get3A_948, %get3A_948 : vector<16xf32>
          %mul3A_975 = arith.mulf %get3A_953, %get3A_953 : vector<16xf32>
          %mul3A_976 = arith.mulf %get3A_958, %get3A_958 : vector<16xf32>
          %add3A_977 = arith.addf %mul3A_971, %mul3A_972 : vector<16xf32>
          %add3A_978 = arith.addf %mul3A_973, %mul3A_974 : vector<16xf32>
          %add3A_979 = arith.addf %mul3A_975, %mul3A_976 : vector<16xf32>
          %add3A_980 = arith.addf %add3A_977, %add3A_978 : vector<16xf32>
          %add3A_981 = arith.addf %add3A_980, %add3A_979 : vector<16xf32>
          %add3A_982 = arith.constant 6144 : i32
          %add3A_983 = vector.broadcast %add3A_982 : i32 to vector<16xi32>
          %add3A_984 = arith.addi %get3A_928, %add3A_983 : vector<16xi32>
          tpu.vector_store_idx %arg9[%add3A_984], %add3A_981 {add = true} : memref<6400xf32, #tpu.memory_space<vmem>>[vector<16xi32>], vector<16xf32>,
          %scan3A_985 = arith.constant 0 : i32
          scf.yield %scan3A_985 : i32
        }
        %scan3A_108 = arith.constant 32 : i32
        %add3A_109 = arith.constant 2 : i32
        %add3A_110 = arith.addi %mul3A_79, %add3A_109 : i32
        %lt3A_111 = arith.constant 8 : i32
        %lt3A_112 = arith.cmpi slt, %add3A_110, %lt3A_111 : i32
        %convert_element_type3A_113 = arith.extui %lt3A_112 : i1 to i32
        %cond3A_114 = arith.constant 0 : i32
        %cond3A_115 = arith.cmpi ne, %convert_element_type3A_113, %cond3A_114 : i32
        scf.if %cond3A_115 {
          %add3A_158 = arith.constant 2 : i32
          %add3A_159 = arith.addi %mul3A_79, %add3A_158 : i32
          %mul3A_160 = arith.constant 96 : i32
          %mul3A_161 = arith.muli %select_n3A, %mul3A_160 : i32
          %mul3A_162 = arith.constant 6 : i32
          %mul3A_163 = arith.muli %add3A_159, %mul3A_162 : i32
          %add3A_164 = arith.addi %mul3A_161, %mul3A_163 : i32
          %dma_start3A_165 = arith.constant 0 : i32
          %dma_start3A_166 = tpu.memref_slice %arg2[%add3A_164, %mul3A_35, %dma_start3A_165] : memref<384x224x224xf32, #tpu.memory_space<hbm>> -> memref<6x32x224xf32, #tpu.memory_space<hbm>>
          %dma_start3A_167 = arith.constant 0 : i32
          %dma_start3A_168 = tpu.memref_slice %arg2[%add3A_164, %mul3A_35, %dma_start3A_167] : memref<384x224x224xf32, #tpu.memory_space<hbm>> -> memref<6x32x224xf32, #tpu.memory_space<hbm>>
          tpu.enqueue_dma source(%dma_start3A_168 : memref<6x32x224xf32, #tpu.memory_space<hbm>>) target(%arg7 : memref<6x32x224xf32, #tpu.memory_space<vmem>>) target_semaphore(%arg10 : memref<!tpu.dma_semaphore, #tpu.memory_space<semaphore_mem>>)
        } else {
        }
        %add3A_116 = arith.constant 1 : i32
        %add3A_117 = arith.addi %mul3A_79, %add3A_116 : i32
        %mul3A_118 = arith.constant 96 : i32
        %mul3A_119 = arith.muli %select_n3A, %mul3A_118 : i32
        %mul3A_120 = arith.constant 6 : i32
        %mul3A_121 = arith.muli %add3A_117, %mul3A_120 : i32
        %add3A_122 = arith.addi %mul3A_119, %mul3A_121 : i32
        %dma_wait3A_123 = arith.constant 0 : i32
        %dma_wait3A_124 = tpu.memref_slice %arg2[%add3A_122, %mul3A_35, %dma_wait3A_123] : memref<384x224x224xf32, #tpu.memory_space<hbm>> -> memref<6x32x224xf32, #tpu.memory_space<hbm>>
        %dma_wait3A_125 = arith.constant 0 : i32
        %dma_wait3A_126 = tpu.memref_slice %arg2[%add3A_122, %mul3A_35, %dma_wait3A_125] : memref<384x224x224xf32, #tpu.memory_space<hbm>> -> memref<6x32x224xf32, #tpu.memory_space<hbm>>
        tpu.wait_dma2 semaphore(%arg11 : memref<!tpu.dma_semaphore, #tpu.memory_space<semaphore_mem>>) src(%dma_wait3A_126 : memref<6x32x224xf32, #tpu.memory_space<hbm>>) dst(%arg8 : memref<6x32x224xf32, #tpu.memory_space<vmem>>)
        %add3A_127 = arith.constant 1 : i32
        %add3A_128 = arith.addi %mul3A_79, %add3A_127 : i32
        %mul3A_129 = arith.constant 768 : i32
        %mul3A_130 = arith.muli %add3A_128, %mul3A_129 : i32
        %add3A_131 = arith.constant 0 : i32
        %add3A_132 = arith.addi %mul3A_130, %add3A_131 : i32
        %add3A_133 = arith.constant 128 : i32
        %add3A_134 = arith.addi %mul3A_130, %add3A_133 : i32
        %add3A_135 = arith.constant 256 : i32
        %add3A_136 = arith.addi %mul3A_130, %add3A_135 : i32
        %add3A_137 = arith.constant 384 : i32
        %add3A_138 = arith.addi %mul3A_130, %add3A_137 : i32
        %add3A_139 = arith.constant 512 : i32
        %add3A_140 = arith.addi %mul3A_130, %add3A_139 : i32
        %add3A_141 = arith.constant 640 : i32
        %add3A_142 = arith.addi %mul3A_130, %add3A_141 : i32
        %scan3A_143 = arith.constant 0 : i32
        %scan3A_144 = arith.constant 0 : i32
        %scan3A_145 = arith.constant 32 : i32
        %scan3A_146 = arith.addi %scan3A_144, %scan3A_145 : i32
        %scan3A_147 = arith.constant 1 : i32
        %scan3A_148 = scf.for %scan3A_158 = %scan3A_144 to %scan3A_146 step %scan3A_147 iter_args(%scan3A_159 = %scan3A_143) -> (i32)  : i32 {
          %get3A = arith.index_cast %scan3A_158 : i32 to index
          %get3A_160 = arith.constant 0 : index
          %get3A_161 = tpu.vector_load %arg6[%get3A, %get3A_160] {strides = array<i32>} : memref<32x224xi32, #tpu.memory_space<vmem>>, vector<16xi32>,
          %get3A_162 = arith.constant 0 : i32
          %get3A_163 = arith.index_cast %get3A_162 : i32 to index
          %get3A_164 = arith.index_cast %scan3A_158 : i32 to index
          %get3A_165 = arith.constant 0 : index
          %get3A_166 = tpu.vector_load %arg8[%get3A_163, %get3A_164, %get3A_165] {strides = array<i32>} : memref<6x32x224xf32, #tpu.memory_space<vmem>>, vector<16xf32>,
          %get3A_167 = arith.constant 1 : i32
          %get3A_168 = arith.index_cast %get3A_167 : i32 to index
          %get3A_169 = arith.index_cast %scan3A_158 : i32 to index
          %get3A_170 = arith.constant 0 : index
          %get3A_171 = tpu.vector_load %arg8[%get3A_168, %get3A_169, %get3A_170] {strides = array<i32>} : memref<6x32x224xf32, #tpu.memory_space<vmem>>, vector<16xf32>,
          %get3A_172 = arith.constant 2 : i32
          %get3A_173 = arith.index_cast %get3A_172 : i32 to index
          %get3A_174 = arith.index_cast %scan3A_158 : i32 to index
          %get3A_175 = arith.constant 0 : index
          %get3A_176 = tpu.vector_load %arg8[%get3A_173, %get3A_174, %get3A_175] {strides = array<i32>} : memref<6x32x224xf32, #tpu.memory_space<vmem>>, vector<16xf32>,
          %get3A_177 = arith.constant 3 : i32
          %get3A_178 = arith.index_cast %get3A_177 : i32 to index
          %get3A_179 = arith.index_cast %scan3A_158 : i32 to index
          %get3A_180 = arith.constant 0 : index
          %get3A_181 = tpu.vector_load %arg8[%get3A_178, %get3A_179, %get3A_180] {strides = array<i32>} : memref<6x32x224xf32, #tpu.memory_space<vmem>>, vector<16xf32>,
          %get3A_182 = arith.constant 4 : i32
          %get3A_183 = arith.index_cast %get3A_182 : i32 to index
          %get3A_184 = arith.index_cast %scan3A_158 : i32 to index
          %get3A_185 = arith.constant 0 : index
          %get3A_186 = tpu.vector_load %arg8[%get3A_183, %get3A_184, %get3A_185] {strides = array<i32>} : memref<6x32x224xf32, #tpu.memory_space<vmem>>, vector<16xf32>,
          %get3A_187 = arith.constant 5 : i32
          %get3A_188 = arith.index_cast %get3A_187 : i32 to index
          %get3A_189 = arith.index_cast %scan3A_158 : i32 to index
          %get3A_190 = arith.constant 0 : index
          %get3A_191 = tpu.vector_load %arg8[%get3A_188, %get3A_189, %get3A_190] {strides = array<i32>} : memref<6x32x224xf32, #tpu.memory_space<vmem>>, vector<16xf32>,
          %add3A_192 = vector.broadcast %add3A_132 : i32 to vector<16xi32>
          %add3A_193 = arith.addi %get3A_161, %add3A_192 : vector<16xi32>
          tpu.vector_store_idx %arg9[%add3A_193], %get3A_166 {add = true} : memref<6400xf32, #tpu.memory_space<vmem>>[vector<16xi32>], vector<16xf32>,
          %add3A_194 = vector.broadcast %add3A_134 : i32 to vector<16xi32>
          %add3A_195 = arith.addi %get3A_161, %add3A_194 : vector<16xi32>
          tpu.vector_store_idx %arg9[%add3A_195], %get3A_171 {add = true} : memref<6400xf32, #tpu.memory_space<vmem>>[vector<16xi32>], vector<16xf32>,
          %add3A_196 = vector.broadcast %add3A_136 : i32 to vector<16xi32>
          %add3A_197 = arith.addi %get3A_161, %add3A_196 : vector<16xi32>
          tpu.vector_store_idx %arg9[%add3A_197], %get3A_176 {add = true} : memref<6400xf32, #tpu.memory_space<vmem>>[vector<16xi32>], vector<16xf32>,
          %add3A_198 = vector.broadcast %add3A_138 : i32 to vector<16xi32>
          %add3A_199 = arith.addi %get3A_161, %add3A_198 : vector<16xi32>
          tpu.vector_store_idx %arg9[%add3A_199], %get3A_181 {add = true} : memref<6400xf32, #tpu.memory_space<vmem>>[vector<16xi32>], vector<16xf32>,
          %add3A_200 = vector.broadcast %add3A_140 : i32 to vector<16xi32>
          %add3A_201 = arith.addi %get3A_161, %add3A_200 : vector<16xi32>
          tpu.vector_store_idx %arg9[%add3A_201], %get3A_186 {add = true} : memref<6400xf32, #tpu.memory_space<vmem>>[vector<16xi32>], vector<16xf32>,
          %add3A_202 = vector.broadcast %add3A_142 : i32 to vector<16xi32>
          %add3A_203 = arith.addi %get3A_161, %add3A_202 : vector<16xi32>
          tpu.vector_store_idx %arg9[%add3A_203], %get3A_191 {add = true} : memref<6400xf32, #tpu.memory_space<vmem>>[vector<16xi32>], vector<16xf32>,
          %mul3A_204 = arith.mulf %get3A_166, %get3A_166 : vector<16xf32>
          %mul3A_205 = arith.mulf %get3A_171, %get3A_171 : vector<16xf32>
          %mul3A_206 = arith.mulf %get3A_176, %get3A_176 : vector<16xf32>
          %mul3A_207 = arith.mulf %get3A_181, %get3A_181 : vector<16xf32>
          %mul3A_208 = arith.mulf %get3A_186, %get3A_186 : vector<16xf32>
          %mul3A_209 = arith.mulf %get3A_191, %get3A_191 : vector<16xf32>
          %add3A_210 = arith.addf %mul3A_204, %mul3A_205 : vector<16xf32>
          %add3A_211 = arith.addf %mul3A_206, %mul3A_207 : vector<16xf32>
          %add3A_212 = arith.addf %mul3A_208, %mul3A_209 : vector<16xf32>
          %add3A_213 = arith.addf %add3A_210, %add3A_211 : vector<16xf32>
          %add3A_214 = arith.addf %add3A_213, %add3A_212 : vector<16xf32>
          %add3A_215 = arith.constant 6144 : i32
          %add3A_216 = vector.broadcast %add3A_215 : i32 to vector<16xi32>
          %add3A_217 = arith.addi %get3A_161, %add3A_216 : vector<16xi32>
          tpu.vector_store_idx %arg9[%add3A_217], %add3A_214 {add = true} : memref<6400xf32, #tpu.memory_space<vmem>>[vector<16xi32>], vector<16xf32>,
          %get3A_218 = arith.index_cast %scan3A_158 : i32 to index
          %get3A_219 = arith.constant 16 : index
          %get3A_220 = tpu.vector_load %arg6[%get3A_218, %get3A_219] {strides = array<i32>} : memref<32x224xi32, #tpu.memory_space<vmem>>, vector<16xi32>,
          %get3A_221 = arith.constant 0 : i32
          %get3A_222 = arith.index_cast %get3A_221 : i32 to index
          %get3A_223 = arith.index_cast %scan3A_158 : i32 to index
          %get3A_224 = arith.constant 16 : index
          %get3A_225 = tpu.vector_load %arg8[%get3A_222, %get3A_223, %get3A_224] {strides = array<i32>} : memref<6x32x224xf32, #tpu.memory_space<vmem>>, vector<16xf32>,
          %get3A_226 = arith.constant 1 : i32
          %get3A_227 = arith.index_cast %get3A_226 : i32 to index
          %get3A_228 = arith.index_cast %scan3A_158 : i32 to index
          %get3A_229 = arith.constant 16 : index
          %get3A_230 = tpu.vector_load %arg8[%get3A_227, %get3A_228, %get3A_229] {strides = array<i32>} : memref<6x32x224xf32, #tpu.memory_space<vmem>>, vector<16xf32>,
          %get3A_231 = arith.constant 2 : i32
          %get3A_232 = arith.index_cast %get3A_231 : i32 to index
          %get3A_233 = arith.index_cast %scan3A_158 : i32 to index
          %get3A_234 = arith.constant 16 : index
          %get3A_235 = tpu.vector_load %arg8[%get3A_232, %get3A_233, %get3A_234] {strides = array<i32>} : memref<6x32x224xf32, #tpu.memory_space<vmem>>, vector<16xf32>,
          %get3A_236 = arith.constant 3 : i32
          %get3A_237 = arith.index_cast %get3A_236 : i32 to index
          %get3A_238 = arith.index_cast %scan3A_158 : i32 to index
          %get3A_239 = arith.constant 16 : index
          %get3A_240 = tpu.vector_load %arg8[%get3A_237, %get3A_238, %get3A_239] {strides = array<i32>} : memref<6x32x224xf32, #tpu.memory_space<vmem>>, vector<16xf32>,
          %get3A_241 = arith.constant 4 : i32
          %get3A_242 = arith.index_cast %get3A_241 : i32 to index
          %get3A_243 = arith.index_cast %scan3A_158 : i32 to index
          %get3A_244 = arith.constant 16 : index
          %get3A_245 = tpu.vector_load %arg8[%get3A_242, %get3A_243, %get3A_244] {strides = array<i32>} : memref<6x32x224xf32, #tpu.memory_space<vmem>>, vector<16xf32>,
          %get3A_246 = arith.constant 5 : i32
          %get3A_247 = arith.index_cast %get3A_246 : i32 to index
          %get3A_248 = arith.index_cast %scan3A_158 : i32 to index
          %get3A_249 = arith.constant 16 : index
          %get3A_250 = tpu.vector_load %arg8[%get3A_247, %get3A_248, %get3A_249] {strides = array<i32>} : memref<6x32x224xf32, #tpu.memory_space<vmem>>, vector<16xf32>,
          %add3A_251 = vector.broadcast %add3A_132 : i32 to vector<16xi32>
          %add3A_252 = arith.addi %get3A_220, %add3A_251 : vector<16xi32>
          tpu.vector_store_idx %arg9[%add3A_252], %get3A_225 {add = true} : memref<6400xf32, #tpu.memory_space<vmem>>[vector<16xi32>], vector<16xf32>,
          %add3A_253 = vector.broadcast %add3A_134 : i32 to vector<16xi32>
          %add3A_254 = arith.addi %get3A_220, %add3A_253 : vector<16xi32>
          tpu.vector_store_idx %arg9[%add3A_254], %get3A_230 {add = true} : memref<6400xf32, #tpu.memory_space<vmem>>[vector<16xi32>], vector<16xf32>,
          %add3A_255 = vector.broadcast %add3A_136 : i32 to vector<16xi32>
          %add3A_256 = arith.addi %get3A_220, %add3A_255 : vector<16xi32>
          tpu.vector_store_idx %arg9[%add3A_256], %get3A_235 {add = true} : memref<6400xf32, #tpu.memory_space<vmem>>[vector<16xi32>], vector<16xf32>,
          %add3A_257 = vector.broadcast %add3A_138 : i32 to vector<16xi32>
          %add3A_258 = arith.addi %get3A_220, %add3A_257 : vector<16xi32>
          tpu.vector_store_idx %arg9[%add3A_258], %get3A_240 {add = true} : memref<6400xf32, #tpu.memory_space<vmem>>[vector<16xi32>], vector<16xf32>,
          %add3A_259 = vector.broadcast %add3A_140 : i32 to vector<16xi32>
          %add3A_260 = arith.addi %get3A_220, %add3A_259 : vector<16xi32>
          tpu.vector_store_idx %arg9[%add3A_260], %get3A_245 {add = true} : memref<6400xf32, #tpu.memory_space<vmem>>[vector<16xi32>], vector<16xf32>,
          %add3A_261 = vector.broadcast %add3A_142 : i32 to vector<16xi32>
          %add3A_262 = arith.addi %get3A_220, %add3A_261 : vector<16xi32>
          tpu.vector_store_idx %arg9[%add3A_262], %get3A_250 {add = true} : memref<6400xf32, #tpu.memory_space<vmem>>[vector<16xi32>], vector<16xf32>,
          %mul3A_263 = arith.mulf %get3A_225, %get3A_225 : vector<16xf32>
          %mul3A_264 = arith.mulf %get3A_230, %get3A_230 : vector<16xf32>
          %mul3A_265 = arith.mulf %get3A_235, %get3A_235 : vector<16xf32>
          %mul3A_266 = arith.mulf %get3A_240, %get3A_240 : vector<16xf32>
          %mul3A_267 = arith.mulf %get3A_245, %get3A_245 : vector<16xf32>
          %mul3A_268 = arith.mulf %get3A_250, %get3A_250 : vector<16xf32>
          %add3A_269 = arith.addf %mul3A_263, %mul3A_264 : vector<16xf32>
          %add3A_270 = arith.addf %mul3A_265, %mul3A_266 : vector<16xf32>
          %add3A_271 = arith.addf %mul3A_267, %mul3A_268 : vector<16xf32>
          %add3A_272 = arith.addf %add3A_269, %add3A_270 : vector<16xf32>
          %add3A_273 = arith.addf %add3A_272, %add3A_271 : vector<16xf32>
          %add3A_274 = arith.constant 6144 : i32
          %add3A_275 = vector.broadcast %add3A_274 : i32 to vector<16xi32>
          %add3A_276 = arith.addi %get3A_220, %add3A_275 : vector<16xi32>
          tpu.vector_store_idx %arg9[%add3A_276], %add3A_273 {add = true} : memref<6400xf32, #tpu.memory_space<vmem>>[vector<16xi32>], vector<16xf32>,
          %get3A_277 = arith.index_cast %scan3A_158 : i32 to index
          %get3A_278 = arith.constant 32 : index
          %get3A_279 = tpu.vector_load %arg6[%get3A_277, %get3A_278] {strides = array<i32>} : memref<32x224xi32, #tpu.memory_space<vmem>>, vector<16xi32>,
          %get3A_280 = arith.constant 0 : i32
          %get3A_281 = arith.index_cast %get3A_280 : i32 to index
          %get3A_282 = arith.index_cast %scan3A_158 : i32 to index
          %get3A_283 = arith.constant 32 : index
          %get3A_284 = tpu.vector_load %arg8[%get3A_281, %get3A_282, %get3A_283] {strides = array<i32>} : memref<6x32x224xf32, #tpu.memory_space<vmem>>, vector<16xf32>,
          %get3A_285 = arith.constant 1 : i32
          %get3A_286 = arith.index_cast %get3A_285 : i32 to index
          %get3A_287 = arith.index_cast %scan3A_158 : i32 to index
          %get3A_288 = arith.constant 32 : index
          %get3A_289 = tpu.vector_load %arg8[%get3A_286, %get3A_287, %get3A_288] {strides = array<i32>} : memref<6x32x224xf32, #tpu.memory_space<vmem>>, vector<16xf32>,
          %get3A_290 = arith.constant 2 : i32
          %get3A_291 = arith.index_cast %get3A_290 : i32 to index
          %get3A_292 = arith.index_cast %scan3A_158 : i32 to index
          %get3A_293 = arith.constant 32 : index
          %get3A_294 = tpu.vector_load %arg8[%get3A_291, %get3A_292, %get3A_293] {strides = array<i32>} : memref<6x32x224xf32, #tpu.memory_space<vmem>>, vector<16xf32>,
          %get3A_295 = arith.constant 3 : i32
          %get3A_296 = arith.index_cast %get3A_295 : i32 to index
          %get3A_297 = arith.index_cast %scan3A_158 : i32 to index
          %get3A_298 = arith.constant 32 : index
          %get3A_299 = tpu.vector_load %arg8[%get3A_296, %get3A_297, %get3A_298] {strides = array<i32>} : memref<6x32x224xf32, #tpu.memory_space<vmem>>, vector<16xf32>,
          %get3A_300 = arith.constant 4 : i32
          %get3A_301 = arith.index_cast %get3A_300 : i32 to index
          %get3A_302 = arith.index_cast %scan3A_158 : i32 to index
          %get3A_303 = arith.constant 32 : index
          %get3A_304 = tpu.vector_load %arg8[%get3A_301, %get3A_302, %get3A_303] {strides = array<i32>} : memref<6x32x224xf32, #tpu.memory_space<vmem>>, vector<16xf32>,
          %get3A_305 = arith.constant 5 : i32
          %get3A_306 = arith.index_cast %get3A_305 : i32 to index
          %get3A_307 = arith.index_cast %scan3A_158 : i32 to index
          %get3A_308 = arith.constant 32 : index
          %get3A_309 = tpu.vector_load %arg8[%get3A_306, %get3A_307, %get3A_308] {strides = array<i32>} : memref<6x32x224xf32, #tpu.memory_space<vmem>>, vector<16xf32>,
          %add3A_310 = vector.broadcast %add3A_132 : i32 to vector<16xi32>
          %add3A_311 = arith.addi %get3A_279, %add3A_310 : vector<16xi32>
          tpu.vector_store_idx %arg9[%add3A_311], %get3A_284 {add = true} : memref<6400xf32, #tpu.memory_space<vmem>>[vector<16xi32>], vector<16xf32>,
          %add3A_312 = vector.broadcast %add3A_134 : i32 to vector<16xi32>
          %add3A_313 = arith.addi %get3A_279, %add3A_312 : vector<16xi32>
          tpu.vector_store_idx %arg9[%add3A_313], %get3A_289 {add = true} : memref<6400xf32, #tpu.memory_space<vmem>>[vector<16xi32>], vector<16xf32>,
          %add3A_314 = vector.broadcast %add3A_136 : i32 to vector<16xi32>
          %add3A_315 = arith.addi %get3A_279, %add3A_314 : vector<16xi32>
          tpu.vector_store_idx %arg9[%add3A_315], %get3A_294 {add = true} : memref<6400xf32, #tpu.memory_space<vmem>>[vector<16xi32>], vector<16xf32>,
          %add3A_316 = vector.broadcast %add3A_138 : i32 to vector<16xi32>
          %add3A_317 = arith.addi %get3A_279, %add3A_316 : vector<16xi32>
          tpu.vector_store_idx %arg9[%add3A_317], %get3A_299 {add = true} : memref<6400xf32, #tpu.memory_space<vmem>>[vector<16xi32>], vector<16xf32>,
          %add3A_318 = vector.broadcast %add3A_140 : i32 to vector<16xi32>
          %add3A_319 = arith.addi %get3A_279, %add3A_318 : vector<16xi32>
          tpu.vector_store_idx %arg9[%add3A_319], %get3A_304 {add = true} : memref<6400xf32, #tpu.memory_space<vmem>>[vector<16xi32>], vector<16xf32>,
          %add3A_320 = vector.broadcast %add3A_142 : i32 to vector<16xi32>
          %add3A_321 = arith.addi %get3A_279, %add3A_320 : vector<16xi32>
          tpu.vector_store_idx %arg9[%add3A_321], %get3A_309 {add = true} : memref<6400xf32, #tpu.memory_space<vmem>>[vector<16xi32>], vector<16xf32>,
          %mul3A_322 = arith.mulf %get3A_284, %get3A_284 : vector<16xf32>
          %mul3A_323 = arith.mulf %get3A_289, %get3A_289 : vector<16xf32>
          %mul3A_324 = arith.mulf %get3A_294, %get3A_294 : vector<16xf32>
          %mul3A_325 = arith.mulf %get3A_299, %get3A_299 : vector<16xf32>
          %mul3A_326 = arith.mulf %get3A_304, %get3A_304 : vector<16xf32>
          %mul3A_327 = arith.mulf %get3A_309, %get3A_309 : vector<16xf32>
          %add3A_328 = arith.addf %mul3A_322, %mul3A_323 : vector<16xf32>
          %add3A_329 = arith.addf %mul3A_324, %mul3A_325 : vector<16xf32>
          %add3A_330 = arith.addf %mul3A_326, %mul3A_327 : vector<16xf32>
          %add3A_331 = arith.addf %add3A_328, %add3A_329 : vector<16xf32>
          %add3A_332 = arith.addf %add3A_331, %add3A_330 : vector<16xf32>
          %add3A_333 = arith.constant 6144 : i32
          %add3A_334 = vector.broadcast %add3A_333 : i32 to vector<16xi32>
          %add3A_335 = arith.addi %get3A_279, %add3A_334 : vector<16xi32>
          tpu.vector_store_idx %arg9[%add3A_335], %add3A_332 {add = true} : memref<6400xf32, #tpu.memory_space<vmem>>[vector<16xi32>], vector<16xf32>,
          %get3A_336 = arith.index_cast %scan3A_158 : i32 to index
          %get3A_337 = arith.constant 48 : index
          %get3A_338 = tpu.vector_load %arg6[%get3A_336, %get3A_337] {strides = array<i32>} : memref<32x224xi32, #tpu.memory_space<vmem>>, vector<16xi32>,
          %get3A_339 = arith.constant 0 : i32
          %get3A_340 = arith.index_cast %get3A_339 : i32 to index
          %get3A_341 = arith.index_cast %scan3A_158 : i32 to index
          %get3A_342 = arith.constant 48 : index
          %get3A_343 = tpu.vector_load %arg8[%get3A_340, %get3A_341, %get3A_342] {strides = array<i32>} : memref<6x32x224xf32, #tpu.memory_space<vmem>>, vector<16xf32>,
          %get3A_344 = arith.constant 1 : i32
          %get3A_345 = arith.index_cast %get3A_344 : i32 to index
          %get3A_346 = arith.index_cast %scan3A_158 : i32 to index
          %get3A_347 = arith.constant 48 : index
          %get3A_348 = tpu.vector_load %arg8[%get3A_345, %get3A_346, %get3A_347] {strides = array<i32>} : memref<6x32x224xf32, #tpu.memory_space<vmem>>, vector<16xf32>,
          %get3A_349 = arith.constant 2 : i32
          %get3A_350 = arith.index_cast %get3A_349 : i32 to index
          %get3A_351 = arith.index_cast %scan3A_158 : i32 to index
          %get3A_352 = arith.constant 48 : index
          %get3A_353 = tpu.vector_load %arg8[%get3A_350, %get3A_351, %get3A_352] {strides = array<i32>} : memref<6x32x224xf32, #tpu.memory_space<vmem>>, vector<16xf32>,
          %get3A_354 = arith.constant 3 : i32
          %get3A_355 = arith.index_cast %get3A_354 : i32 to index
          %get3A_356 = arith.index_cast %scan3A_158 : i32 to index
          %get3A_357 = arith.constant 48 : index
          %get3A_358 = tpu.vector_load %arg8[%get3A_355, %get3A_356, %get3A_357] {strides = array<i32>} : memref<6x32x224xf32, #tpu.memory_space<vmem>>, vector<16xf32>,
          %get3A_359 = arith.constant 4 : i32
          %get3A_360 = arith.index_cast %get3A_359 : i32 to index
          %get3A_361 = arith.index_cast %scan3A_158 : i32 to index
          %get3A_362 = arith.constant 48 : index
          %get3A_363 = tpu.vector_load %arg8[%get3A_360, %get3A_361, %get3A_362] {strides = array<i32>} : memref<6x32x224xf32, #tpu.memory_space<vmem>>, vector<16xf32>,
          %get3A_364 = arith.constant 5 : i32
          %get3A_365 = arith.index_cast %get3A_364 : i32 to index
          %get3A_366 = arith.index_cast %scan3A_158 : i32 to index
          %get3A_367 = arith.constant 48 : index
          %get3A_368 = tpu.vector_load %arg8[%get3A_365, %get3A_366, %get3A_367] {strides = array<i32>} : memref<6x32x224xf32, #tpu.memory_space<vmem>>, vector<16xf32>,
          %add3A_369 = vector.broadcast %add3A_132 : i32 to vector<16xi32>
          %add3A_370 = arith.addi %get3A_338, %add3A_369 : vector<16xi32>
          tpu.vector_store_idx %arg9[%add3A_370], %get3A_343 {add = true} : memref<6400xf32, #tpu.memory_space<vmem>>[vector<16xi32>], vector<16xf32>,
          %add3A_371 = vector.broadcast %add3A_134 : i32 to vector<16xi32>
          %add3A_372 = arith.addi %get3A_338, %add3A_371 : vector<16xi32>
          tpu.vector_store_idx %arg9[%add3A_372], %get3A_348 {add = true} : memref<6400xf32, #tpu.memory_space<vmem>>[vector<16xi32>], vector<16xf32>,
          %add3A_373 = vector.broadcast %add3A_136 : i32 to vector<16xi32>
          %add3A_374 = arith.addi %get3A_338, %add3A_373 : vector<16xi32>
          tpu.vector_store_idx %arg9[%add3A_374], %get3A_353 {add = true} : memref<6400xf32, #tpu.memory_space<vmem>>[vector<16xi32>], vector<16xf32>,
          %add3A_375 = vector.broadcast %add3A_138 : i32 to vector<16xi32>
          %add3A_376 = arith.addi %get3A_338, %add3A_375 : vector<16xi32>
          tpu.vector_store_idx %arg9[%add3A_376], %get3A_358 {add = true} : memref<6400xf32, #tpu.memory_space<vmem>>[vector<16xi32>], vector<16xf32>,
          %add3A_377 = vector.broadcast %add3A_140 : i32 to vector<16xi32>
          %add3A_378 = arith.addi %get3A_338, %add3A_377 : vector<16xi32>
          tpu.vector_store_idx %arg9[%add3A_378], %get3A_363 {add = true} : memref<6400xf32, #tpu.memory_space<vmem>>[vector<16xi32>], vector<16xf32>,
          %add3A_379 = vector.broadcast %add3A_142 : i32 to vector<16xi32>
          %add3A_380 = arith.addi %get3A_338, %add3A_379 : vector<16xi32>
          tpu.vector_store_idx %arg9[%add3A_380], %get3A_368 {add = true} : memref<6400xf32, #tpu.memory_space<vmem>>[vector<16xi32>], vector<16xf32>,
          %mul3A_381 = arith.mulf %get3A_343, %get3A_343 : vector<16xf32>
          %mul3A_382 = arith.mulf %get3A_348, %get3A_348 : vector<16xf32>
          %mul3A_383 = arith.mulf %get3A_353, %get3A_353 : vector<16xf32>
          %mul3A_384 = arith.mulf %get3A_358, %get3A_358 : vector<16xf32>
          %mul3A_385 = arith.mulf %get3A_363, %get3A_363 : vector<16xf32>
          %mul3A_386 = arith.mulf %get3A_368, %get3A_368 : vector<16xf32>
          %add3A_387 = arith.addf %mul3A_381, %mul3A_382 : vector<16xf32>
          %add3A_388 = arith.addf %mul3A_383, %mul3A_384 : vector<16xf32>
          %add3A_389 = arith.addf %mul3A_385, %mul3A_386 : vector<16xf32>
          %add3A_390 = arith.addf %add3A_387, %add3A_388 : vector<16xf32>
          %add3A_391 = arith.addf %add3A_390, %add3A_389 : vector<16xf32>
          %add3A_392 = arith.constant 6144 : i32
          %add3A_393 = vector.broadcast %add3A_392 : i32 to vector<16xi32>
          %add3A_394 = arith.addi %get3A_338, %add3A_393 : vector<16xi32>
          tpu.vector_store_idx %arg9[%add3A_394], %add3A_391 {add = true} : memref<6400xf32, #tpu.memory_space<vmem>>[vector<16xi32>], vector<16xf32>,
          %get3A_395 = arith.index_cast %scan3A_158 : i32 to index
          %get3A_396 = arith.constant 64 : index
          %get3A_397 = tpu.vector_load %arg6[%get3A_395, %get3A_396] {strides = array<i32>} : memref<32x224xi32, #tpu.memory_space<vmem>>, vector<16xi32>,
          %get3A_398 = arith.constant 0 : i32
          %get3A_399 = arith.index_cast %get3A_398 : i32 to index
          %get3A_400 = arith.index_cast %scan3A_158 : i32 to index
          %get3A_401 = arith.constant 64 : index
          %get3A_402 = tpu.vector_load %arg8[%get3A_399, %get3A_400, %get3A_401] {strides = array<i32>} : memref<6x32x224xf32, #tpu.memory_space<vmem>>, vector<16xf32>,
          %get3A_403 = arith.constant 1 : i32
          %get3A_404 = arith.index_cast %get3A_403 : i32 to index
          %get3A_405 = arith.index_cast %scan3A_158 : i32 to index
          %get3A_406 = arith.constant 64 : index
          %get3A_407 = tpu.vector_load %arg8[%get3A_404, %get3A_405, %get3A_406] {strides = array<i32>} : memref<6x32x224xf32, #tpu.memory_space<vmem>>, vector<16xf32>,
          %get3A_408 = arith.constant 2 : i32
          %get3A_409 = arith.index_cast %get3A_408 : i32 to index
          %get3A_410 = arith.index_cast %scan3A_158 : i32 to index
          %get3A_411 = arith.constant 64 : index
          %get3A_412 = tpu.vector_load %arg8[%get3A_409, %get3A_410, %get3A_411] {strides = array<i32>} : memref<6x32x224xf32, #tpu.memory_space<vmem>>, vector<16xf32>,
          %get3A_413 = arith.constant 3 : i32
          %get3A_414 = arith.index_cast %get3A_413 : i32 to index
          %get3A_415 = arith.index_cast %scan3A_158 : i32 to index
          %get3A_416 = arith.constant 64 : index
          %get3A_417 = tpu.vector_load %arg8[%get3A_414, %get3A_415, %get3A_416] {strides = array<i32>} : memref<6x32x224xf32, #tpu.memory_space<vmem>>, vector<16xf32>,
          %get3A_418 = arith.constant 4 : i32
          %get3A_419 = arith.index_cast %get3A_418 : i32 to index
          %get3A_420 = arith.index_cast %scan3A_158 : i32 to index
          %get3A_421 = arith.constant 64 : index
          %get3A_422 = tpu.vector_load %arg8[%get3A_419, %get3A_420, %get3A_421] {strides = array<i32>} : memref<6x32x224xf32, #tpu.memory_space<vmem>>, vector<16xf32>,
          %get3A_423 = arith.constant 5 : i32
          %get3A_424 = arith.index_cast %get3A_423 : i32 to index
          %get3A_425 = arith.index_cast %scan3A_158 : i32 to index
          %get3A_426 = arith.constant 64 : index
          %get3A_427 = tpu.vector_load %arg8[%get3A_424, %get3A_425, %get3A_426] {strides = array<i32>} : memref<6x32x224xf32, #tpu.memory_space<vmem>>, vector<16xf32>,
          %add3A_428 = vector.broadcast %add3A_132 : i32 to vector<16xi32>
          %add3A_429 = arith.addi %get3A_397, %add3A_428 : vector<16xi32>
          tpu.vector_store_idx %arg9[%add3A_429], %get3A_402 {add = true} : memref<6400xf32, #tpu.memory_space<vmem>>[vector<16xi32>], vector<16xf32>,
          %add3A_430 = vector.broadcast %add3A_134 : i32 to vector<16xi32>
          %add3A_431 = arith.addi %get3A_397, %add3A_430 : vector<16xi32>
          tpu.vector_store_idx %arg9[%add3A_431], %get3A_407 {add = true} : memref<6400xf32, #tpu.memory_space<vmem>>[vector<16xi32>], vector<16xf32>,
          %add3A_432 = vector.broadcast %add3A_136 : i32 to vector<16xi32>
          %add3A_433 = arith.addi %get3A_397, %add3A_432 : vector<16xi32>
          tpu.vector_store_idx %arg9[%add3A_433], %get3A_412 {add = true} : memref<6400xf32, #tpu.memory_space<vmem>>[vector<16xi32>], vector<16xf32>,
          %add3A_434 = vector.broadcast %add3A_138 : i32 to vector<16xi32>
          %add3A_435 = arith.addi %get3A_397, %add3A_434 : vector<16xi32>
          tpu.vector_store_idx %arg9[%add3A_435], %get3A_417 {add = true} : memref<6400xf32, #tpu.memory_space<vmem>>[vector<16xi32>], vector<16xf32>,
          %add3A_436 = vector.broadcast %add3A_140 : i32 to vector<16xi32>
          %add3A_437 = arith.addi %get3A_397, %add3A_436 : vector<16xi32>
          tpu.vector_store_idx %arg9[%add3A_437], %get3A_422 {add = true} : memref<6400xf32, #tpu.memory_space<vmem>>[vector<16xi32>], vector<16xf32>,
          %add3A_438 = vector.broadcast %add3A_142 : i32 to vector<16xi32>
          %add3A_439 = arith.addi %get3A_397, %add3A_438 : vector<16xi32>
          tpu.vector_store_idx %arg9[%add3A_439], %get3A_427 {add = true} : memref<6400xf32, #tpu.memory_space<vmem>>[vector<16xi32>], vector<16xf32>,
          %mul3A_440 = arith.mulf %get3A_402, %get3A_402 : vector<16xf32>
          %mul3A_441 = arith.mulf %get3A_407, %get3A_407 : vector<16xf32>
          %mul3A_442 = arith.mulf %get3A_412, %get3A_412 : vector<16xf32>
          %mul3A_443 = arith.mulf %get3A_417, %get3A_417 : vector<16xf32>
          %mul3A_444 = arith.mulf %get3A_422, %get3A_422 : vector<16xf32>
          %mul3A_445 = arith.mulf %get3A_427, %get3A_427 : vector<16xf32>
          %add3A_446 = arith.addf %mul3A_440, %mul3A_441 : vector<16xf32>
          %add3A_447 = arith.addf %mul3A_442, %mul3A_443 : vector<16xf32>
          %add3A_448 = arith.addf %mul3A_444, %mul3A_445 : vector<16xf32>
          %add3A_449 = arith.addf %add3A_446, %add3A_447 : vector<16xf32>
          %add3A_450 = arith.addf %add3A_449, %add3A_448 : vector<16xf32>
          %add3A_451 = arith.constant 6144 : i32
          %add3A_452 = vector.broadcast %add3A_451 : i32 to vector<16xi32>
          %add3A_453 = arith.addi %get3A_397, %add3A_452 : vector<16xi32>
          tpu.vector_store_idx %arg9[%add3A_453], %add3A_450 {add = true} : memref<6400xf32, #tpu.memory_space<vmem>>[vector<16xi32>], vector<16xf32>,
          %get3A_454 = arith.index_cast %scan3A_158 : i32 to index
          %get3A_455 = arith.constant 80 : index
          %get3A_456 = tpu.vector_load %arg6[%get3A_454, %get3A_455] {strides = array<i32>} : memref<32x224xi32, #tpu.memory_space<vmem>>, vector<16xi32>,
          %get3A_457 = arith.constant 0 : i32
          %get3A_458 = arith.index_cast %get3A_457 : i32 to index
          %get3A_459 = arith.index_cast %scan3A_158 : i32 to index
          %get3A_460 = arith.constant 80 : index
          %get3A_461 = tpu.vector_load %arg8[%get3A_458, %get3A_459, %get3A_460] {strides = array<i32>} : memref<6x32x224xf32, #tpu.memory_space<vmem>>, vector<16xf32>,
          %get3A_462 = arith.constant 1 : i32
          %get3A_463 = arith.index_cast %get3A_462 : i32 to index
          %get3A_464 = arith.index_cast %scan3A_158 : i32 to index
          %get3A_465 = arith.constant 80 : index
          %get3A_466 = tpu.vector_load %arg8[%get3A_463, %get3A_464, %get3A_465] {strides = array<i32>} : memref<6x32x224xf32, #tpu.memory_space<vmem>>, vector<16xf32>,
          %get3A_467 = arith.constant 2 : i32
          %get3A_468 = arith.index_cast %get3A_467 : i32 to index
          %get3A_469 = arith.index_cast %scan3A_158 : i32 to index
          %get3A_470 = arith.constant 80 : index
          %get3A_471 = tpu.vector_load %arg8[%get3A_468, %get3A_469, %get3A_470] {strides = array<i32>} : memref<6x32x224xf32, #tpu.memory_space<vmem>>, vector<16xf32>,
          %get3A_472 = arith.constant 3 : i32
          %get3A_473 = arith.index_cast %get3A_472 : i32 to index
          %get3A_474 = arith.index_cast %scan3A_158 : i32 to index
          %get3A_475 = arith.constant 80 : index
          %get3A_476 = tpu.vector_load %arg8[%get3A_473, %get3A_474, %get3A_475] {strides = array<i32>} : memref<6x32x224xf32, #tpu.memory_space<vmem>>, vector<16xf32>,
          %get3A_477 = arith.constant 4 : i32
          %get3A_478 = arith.index_cast %get3A_477 : i32 to index
          %get3A_479 = arith.index_cast %scan3A_158 : i32 to index
          %get3A_480 = arith.constant 80 : index
          %get3A_481 = tpu.vector_load %arg8[%get3A_478, %get3A_479, %get3A_480] {strides = array<i32>} : memref<6x32x224xf32, #tpu.memory_space<vmem>>, vector<16xf32>,
          %get3A_482 = arith.constant 5 : i32
          %get3A_483 = arith.index_cast %get3A_482 : i32 to index
          %get3A_484 = arith.index_cast %scan3A_158 : i32 to index
          %get3A_485 = arith.constant 80 : index
          %get3A_486 = tpu.vector_load %arg8[%get3A_483, %get3A_484, %get3A_485] {strides = array<i32>} : memref<6x32x224xf32, #tpu.memory_space<vmem>>, vector<16xf32>,
          %add3A_487 = vector.broadcast %add3A_132 : i32 to vector<16xi32>
          %add3A_488 = arith.addi %get3A_456, %add3A_487 : vector<16xi32>
          tpu.vector_store_idx %arg9[%add3A_488], %get3A_461 {add = true} : memref<6400xf32, #tpu.memory_space<vmem>>[vector<16xi32>], vector<16xf32>,
          %add3A_489 = vector.broadcast %add3A_134 : i32 to vector<16xi32>
          %add3A_490 = arith.addi %get3A_456, %add3A_489 : vector<16xi32>
          tpu.vector_store_idx %arg9[%add3A_490], %get3A_466 {add = true} : memref<6400xf32, #tpu.memory_space<vmem>>[vector<16xi32>], vector<16xf32>,
          %add3A_491 = vector.broadcast %add3A_136 : i32 to vector<16xi32>
          %add3A_492 = arith.addi %get3A_456, %add3A_491 : vector<16xi32>
          tpu.vector_store_idx %arg9[%add3A_492], %get3A_471 {add = true} : memref<6400xf32, #tpu.memory_space<vmem>>[vector<16xi32>], vector<16xf32>,
          %add3A_493 = vector.broadcast %add3A_138 : i32 to vector<16xi32>
          %add3A_494 = arith.addi %get3A_456, %add3A_493 : vector<16xi32>
          tpu.vector_store_idx %arg9[%add3A_494], %get3A_476 {add = true} : memref<6400xf32, #tpu.memory_space<vmem>>[vector<16xi32>], vector<16xf32>,
          %add3A_495 = vector.broadcast %add3A_140 : i32 to vector<16xi32>
          %add3A_496 = arith.addi %get3A_456, %add3A_495 : vector<16xi32>
          tpu.vector_store_idx %arg9[%add3A_496], %get3A_481 {add = true} : memref<6400xf32, #tpu.memory_space<vmem>>[vector<16xi32>], vector<16xf32>,
          %add3A_497 = vector.broadcast %add3A_142 : i32 to vector<16xi32>
          %add3A_498 = arith.addi %get3A_456, %add3A_497 : vector<16xi32>
          tpu.vector_store_idx %arg9[%add3A_498], %get3A_486 {add = true} : memref<6400xf32, #tpu.memory_space<vmem>>[vector<16xi32>], vector<16xf32>,
          %mul3A_499 = arith.mulf %get3A_461, %get3A_461 : vector<16xf32>
          %mul3A_500 = arith.mulf %get3A_466, %get3A_466 : vector<16xf32>
          %mul3A_501 = arith.mulf %get3A_471, %get3A_471 : vector<16xf32>
          %mul3A_502 = arith.mulf %get3A_476, %get3A_476 : vector<16xf32>
          %mul3A_503 = arith.mulf %get3A_481, %get3A_481 : vector<16xf32>
          %mul3A_504 = arith.mulf %get3A_486, %get3A_486 : vector<16xf32>
          %add3A_505 = arith.addf %mul3A_499, %mul3A_500 : vector<16xf32>
          %add3A_506 = arith.addf %mul3A_501, %mul3A_502 : vector<16xf32>
          %add3A_507 = arith.addf %mul3A_503, %mul3A_504 : vector<16xf32>
          %add3A_508 = arith.addf %add3A_505, %add3A_506 : vector<16xf32>
          %add3A_509 = arith.addf %add3A_508, %add3A_507 : vector<16xf32>
          %add3A_510 = arith.constant 6144 : i32
          %add3A_511 = vector.broadcast %add3A_510 : i32 to vector<16xi32>
          %add3A_512 = arith.addi %get3A_456, %add3A_511 : vector<16xi32>
          tpu.vector_store_idx %arg9[%add3A_512], %add3A_509 {add = true} : memref<6400xf32, #tpu.memory_space<vmem>>[vector<16xi32>], vector<16xf32>,
          %get3A_513 = arith.index_cast %scan3A_158 : i32 to index
          %get3A_514 = arith.constant 96 : index
          %get3A_515 = tpu.vector_load %arg6[%get3A_513, %get3A_514] {strides = array<i32>} : memref<32x224xi32, #tpu.memory_space<vmem>>, vector<16xi32>,
          %get3A_516 = arith.constant 0 : i32
          %get3A_517 = arith.index_cast %get3A_516 : i32 to index
          %get3A_518 = arith.index_cast %scan3A_158 : i32 to index
          %get3A_519 = arith.constant 96 : index
          %get3A_520 = tpu.vector_load %arg8[%get3A_517, %get3A_518, %get3A_519] {strides = array<i32>} : memref<6x32x224xf32, #tpu.memory_space<vmem>>, vector<16xf32>,
          %get3A_521 = arith.constant 1 : i32
          %get3A_522 = arith.index_cast %get3A_521 : i32 to index
          %get3A_523 = arith.index_cast %scan3A_158 : i32 to index
          %get3A_524 = arith.constant 96 : index
          %get3A_525 = tpu.vector_load %arg8[%get3A_522, %get3A_523, %get3A_524] {strides = array<i32>} : memref<6x32x224xf32, #tpu.memory_space<vmem>>, vector<16xf32>,
          %get3A_526 = arith.constant 2 : i32
          %get3A_527 = arith.index_cast %get3A_526 : i32 to index
          %get3A_528 = arith.index_cast %scan3A_158 : i32 to index
          %get3A_529 = arith.constant 96 : index
          %get3A_530 = tpu.vector_load %arg8[%get3A_527, %get3A_528, %get3A_529] {strides = array<i32>} : memref<6x32x224xf32, #tpu.memory_space<vmem>>, vector<16xf32>,
          %get3A_531 = arith.constant 3 : i32
          %get3A_532 = arith.index_cast %get3A_531 : i32 to index
          %get3A_533 = arith.index_cast %scan3A_158 : i32 to index
          %get3A_534 = arith.constant 96 : index
          %get3A_535 = tpu.vector_load %arg8[%get3A_532, %get3A_533, %get3A_534] {strides = array<i32>} : memref<6x32x224xf32, #tpu.memory_space<vmem>>, vector<16xf32>,
          %get3A_536 = arith.constant 4 : i32
          %get3A_537 = arith.index_cast %get3A_536 : i32 to index
          %get3A_538 = arith.index_cast %scan3A_158 : i32 to index
          %get3A_539 = arith.constant 96 : index
          %get3A_540 = tpu.vector_load %arg8[%get3A_537, %get3A_538, %get3A_539] {strides = array<i32>} : memref<6x32x224xf32, #tpu.memory_space<vmem>>, vector<16xf32>,
          %get3A_541 = arith.constant 5 : i32
          %get3A_542 = arith.index_cast %get3A_541 : i32 to index
          %get3A_543 = arith.index_cast %scan3A_158 : i32 to index
          %get3A_544 = arith.constant 96 : index
          %get3A_545 = tpu.vector_load %arg8[%get3A_542, %get3A_543, %get3A_544] {strides = array<i32>} : memref<6x32x224xf32, #tpu.memory_space<vmem>>, vector<16xf32>,
          %add3A_546 = vector.broadcast %add3A_132 : i32 to vector<16xi32>
          %add3A_547 = arith.addi %get3A_515, %add3A_546 : vector<16xi32>
          tpu.vector_store_idx %arg9[%add3A_547], %get3A_520 {add = true} : memref<6400xf32, #tpu.memory_space<vmem>>[vector<16xi32>], vector<16xf32>,
          %add3A_548 = vector.broadcast %add3A_134 : i32 to vector<16xi32>
          %add3A_549 = arith.addi %get3A_515, %add3A_548 : vector<16xi32>
          tpu.vector_store_idx %arg9[%add3A_549], %get3A_525 {add = true} : memref<6400xf32, #tpu.memory_space<vmem>>[vector<16xi32>], vector<16xf32>,
          %add3A_550 = vector.broadcast %add3A_136 : i32 to vector<16xi32>
          %add3A_551 = arith.addi %get3A_515, %add3A_550 : vector<16xi32>
          tpu.vector_store_idx %arg9[%add3A_551], %get3A_530 {add = true} : memref<6400xf32, #tpu.memory_space<vmem>>[vector<16xi32>], vector<16xf32>,
          %add3A_552 = vector.broadcast %add3A_138 : i32 to vector<16xi32>
          %add3A_553 = arith.addi %get3A_515, %add3A_552 : vector<16xi32>
          tpu.vector_store_idx %arg9[%add3A_553], %get3A_535 {add = true} : memref<6400xf32, #tpu.memory_space<vmem>>[vector<16xi32>], vector<16xf32>,
          %add3A_554 = vector.broadcast %add3A_140 : i32 to vector<16xi32>
          %add3A_555 = arith.addi %get3A_515, %add3A_554 : vector<16xi32>
          tpu.vector_store_idx %arg9[%add3A_555], %get3A_540 {add = true} : memref<6400xf32, #tpu.memory_space<vmem>>[vector<16xi32>], vector<16xf32>,
          %add3A_556 = vector.broadcast %add3A_142 : i32 to vector<16xi32>
          %add3A_557 = arith.addi %get3A_515, %add3A_556 : vector<16xi32>
          tpu.vector_store_idx %arg9[%add3A_557], %get3A_545 {add = true} : memref<6400xf32, #tpu.memory_space<vmem>>[vector<16xi32>], vector<16xf32>,
          %mul3A_558 = arith.mulf %get3A_520, %get3A_520 : vector<16xf32>
          %mul3A_559 = arith.mulf %get3A_525, %get3A_525 : vector<16xf32>
          %mul3A_560 = arith.mulf %get3A_530, %get3A_530 : vector<16xf32>
          %mul3A_561 = arith.mulf %get3A_535, %get3A_535 : vector<16xf32>
          %mul3A_562 = arith.mulf %get3A_540, %get3A_540 : vector<16xf32>
          %mul3A_563 = arith.mulf %get3A_545, %get3A_545 : vector<16xf32>
          %add3A_564 = arith.addf %mul3A_558, %mul3A_559 : vector<16xf32>
          %add3A_565 = arith.addf %mul3A_560, %mul3A_561 : vector<16xf32>
          %add3A_566 = arith.addf %mul3A_562, %mul3A_563 : vector<16xf32>
          %add3A_567 = arith.addf %add3A_564, %add3A_565 : vector<16xf32>
          %add3A_568 = arith.addf %add3A_567, %add3A_566 : vector<16xf32>
          %add3A_569 = arith.constant 6144 : i32
          %add3A_570 = vector.broadcast %add3A_569 : i32 to vector<16xi32>
          %add3A_571 = arith.addi %get3A_515, %add3A_570 : vector<16xi32>
          tpu.vector_store_idx %arg9[%add3A_571], %add3A_568 {add = true} : memref<6400xf32, #tpu.memory_space<vmem>>[vector<16xi32>], vector<16xf32>,
          %get3A_572 = arith.index_cast %scan3A_158 : i32 to index
          %get3A_573 = arith.constant 112 : index
          %get3A_574 = tpu.vector_load %arg6[%get3A_572, %get3A_573] {strides = array<i32>} : memref<32x224xi32, #tpu.memory_space<vmem>>, vector<16xi32>,
          %get3A_575 = arith.constant 0 : i32
          %get3A_576 = arith.index_cast %get3A_575 : i32 to index
          %get3A_577 = arith.index_cast %scan3A_158 : i32 to index
          %get3A_578 = arith.constant 112 : index
          %get3A_579 = tpu.vector_load %arg8[%get3A_576, %get3A_577, %get3A_578] {strides = array<i32>} : memref<6x32x224xf32, #tpu.memory_space<vmem>>, vector<16xf32>,
          %get3A_580 = arith.constant 1 : i32
          %get3A_581 = arith.index_cast %get3A_580 : i32 to index
          %get3A_582 = arith.index_cast %scan3A_158 : i32 to index
          %get3A_583 = arith.constant 112 : index
          %get3A_584 = tpu.vector_load %arg8[%get3A_581, %get3A_582, %get3A_583] {strides = array<i32>} : memref<6x32x224xf32, #tpu.memory_space<vmem>>, vector<16xf32>,
          %get3A_585 = arith.constant 2 : i32
          %get3A_586 = arith.index_cast %get3A_585 : i32 to index
          %get3A_587 = arith.index_cast %scan3A_158 : i32 to index
          %get3A_588 = arith.constant 112 : index
          %get3A_589 = tpu.vector_load %arg8[%get3A_586, %get3A_587, %get3A_588] {strides = array<i32>} : memref<6x32x224xf32, #tpu.memory_space<vmem>>, vector<16xf32>,
          %get3A_590 = arith.constant 3 : i32
          %get3A_591 = arith.index_cast %get3A_590 : i32 to index
          %get3A_592 = arith.index_cast %scan3A_158 : i32 to index
          %get3A_593 = arith.constant 112 : index
          %get3A_594 = tpu.vector_load %arg8[%get3A_591, %get3A_592, %get3A_593] {strides = array<i32>} : memref<6x32x224xf32, #tpu.memory_space<vmem>>, vector<16xf32>,
          %get3A_595 = arith.constant 4 : i32
          %get3A_596 = arith.index_cast %get3A_595 : i32 to index
          %get3A_597 = arith.index_cast %scan3A_158 : i32 to index
          %get3A_598 = arith.constant 112 : index
          %get3A_599 = tpu.vector_load %arg8[%get3A_596, %get3A_597, %get3A_598] {strides = array<i32>} : memref<6x32x224xf32, #tpu.memory_space<vmem>>, vector<16xf32>,
          %get3A_600 = arith.constant 5 : i32
          %get3A_601 = arith.index_cast %get3A_600 : i32 to index
          %get3A_602 = arith.index_cast %scan3A_158 : i32 to index
          %get3A_603 = arith.constant 112 : index
          %get3A_604 = tpu.vector_load %arg8[%get3A_601, %get3A_602, %get3A_603] {strides = array<i32>} : memref<6x32x224xf32, #tpu.memory_space<vmem>>, vector<16xf32>,
          %add3A_605 = vector.broadcast %add3A_132 : i32 to vector<16xi32>
          %add3A_606 = arith.addi %get3A_574, %add3A_605 : vector<16xi32>
          tpu.vector_store_idx %arg9[%add3A_606], %get3A_579 {add = true} : memref<6400xf32, #tpu.memory_space<vmem>>[vector<16xi32>], vector<16xf32>,
          %add3A_607 = vector.broadcast %add3A_134 : i32 to vector<16xi32>
          %add3A_608 = arith.addi %get3A_574, %add3A_607 : vector<16xi32>
          tpu.vector_store_idx %arg9[%add3A_608], %get3A_584 {add = true} : memref<6400xf32, #tpu.memory_space<vmem>>[vector<16xi32>], vector<16xf32>,
          %add3A_609 = vector.broadcast %add3A_136 : i32 to vector<16xi32>
          %add3A_610 = arith.addi %get3A_574, %add3A_609 : vector<16xi32>
          tpu.vector_store_idx %arg9[%add3A_610], %get3A_589 {add = true} : memref<6400xf32, #tpu.memory_space<vmem>>[vector<16xi32>], vector<16xf32>,
          %add3A_611 = vector.broadcast %add3A_138 : i32 to vector<16xi32>
          %add3A_612 = arith.addi %get3A_574, %add3A_611 : vector<16xi32>
          tpu.vector_store_idx %arg9[%add3A_612], %get3A_594 {add = true} : memref<6400xf32, #tpu.memory_space<vmem>>[vector<16xi32>], vector<16xf32>,
          %add3A_613 = vector.broadcast %add3A_140 : i32 to vector<16xi32>
          %add3A_614 = arith.addi %get3A_574, %add3A_613 : vector<16xi32>
          tpu.vector_store_idx %arg9[%add3A_614], %get3A_599 {add = true} : memref<6400xf32, #tpu.memory_space<vmem>>[vector<16xi32>], vector<16xf32>,
          %add3A_615 = vector.broadcast %add3A_142 : i32 to vector<16xi32>
          %add3A_616 = arith.addi %get3A_574, %add3A_615 : vector<16xi32>
          tpu.vector_store_idx %arg9[%add3A_616], %get3A_604 {add = true} : memref<6400xf32, #tpu.memory_space<vmem>>[vector<16xi32>], vector<16xf32>,
          %mul3A_617 = arith.mulf %get3A_579, %get3A_579 : vector<16xf32>
          %mul3A_618 = arith.mulf %get3A_584, %get3A_584 : vector<16xf32>
          %mul3A_619 = arith.mulf %get3A_589, %get3A_589 : vector<16xf32>
          %mul3A_620 = arith.mulf %get3A_594, %get3A_594 : vector<16xf32>
          %mul3A_621 = arith.mulf %get3A_599, %get3A_599 : vector<16xf32>
          %mul3A_622 = arith.mulf %get3A_604, %get3A_604 : vector<16xf32>
          %add3A_623 = arith.addf %mul3A_617, %mul3A_618 : vector<16xf32>
          %add3A_624 = arith.addf %mul3A_619, %mul3A_620 : vector<16xf32>
          %add3A_625 = arith.addf %mul3A_621, %mul3A_622 : vector<16xf32>
          %add3A_626 = arith.addf %add3A_623, %add3A_624 : vector<16xf32>
          %add3A_627 = arith.addf %add3A_626, %add3A_625 : vector<16xf32>
          %add3A_628 = arith.constant 6144 : i32
          %add3A_629 = vector.broadcast %add3A_628 : i32 to vector<16xi32>
          %add3A_630 = arith.addi %get3A_574, %add3A_629 : vector<16xi32>
          tpu.vector_store_idx %arg9[%add3A_630], %add3A_627 {add = true} : memref<6400xf32, #tpu.memory_space<vmem>>[vector<16xi32>], vector<16xf32>,
          %get3A_631 = arith.index_cast %scan3A_158 : i32 to index
          %get3A_632 = arith.constant 128 : index
          %get3A_633 = tpu.vector_load %arg6[%get3A_631, %get3A_632] {strides = array<i32>} : memref<32x224xi32, #tpu.memory_space<vmem>>, vector<16xi32>,
          %get3A_634 = arith.constant 0 : i32
          %get3A_635 = arith.index_cast %get3A_634 : i32 to index
          %get3A_636 = arith.index_cast %scan3A_158 : i32 to index
          %get3A_637 = arith.constant 128 : index
          %get3A_638 = tpu.vector_load %arg8[%get3A_635, %get3A_636, %get3A_637] {strides = array<i32>} : memref<6x32x224xf32, #tpu.memory_space<vmem>>, vector<16xf32>,
          %get3A_639 = arith.constant 1 : i32
          %get3A_640 = arith.index_cast %get3A_639 : i32 to index
          %get3A_641 = arith.index_cast %scan3A_158 : i32 to index
          %get3A_642 = arith.constant 128 : index
          %get3A_643 = tpu.vector_load %arg8[%get3A_640, %get3A_641, %get3A_642] {strides = array<i32>} : memref<6x32x224xf32, #tpu.memory_space<vmem>>, vector<16xf32>,
          %get3A_644 = arith.constant 2 : i32
          %get3A_645 = arith.index_cast %get3A_644 : i32 to index
          %get3A_646 = arith.index_cast %scan3A_158 : i32 to index
          %get3A_647 = arith.constant 128 : index
          %get3A_648 = tpu.vector_load %arg8[%get3A_645, %get3A_646, %get3A_647] {strides = array<i32>} : memref<6x32x224xf32, #tpu.memory_space<vmem>>, vector<16xf32>,
          %get3A_649 = arith.constant 3 : i32
          %get3A_650 = arith.index_cast %get3A_649 : i32 to index
          %get3A_651 = arith.index_cast %scan3A_158 : i32 to index
          %get3A_652 = arith.constant 128 : index
          %get3A_653 = tpu.vector_load %arg8[%get3A_650, %get3A_651, %get3A_652] {strides = array<i32>} : memref<6x32x224xf32, #tpu.memory_space<vmem>>, vector<16xf32>,
          %get3A_654 = arith.constant 4 : i32
          %get3A_655 = arith.index_cast %get3A_654 : i32 to index
          %get3A_656 = arith.index_cast %scan3A_158 : i32 to index
          %get3A_657 = arith.constant 128 : index
          %get3A_658 = tpu.vector_load %arg8[%get3A_655, %get3A_656, %get3A_657] {strides = array<i32>} : memref<6x32x224xf32, #tpu.memory_space<vmem>>, vector<16xf32>,
          %get3A_659 = arith.constant 5 : i32
          %get3A_660 = arith.index_cast %get3A_659 : i32 to index
          %get3A_661 = arith.index_cast %scan3A_158 : i32 to index
          %get3A_662 = arith.constant 128 : index
          %get3A_663 = tpu.vector_load %arg8[%get3A_660, %get3A_661, %get3A_662] {strides = array<i32>} : memref<6x32x224xf32, #tpu.memory_space<vmem>>, vector<16xf32>,
          %add3A_664 = vector.broadcast %add3A_132 : i32 to vector<16xi32>
          %add3A_665 = arith.addi %get3A_633, %add3A_664 : vector<16xi32>
          tpu.vector_store_idx %arg9[%add3A_665], %get3A_638 {add = true} : memref<6400xf32, #tpu.memory_space<vmem>>[vector<16xi32>], vector<16xf32>,
          %add3A_666 = vector.broadcast %add3A_134 : i32 to vector<16xi32>
          %add3A_667 = arith.addi %get3A_633, %add3A_666 : vector<16xi32>
          tpu.vector_store_idx %arg9[%add3A_667], %get3A_643 {add = true} : memref<6400xf32, #tpu.memory_space<vmem>>[vector<16xi32>], vector<16xf32>,
          %add3A_668 = vector.broadcast %add3A_136 : i32 to vector<16xi32>
          %add3A_669 = arith.addi %get3A_633, %add3A_668 : vector<16xi32>
          tpu.vector_store_idx %arg9[%add3A_669], %get3A_648 {add = true} : memref<6400xf32, #tpu.memory_space<vmem>>[vector<16xi32>], vector<16xf32>,
          %add3A_670 = vector.broadcast %add3A_138 : i32 to vector<16xi32>
          %add3A_671 = arith.addi %get3A_633, %add3A_670 : vector<16xi32>
          tpu.vector_store_idx %arg9[%add3A_671], %get3A_653 {add = true} : memref<6400xf32, #tpu.memory_space<vmem>>[vector<16xi32>], vector<16xf32>,
          %add3A_672 = vector.broadcast %add3A_140 : i32 to vector<16xi32>
          %add3A_673 = arith.addi %get3A_633, %add3A_672 : vector<16xi32>
          tpu.vector_store_idx %arg9[%add3A_673], %get3A_658 {add = true} : memref<6400xf32, #tpu.memory_space<vmem>>[vector<16xi32>], vector<16xf32>,
          %add3A_674 = vector.broadcast %add3A_142 : i32 to vector<16xi32>
          %add3A_675 = arith.addi %get3A_633, %add3A_674 : vector<16xi32>
          tpu.vector_store_idx %arg9[%add3A_675], %get3A_663 {add = true} : memref<6400xf32, #tpu.memory_space<vmem>>[vector<16xi32>], vector<16xf32>,
          %mul3A_676 = arith.mulf %get3A_638, %get3A_638 : vector<16xf32>
          %mul3A_677 = arith.mulf %get3A_643, %get3A_643 : vector<16xf32>
          %mul3A_678 = arith.mulf %get3A_648, %get3A_648 : vector<16xf32>
          %mul3A_679 = arith.mulf %get3A_653, %get3A_653 : vector<16xf32>
          %mul3A_680 = arith.mulf %get3A_658, %get3A_658 : vector<16xf32>
          %mul3A_681 = arith.mulf %get3A_663, %get3A_663 : vector<16xf32>
          %add3A_682 = arith.addf %mul3A_676, %mul3A_677 : vector<16xf32>
          %add3A_683 = arith.addf %mul3A_678, %mul3A_679 : vector<16xf32>
          %add3A_684 = arith.addf %mul3A_680, %mul3A_681 : vector<16xf32>
          %add3A_685 = arith.addf %add3A_682, %add3A_683 : vector<16xf32>
          %add3A_686 = arith.addf %add3A_685, %add3A_684 : vector<16xf32>
          %add3A_687 = arith.constant 6144 : i32
          %add3A_688 = vector.broadcast %add3A_687 : i32 to vector<16xi32>
          %add3A_689 = arith.addi %get3A_633, %add3A_688 : vector<16xi32>
          tpu.vector_store_idx %arg9[%add3A_689], %add3A_686 {add = true} : memref<6400xf32, #tpu.memory_space<vmem>>[vector<16xi32>], vector<16xf32>,
          %get3A_690 = arith.index_cast %scan3A_158 : i32 to index
          %get3A_691 = arith.constant 144 : index
          %get3A_692 = tpu.vector_load %arg6[%get3A_690, %get3A_691] {strides = array<i32>} : memref<32x224xi32, #tpu.memory_space<vmem>>, vector<16xi32>,
          %get3A_693 = arith.constant 0 : i32
          %get3A_694 = arith.index_cast %get3A_693 : i32 to index
          %get3A_695 = arith.index_cast %scan3A_158 : i32 to index
          %get3A_696 = arith.constant 144 : index
          %get3A_697 = tpu.vector_load %arg8[%get3A_694, %get3A_695, %get3A_696] {strides = array<i32>} : memref<6x32x224xf32, #tpu.memory_space<vmem>>, vector<16xf32>,
          %get3A_698 = arith.constant 1 : i32
          %get3A_699 = arith.index_cast %get3A_698 : i32 to index
          %get3A_700 = arith.index_cast %scan3A_158 : i32 to index
          %get3A_701 = arith.constant 144 : index
          %get3A_702 = tpu.vector_load %arg8[%get3A_699, %get3A_700, %get3A_701] {strides = array<i32>} : memref<6x32x224xf32, #tpu.memory_space<vmem>>, vector<16xf32>,
          %get3A_703 = arith.constant 2 : i32
          %get3A_704 = arith.index_cast %get3A_703 : i32 to index
          %get3A_705 = arith.index_cast %scan3A_158 : i32 to index
          %get3A_706 = arith.constant 144 : index
          %get3A_707 = tpu.vector_load %arg8[%get3A_704, %get3A_705, %get3A_706] {strides = array<i32>} : memref<6x32x224xf32, #tpu.memory_space<vmem>>, vector<16xf32>,
          %get3A_708 = arith.constant 3 : i32
          %get3A_709 = arith.index_cast %get3A_708 : i32 to index
          %get3A_710 = arith.index_cast %scan3A_158 : i32 to index
          %get3A_711 = arith.constant 144 : index
          %get3A_712 = tpu.vector_load %arg8[%get3A_709, %get3A_710, %get3A_711] {strides = array<i32>} : memref<6x32x224xf32, #tpu.memory_space<vmem>>, vector<16xf32>,
          %get3A_713 = arith.constant 4 : i32
          %get3A_714 = arith.index_cast %get3A_713 : i32 to index
          %get3A_715 = arith.index_cast %scan3A_158 : i32 to index
          %get3A_716 = arith.constant 144 : index
          %get3A_717 = tpu.vector_load %arg8[%get3A_714, %get3A_715, %get3A_716] {strides = array<i32>} : memref<6x32x224xf32, #tpu.memory_space<vmem>>, vector<16xf32>,
          %get3A_718 = arith.constant 5 : i32
          %get3A_719 = arith.index_cast %get3A_718 : i32 to index
          %get3A_720 = arith.index_cast %scan3A_158 : i32 to index
          %get3A_721 = arith.constant 144 : index
          %get3A_722 = tpu.vector_load %arg8[%get3A_719, %get3A_720, %get3A_721] {strides = array<i32>} : memref<6x32x224xf32, #tpu.memory_space<vmem>>, vector<16xf32>,
          %add3A_723 = vector.broadcast %add3A_132 : i32 to vector<16xi32>
          %add3A_724 = arith.addi %get3A_692, %add3A_723 : vector<16xi32>
          tpu.vector_store_idx %arg9[%add3A_724], %get3A_697 {add = true} : memref<6400xf32, #tpu.memory_space<vmem>>[vector<16xi32>], vector<16xf32>,
          %add3A_725 = vector.broadcast %add3A_134 : i32 to vector<16xi32>
          %add3A_726 = arith.addi %get3A_692, %add3A_725 : vector<16xi32>
          tpu.vector_store_idx %arg9[%add3A_726], %get3A_702 {add = true} : memref<6400xf32, #tpu.memory_space<vmem>>[vector<16xi32>], vector<16xf32>,
          %add3A_727 = vector.broadcast %add3A_136 : i32 to vector<16xi32>
          %add3A_728 = arith.addi %get3A_692, %add3A_727 : vector<16xi32>
          tpu.vector_store_idx %arg9[%add3A_728], %get3A_707 {add = true} : memref<6400xf32, #tpu.memory_space<vmem>>[vector<16xi32>], vector<16xf32>,
          %add3A_729 = vector.broadcast %add3A_138 : i32 to vector<16xi32>
          %add3A_730 = arith.addi %get3A_692, %add3A_729 : vector<16xi32>
          tpu.vector_store_idx %arg9[%add3A_730], %get3A_712 {add = true} : memref<6400xf32, #tpu.memory_space<vmem>>[vector<16xi32>], vector<16xf32>,
          %add3A_731 = vector.broadcast %add3A_140 : i32 to vector<16xi32>
          %add3A_732 = arith.addi %get3A_692, %add3A_731 : vector<16xi32>
          tpu.vector_store_idx %arg9[%add3A_732], %get3A_717 {add = true} : memref<6400xf32, #tpu.memory_space<vmem>>[vector<16xi32>], vector<16xf32>,
          %add3A_733 = vector.broadcast %add3A_142 : i32 to vector<16xi32>
          %add3A_734 = arith.addi %get3A_692, %add3A_733 : vector<16xi32>
          tpu.vector_store_idx %arg9[%add3A_734], %get3A_722 {add = true} : memref<6400xf32, #tpu.memory_space<vmem>>[vector<16xi32>], vector<16xf32>,
          %mul3A_735 = arith.mulf %get3A_697, %get3A_697 : vector<16xf32>
          %mul3A_736 = arith.mulf %get3A_702, %get3A_702 : vector<16xf32>
          %mul3A_737 = arith.mulf %get3A_707, %get3A_707 : vector<16xf32>
          %mul3A_738 = arith.mulf %get3A_712, %get3A_712 : vector<16xf32>
          %mul3A_739 = arith.mulf %get3A_717, %get3A_717 : vector<16xf32>
          %mul3A_740 = arith.mulf %get3A_722, %get3A_722 : vector<16xf32>
          %add3A_741 = arith.addf %mul3A_735, %mul3A_736 : vector<16xf32>
          %add3A_742 = arith.addf %mul3A_737, %mul3A_738 : vector<16xf32>
          %add3A_743 = arith.addf %mul3A_739, %mul3A_740 : vector<16xf32>
          %add3A_744 = arith.addf %add3A_741, %add3A_742 : vector<16xf32>
          %add3A_745 = arith.addf %add3A_744, %add3A_743 : vector<16xf32>
          %add3A_746 = arith.constant 6144 : i32
          %add3A_747 = vector.broadcast %add3A_746 : i32 to vector<16xi32>
          %add3A_748 = arith.addi %get3A_692, %add3A_747 : vector<16xi32>
          tpu.vector_store_idx %arg9[%add3A_748], %add3A_745 {add = true} : memref<6400xf32, #tpu.memory_space<vmem>>[vector<16xi32>], vector<16xf32>,
          %get3A_749 = arith.index_cast %scan3A_158 : i32 to index
          %get3A_750 = arith.constant 160 : index
          %get3A_751 = tpu.vector_load %arg6[%get3A_749, %get3A_750] {strides = array<i32>} : memref<32x224xi32, #tpu.memory_space<vmem>>, vector<16xi32>,
          %get3A_752 = arith.constant 0 : i32
          %get3A_753 = arith.index_cast %get3A_752 : i32 to index
          %get3A_754 = arith.index_cast %scan3A_158 : i32 to index
          %get3A_755 = arith.constant 160 : index
          %get3A_756 = tpu.vector_load %arg8[%get3A_753, %get3A_754, %get3A_755] {strides = array<i32>} : memref<6x32x224xf32, #tpu.memory_space<vmem>>, vector<16xf32>,
          %get3A_757 = arith.constant 1 : i32
          %get3A_758 = arith.index_cast %get3A_757 : i32 to index
          %get3A_759 = arith.index_cast %scan3A_158 : i32 to index
          %get3A_760 = arith.constant 160 : index
          %get3A_761 = tpu.vector_load %arg8[%get3A_758, %get3A_759, %get3A_760] {strides = array<i32>} : memref<6x32x224xf32, #tpu.memory_space<vmem>>, vector<16xf32>,
          %get3A_762 = arith.constant 2 : i32
          %get3A_763 = arith.index_cast %get3A_762 : i32 to index
          %get3A_764 = arith.index_cast %scan3A_158 : i32 to index
          %get3A_765 = arith.constant 160 : index
          %get3A_766 = tpu.vector_load %arg8[%get3A_763, %get3A_764, %get3A_765] {strides = array<i32>} : memref<6x32x224xf32, #tpu.memory_space<vmem>>, vector<16xf32>,
          %get3A_767 = arith.constant 3 : i32
          %get3A_768 = arith.index_cast %get3A_767 : i32 to index
          %get3A_769 = arith.index_cast %scan3A_158 : i32 to index
          %get3A_770 = arith.constant 160 : index
          %get3A_771 = tpu.vector_load %arg8[%get3A_768, %get3A_769, %get3A_770] {strides = array<i32>} : memref<6x32x224xf32, #tpu.memory_space<vmem>>, vector<16xf32>,
          %get3A_772 = arith.constant 4 : i32
          %get3A_773 = arith.index_cast %get3A_772 : i32 to index
          %get3A_774 = arith.index_cast %scan3A_158 : i32 to index
          %get3A_775 = arith.constant 160 : index
          %get3A_776 = tpu.vector_load %arg8[%get3A_773, %get3A_774, %get3A_775] {strides = array<i32>} : memref<6x32x224xf32, #tpu.memory_space<vmem>>, vector<16xf32>,
          %get3A_777 = arith.constant 5 : i32
          %get3A_778 = arith.index_cast %get3A_777 : i32 to index
          %get3A_779 = arith.index_cast %scan3A_158 : i32 to index
          %get3A_780 = arith.constant 160 : index
          %get3A_781 = tpu.vector_load %arg8[%get3A_778, %get3A_779, %get3A_780] {strides = array<i32>} : memref<6x32x224xf32, #tpu.memory_space<vmem>>, vector<16xf32>,
          %add3A_782 = vector.broadcast %add3A_132 : i32 to vector<16xi32>
          %add3A_783 = arith.addi %get3A_751, %add3A_782 : vector<16xi32>
          tpu.vector_store_idx %arg9[%add3A_783], %get3A_756 {add = true} : memref<6400xf32, #tpu.memory_space<vmem>>[vector<16xi32>], vector<16xf32>,
          %add3A_784 = vector.broadcast %add3A_134 : i32 to vector<16xi32>
          %add3A_785 = arith.addi %get3A_751, %add3A_784 : vector<16xi32>
          tpu.vector_store_idx %arg9[%add3A_785], %get3A_761 {add = true} : memref<6400xf32, #tpu.memory_space<vmem>>[vector<16xi32>], vector<16xf32>,
          %add3A_786 = vector.broadcast %add3A_136 : i32 to vector<16xi32>
          %add3A_787 = arith.addi %get3A_751, %add3A_786 : vector<16xi32>
          tpu.vector_store_idx %arg9[%add3A_787], %get3A_766 {add = true} : memref<6400xf32, #tpu.memory_space<vmem>>[vector<16xi32>], vector<16xf32>,
          %add3A_788 = vector.broadcast %add3A_138 : i32 to vector<16xi32>
          %add3A_789 = arith.addi %get3A_751, %add3A_788 : vector<16xi32>
          tpu.vector_store_idx %arg9[%add3A_789], %get3A_771 {add = true} : memref<6400xf32, #tpu.memory_space<vmem>>[vector<16xi32>], vector<16xf32>,
          %add3A_790 = vector.broadcast %add3A_140 : i32 to vector<16xi32>
          %add3A_791 = arith.addi %get3A_751, %add3A_790 : vector<16xi32>
          tpu.vector_store_idx %arg9[%add3A_791], %get3A_776 {add = true} : memref<6400xf32, #tpu.memory_space<vmem>>[vector<16xi32>], vector<16xf32>,
          %add3A_792 = vector.broadcast %add3A_142 : i32 to vector<16xi32>
          %add3A_793 = arith.addi %get3A_751, %add3A_792 : vector<16xi32>
          tpu.vector_store_idx %arg9[%add3A_793], %get3A_781 {add = true} : memref<6400xf32, #tpu.memory_space<vmem>>[vector<16xi32>], vector<16xf32>,
          %mul3A_794 = arith.mulf %get3A_756, %get3A_756 : vector<16xf32>
          %mul3A_795 = arith.mulf %get3A_761, %get3A_761 : vector<16xf32>
          %mul3A_796 = arith.mulf %get3A_766, %get3A_766 : vector<16xf32>
          %mul3A_797 = arith.mulf %get3A_771, %get3A_771 : vector<16xf32>
          %mul3A_798 = arith.mulf %get3A_776, %get3A_776 : vector<16xf32>
          %mul3A_799 = arith.mulf %get3A_781, %get3A_781 : vector<16xf32>
          %add3A_800 = arith.addf %mul3A_794, %mul3A_795 : vector<16xf32>
          %add3A_801 = arith.addf %mul3A_796, %mul3A_797 : vector<16xf32>
          %add3A_802 = arith.addf %mul3A_798, %mul3A_799 : vector<16xf32>
          %add3A_803 = arith.addf %add3A_800, %add3A_801 : vector<16xf32>
          %add3A_804 = arith.addf %add3A_803, %add3A_802 : vector<16xf32>
          %add3A_805 = arith.constant 6144 : i32
          %add3A_806 = vector.broadcast %add3A_805 : i32 to vector<16xi32>
          %add3A_807 = arith.addi %get3A_751, %add3A_806 : vector<16xi32>
          tpu.vector_store_idx %arg9[%add3A_807], %add3A_804 {add = true} : memref<6400xf32, #tpu.memory_space<vmem>>[vector<16xi32>], vector<16xf32>,
          %get3A_808 = arith.index_cast %scan3A_158 : i32 to index
          %get3A_809 = arith.constant 176 : index
          %get3A_810 = tpu.vector_load %arg6[%get3A_808, %get3A_809] {strides = array<i32>} : memref<32x224xi32, #tpu.memory_space<vmem>>, vector<16xi32>,
          %get3A_811 = arith.constant 0 : i32
          %get3A_812 = arith.index_cast %get3A_811 : i32 to index
          %get3A_813 = arith.index_cast %scan3A_158 : i32 to index
          %get3A_814 = arith.constant 176 : index
          %get3A_815 = tpu.vector_load %arg8[%get3A_812, %get3A_813, %get3A_814] {strides = array<i32>} : memref<6x32x224xf32, #tpu.memory_space<vmem>>, vector<16xf32>,
          %get3A_816 = arith.constant 1 : i32
          %get3A_817 = arith.index_cast %get3A_816 : i32 to index
          %get3A_818 = arith.index_cast %scan3A_158 : i32 to index
          %get3A_819 = arith.constant 176 : index
          %get3A_820 = tpu.vector_load %arg8[%get3A_817, %get3A_818, %get3A_819] {strides = array<i32>} : memref<6x32x224xf32, #tpu.memory_space<vmem>>, vector<16xf32>,
          %get3A_821 = arith.constant 2 : i32
          %get3A_822 = arith.index_cast %get3A_821 : i32 to index
          %get3A_823 = arith.index_cast %scan3A_158 : i32 to index
          %get3A_824 = arith.constant 176 : index
          %get3A_825 = tpu.vector_load %arg8[%get3A_822, %get3A_823, %get3A_824] {strides = array<i32>} : memref<6x32x224xf32, #tpu.memory_space<vmem>>, vector<16xf32>,
          %get3A_826 = arith.constant 3 : i32
          %get3A_827 = arith.index_cast %get3A_826 : i32 to index
          %get3A_828 = arith.index_cast %scan3A_158 : i32 to index
          %get3A_829 = arith.constant 176 : index
          %get3A_830 = tpu.vector_load %arg8[%get3A_827, %get3A_828, %get3A_829] {strides = array<i32>} : memref<6x32x224xf32, #tpu.memory_space<vmem>>, vector<16xf32>,
          %get3A_831 = arith.constant 4 : i32
          %get3A_832 = arith.index_cast %get3A_831 : i32 to index
          %get3A_833 = arith.index_cast %scan3A_158 : i32 to index
          %get3A_834 = arith.constant 176 : index
          %get3A_835 = tpu.vector_load %arg8[%get3A_832, %get3A_833, %get3A_834] {strides = array<i32>} : memref<6x32x224xf32, #tpu.memory_space<vmem>>, vector<16xf32>,
          %get3A_836 = arith.constant 5 : i32
          %get3A_837 = arith.index_cast %get3A_836 : i32 to index
          %get3A_838 = arith.index_cast %scan3A_158 : i32 to index
          %get3A_839 = arith.constant 176 : index
          %get3A_840 = tpu.vector_load %arg8[%get3A_837, %get3A_838, %get3A_839] {strides = array<i32>} : memref<6x32x224xf32, #tpu.memory_space<vmem>>, vector<16xf32>,
          %add3A_841 = vector.broadcast %add3A_132 : i32 to vector<16xi32>
          %add3A_842 = arith.addi %get3A_810, %add3A_841 : vector<16xi32>
          tpu.vector_store_idx %arg9[%add3A_842], %get3A_815 {add = true} : memref<6400xf32, #tpu.memory_space<vmem>>[vector<16xi32>], vector<16xf32>,
          %add3A_843 = vector.broadcast %add3A_134 : i32 to vector<16xi32>
          %add3A_844 = arith.addi %get3A_810, %add3A_843 : vector<16xi32>
          tpu.vector_store_idx %arg9[%add3A_844], %get3A_820 {add = true} : memref<6400xf32, #tpu.memory_space<vmem>>[vector<16xi32>], vector<16xf32>,
          %add3A_845 = vector.broadcast %add3A_136 : i32 to vector<16xi32>
          %add3A_846 = arith.addi %get3A_810, %add3A_845 : vector<16xi32>
          tpu.vector_store_idx %arg9[%add3A_846], %get3A_825 {add = true} : memref<6400xf32, #tpu.memory_space<vmem>>[vector<16xi32>], vector<16xf32>,
          %add3A_847 = vector.broadcast %add3A_138 : i32 to vector<16xi32>
          %add3A_848 = arith.addi %get3A_810, %add3A_847 : vector<16xi32>
          tpu.vector_store_idx %arg9[%add3A_848], %get3A_830 {add = true} : memref<6400xf32, #tpu.memory_space<vmem>>[vector<16xi32>], vector<16xf32>,
          %add3A_849 = vector.broadcast %add3A_140 : i32 to vector<16xi32>
          %add3A_850 = arith.addi %get3A_810, %add3A_849 : vector<16xi32>
          tpu.vector_store_idx %arg9[%add3A_850], %get3A_835 {add = true} : memref<6400xf32, #tpu.memory_space<vmem>>[vector<16xi32>], vector<16xf32>,
          %add3A_851 = vector.broadcast %add3A_142 : i32 to vector<16xi32>
          %add3A_852 = arith.addi %get3A_810, %add3A_851 : vector<16xi32>
          tpu.vector_store_idx %arg9[%add3A_852], %get3A_840 {add = true} : memref<6400xf32, #tpu.memory_space<vmem>>[vector<16xi32>], vector<16xf32>,
          %mul3A_853 = arith.mulf %get3A_815, %get3A_815 : vector<16xf32>
          %mul3A_854 = arith.mulf %get3A_820, %get3A_820 : vector<16xf32>
          %mul3A_855 = arith.mulf %get3A_825, %get3A_825 : vector<16xf32>
          %mul3A_856 = arith.mulf %get3A_830, %get3A_830 : vector<16xf32>
          %mul3A_857 = arith.mulf %get3A_835, %get3A_835 : vector<16xf32>
          %mul3A_858 = arith.mulf %get3A_840, %get3A_840 : vector<16xf32>
          %add3A_859 = arith.addf %mul3A_853, %mul3A_854 : vector<16xf32>
          %add3A_860 = arith.addf %mul3A_855, %mul3A_856 : vector<16xf32>
          %add3A_861 = arith.addf %mul3A_857, %mul3A_858 : vector<16xf32>
          %add3A_862 = arith.addf %add3A_859, %add3A_860 : vector<16xf32>
          %add3A_863 = arith.addf %add3A_862, %add3A_861 : vector<16xf32>
          %add3A_864 = arith.constant 6144 : i32
          %add3A_865 = vector.broadcast %add3A_864 : i32 to vector<16xi32>
          %add3A_866 = arith.addi %get3A_810, %add3A_865 : vector<16xi32>
          tpu.vector_store_idx %arg9[%add3A_866], %add3A_863 {add = true} : memref<6400xf32, #tpu.memory_space<vmem>>[vector<16xi32>], vector<16xf32>,
          %get3A_867 = arith.index_cast %scan3A_158 : i32 to index
          %get3A_868 = arith.constant 192 : index
          %get3A_869 = tpu.vector_load %arg6[%get3A_867, %get3A_868] {strides = array<i32>} : memref<32x224xi32, #tpu.memory_space<vmem>>, vector<16xi32>,
          %get3A_870 = arith.constant 0 : i32
          %get3A_871 = arith.index_cast %get3A_870 : i32 to index
          %get3A_872 = arith.index_cast %scan3A_158 : i32 to index
          %get3A_873 = arith.constant 192 : index
          %get3A_874 = tpu.vector_load %arg8[%get3A_871, %get3A_872, %get3A_873] {strides = array<i32>} : memref<6x32x224xf32, #tpu.memory_space<vmem>>, vector<16xf32>,
          %get3A_875 = arith.constant 1 : i32
          %get3A_876 = arith.index_cast %get3A_875 : i32 to index
          %get3A_877 = arith.index_cast %scan3A_158 : i32 to index
          %get3A_878 = arith.constant 192 : index
          %get3A_879 = tpu.vector_load %arg8[%get3A_876, %get3A_877, %get3A_878] {strides = array<i32>} : memref<6x32x224xf32, #tpu.memory_space<vmem>>, vector<16xf32>,
          %get3A_880 = arith.constant 2 : i32
          %get3A_881 = arith.index_cast %get3A_880 : i32 to index
          %get3A_882 = arith.index_cast %scan3A_158 : i32 to index
          %get3A_883 = arith.constant 192 : index
          %get3A_884 = tpu.vector_load %arg8[%get3A_881, %get3A_882, %get3A_883] {strides = array<i32>} : memref<6x32x224xf32, #tpu.memory_space<vmem>>, vector<16xf32>,
          %get3A_885 = arith.constant 3 : i32
          %get3A_886 = arith.index_cast %get3A_885 : i32 to index
          %get3A_887 = arith.index_cast %scan3A_158 : i32 to index
          %get3A_888 = arith.constant 192 : index
          %get3A_889 = tpu.vector_load %arg8[%get3A_886, %get3A_887, %get3A_888] {strides = array<i32>} : memref<6x32x224xf32, #tpu.memory_space<vmem>>, vector<16xf32>,
          %get3A_890 = arith.constant 4 : i32
          %get3A_891 = arith.index_cast %get3A_890 : i32 to index
          %get3A_892 = arith.index_cast %scan3A_158 : i32 to index
          %get3A_893 = arith.constant 192 : index
          %get3A_894 = tpu.vector_load %arg8[%get3A_891, %get3A_892, %get3A_893] {strides = array<i32>} : memref<6x32x224xf32, #tpu.memory_space<vmem>>, vector<16xf32>,
          %get3A_895 = arith.constant 5 : i32
          %get3A_896 = arith.index_cast %get3A_895 : i32 to index
          %get3A_897 = arith.index_cast %scan3A_158 : i32 to index
          %get3A_898 = arith.constant 192 : index
          %get3A_899 = tpu.vector_load %arg8[%get3A_896, %get3A_897, %get3A_898] {strides = array<i32>} : memref<6x32x224xf32, #tpu.memory_space<vmem>>, vector<16xf32>,
          %add3A_900 = vector.broadcast %add3A_132 : i32 to vector<16xi32>
          %add3A_901 = arith.addi %get3A_869, %add3A_900 : vector<16xi32>
          tpu.vector_store_idx %arg9[%add3A_901], %get3A_874 {add = true} : memref<6400xf32, #tpu.memory_space<vmem>>[vector<16xi32>], vector<16xf32>,
          %add3A_902 = vector.broadcast %add3A_134 : i32 to vector<16xi32>
          %add3A_903 = arith.addi %get3A_869, %add3A_902 : vector<16xi32>
          tpu.vector_store_idx %arg9[%add3A_903], %get3A_879 {add = true} : memref<6400xf32, #tpu.memory_space<vmem>>[vector<16xi32>], vector<16xf32>,
          %add3A_904 = vector.broadcast %add3A_136 : i32 to vector<16xi32>
          %add3A_905 = arith.addi %get3A_869, %add3A_904 : vector<16xi32>
          tpu.vector_store_idx %arg9[%add3A_905], %get3A_884 {add = true} : memref<6400xf32, #tpu.memory_space<vmem>>[vector<16xi32>], vector<16xf32>,
          %add3A_906 = vector.broadcast %add3A_138 : i32 to vector<16xi32>
          %add3A_907 = arith.addi %get3A_869, %add3A_906 : vector<16xi32>
          tpu.vector_store_idx %arg9[%add3A_907], %get3A_889 {add = true} : memref<6400xf32, #tpu.memory_space<vmem>>[vector<16xi32>], vector<16xf32>,
          %add3A_908 = vector.broadcast %add3A_140 : i32 to vector<16xi32>
          %add3A_909 = arith.addi %get3A_869, %add3A_908 : vector<16xi32>
          tpu.vector_store_idx %arg9[%add3A_909], %get3A_894 {add = true} : memref<6400xf32, #tpu.memory_space<vmem>>[vector<16xi32>], vector<16xf32>,
          %add3A_910 = vector.broadcast %add3A_142 : i32 to vector<16xi32>
          %add3A_911 = arith.addi %get3A_869, %add3A_910 : vector<16xi32>
          tpu.vector_store_idx %arg9[%add3A_911], %get3A_899 {add = true} : memref<6400xf32, #tpu.memory_space<vmem>>[vector<16xi32>], vector<16xf32>,
          %mul3A_912 = arith.mulf %get3A_874, %get3A_874 : vector<16xf32>
          %mul3A_913 = arith.mulf %get3A_879, %get3A_879 : vector<16xf32>
          %mul3A_914 = arith.mulf %get3A_884, %get3A_884 : vector<16xf32>
          %mul3A_915 = arith.mulf %get3A_889, %get3A_889 : vector<16xf32>
          %mul3A_916 = arith.mulf %get3A_894, %get3A_894 : vector<16xf32>
          %mul3A_917 = arith.mulf %get3A_899, %get3A_899 : vector<16xf32>
          %add3A_918 = arith.addf %mul3A_912, %mul3A_913 : vector<16xf32>
          %add3A_919 = arith.addf %mul3A_914, %mul3A_915 : vector<16xf32>
          %add3A_920 = arith.addf %mul3A_916, %mul3A_917 : vector<16xf32>
          %add3A_921 = arith.addf %add3A_918, %add3A_919 : vector<16xf32>
          %add3A_922 = arith.addf %add3A_921, %add3A_920 : vector<16xf32>
          %add3A_923 = arith.constant 6144 : i32
          %add3A_924 = vector.broadcast %add3A_923 : i32 to vector<16xi32>
          %add3A_925 = arith.addi %get3A_869, %add3A_924 : vector<16xi32>
          tpu.vector_store_idx %arg9[%add3A_925], %add3A_922 {add = true} : memref<6400xf32, #tpu.memory_space<vmem>>[vector<16xi32>], vector<16xf32>,
          %get3A_926 = arith.index_cast %scan3A_158 : i32 to index
          %get3A_927 = arith.constant 208 : index
          %get3A_928 = tpu.vector_load %arg6[%get3A_926, %get3A_927] {strides = array<i32>} : memref<32x224xi32, #tpu.memory_space<vmem>>, vector<16xi32>,
          %get3A_929 = arith.constant 0 : i32
          %get3A_930 = arith.index_cast %get3A_929 : i32 to index
          %get3A_931 = arith.index_cast %scan3A_158 : i32 to index
          %get3A_932 = arith.constant 208 : index
          %get3A_933 = tpu.vector_load %arg8[%get3A_930, %get3A_931, %get3A_932] {strides = array<i32>} : memref<6x32x224xf32, #tpu.memory_space<vmem>>, vector<16xf32>,
          %get3A_934 = arith.constant 1 : i32
          %get3A_935 = arith.index_cast %get3A_934 : i32 to index
          %get3A_936 = arith.index_cast %scan3A_158 : i32 to index
          %get3A_937 = arith.constant 208 : index
          %get3A_938 = tpu.vector_load %arg8[%get3A_935, %get3A_936, %get3A_937] {strides = array<i32>} : memref<6x32x224xf32, #tpu.memory_space<vmem>>, vector<16xf32>,
          %get3A_939 = arith.constant 2 : i32
          %get3A_940 = arith.index_cast %get3A_939 : i32 to index
          %get3A_941 = arith.index_cast %scan3A_158 : i32 to index
          %get3A_942 = arith.constant 208 : index
          %get3A_943 = tpu.vector_load %arg8[%get3A_940, %get3A_941, %get3A_942] {strides = array<i32>} : memref<6x32x224xf32, #tpu.memory_space<vmem>>, vector<16xf32>,
          %get3A_944 = arith.constant 3 : i32
          %get3A_945 = arith.index_cast %get3A_944 : i32 to index
          %get3A_946 = arith.index_cast %scan3A_158 : i32 to index
          %get3A_947 = arith.constant 208 : index
          %get3A_948 = tpu.vector_load %arg8[%get3A_945, %get3A_946, %get3A_947] {strides = array<i32>} : memref<6x32x224xf32, #tpu.memory_space<vmem>>, vector<16xf32>,
          %get3A_949 = arith.constant 4 : i32
          %get3A_950 = arith.index_cast %get3A_949 : i32 to index
          %get3A_951 = arith.index_cast %scan3A_158 : i32 to index
          %get3A_952 = arith.constant 208 : index
          %get3A_953 = tpu.vector_load %arg8[%get3A_950, %get3A_951, %get3A_952] {strides = array<i32>} : memref<6x32x224xf32, #tpu.memory_space<vmem>>, vector<16xf32>,
          %get3A_954 = arith.constant 5 : i32
          %get3A_955 = arith.index_cast %get3A_954 : i32 to index
          %get3A_956 = arith.index_cast %scan3A_158 : i32 to index
          %get3A_957 = arith.constant 208 : index
          %get3A_958 = tpu.vector_load %arg8[%get3A_955, %get3A_956, %get3A_957] {strides = array<i32>} : memref<6x32x224xf32, #tpu.memory_space<vmem>>, vector<16xf32>,
          %add3A_959 = vector.broadcast %add3A_132 : i32 to vector<16xi32>
          %add3A_960 = arith.addi %get3A_928, %add3A_959 : vector<16xi32>
          tpu.vector_store_idx %arg9[%add3A_960], %get3A_933 {add = true} : memref<6400xf32, #tpu.memory_space<vmem>>[vector<16xi32>], vector<16xf32>,
          %add3A_961 = vector.broadcast %add3A_134 : i32 to vector<16xi32>
          %add3A_962 = arith.addi %get3A_928, %add3A_961 : vector<16xi32>
          tpu.vector_store_idx %arg9[%add3A_962], %get3A_938 {add = true} : memref<6400xf32, #tpu.memory_space<vmem>>[vector<16xi32>], vector<16xf32>,
          %add3A_963 = vector.broadcast %add3A_136 : i32 to vector<16xi32>
          %add3A_964 = arith.addi %get3A_928, %add3A_963 : vector<16xi32>
          tpu.vector_store_idx %arg9[%add3A_964], %get3A_943 {add = true} : memref<6400xf32, #tpu.memory_space<vmem>>[vector<16xi32>], vector<16xf32>,
          %add3A_965 = vector.broadcast %add3A_138 : i32 to vector<16xi32>
          %add3A_966 = arith.addi %get3A_928, %add3A_965 : vector<16xi32>
          tpu.vector_store_idx %arg9[%add3A_966], %get3A_948 {add = true} : memref<6400xf32, #tpu.memory_space<vmem>>[vector<16xi32>], vector<16xf32>,
          %add3A_967 = vector.broadcast %add3A_140 : i32 to vector<16xi32>
          %add3A_968 = arith.addi %get3A_928, %add3A_967 : vector<16xi32>
          tpu.vector_store_idx %arg9[%add3A_968], %get3A_953 {add = true} : memref<6400xf32, #tpu.memory_space<vmem>>[vector<16xi32>], vector<16xf32>,
          %add3A_969 = vector.broadcast %add3A_142 : i32 to vector<16xi32>
          %add3A_970 = arith.addi %get3A_928, %add3A_969 : vector<16xi32>
          tpu.vector_store_idx %arg9[%add3A_970], %get3A_958 {add = true} : memref<6400xf32, #tpu.memory_space<vmem>>[vector<16xi32>], vector<16xf32>,
          %mul3A_971 = arith.mulf %get3A_933, %get3A_933 : vector<16xf32>
          %mul3A_972 = arith.mulf %get3A_938, %get3A_938 : vector<16xf32>
          %mul3A_973 = arith.mulf %get3A_943, %get3A_943 : vector<16xf32>
          %mul3A_974 = arith.mulf %get3A_948, %get3A_948 : vector<16xf32>
          %mul3A_975 = arith.mulf %get3A_953, %get3A_953 : vector<16xf32>
          %mul3A_976 = arith.mulf %get3A_958, %get3A_958 : vector<16xf32>
          %add3A_977 = arith.addf %mul3A_971, %mul3A_972 : vector<16xf32>
          %add3A_978 = arith.addf %mul3A_973, %mul3A_974 : vector<16xf32>
          %add3A_979 = arith.addf %mul3A_975, %mul3A_976 : vector<16xf32>
          %add3A_980 = arith.addf %add3A_977, %add3A_978 : vector<16xf32>
          %add3A_981 = arith.addf %add3A_980, %add3A_979 : vector<16xf32>
          %add3A_982 = arith.constant 6144 : i32
          %add3A_983 = vector.broadcast %add3A_982 : i32 to vector<16xi32>
          %add3A_984 = arith.addi %get3A_928, %add3A_983 : vector<16xi32>
          tpu.vector_store_idx %arg9[%add3A_984], %add3A_981 {add = true} : memref<6400xf32, #tpu.memory_space<vmem>>[vector<16xi32>], vector<16xf32>,
          %scan3A_985 = arith.constant 0 : i32
          scf.yield %scan3A_985 : i32
        }
        %scan3A_149 = arith.constant 32 : i32
        %add3A_150 = arith.constant 3 : i32
        %add3A_151 = arith.addi %mul3A_79, %add3A_150 : i32
        %lt3A_152 = arith.constant 8 : i32
        %lt3A_153 = arith.cmpi slt, %add3A_151, %lt3A_152 : i32
        %convert_element_type3A_154 = arith.extui %lt3A_153 : i1 to i32
        %cond3A_155 = arith.constant 0 : i32
        %cond3A_156 = arith.cmpi ne, %convert_element_type3A_154, %cond3A_155 : i32
        scf.if %cond3A_156 {
          %add3A_158 = arith.constant 3 : i32
          %add3A_159 = arith.addi %mul3A_79, %add3A_158 : i32
          %mul3A_160 = arith.constant 96 : i32
          %mul3A_161 = arith.muli %select_n3A, %mul3A_160 : i32
          %mul3A_162 = arith.constant 6 : i32
          %mul3A_163 = arith.muli %add3A_159, %mul3A_162 : i32
          %add3A_164 = arith.addi %mul3A_161, %mul3A_163 : i32
          %dma_start3A_165 = arith.constant 0 : i32
          %dma_start3A_166 = tpu.memref_slice %arg2[%add3A_164, %mul3A_35, %dma_start3A_165] : memref<384x224x224xf32, #tpu.memory_space<hbm>> -> memref<6x32x224xf32, #tpu.memory_space<hbm>>
          %dma_start3A_167 = arith.constant 0 : i32
          %dma_start3A_168 = tpu.memref_slice %arg2[%add3A_164, %mul3A_35, %dma_start3A_167] : memref<384x224x224xf32, #tpu.memory_space<hbm>> -> memref<6x32x224xf32, #tpu.memory_space<hbm>>
          tpu.enqueue_dma source(%dma_start3A_168 : memref<6x32x224xf32, #tpu.memory_space<hbm>>) target(%arg8 : memref<6x32x224xf32, #tpu.memory_space<vmem>>) target_semaphore(%arg11 : memref<!tpu.dma_semaphore, #tpu.memory_space<semaphore_mem>>)
        } else {
        }
        %scan3A_157 = arith.constant 0 : i32
        scf.yield %scan3A_157 : i32
      }
      %scan3A_73 = arith.constant 4 : i32
      %mul3A_74 = arith.constant 6400 : i32
      %mul3A_75 = arith.muli %add3A, %mul3A_74 : i32
      "tpu.region"() ({
        %run_scoped3A = tpu.sem_alloc : memref<!tpu.dma_semaphore, #tpu.memory_space<semaphore_mem>>
        %dma_start3A_76 = tpu.memref_slice %arg4[%mul3A_75] : memref<179200xf32, #tpu.memory_space<hbm>> -> memref<6400xf32, #tpu.memory_space<hbm>>
        %dma_start3A_77 = tpu.memref_slice %arg4[%mul3A_75] : memref<179200xf32, #tpu.memory_space<hbm>> -> memref<6400xf32, #tpu.memory_space<hbm>>
        tpu.enqueue_dma source(%arg9 : memref<6400xf32, #tpu.memory_space<vmem>>) target(%dma_start3A_77 : memref<6400xf32, #tpu.memory_space<hbm>>) target_semaphore(%run_scoped3A : memref<!tpu.dma_semaphore, #tpu.memory_space<semaphore_mem>>)
        %dma_wait3A = tpu.memref_slice %arg4[%mul3A_75] : memref<179200xf32, #tpu.memory_space<hbm>> -> memref<6400xf32, #tpu.memory_space<hbm>>
        %dma_wait3A_78 = tpu.memref_slice %arg4[%mul3A_75] : memref<179200xf32, #tpu.memory_space<hbm>> -> memref<6400xf32, #tpu.memory_space<hbm>>
        tpu.wait_dma2 semaphore(%run_scoped3A : memref<!tpu.dma_semaphore, #tpu.memory_space<semaphore_mem>>) src(%arg9 : memref<6400xf32, #tpu.memory_space<vmem>>) dst(%dma_wait3A_78 : memref<6400xf32, #tpu.memory_space<hbm>>)
        tpu.yield
      }) : () -> ()
    } else {
    }
    return
  }
}

module attributes {stable_mosaic.version = 14 : i64} {
  func.func @_tc_stats_body(%arg0: i32, %arg1: i32, %arg2: memref<48x32x224xf32, #tpu.memory_space<vmem>>, %arg3: memref<1x32x224xi32, #tpu.memory_space<vmem>>, %arg4: memref<1x8x48xf32, #tpu.memory_space<vmem>>, %arg5: memref<1x1x8xf32, #tpu.memory_space<vmem>>) attributes {dimension_semantics = [#tpu.dimension_semantics<arbitrary>, #tpu.dimension_semantics<arbitrary>], iteration_bounds = array<i64: 4, 7>, scalar_prefetch = 0 : i64, scratch_operands = 0 : i64, tpu.core_type = #tpu.core_type<tc>, window_params = [{transform_indices = @transform_0, window_bounds = array<i64: 48, 32, 224>}, {transform_indices = @transform_1, window_bounds = array<i64: 1, 32, 224>}, {transform_indices = @transform_2, window_bounds = array<i64: 1, 8, 48>}, {transform_indices = @transform_3, window_bounds = array<i64: 1, 1, 8>}]} {
    %eq3A = arith.constant 0 : i32
    %eq3A_0 = arith.cmpi eq, %arg1, %eq3A : i32
    %convert_element_type3A = arith.extui %eq3A_0 : i1 to i32
    %cond3A = arith.constant 0 : i32
    %cond3A_1 = arith.cmpi ne, %convert_element_type3A, %cond3A : i32
    scf.if %cond3A_1 {
      %broadcast_in_dim3A_171 = arith.constant 0.000000e+00 : f32
      %broadcast_in_dim3A_172 = vector.broadcast %broadcast_in_dim3A_171 : f32 to vector<1x8x48xf32>
      %swap3A_173 = arith.constant 0 : index
      %swap3A_174 = arith.constant 0 : index
      %swap3A_175 = arith.constant 0 : index
      %swap3A_176 = vector.load %arg4[%swap3A_173, %swap3A_174, %swap3A_175] : memref<1x8x48xf32, #tpu.memory_space<vmem>>, vector<1x8x48xf32>
      tpu.vector_store %arg4[%swap3A_173, %swap3A_174, %swap3A_175], %broadcast_in_dim3A_172 {strides = array<i32>} : memref<1x8x48xf32, #tpu.memory_space<vmem>>, vector<1x8x48xf32>,
      %broadcast_in_dim3A_177 = arith.constant 0.000000e+00 : f32
      %broadcast_in_dim3A_178 = vector.broadcast %broadcast_in_dim3A_177 : f32 to vector<1x1x8xf32>
      %swap3A_179 = arith.constant 0 : index
      %swap3A_180 = arith.constant 0 : index
      %swap3A_181 = arith.constant 0 : index
      %swap3A_182 = vector.load %arg5[%swap3A_179, %swap3A_180, %swap3A_181] : memref<1x1x8xf32, #tpu.memory_space<vmem>>, vector<1x1x8xf32>
      tpu.vector_store %arg5[%swap3A_179, %swap3A_180, %swap3A_181], %broadcast_in_dim3A_178 {strides = array<i32>} : memref<1x1x8xf32, #tpu.memory_space<vmem>>, vector<1x1x8xf32>,
    } else {
    }
    %get3A = arith.constant 0 : index
    %get3A_2 = arith.constant 0 : index
    %get3A_3 = arith.constant 0 : index
    %get3A_4 = vector.load %arg2[%get3A, %get3A_2, %get3A_3] : memref<48x32x224xf32, #tpu.memory_space<vmem>>, vector<48x32x224xf32>
    %get3A_5 = arith.constant 0 : index
    %get3A_6 = arith.constant 0 : index
    %get3A_7 = arith.constant 0 : index
    %get3A_8 = vector.load %arg3[%get3A_5, %get3A_6, %get3A_7] : memref<1x32x224xi32, #tpu.memory_space<vmem>>, vector<1x32x224xi32>
    %get3A_9 = vector.shape_cast %get3A_8 : vector<1x32x224xi32> to vector<32x224xi32>
    %mul3A = arith.mulf %get3A_4, %get3A_4 : vector<48x32x224xf32>
    %reduce_sum3A = arith.constant dense<0.000000e+00> : vector<32x224xf32>
    %reduce_sum3A_10 = vector.multi_reduction <add>, %mul3A, %reduce_sum3A [0] : vector<48x32x224xf32> to vector<32x224xf32>
    %eq3A_11 = arith.constant 0 : i32
    %eq3A_12 = vector.broadcast %eq3A_11 : i32 to vector<32x224xi32>
    %eq3A_13 = arith.cmpi eq, %get3A_9, %eq3A_12 : vector<32x224xi32>
    %convert_element_type3A_14 = arith.extui %eq3A_13 : vector<32x224xi1> to vector<32x224xi32>
    %convert_element_type3A_15 = arith.sitofp %convert_element_type3A_14 : vector<32x224xi32> to vector<32x224xf32>
    %mul3A_16 = arith.mulf %reduce_sum3A_10, %convert_element_type3A_15 : vector<32x224xf32>
    %reduce_sum3A_17 = vector.shape_cast %mul3A_16 : vector<32x224xf32> to vector<1x32x224xf32>
    %reduce_sum3A_18 = arith.constant dense<0.000000e+00> : vector<1xf32>
    %reduce_sum3A_19 = vector.multi_reduction <add>, %reduce_sum3A_17, %reduce_sum3A_18 [1, 2] : vector<1x32x224xf32> to vector<1xf32>
    %reduce_sum3A_20 = vector.shape_cast %reduce_sum3A_19 : vector<1xf32> to vector<1x1x1xf32>
    %reduce_sum3A_21 = vector.extract %reduce_sum3A_20[0, 0, 0] : f32 from vector<1x1x1xf32>
    %eq3A_22 = arith.constant 1 : i32
    %eq3A_23 = vector.broadcast %eq3A_22 : i32 to vector<32x224xi32>
    %eq3A_24 = arith.cmpi eq, %get3A_9, %eq3A_23 : vector<32x224xi32>
    %convert_element_type3A_25 = arith.extui %eq3A_24 : vector<32x224xi1> to vector<32x224xi32>
    %convert_element_type3A_26 = arith.sitofp %convert_element_type3A_25 : vector<32x224xi32> to vector<32x224xf32>
    %broadcast_in_dim3A = vector.shape_cast %convert_element_type3A_26 : vector<32x224xf32> to vector<1x32x224xf32>
    %mul3A_27 = vector.broadcast %broadcast_in_dim3A : vector<1x32x224xf32> to vector<48x32x224xf32>
    %mul3A_28 = arith.mulf %get3A_4, %mul3A_27 : vector<48x32x224xf32>
    %reduce_sum3A_29 = arith.constant dense<0.000000e+00> : vector<48xf32>
    %reduce_sum3A_30 = vector.multi_reduction <add>, %mul3A_28, %reduce_sum3A_29 [1, 2] : vector<48x32x224xf32> to vector<48xf32>
    %mul3A_31 = arith.mulf %reduce_sum3A_10, %convert_element_type3A_26 : vector<32x224xf32>
    %reduce_sum3A_32 = vector.shape_cast %mul3A_31 : vector<32x224xf32> to vector<1x32x224xf32>
    %reduce_sum3A_33 = arith.constant dense<0.000000e+00> : vector<1xf32>
    %reduce_sum3A_34 = vector.multi_reduction <add>, %reduce_sum3A_32, %reduce_sum3A_33 [1, 2] : vector<1x32x224xf32> to vector<1xf32>
    %reduce_sum3A_35 = vector.shape_cast %reduce_sum3A_34 : vector<1xf32> to vector<1x1x1xf32>
    %reduce_sum3A_36 = vector.extract %reduce_sum3A_35[0, 0, 0] : f32 from vector<1x1x1xf32>
    %eq3A_37 = arith.constant 2 : i32
    %eq3A_38 = vector.broadcast %eq3A_37 : i32 to vector<32x224xi32>
    %eq3A_39 = arith.cmpi eq, %get3A_9, %eq3A_38 : vector<32x224xi32>
    %convert_element_type3A_40 = arith.extui %eq3A_39 : vector<32x224xi1> to vector<32x224xi32>
    %convert_element_type3A_41 = arith.sitofp %convert_element_type3A_40 : vector<32x224xi32> to vector<32x224xf32>
    %broadcast_in_dim3A_42 = vector.shape_cast %convert_element_type3A_41 : vector<32x224xf32> to vector<1x32x224xf32>
    %mul3A_43 = vector.broadcast %broadcast_in_dim3A_42 : vector<1x32x224xf32> to vector<48x32x224xf32>
    %mul3A_44 = arith.mulf %get3A_4, %mul3A_43 : vector<48x32x224xf32>
    %reduce_sum3A_45 = arith.constant dense<0.000000e+00> : vector<48xf32>
    %reduce_sum3A_46 = vector.multi_reduction <add>, %mul3A_44, %reduce_sum3A_45 [1, 2] : vector<48x32x224xf32> to vector<48xf32>
    %mul3A_47 = arith.mulf %reduce_sum3A_10, %convert_element_type3A_41 : vector<32x224xf32>
    %reduce_sum3A_48 = vector.shape_cast %mul3A_47 : vector<32x224xf32> to vector<1x32x224xf32>
    %reduce_sum3A_49 = arith.constant dense<0.000000e+00> : vector<1xf32>
    %reduce_sum3A_50 = vector.multi_reduction <add>, %reduce_sum3A_48, %reduce_sum3A_49 [1, 2] : vector<1x32x224xf32> to vector<1xf32>
    %reduce_sum3A_51 = vector.shape_cast %reduce_sum3A_50 : vector<1xf32> to vector<1x1x1xf32>
    %reduce_sum3A_52 = vector.extract %reduce_sum3A_51[0, 0, 0] : f32 from vector<1x1x1xf32>
    %eq3A_53 = arith.constant 3 : i32
    %eq3A_54 = vector.broadcast %eq3A_53 : i32 to vector<32x224xi32>
    %eq3A_55 = arith.cmpi eq, %get3A_9, %eq3A_54 : vector<32x224xi32>
    %convert_element_type3A_56 = arith.extui %eq3A_55 : vector<32x224xi1> to vector<32x224xi32>
    %convert_element_type3A_57 = arith.sitofp %convert_element_type3A_56 : vector<32x224xi32> to vector<32x224xf32>
    %broadcast_in_dim3A_58 = vector.shape_cast %convert_element_type3A_57 : vector<32x224xf32> to vector<1x32x224xf32>
    %mul3A_59 = vector.broadcast %broadcast_in_dim3A_58 : vector<1x32x224xf32> to vector<48x32x224xf32>
    %mul3A_60 = arith.mulf %get3A_4, %mul3A_59 : vector<48x32x224xf32>
    %reduce_sum3A_61 = arith.constant dense<0.000000e+00> : vector<48xf32>
    %reduce_sum3A_62 = vector.multi_reduction <add>, %mul3A_60, %reduce_sum3A_61 [1, 2] : vector<48x32x224xf32> to vector<48xf32>
    %mul3A_63 = arith.mulf %reduce_sum3A_10, %convert_element_type3A_57 : vector<32x224xf32>
    %reduce_sum3A_64 = vector.shape_cast %mul3A_63 : vector<32x224xf32> to vector<1x32x224xf32>
    %reduce_sum3A_65 = arith.constant dense<0.000000e+00> : vector<1xf32>
    %reduce_sum3A_66 = vector.multi_reduction <add>, %reduce_sum3A_64, %reduce_sum3A_65 [1, 2] : vector<1x32x224xf32> to vector<1xf32>
    %reduce_sum3A_67 = vector.shape_cast %reduce_sum3A_66 : vector<1xf32> to vector<1x1x1xf32>
    %reduce_sum3A_68 = vector.extract %reduce_sum3A_67[0, 0, 0] : f32 from vector<1x1x1xf32>
    %eq3A_69 = arith.constant 4 : i32
    %eq3A_70 = vector.broadcast %eq3A_69 : i32 to vector<32x224xi32>
    %eq3A_71 = arith.cmpi eq, %get3A_9, %eq3A_70 : vector<32x224xi32>
    %convert_element_type3A_72 = arith.extui %eq3A_71 : vector<32x224xi1> to vector<32x224xi32>
    %convert_element_type3A_73 = arith.sitofp %convert_element_type3A_72 : vector<32x224xi32> to vector<32x224xf32>
    %broadcast_in_dim3A_74 = vector.shape_cast %convert_element_type3A_73 : vector<32x224xf32> to vector<1x32x224xf32>
    %mul3A_75 = vector.broadcast %broadcast_in_dim3A_74 : vector<1x32x224xf32> to vector<48x32x224xf32>
    %mul3A_76 = arith.mulf %get3A_4, %mul3A_75 : vector<48x32x224xf32>
    %reduce_sum3A_77 = arith.constant dense<0.000000e+00> : vector<48xf32>
    %reduce_sum3A_78 = vector.multi_reduction <add>, %mul3A_76, %reduce_sum3A_77 [1, 2] : vector<48x32x224xf32> to vector<48xf32>
    %mul3A_79 = arith.mulf %reduce_sum3A_10, %convert_element_type3A_73 : vector<32x224xf32>
    %reduce_sum3A_80 = vector.shape_cast %mul3A_79 : vector<32x224xf32> to vector<1x32x224xf32>
    %reduce_sum3A_81 = arith.constant dense<0.000000e+00> : vector<1xf32>
    %reduce_sum3A_82 = vector.multi_reduction <add>, %reduce_sum3A_80, %reduce_sum3A_81 [1, 2] : vector<1x32x224xf32> to vector<1xf32>
    %reduce_sum3A_83 = vector.shape_cast %reduce_sum3A_82 : vector<1xf32> to vector<1x1x1xf32>
    %reduce_sum3A_84 = vector.extract %reduce_sum3A_83[0, 0, 0] : f32 from vector<1x1x1xf32>
    %eq3A_85 = arith.constant 5 : i32
    %eq3A_86 = vector.broadcast %eq3A_85 : i32 to vector<32x224xi32>
    %eq3A_87 = arith.cmpi eq, %get3A_9, %eq3A_86 : vector<32x224xi32>
    %convert_element_type3A_88 = arith.extui %eq3A_87 : vector<32x224xi1> to vector<32x224xi32>
    %convert_element_type3A_89 = arith.sitofp %convert_element_type3A_88 : vector<32x224xi32> to vector<32x224xf32>
    %broadcast_in_dim3A_90 = vector.shape_cast %convert_element_type3A_89 : vector<32x224xf32> to vector<1x32x224xf32>
    %mul3A_91 = vector.broadcast %broadcast_in_dim3A_90 : vector<1x32x224xf32> to vector<48x32x224xf32>
    %mul3A_92 = arith.mulf %get3A_4, %mul3A_91 : vector<48x32x224xf32>
    %reduce_sum3A_93 = arith.constant dense<0.000000e+00> : vector<48xf32>
    %reduce_sum3A_94 = vector.multi_reduction <add>, %mul3A_92, %reduce_sum3A_93 [1, 2] : vector<48x32x224xf32> to vector<48xf32>
    %mul3A_95 = arith.mulf %reduce_sum3A_10, %convert_element_type3A_89 : vector<32x224xf32>
    %reduce_sum3A_96 = vector.shape_cast %mul3A_95 : vector<32x224xf32> to vector<1x32x224xf32>
    %reduce_sum3A_97 = arith.constant dense<0.000000e+00> : vector<1xf32>
    %reduce_sum3A_98 = vector.multi_reduction <add>, %reduce_sum3A_96, %reduce_sum3A_97 [1, 2] : vector<1x32x224xf32> to vector<1xf32>
    %reduce_sum3A_99 = vector.shape_cast %reduce_sum3A_98 : vector<1xf32> to vector<1x1x1xf32>
    %reduce_sum3A_100 = vector.extract %reduce_sum3A_99[0, 0, 0] : f32 from vector<1x1x1xf32>
    %eq3A_101 = arith.constant 6 : i32
    %eq3A_102 = vector.broadcast %eq3A_101 : i32 to vector<32x224xi32>
    %eq3A_103 = arith.cmpi eq, %get3A_9, %eq3A_102 : vector<32x224xi32>
    %convert_element_type3A_104 = arith.extui %eq3A_103 : vector<32x224xi1> to vector<32x224xi32>
    %convert_element_type3A_105 = arith.sitofp %convert_element_type3A_104 : vector<32x224xi32> to vector<32x224xf32>
    %broadcast_in_dim3A_106 = vector.shape_cast %convert_element_type3A_105 : vector<32x224xf32> to vector<1x32x224xf32>
    %mul3A_107 = vector.broadcast %broadcast_in_dim3A_106 : vector<1x32x224xf32> to vector<48x32x224xf32>
    %mul3A_108 = arith.mulf %get3A_4, %mul3A_107 : vector<48x32x224xf32>
    %reduce_sum3A_109 = arith.constant dense<0.000000e+00> : vector<48xf32>
    %reduce_sum3A_110 = vector.multi_reduction <add>, %mul3A_108, %reduce_sum3A_109 [1, 2] : vector<48x32x224xf32> to vector<48xf32>
    %mul3A_111 = arith.mulf %reduce_sum3A_10, %convert_element_type3A_105 : vector<32x224xf32>
    %reduce_sum3A_112 = vector.shape_cast %mul3A_111 : vector<32x224xf32> to vector<1x32x224xf32>
    %reduce_sum3A_113 = arith.constant dense<0.000000e+00> : vector<1xf32>
    %reduce_sum3A_114 = vector.multi_reduction <add>, %reduce_sum3A_112, %reduce_sum3A_113 [1, 2] : vector<1x32x224xf32> to vector<1xf32>
    %reduce_sum3A_115 = vector.shape_cast %reduce_sum3A_114 : vector<1xf32> to vector<1x1x1xf32>
    %reduce_sum3A_116 = vector.extract %reduce_sum3A_115[0, 0, 0] : f32 from vector<1x1x1xf32>
    %eq3A_117 = arith.constant 7 : i32
    %eq3A_118 = vector.broadcast %eq3A_117 : i32 to vector<32x224xi32>
    %eq3A_119 = arith.cmpi eq, %get3A_9, %eq3A_118 : vector<32x224xi32>
    %convert_element_type3A_120 = arith.extui %eq3A_119 : vector<32x224xi1> to vector<32x224xi32>
    %convert_element_type3A_121 = arith.sitofp %convert_element_type3A_120 : vector<32x224xi32> to vector<32x224xf32>
    %broadcast_in_dim3A_122 = vector.shape_cast %convert_element_type3A_121 : vector<32x224xf32> to vector<1x32x224xf32>
    %mul3A_123 = vector.broadcast %broadcast_in_dim3A_122 : vector<1x32x224xf32> to vector<48x32x224xf32>
    %mul3A_124 = arith.mulf %get3A_4, %mul3A_123 : vector<48x32x224xf32>
    %reduce_sum3A_125 = arith.constant dense<0.000000e+00> : vector<48xf32>
    %reduce_sum3A_126 = vector.multi_reduction <add>, %mul3A_124, %reduce_sum3A_125 [1, 2] : vector<48x32x224xf32> to vector<48xf32>
    %mul3A_127 = arith.mulf %reduce_sum3A_10, %convert_element_type3A_121 : vector<32x224xf32>
    %reduce_sum3A_128 = vector.shape_cast %mul3A_127 : vector<32x224xf32> to vector<1x32x224xf32>
    %reduce_sum3A_129 = arith.constant dense<0.000000e+00> : vector<1xf32>
    %reduce_sum3A_130 = vector.multi_reduction <add>, %reduce_sum3A_128, %reduce_sum3A_129 [1, 2] : vector<1x32x224xf32> to vector<1xf32>
    %reduce_sum3A_131 = vector.shape_cast %reduce_sum3A_130 : vector<1xf32> to vector<1x1x1xf32>
    %reduce_sum3A_132 = vector.extract %reduce_sum3A_131[0, 0, 0] : f32 from vector<1x1x1xf32>
    %get3A_133 = arith.constant 0 : index
    %get3A_134 = arith.constant 1 : index
    %get3A_135 = arith.constant 0 : index
    %get3A_136 = vector.load %arg4[%get3A_133, %get3A_134, %get3A_135] : memref<1x8x48xf32, #tpu.memory_space<vmem>>, vector<1x7x48xf32>
    %get3A_137 = vector.shape_cast %get3A_136 : vector<1x7x48xf32> to vector<7x48xf32>
    %stack3A = vector.shape_cast %reduce_sum3A_30 : vector<48xf32> to vector<1x48xf32>
    %stack3A_138 = vector.shape_cast %reduce_sum3A_46 : vector<48xf32> to vector<1x48xf32>
    %stack3A_139 = vector.shape_cast %reduce_sum3A_62 : vector<48xf32> to vector<1x48xf32>
    %stack3A_140 = vector.shape_cast %reduce_sum3A_78 : vector<48xf32> to vector<1x48xf32>
    %stack3A_141 = vector.shape_cast %reduce_sum3A_94 : vector<48xf32> to vector<1x48xf32>
    %stack3A_142 = vector.shape_cast %reduce_sum3A_110 : vector<48xf32> to vector<1x48xf32>
    %stack3A_143 = vector.shape_cast %reduce_sum3A_126 : vector<48xf32> to vector<1x48xf32>
    %stack3A_144 = tpu.concatenate %stack3A, %stack3A_138, %stack3A_139, %stack3A_140, %stack3A_141, %stack3A_142, %stack3A_143 in 0 : vector<1x48xf32>, vector<1x48xf32>, vector<1x48xf32>, vector<1x48xf32>, vector<1x48xf32>, vector<1x48xf32>, vector<1x48xf32> -> vector<7x48xf32>
    %add3A = arith.addf %get3A_137, %stack3A_144 : vector<7x48xf32>
    %swap3A = arith.constant 0 : index
    %swap3A_145 = arith.constant 1 : index
    %swap3A_146 = arith.constant 0 : index
    %swap3A_147 = vector.load %arg4[%swap3A, %swap3A_145, %swap3A_146] : memref<1x8x48xf32, #tpu.memory_space<vmem>>, vector<1x7x48xf32>
    %swap3A_148 = vector.shape_cast %swap3A_147 : vector<1x7x48xf32> to vector<7x48xf32>
    %swap3A_149 = vector.shape_cast %add3A : vector<7x48xf32> to vector<1x7x48xf32>
    tpu.vector_store %arg4[%swap3A, %swap3A_145, %swap3A_146], %swap3A_149 {strides = array<i32>} : memref<1x8x48xf32, #tpu.memory_space<vmem>>, vector<1x7x48xf32>,
    %get3A_150 = arith.constant 0 : index
    %get3A_151 = arith.constant 0 : index
    %get3A_152 = arith.constant 0 : index
    %get3A_153 = vector.load %arg5[%get3A_150, %get3A_151, %get3A_152] : memref<1x1x8xf32, #tpu.memory_space<vmem>>, vector<1x1x8xf32>
    %get3A_154 = vector.shape_cast %get3A_153 : vector<1x1x8xf32> to vector<8xf32>
    %stack3A_155 = vector.broadcast %reduce_sum3A_21 : f32 to vector<1xf32>
    %stack3A_156 = vector.broadcast %reduce_sum3A_36 : f32 to vector<1xf32>
    %stack3A_157 = vector.broadcast %reduce_sum3A_52 : f32 to vector<1xf32>
    %stack3A_158 = vector.broadcast %reduce_sum3A_68 : f32 to vector<1xf32>
    %stack3A_159 = vector.broadcast %reduce_sum3A_84 : f32 to vector<1xf32>
    %stack3A_160 = vector.broadcast %reduce_sum3A_100 : f32 to vector<1xf32>
    %stack3A_161 = vector.broadcast %reduce_sum3A_116 : f32 to vector<1xf32>
    %stack3A_162 = vector.broadcast %reduce_sum3A_132 : f32 to vector<1xf32>
    %stack3A_163 = tpu.concatenate %stack3A_155, %stack3A_156, %stack3A_157, %stack3A_158, %stack3A_159, %stack3A_160, %stack3A_161, %stack3A_162 in 0 : vector<1xf32>, vector<1xf32>, vector<1xf32>, vector<1xf32>, vector<1xf32>, vector<1xf32>, vector<1xf32>, vector<1xf32> -> vector<8xf32>
    %add3A_164 = arith.addf %get3A_154, %stack3A_163 : vector<8xf32>
    %swap3A_165 = arith.constant 0 : index
    %swap3A_166 = arith.constant 0 : index
    %swap3A_167 = arith.constant 0 : index
    %swap3A_168 = vector.load %arg5[%swap3A_165, %swap3A_166, %swap3A_167] : memref<1x1x8xf32, #tpu.memory_space<vmem>>, vector<1x1x8xf32>
    %swap3A_169 = vector.shape_cast %swap3A_168 : vector<1x1x8xf32> to vector<8xf32>
    %swap3A_170 = vector.shape_cast %add3A_164 : vector<8xf32> to vector<1x1x8xf32>
    tpu.vector_store %arg5[%swap3A_165, %swap3A_166, %swap3A_167], %swap3A_170 {strides = array<i32>} : memref<1x1x8xf32, #tpu.memory_space<vmem>>, vector<1x1x8xf32>,
    return
  }
  func.func @transform_0(%arg0: i32, %arg1: i32) -> (i32, i32, i32) {
    %mul3A = arith.constant 2 : i32
    %mul3A_0 = arith.muli %mul3A, %arg0 : i32
    %add3A = arith.constant 1 : i32
    %add3A_1 = arith.addi %mul3A_0, %add3A : i32
    %c0_i32 = arith.constant 0 : i32
    %c0_i32_2 = arith.constant 0 : i32
    return %add3A_1, %arg1, %c0_i32 : i32, i32, i32
  }
  func.func @transform_1(%arg0: i32, %arg1: i32) -> (i32, i32, i32) {
    %c0_i32 = arith.constant 0 : i32
    %c0_i32_0 = arith.constant 0 : i32
    return %arg0, %arg1, %c0_i32 : i32, i32, i32
  }
  func.func @transform_2(%arg0: i32, %arg1: i32) -> (i32, i32, i32) {
    %c0_i32 = arith.constant 0 : i32
    %c0_i32_0 = arith.constant 0 : i32
    %c0_i32_1 = arith.constant 0 : i32
    return %arg0, %c0_i32, %c0_i32_0 : i32, i32, i32
  }
  func.func @transform_3(%arg0: i32, %arg1: i32) -> (i32, i32, i32) {
    %c0_i32 = arith.constant 0 : i32
    %c0_i32_0 = arith.constant 0 : i32
    %c0_i32_1 = arith.constant 0 : i32
    return %arg0, %c0_i32, %c0_i32_0 : i32, i32, i32
  }
}

module attributes {stable_mosaic.version = 14 : i64} {
  func.func @_epi_body(%arg0: memref<28x50x128xf32, #tpu.memory_space<vmem>>, %arg1: memref<4x8x48xf32, #tpu.memory_space<vmem>>, %arg2: memref<4x1x8xf32, #tpu.memory_space<vmem>>, %arg3: memref<1x1xf32, #tpu.memory_space<vmem>>) attributes {dimension_semantics = [], scalar_prefetch = 0 : i64, scratch_operands = 0 : i64, tpu.core_type = #tpu.core_type<tc>} {
    %iota3A = tpu.iota {dimensions = array<i32: 0>} : vector<128x8xi32>
    %iota3A_0 = tpu.iota {dimensions = array<i32: 1>} : vector<128x8xi32>
    %jit3A = arith.constant 16 : i32
    %div3A = vector.broadcast %jit3A : i32 to vector<128x8xi32>
    %div3A_1 = arith.divsi %iota3A, %div3A : vector<128x8xi32>
    %sign3A = arith.constant 0 : i32
    %sign3A_2 = vector.broadcast %sign3A : i32 to vector<128x8xi32>
    %sign3A_3 = arith.cmpi sgt, %iota3A, %sign3A_2 : vector<128x8xi32>
    %sign3A_4 = arith.extui %sign3A_3 : vector<128x8xi1> to vector<128x8xi32>
    %sign3A_5 = arith.constant 0 : i32
    %sign3A_6 = vector.broadcast %sign3A_5 : i32 to vector<128x8xi32>
    %sign3A_7 = arith.cmpi slt, %iota3A, %sign3A_6 : vector<128x8xi32>
    %sign3A_8 = arith.extui %sign3A_7 : vector<128x8xi1> to vector<128x8xi32>
    %sign3A_9 = arith.subi %sign3A_4, %sign3A_8 : vector<128x8xi32>
    %sign3A_10 = arith.constant 0 : i32
    %sign3A_11 = arith.cmpi sgt, %jit3A, %sign3A_10 : i32
    %sign3A_12 = arith.extui %sign3A_11 : i1 to i32
    %sign3A_13 = arith.constant 0 : i32
    %sign3A_14 = arith.cmpi slt, %jit3A, %sign3A_13 : i32
    %sign3A_15 = arith.extui %sign3A_14 : i1 to i32
    %sign3A_16 = arith.subi %sign3A_12, %sign3A_15 : i32
    %ne3A = vector.broadcast %sign3A_16 : i32 to vector<128x8xi32>
    %ne3A_17 = arith.cmpi ne, %sign3A_9, %ne3A : vector<128x8xi32>
    %rem3A = vector.broadcast %jit3A : i32 to vector<128x8xi32>
    %rem3A_18 = arith.remsi %iota3A, %rem3A : vector<128x8xi32>
    %ne3A_19 = arith.constant 0 : i32
    %ne3A_20 = vector.broadcast %ne3A_19 : i32 to vector<128x8xi32>
    %ne3A_21 = arith.cmpi ne, %rem3A_18, %ne3A_20 : vector<128x8xi32>
    %and3A = arith.andi %ne3A_17, %ne3A_21 : vector<128x8xi1>
    %sub3A = arith.constant 1 : i32
    %sub3A_22 = vector.broadcast %sub3A : i32 to vector<128x8xi32>
    %sub3A_23 = arith.subi %div3A_1, %sub3A_22 : vector<128x8xi32>
    %select_n3A = arith.select %and3A, %sub3A_23, %div3A_1 : vector<128x8xi1>, vector<128x8xi32>
    %eq3A = arith.cmpi eq, %select_n3A, %iota3A_0 : vector<128x8xi32>
    %convert_element_type3A = arith.extui %eq3A : vector<128x8xi1> to vector<128x8xi32>
    %convert_element_type3A_24 = arith.sitofp %convert_element_type3A : vector<128x8xi32> to vector<128x8xf32>
    %get3A = arith.constant 0 : index
    %get3A_25 = arith.constant 0 : index
    %get3A_26 = arith.constant 0 : index
    %get3A_27 = vector.load %arg0[%get3A, %get3A_25, %get3A_26] : memref<28x50x128xf32, #tpu.memory_space<vmem>>, vector<1x50x128xf32>
    %get3A_28 = vector.shape_cast %get3A_27 : vector<1x50x128xf32> to vector<50x128xf32>
    %get3A_29 = arith.constant 1 : index
    %get3A_30 = arith.constant 0 : index
    %get3A_31 = arith.constant 0 : index
    %get3A_32 = vector.load %arg0[%get3A_29, %get3A_30, %get3A_31] : memref<28x50x128xf32, #tpu.memory_space<vmem>>, vector<1x50x128xf32>
    %get3A_33 = vector.shape_cast %get3A_32 : vector<1x50x128xf32> to vector<50x128xf32>
    %add3A = arith.addf %get3A_28, %get3A_33 : vector<50x128xf32>
    %get3A_34 = arith.constant 2 : index
    %get3A_35 = arith.constant 0 : index
    %get3A_36 = arith.constant 0 : index
    %get3A_37 = vector.load %arg0[%get3A_34, %get3A_35, %get3A_36] : memref<28x50x128xf32, #tpu.memory_space<vmem>>, vector<1x50x128xf32>
    %get3A_38 = vector.shape_cast %get3A_37 : vector<1x50x128xf32> to vector<50x128xf32>
    %add3A_39 = arith.addf %add3A, %get3A_38 : vector<50x128xf32>
    %get3A_40 = arith.constant 3 : index
    %get3A_41 = arith.constant 0 : index
    %get3A_42 = arith.constant 0 : index
    %get3A_43 = vector.load %arg0[%get3A_40, %get3A_41, %get3A_42] : memref<28x50x128xf32, #tpu.memory_space<vmem>>, vector<1x50x128xf32>
    %get3A_44 = vector.shape_cast %get3A_43 : vector<1x50x128xf32> to vector<50x128xf32>
    %add3A_45 = arith.addf %add3A_39, %get3A_44 : vector<50x128xf32>
    %get3A_46 = arith.constant 4 : index
    %get3A_47 = arith.constant 0 : index
    %get3A_48 = arith.constant 0 : index
    %get3A_49 = vector.load %arg0[%get3A_46, %get3A_47, %get3A_48] : memref<28x50x128xf32, #tpu.memory_space<vmem>>, vector<1x50x128xf32>
    %get3A_50 = vector.shape_cast %get3A_49 : vector<1x50x128xf32> to vector<50x128xf32>
    %add3A_51 = arith.addf %add3A_45, %get3A_50 : vector<50x128xf32>
    %get3A_52 = arith.constant 5 : index
    %get3A_53 = arith.constant 0 : index
    %get3A_54 = arith.constant 0 : index
    %get3A_55 = vector.load %arg0[%get3A_52, %get3A_53, %get3A_54] : memref<28x50x128xf32, #tpu.memory_space<vmem>>, vector<1x50x128xf32>
    %get3A_56 = vector.shape_cast %get3A_55 : vector<1x50x128xf32> to vector<50x128xf32>
    %add3A_57 = arith.addf %add3A_51, %get3A_56 : vector<50x128xf32>
    %get3A_58 = arith.constant 6 : index
    %get3A_59 = arith.constant 0 : index
    %get3A_60 = arith.constant 0 : index
    %get3A_61 = vector.load %arg0[%get3A_58, %get3A_59, %get3A_60] : memref<28x50x128xf32, #tpu.memory_space<vmem>>, vector<1x50x128xf32>
    %get3A_62 = vector.shape_cast %get3A_61 : vector<1x50x128xf32> to vector<50x128xf32>
    %add3A_63 = arith.addf %add3A_57, %get3A_62 : vector<50x128xf32>
    %dot_general3A = arith.constant dense<0.000000e+00> : vector<50x8xf32>
    %dot_general3A_64 = tpu.matmul %add3A_63, %convert_element_type3A_24, %dot_general3A {dimension_numbers = #tpu.dot_dimension_numbers<[1], [0], [0], [1], [0, 0, 1, 1], [], []>, transpose_lhs_hint = false} : vector<50x128xf32>, vector<128x8xf32>, vector<50x8xf32> -> vector<50x8xf32>
    %get3A_65 = arith.constant 7 : index
    %get3A_66 = arith.constant 0 : index
    %get3A_67 = arith.constant 0 : index
    %get3A_68 = vector.load %arg0[%get3A_65, %get3A_66, %get3A_67] : memref<28x50x128xf32, #tpu.memory_space<vmem>>, vector<1x50x128xf32>
    %get3A_69 = vector.shape_cast %get3A_68 : vector<1x50x128xf32> to vector<50x128xf32>
    %get3A_70 = arith.constant 8 : index
    %get3A_71 = arith.constant 0 : index
    %get3A_72 = arith.constant 0 : index
    %get3A_73 = vector.load %arg0[%get3A_70, %get3A_71, %get3A_72] : memref<28x50x128xf32, #tpu.memory_space<vmem>>, vector<1x50x128xf32>
    %get3A_74 = vector.shape_cast %get3A_73 : vector<1x50x128xf32> to vector<50x128xf32>
    %add3A_75 = arith.addf %get3A_69, %get3A_74 : vector<50x128xf32>
    %get3A_76 = arith.constant 9 : index
    %get3A_77 = arith.constant 0 : index
    %get3A_78 = arith.constant 0 : index
    %get3A_79 = vector.load %arg0[%get3A_76, %get3A_77, %get3A_78] : memref<28x50x128xf32, #tpu.memory_space<vmem>>, vector<1x50x128xf32>
    %get3A_80 = vector.shape_cast %get3A_79 : vector<1x50x128xf32> to vector<50x128xf32>
    %add3A_81 = arith.addf %add3A_75, %get3A_80 : vector<50x128xf32>
    %get3A_82 = arith.constant 10 : index
    %get3A_83 = arith.constant 0 : index
    %get3A_84 = arith.constant 0 : index
    %get3A_85 = vector.load %arg0[%get3A_82, %get3A_83, %get3A_84] : memref<28x50x128xf32, #tpu.memory_space<vmem>>, vector<1x50x128xf32>
    %get3A_86 = vector.shape_cast %get3A_85 : vector<1x50x128xf32> to vector<50x128xf32>
    %add3A_87 = arith.addf %add3A_81, %get3A_86 : vector<50x128xf32>
    %get3A_88 = arith.constant 11 : index
    %get3A_89 = arith.constant 0 : index
    %get3A_90 = arith.constant 0 : index
    %get3A_91 = vector.load %arg0[%get3A_88, %get3A_89, %get3A_90] : memref<28x50x128xf32, #tpu.memory_space<vmem>>, vector<1x50x128xf32>
    %get3A_92 = vector.shape_cast %get3A_91 : vector<1x50x128xf32> to vector<50x128xf32>
    %add3A_93 = arith.addf %add3A_87, %get3A_92 : vector<50x128xf32>
    %get3A_94 = arith.constant 12 : index
    %get3A_95 = arith.constant 0 : index
    %get3A_96 = arith.constant 0 : index
    %get3A_97 = vector.load %arg0[%get3A_94, %get3A_95, %get3A_96] : memref<28x50x128xf32, #tpu.memory_space<vmem>>, vector<1x50x128xf32>
    %get3A_98 = vector.shape_cast %get3A_97 : vector<1x50x128xf32> to vector<50x128xf32>
    %add3A_99 = arith.addf %add3A_93, %get3A_98 : vector<50x128xf32>
    %get3A_100 = arith.constant 13 : index
    %get3A_101 = arith.constant 0 : index
    %get3A_102 = arith.constant 0 : index
    %get3A_103 = vector.load %arg0[%get3A_100, %get3A_101, %get3A_102] : memref<28x50x128xf32, #tpu.memory_space<vmem>>, vector<1x50x128xf32>
    %get3A_104 = vector.shape_cast %get3A_103 : vector<1x50x128xf32> to vector<50x128xf32>
    %add3A_105 = arith.addf %add3A_99, %get3A_104 : vector<50x128xf32>
    %dot_general3A_106 = arith.constant dense<0.000000e+00> : vector<50x8xf32>
    %dot_general3A_107 = tpu.matmul %add3A_105, %convert_element_type3A_24, %dot_general3A_106 {dimension_numbers = #tpu.dot_dimension_numbers<[1], [0], [0], [1], [0, 0, 1, 1], [], []>, transpose_lhs_hint = false} : vector<50x128xf32>, vector<128x8xf32>, vector<50x8xf32> -> vector<50x8xf32>
    %get3A_108 = arith.constant 14 : index
    %get3A_109 = arith.constant 0 : index
    %get3A_110 = arith.constant 0 : index
    %get3A_111 = vector.load %arg0[%get3A_108, %get3A_109, %get3A_110] : memref<28x50x128xf32, #tpu.memory_space<vmem>>, vector<1x50x128xf32>
    %get3A_112 = vector.shape_cast %get3A_111 : vector<1x50x128xf32> to vector<50x128xf32>
    %get3A_113 = arith.constant 15 : index
    %get3A_114 = arith.constant 0 : index
    %get3A_115 = arith.constant 0 : index
    %get3A_116 = vector.load %arg0[%get3A_113, %get3A_114, %get3A_115] : memref<28x50x128xf32, #tpu.memory_space<vmem>>, vector<1x50x128xf32>
    %get3A_117 = vector.shape_cast %get3A_116 : vector<1x50x128xf32> to vector<50x128xf32>
    %add3A_118 = arith.addf %get3A_112, %get3A_117 : vector<50x128xf32>
    %get3A_119 = arith.constant 16 : index
    %get3A_120 = arith.constant 0 : index
    %get3A_121 = arith.constant 0 : index
    %get3A_122 = vector.load %arg0[%get3A_119, %get3A_120, %get3A_121] : memref<28x50x128xf32, #tpu.memory_space<vmem>>, vector<1x50x128xf32>
    %get3A_123 = vector.shape_cast %get3A_122 : vector<1x50x128xf32> to vector<50x128xf32>
    %add3A_124 = arith.addf %add3A_118, %get3A_123 : vector<50x128xf32>
    %get3A_125 = arith.constant 17 : index
    %get3A_126 = arith.constant 0 : index
    %get3A_127 = arith.constant 0 : index
    %get3A_128 = vector.load %arg0[%get3A_125, %get3A_126, %get3A_127] : memref<28x50x128xf32, #tpu.memory_space<vmem>>, vector<1x50x128xf32>
    %get3A_129 = vector.shape_cast %get3A_128 : vector<1x50x128xf32> to vector<50x128xf32>
    %add3A_130 = arith.addf %add3A_124, %get3A_129 : vector<50x128xf32>
    %get3A_131 = arith.constant 18 : index
    %get3A_132 = arith.constant 0 : index
    %get3A_133 = arith.constant 0 : index
    %get3A_134 = vector.load %arg0[%get3A_131, %get3A_132, %get3A_133] : memref<28x50x128xf32, #tpu.memory_space<vmem>>, vector<1x50x128xf32>
    %get3A_135 = vector.shape_cast %get3A_134 : vector<1x50x128xf32> to vector<50x128xf32>
    %add3A_136 = arith.addf %add3A_130, %get3A_135 : vector<50x128xf32>
    %get3A_137 = arith.constant 19 : index
    %get3A_138 = arith.constant 0 : index
    %get3A_139 = arith.constant 0 : index
    %get3A_140 = vector.load %arg0[%get3A_137, %get3A_138, %get3A_139] : memref<28x50x128xf32, #tpu.memory_space<vmem>>, vector<1x50x128xf32>
    %get3A_141 = vector.shape_cast %get3A_140 : vector<1x50x128xf32> to vector<50x128xf32>
    %add3A_142 = arith.addf %add3A_136, %get3A_141 : vector<50x128xf32>
    %get3A_143 = arith.constant 20 : index
    %get3A_144 = arith.constant 0 : index
    %get3A_145 = arith.constant 0 : index
    %get3A_146 = vector.load %arg0[%get3A_143, %get3A_144, %get3A_145] : memref<28x50x128xf32, #tpu.memory_space<vmem>>, vector<1x50x128xf32>
    %get3A_147 = vector.shape_cast %get3A_146 : vector<1x50x128xf32> to vector<50x128xf32>
    %add3A_148 = arith.addf %add3A_142, %get3A_147 : vector<50x128xf32>
    %dot_general3A_149 = arith.constant dense<0.000000e+00> : vector<50x8xf32>
    %dot_general3A_150 = tpu.matmul %add3A_148, %convert_element_type3A_24, %dot_general3A_149 {dimension_numbers = #tpu.dot_dimension_numbers<[1], [0], [0], [1], [0, 0, 1, 1], [], []>, transpose_lhs_hint = false} : vector<50x128xf32>, vector<128x8xf32>, vector<50x8xf32> -> vector<50x8xf32>
    %get3A_151 = arith.constant 21 : index
    %get3A_152 = arith.constant 0 : index
    %get3A_153 = arith.constant 0 : index
    %get3A_154 = vector.load %arg0[%get3A_151, %get3A_152, %get3A_153] : memref<28x50x128xf32, #tpu.memory_space<vmem>>, vector<1x50x128xf32>
    %get3A_155 = vector.shape_cast %get3A_154 : vector<1x50x128xf32> to vector<50x128xf32>
    %get3A_156 = arith.constant 22 : index
    %get3A_157 = arith.constant 0 : index
    %get3A_158 = arith.constant 0 : index
    %get3A_159 = vector.load %arg0[%get3A_156, %get3A_157, %get3A_158] : memref<28x50x128xf32, #tpu.memory_space<vmem>>, vector<1x50x128xf32>
    %get3A_160 = vector.shape_cast %get3A_159 : vector<1x50x128xf32> to vector<50x128xf32>
    %add3A_161 = arith.addf %get3A_155, %get3A_160 : vector<50x128xf32>
    %get3A_162 = arith.constant 23 : index
    %get3A_163 = arith.constant 0 : index
    %get3A_164 = arith.constant 0 : index
    %get3A_165 = vector.load %arg0[%get3A_162, %get3A_163, %get3A_164] : memref<28x50x128xf32, #tpu.memory_space<vmem>>, vector<1x50x128xf32>
    %get3A_166 = vector.shape_cast %get3A_165 : vector<1x50x128xf32> to vector<50x128xf32>
    %add3A_167 = arith.addf %add3A_161, %get3A_166 : vector<50x128xf32>
    %get3A_168 = arith.constant 24 : index
    %get3A_169 = arith.constant 0 : index
    %get3A_170 = arith.constant 0 : index
    %get3A_171 = vector.load %arg0[%get3A_168, %get3A_169, %get3A_170] : memref<28x50x128xf32, #tpu.memory_space<vmem>>, vector<1x50x128xf32>
    %get3A_172 = vector.shape_cast %get3A_171 : vector<1x50x128xf32> to vector<50x128xf32>
    %add3A_173 = arith.addf %add3A_167, %get3A_172 : vector<50x128xf32>
    %get3A_174 = arith.constant 25 : index
    %get3A_175 = arith.constant 0 : index
    %get3A_176 = arith.constant 0 : index
    %get3A_177 = vector.load %arg0[%get3A_174, %get3A_175, %get3A_176] : memref<28x50x128xf32, #tpu.memory_space<vmem>>, vector<1x50x128xf32>
    %get3A_178 = vector.shape_cast %get3A_177 : vector<1x50x128xf32> to vector<50x128xf32>
    %add3A_179 = arith.addf %add3A_173, %get3A_178 : vector<50x128xf32>
    %get3A_180 = arith.constant 26 : index
    %get3A_181 = arith.constant 0 : index
    %get3A_182 = arith.constant 0 : index
    %get3A_183 = vector.load %arg0[%get3A_180, %get3A_181, %get3A_182] : memref<28x50x128xf32, #tpu.memory_space<vmem>>, vector<1x50x128xf32>
    %get3A_184 = vector.shape_cast %get3A_183 : vector<1x50x128xf32> to vector<50x128xf32>
    %add3A_185 = arith.addf %add3A_179, %get3A_184 : vector<50x128xf32>
    %get3A_186 = arith.constant 27 : index
    %get3A_187 = arith.constant 0 : index
    %get3A_188 = arith.constant 0 : index
    %get3A_189 = vector.load %arg0[%get3A_186, %get3A_187, %get3A_188] : memref<28x50x128xf32, #tpu.memory_space<vmem>>, vector<1x50x128xf32>
    %get3A_190 = vector.shape_cast %get3A_189 : vector<1x50x128xf32> to vector<50x128xf32>
    %add3A_191 = arith.addf %add3A_185, %get3A_190 : vector<50x128xf32>
    %dot_general3A_192 = arith.constant dense<0.000000e+00> : vector<50x8xf32>
    %dot_general3A_193 = tpu.matmul %add3A_191, %convert_element_type3A_24, %dot_general3A_192 {dimension_numbers = #tpu.dot_dimension_numbers<[1], [0], [0], [1], [0, 0, 1, 1], [], []>, transpose_lhs_hint = false} : vector<50x128xf32>, vector<128x8xf32>, vector<50x8xf32> -> vector<50x8xf32>
    %concatenate3A = tpu.concatenate %dot_general3A_64, %dot_general3A_107, %dot_general3A_150, %dot_general3A_193 in 0 : vector<50x8xf32>, vector<50x8xf32>, vector<50x8xf32>, vector<50x8xf32> -> vector<200x8xf32>
    %iota3A_194 = tpu.iota {dimensions = array<i32: 0>} : vector<8x8xi32>
    %iota3A_195 = tpu.iota {dimensions = array<i32: 1>} : vector<8x8xi32>
    %eq3A_196 = arith.cmpi eq, %iota3A_194, %iota3A_195 : vector<8x8xi32>
    %convert_element_type3A_197 = arith.extui %eq3A_196 : vector<8x8xi1> to vector<8x8xi32>
    %convert_element_type3A_198 = arith.sitofp %convert_element_type3A_197 : vector<8x8xi32> to vector<8x8xf32>
    %lt3A = arith.cmpi slt, %iota3A_194, %iota3A_195 : vector<8x8xi32>
    %convert_element_type3A_199 = arith.extui %lt3A : vector<8x8xi1> to vector<8x8xi32>
    %convert_element_type3A_200 = arith.sitofp %convert_element_type3A_199 : vector<8x8xi32> to vector<8x8xf32>
    %iota3A_201 = tpu.iota {dimensions = array<i32: 1>} : vector<1x8xi32>
    %iota3A_202 = tpu.iota {dimensions = array<i32: 0>} : vector<48x48xi32>
    %iota3A_203 = tpu.iota {dimensions = array<i32: 1>} : vector<48x48xi32>
    %eq3A_204 = arith.cmpi eq, %iota3A_202, %iota3A_203 : vector<48x48xi32>
    %convert_element_type3A_205 = arith.extui %eq3A_204 : vector<48x48xi1> to vector<48x48xi32>
    %convert_element_type3A_206 = arith.sitofp %convert_element_type3A_205 : vector<48x48xi32> to vector<48x48xf32>
    %slice3A = vector.extract_strided_slice %concatenate3A {offsets = [0, 0], sizes = [48, 8], strides = [1, 1]} : vector<200x8xf32> to vector<48x8xf32>
    %slice3A_207 = vector.extract_strided_slice %concatenate3A {offsets = [48, 0], sizes = [1, 8], strides = [1, 1]} : vector<200x8xf32> to vector<1x8xf32>
    %get3A_208 = arith.constant 0 : index
    %get3A_209 = arith.constant 0 : index
    %get3A_210 = arith.constant 0 : index
    %get3A_211 = vector.load %arg2[%get3A_208, %get3A_209, %get3A_210] : memref<4x1x8xf32, #tpu.memory_space<vmem>>, vector<1x1x8xf32>
    %get3A_212 = vector.shape_cast %get3A_211 : vector<1x1x8xf32> to vector<1x8xf32>
    %add3A_213 = arith.addf %slice3A_207, %get3A_212 : vector<1x8xf32>
    %slice3A_214 = vector.extract_strided_slice %concatenate3A {offsets = [49, 0], sizes = [1, 8], strides = [1, 1]} : vector<200x8xf32> to vector<1x8xf32>
    %get3A_215 = arith.constant 0 : index
    %get3A_216 = arith.constant 0 : index
    %get3A_217 = arith.constant 0 : index
    %get3A_218 = vector.load %arg1[%get3A_215, %get3A_216, %get3A_217] : memref<4x8x48xf32, #tpu.memory_space<vmem>>, vector<1x8x48xf32>
    %get3A_219 = vector.shape_cast %get3A_218 : vector<1x8x48xf32> to vector<8x48xf32>
    %dot_general3A_220 = arith.constant dense<0.000000e+00> : vector<48x8xf32>
    %dot_general3A_221 = tpu.matmul %convert_element_type3A_206, %get3A_219, %dot_general3A_220 {dimension_numbers = #tpu.dot_dimension_numbers<[1], [1], [0], [0], [0, 0, 1, 0], [], []>, transpose_lhs_hint = false} : vector<48x48xf32>, vector<8x48xf32>, vector<48x8xf32> -> vector<48x8xf32>
    %concatenate3A_222 = tpu.concatenate %slice3A, %dot_general3A_221 in 0 : vector<48x8xf32>, vector<48x8xf32> -> vector<96x8xf32>
    %max3A = arith.constant 1.000000e+00 : f32
    %max3A_223 = vector.broadcast %max3A : f32 to vector<1x8xf32>
    %max3A_224 = arith.maximumf %slice3A_214, %max3A_223 : vector<1x8xf32>
    %gt3A = arith.constant 5.000000e-01 : f32
    %gt3A_225 = vector.broadcast %gt3A : f32 to vector<1x8xf32>
    %gt3A_226 = arith.cmpf ogt, %slice3A_214, %gt3A_225 : vector<1x8xf32>
    %convert_element_type3A_227 = arith.extui %gt3A_226 : vector<1x8xi1> to vector<1x8xi32>
    %convert_element_type3A_228 = arith.sitofp %convert_element_type3A_227 : vector<1x8xi32> to vector<1x8xf32>
    %mul3A = arith.mulf %concatenate3A_222, %concatenate3A_222 : vector<96x8xf32>
    %reduce_sum3A = arith.constant dense<0.000000e+00> : vector<8xf32>
    %reduce_sum3A_229 = vector.multi_reduction <add>, %mul3A, %reduce_sum3A [0] : vector<96x8xf32> to vector<8xf32>
    %broadcast_in_dim3A = vector.shape_cast %reduce_sum3A_229 : vector<8xf32> to vector<1x8xf32>
    %eq3A_230 = arith.constant 0 : i32
    %eq3A_231 = vector.broadcast %eq3A_230 : i32 to vector<1x8xi32>
    %eq3A_232 = arith.cmpi eq, %iota3A_201, %eq3A_231 : vector<1x8xi32>
    %div3A_233 = arith.divf %broadcast_in_dim3A, %max3A_224 : vector<1x8xf32>
    %sub3A_234 = arith.subf %add3A_213, %div3A_233 : vector<1x8xf32>
    %select_n3A_235 = arith.select %eq3A_232, %add3A_213, %sub3A_234 : vector<1x8xi1>, vector<1x8xf32>
    %mul3A_236 = arith.mulf %convert_element_type3A_228, %select_n3A_235 : vector<1x8xf32>
    %div3A_237 = arith.divf %mul3A_236, %max3A_224 : vector<1x8xf32>
    %reduce_sum3A_238 = vector.shape_cast %div3A_237 : vector<1x8xf32> to vector<1x1x8xf32>
    %reduce_sum3A_239 = arith.constant dense<0.000000e+00> : vector<1xf32>
    %reduce_sum3A_240 = vector.multi_reduction <add>, %reduce_sum3A_238, %reduce_sum3A_239 [1, 2] : vector<1x1x8xf32> to vector<1xf32>
    %reduce_sum3A_241 = vector.shape_cast %reduce_sum3A_240 : vector<1xf32> to vector<1x1x1xf32>
    %reduce_sum3A_242 = vector.extract %reduce_sum3A_241[0, 0, 0] : f32 from vector<1x1x1xf32>
    %eq3A_243 = arith.constant 0 : i32
    %eq3A_244 = vector.broadcast %eq3A_243 : i32 to vector<1x8xi32>
    %eq3A_245 = arith.cmpi eq, %iota3A_201, %eq3A_244 : vector<1x8xi32>
    %div3A_246 = vector.broadcast %max3A_224 : vector<1x8xf32> to vector<96x8xf32>
    %div3A_247 = arith.divf %concatenate3A_222, %div3A_246 : vector<96x8xf32>
    %jit3A_248 = arith.constant 0.000000e+00 : f32
    %broadcast_in_dim3A_249 = vector.shape_cast %eq3A_245 : vector<1x8xi1> to vector<1x8xi1>
    %broadcast_in_dim3A_250 = vector.broadcast %broadcast_in_dim3A_249 : vector<1x8xi1> to vector<96x8xi1>
    %broadcast_in_dim3A_251 = vector.broadcast %jit3A_248 : f32 to vector<96x8xf32>
    %select_n3A_252 = arith.select %broadcast_in_dim3A_250, %broadcast_in_dim3A_251, %div3A_247 : vector<96x8xi1>, vector<96x8xf32>
    %dot_general3A_253 = arith.constant dense<0.000000e+00> : vector<8x8xf32>
    %dot_general3A_254 = tpu.matmul %select_n3A_252, %select_n3A_252, %dot_general3A_253 {dimension_numbers = #tpu.dot_dimension_numbers<[0], [0], [1], [1], [0, 1, 1, 1], [], []>, transpose_lhs_hint = false} : vector<96x8xf32>, vector<96x8xf32>, vector<8x8xf32> -> vector<8x8xf32>
    %mul3A_255 = arith.mulf %dot_general3A_254, %convert_element_type3A_198 : vector<8x8xf32>
    %reduce_sum3A_256 = arith.constant dense<0.000000e+00> : vector<8xf32>
    %reduce_sum3A_257 = vector.multi_reduction <add>, %mul3A_255, %reduce_sum3A_256 [1] : vector<8x8xf32> to vector<8xf32>
    %broadcast_in_dim3A_258 = vector.shape_cast %reduce_sum3A_257 : vector<8xf32> to vector<8x1xf32>
    %mul3A_259 = arith.mulf %select_n3A_252, %select_n3A_252 : vector<96x8xf32>
    %reduce_sum3A_260 = arith.constant dense<0.000000e+00> : vector<8xf32>
    %reduce_sum3A_261 = vector.multi_reduction <add>, %mul3A_259, %reduce_sum3A_260 [0] : vector<96x8xf32> to vector<8xf32>
    %broadcast_in_dim3A_262 = vector.shape_cast %reduce_sum3A_261 : vector<8xf32> to vector<1x8xf32>
    %add3A_263 = vector.broadcast %broadcast_in_dim3A_258 : vector<8x1xf32> to vector<8x8xf32>
    %add3A_264 = vector.broadcast %broadcast_in_dim3A_262 : vector<1x8xf32> to vector<8x8xf32>
    %add3A_265 = arith.addf %add3A_263, %add3A_264 : vector<8x8xf32>
    %mul3A_266 = arith.constant 2.000000e+00 : f32
    %mul3A_267 = vector.broadcast %mul3A_266 : f32 to vector<8x8xf32>
    %mul3A_268 = arith.mulf %mul3A_267, %dot_general3A_254 : vector<8x8xf32>
    %sub3A_269 = arith.subf %add3A_265, %mul3A_268 : vector<8x8xf32>
    %max3A_270 = arith.constant 0.000000e+00 : f32
    %max3A_271 = vector.broadcast %max3A_270 : f32 to vector<8x8xf32>
    %max3A_272 = arith.maximumf %sub3A_269, %max3A_271 : vector<8x8xf32>
    %sqrt3A = math.sqrt %max3A_272 : vector<8x8xf32>
    %lt3A_273 = arith.constant 4.000000e+00 : f32
    %lt3A_274 = vector.broadcast %lt3A_273 : f32 to vector<8x8xf32>
    %lt3A_275 = arith.cmpf olt, %sqrt3A, %lt3A_274 : vector<8x8xf32>
    %sub3A_276 = arith.constant 4.000000e+00 : f32
    %sub3A_277 = vector.broadcast %sub3A_276 : f32 to vector<8x8xf32>
    %sub3A_278 = arith.subf %sub3A_277, %sqrt3A : vector<8x8xf32>
    %integer_pow3A = arith.mulf %sub3A_278, %sub3A_278 : vector<8x8xf32>
    %jit3A_279 = arith.constant 0.000000e+00 : f32
    %broadcast_in_dim3A_280 = vector.broadcast %jit3A_279 : f32 to vector<8x8xf32>
    %select_n3A_281 = arith.select %lt3A_275, %integer_pow3A, %broadcast_in_dim3A_280 : vector<8x8xi1>, vector<8x8xf32>
    %mul3A_282 = vector.broadcast %convert_element_type3A_228 : vector<1x8xf32> to vector<8x8xf32>
    %mul3A_283 = arith.mulf %convert_element_type3A_198, %mul3A_282 : vector<8x8xf32>
    %reduce_sum3A_284 = arith.constant dense<0.000000e+00> : vector<8xf32>
    %reduce_sum3A_285 = vector.multi_reduction <add>, %mul3A_283, %reduce_sum3A_284 [1] : vector<8x8xf32> to vector<8xf32>
    %broadcast_in_dim3A_286 = vector.shape_cast %reduce_sum3A_285 : vector<8xf32> to vector<8x1xf32>
    %reduce_sum3A_287 = vector.shape_cast %convert_element_type3A_228 : vector<1x8xf32> to vector<1x1x8xf32>
    %reduce_sum3A_288 = arith.constant dense<0.000000e+00> : vector<1xf32>
    %reduce_sum3A_289 = vector.multi_reduction <add>, %reduce_sum3A_287, %reduce_sum3A_288 [1, 2] : vector<1x1x8xf32> to vector<1xf32>
    %reduce_sum3A_290 = vector.shape_cast %reduce_sum3A_289 : vector<1xf32> to vector<1x1x1xf32>
    %reduce_sum3A_291 = vector.extract %reduce_sum3A_290[0, 0, 0] : f32 from vector<1x1x1xf32>
    %sub3A_292 = arith.constant 1.000000e+00 : f32
    %sub3A_293 = arith.subf %reduce_sum3A_291, %sub3A_292 : f32
    %max3A_294 = arith.constant 1.000000e+00 : f32
    %max3A_295 = arith.maximumf %sub3A_293, %max3A_294 : f32
    %mul3A_296 = vector.broadcast %broadcast_in_dim3A_286 : vector<8x1xf32> to vector<8x8xf32>
    %mul3A_297 = arith.mulf %convert_element_type3A_200, %mul3A_296 : vector<8x8xf32>
    %mul3A_298 = vector.broadcast %convert_element_type3A_228 : vector<1x8xf32> to vector<8x8xf32>
    %mul3A_299 = arith.mulf %mul3A_297, %mul3A_298 : vector<8x8xf32>
    %mul3A_300 = arith.mulf %mul3A_299, %select_n3A_281 : vector<8x8xf32>
    %reduce_sum3A_301 = vector.shape_cast %mul3A_300 : vector<8x8xf32> to vector<1x8x8xf32>
    %reduce_sum3A_302 = arith.constant dense<0.000000e+00> : vector<1xf32>
    %reduce_sum3A_303 = vector.multi_reduction <add>, %reduce_sum3A_301, %reduce_sum3A_302 [1, 2] : vector<1x8x8xf32> to vector<1xf32>
    %reduce_sum3A_304 = vector.shape_cast %reduce_sum3A_303 : vector<1xf32> to vector<1x1x1xf32>
    %reduce_sum3A_305 = vector.extract %reduce_sum3A_304[0, 0, 0] : f32 from vector<1x1x1xf32>
    %div3A_306 = arith.divf %reduce_sum3A_305, %max3A_295 : f32
    %add3A_307 = arith.addf %reduce_sum3A_242, %div3A_306 : f32
    %max3A_308 = arith.constant 1.000000e+00 : f32
    %max3A_309 = arith.maximumf %reduce_sum3A_291, %max3A_308 : f32
    %div3A_310 = arith.divf %add3A_307, %max3A_309 : f32
    %le3A = arith.constant 1.000000e+00 : f32
    %le3A_311 = arith.cmpf ole, %reduce_sum3A_291, %le3A : f32
    %jit3A_312 = arith.constant 0.000000e+00 : f32
    %select_n3A_313 = arith.select %le3A_311, %jit3A_312, %div3A_310 : f32
    %add3A_314 = arith.constant 0.000000e+00 : f32
    %add3A_315 = arith.addf %add3A_314, %select_n3A_313 : f32
    %slice3A_316 = vector.extract_strided_slice %concatenate3A {offsets = [50, 0], sizes = [48, 8], strides = [1, 1]} : vector<200x8xf32> to vector<48x8xf32>
    %slice3A_317 = vector.extract_strided_slice %concatenate3A {offsets = [98, 0], sizes = [1, 8], strides = [1, 1]} : vector<200x8xf32> to vector<1x8xf32>
    %get3A_318 = arith.constant 1 : index
    %get3A_319 = arith.constant 0 : index
    %get3A_320 = arith.constant 0 : index
    %get3A_321 = vector.load %arg2[%get3A_318, %get3A_319, %get3A_320] : memref<4x1x8xf32, #tpu.memory_space<vmem>>, vector<1x1x8xf32>
    %get3A_322 = vector.shape_cast %get3A_321 : vector<1x1x8xf32> to vector<1x8xf32>
    %add3A_323 = arith.addf %slice3A_317, %get3A_322 : vector<1x8xf32>
    %slice3A_324 = vector.extract_strided_slice %concatenate3A {offsets = [99, 0], sizes = [1, 8], strides = [1, 1]} : vector<200x8xf32> to vector<1x8xf32>
    %get3A_325 = arith.constant 1 : index
    %get3A_326 = arith.constant 0 : index
    %get3A_327 = arith.constant 0 : index
    %get3A_328 = vector.load %arg1[%get3A_325, %get3A_326, %get3A_327] : memref<4x8x48xf32, #tpu.memory_space<vmem>>, vector<1x8x48xf32>
    %get3A_329 = vector.shape_cast %get3A_328 : vector<1x8x48xf32> to vector<8x48xf32>
    %dot_general3A_330 = arith.constant dense<0.000000e+00> : vector<48x8xf32>
    %dot_general3A_331 = tpu.matmul %convert_element_type3A_206, %get3A_329, %dot_general3A_330 {dimension_numbers = #tpu.dot_dimension_numbers<[1], [1], [0], [0], [0, 0, 1, 0], [], []>, transpose_lhs_hint = false} : vector<48x48xf32>, vector<8x48xf32>, vector<48x8xf32> -> vector<48x8xf32>
    %concatenate3A_332 = tpu.concatenate %slice3A_316, %dot_general3A_331 in 0 : vector<48x8xf32>, vector<48x8xf32> -> vector<96x8xf32>
    %max3A_333 = arith.constant 1.000000e+00 : f32
    %max3A_334 = vector.broadcast %max3A_333 : f32 to vector<1x8xf32>
    %max3A_335 = arith.maximumf %slice3A_324, %max3A_334 : vector<1x8xf32>
    %gt3A_336 = arith.constant 5.000000e-01 : f32
    %gt3A_337 = vector.broadcast %gt3A_336 : f32 to vector<1x8xf32>
    %gt3A_338 = arith.cmpf ogt, %slice3A_324, %gt3A_337 : vector<1x8xf32>
    %convert_element_type3A_339 = arith.extui %gt3A_338 : vector<1x8xi1> to vector<1x8xi32>
    %convert_element_type3A_340 = arith.sitofp %convert_element_type3A_339 : vector<1x8xi32> to vector<1x8xf32>
    %mul3A_341 = arith.mulf %concatenate3A_332, %concatenate3A_332 : vector<96x8xf32>
    %reduce_sum3A_342 = arith.constant dense<0.000000e+00> : vector<8xf32>
    %reduce_sum3A_343 = vector.multi_reduction <add>, %mul3A_341, %reduce_sum3A_342 [0] : vector<96x8xf32> to vector<8xf32>
    %broadcast_in_dim3A_344 = vector.shape_cast %reduce_sum3A_343 : vector<8xf32> to vector<1x8xf32>
    %eq3A_345 = arith.constant 0 : i32
    %eq3A_346 = vector.broadcast %eq3A_345 : i32 to vector<1x8xi32>
    %eq3A_347 = arith.cmpi eq, %iota3A_201, %eq3A_346 : vector<1x8xi32>
    %div3A_348 = arith.divf %broadcast_in_dim3A_344, %max3A_335 : vector<1x8xf32>
    %sub3A_349 = arith.subf %add3A_323, %div3A_348 : vector<1x8xf32>
    %select_n3A_350 = arith.select %eq3A_347, %add3A_323, %sub3A_349 : vector<1x8xi1>, vector<1x8xf32>
    %mul3A_351 = arith.mulf %convert_element_type3A_340, %select_n3A_350 : vector<1x8xf32>
    %div3A_352 = arith.divf %mul3A_351, %max3A_335 : vector<1x8xf32>
    %reduce_sum3A_353 = vector.shape_cast %div3A_352 : vector<1x8xf32> to vector<1x1x8xf32>
    %reduce_sum3A_354 = arith.constant dense<0.000000e+00> : vector<1xf32>
    %reduce_sum3A_355 = vector.multi_reduction <add>, %reduce_sum3A_353, %reduce_sum3A_354 [1, 2] : vector<1x1x8xf32> to vector<1xf32>
    %reduce_sum3A_356 = vector.shape_cast %reduce_sum3A_355 : vector<1xf32> to vector<1x1x1xf32>
    %reduce_sum3A_357 = vector.extract %reduce_sum3A_356[0, 0, 0] : f32 from vector<1x1x1xf32>
    %eq3A_358 = arith.constant 0 : i32
    %eq3A_359 = vector.broadcast %eq3A_358 : i32 to vector<1x8xi32>
    %eq3A_360 = arith.cmpi eq, %iota3A_201, %eq3A_359 : vector<1x8xi32>
    %div3A_361 = vector.broadcast %max3A_335 : vector<1x8xf32> to vector<96x8xf32>
    %div3A_362 = arith.divf %concatenate3A_332, %div3A_361 : vector<96x8xf32>
    %jit3A_363 = arith.constant 0.000000e+00 : f32
    %broadcast_in_dim3A_364 = vector.shape_cast %eq3A_360 : vector<1x8xi1> to vector<1x8xi1>
    %broadcast_in_dim3A_365 = vector.broadcast %broadcast_in_dim3A_364 : vector<1x8xi1> to vector<96x8xi1>
    %broadcast_in_dim3A_366 = vector.broadcast %jit3A_363 : f32 to vector<96x8xf32>
    %select_n3A_367 = arith.select %broadcast_in_dim3A_365, %broadcast_in_dim3A_366, %div3A_362 : vector<96x8xi1>, vector<96x8xf32>
    %dot_general3A_368 = arith.constant dense<0.000000e+00> : vector<8x8xf32>
    %dot_general3A_369 = tpu.matmul %select_n3A_367, %select_n3A_367, %dot_general3A_368 {dimension_numbers = #tpu.dot_dimension_numbers<[0], [0], [1], [1], [0, 1, 1, 1], [], []>, transpose_lhs_hint = false} : vector<96x8xf32>, vector<96x8xf32>, vector<8x8xf32> -> vector<8x8xf32>
    %mul3A_370 = arith.mulf %dot_general3A_369, %convert_element_type3A_198 : vector<8x8xf32>
    %reduce_sum3A_371 = arith.constant dense<0.000000e+00> : vector<8xf32>
    %reduce_sum3A_372 = vector.multi_reduction <add>, %mul3A_370, %reduce_sum3A_371 [1] : vector<8x8xf32> to vector<8xf32>
    %broadcast_in_dim3A_373 = vector.shape_cast %reduce_sum3A_372 : vector<8xf32> to vector<8x1xf32>
    %mul3A_374 = arith.mulf %select_n3A_367, %select_n3A_367 : vector<96x8xf32>
    %reduce_sum3A_375 = arith.constant dense<0.000000e+00> : vector<8xf32>
    %reduce_sum3A_376 = vector.multi_reduction <add>, %mul3A_374, %reduce_sum3A_375 [0] : vector<96x8xf32> to vector<8xf32>
    %broadcast_in_dim3A_377 = vector.shape_cast %reduce_sum3A_376 : vector<8xf32> to vector<1x8xf32>
    %add3A_378 = vector.broadcast %broadcast_in_dim3A_373 : vector<8x1xf32> to vector<8x8xf32>
    %add3A_379 = vector.broadcast %broadcast_in_dim3A_377 : vector<1x8xf32> to vector<8x8xf32>
    %add3A_380 = arith.addf %add3A_378, %add3A_379 : vector<8x8xf32>
    %mul3A_381 = arith.constant 2.000000e+00 : f32
    %mul3A_382 = vector.broadcast %mul3A_381 : f32 to vector<8x8xf32>
    %mul3A_383 = arith.mulf %mul3A_382, %dot_general3A_369 : vector<8x8xf32>
    %sub3A_384 = arith.subf %add3A_380, %mul3A_383 : vector<8x8xf32>
    %max3A_385 = arith.constant 0.000000e+00 : f32
    %max3A_386 = vector.broadcast %max3A_385 : f32 to vector<8x8xf32>
    %max3A_387 = arith.maximumf %sub3A_384, %max3A_386 : vector<8x8xf32>
    %sqrt3A_388 = math.sqrt %max3A_387 : vector<8x8xf32>
    %lt3A_389 = arith.constant 4.000000e+00 : f32
    %lt3A_390 = vector.broadcast %lt3A_389 : f32 to vector<8x8xf32>
    %lt3A_391 = arith.cmpf olt, %sqrt3A_388, %lt3A_390 : vector<8x8xf32>
    %sub3A_392 = arith.constant 4.000000e+00 : f32
    %sub3A_393 = vector.broadcast %sub3A_392 : f32 to vector<8x8xf32>
    %sub3A_394 = arith.subf %sub3A_393, %sqrt3A_388 : vector<8x8xf32>
    %integer_pow3A_395 = arith.mulf %sub3A_394, %sub3A_394 : vector<8x8xf32>
    %jit3A_396 = arith.constant 0.000000e+00 : f32
    %broadcast_in_dim3A_397 = vector.broadcast %jit3A_396 : f32 to vector<8x8xf32>
    %select_n3A_398 = arith.select %lt3A_391, %integer_pow3A_395, %broadcast_in_dim3A_397 : vector<8x8xi1>, vector<8x8xf32>
    %mul3A_399 = vector.broadcast %convert_element_type3A_340 : vector<1x8xf32> to vector<8x8xf32>
    %mul3A_400 = arith.mulf %convert_element_type3A_198, %mul3A_399 : vector<8x8xf32>
    %reduce_sum3A_401 = arith.constant dense<0.000000e+00> : vector<8xf32>
    %reduce_sum3A_402 = vector.multi_reduction <add>, %mul3A_400, %reduce_sum3A_401 [1] : vector<8x8xf32> to vector<8xf32>
    %broadcast_in_dim3A_403 = vector.shape_cast %reduce_sum3A_402 : vector<8xf32> to vector<8x1xf32>
    %reduce_sum3A_404 = vector.shape_cast %convert_element_type3A_340 : vector<1x8xf32> to vector<1x1x8xf32>
    %reduce_sum3A_405 = arith.constant dense<0.000000e+00> : vector<1xf32>
    %reduce_sum3A_406 = vector.multi_reduction <add>, %reduce_sum3A_404, %reduce_sum3A_405 [1, 2] : vector<1x1x8xf32> to vector<1xf32>
    %reduce_sum3A_407 = vector.shape_cast %reduce_sum3A_406 : vector<1xf32> to vector<1x1x1xf32>
    %reduce_sum3A_408 = vector.extract %reduce_sum3A_407[0, 0, 0] : f32 from vector<1x1x1xf32>
    %sub3A_409 = arith.constant 1.000000e+00 : f32
    %sub3A_410 = arith.subf %reduce_sum3A_408, %sub3A_409 : f32
    %max3A_411 = arith.constant 1.000000e+00 : f32
    %max3A_412 = arith.maximumf %sub3A_410, %max3A_411 : f32
    %mul3A_413 = vector.broadcast %broadcast_in_dim3A_403 : vector<8x1xf32> to vector<8x8xf32>
    %mul3A_414 = arith.mulf %convert_element_type3A_200, %mul3A_413 : vector<8x8xf32>
    %mul3A_415 = vector.broadcast %convert_element_type3A_340 : vector<1x8xf32> to vector<8x8xf32>
    %mul3A_416 = arith.mulf %mul3A_414, %mul3A_415 : vector<8x8xf32>
    %mul3A_417 = arith.mulf %mul3A_416, %select_n3A_398 : vector<8x8xf32>
    %reduce_sum3A_418 = vector.shape_cast %mul3A_417 : vector<8x8xf32> to vector<1x8x8xf32>
    %reduce_sum3A_419 = arith.constant dense<0.000000e+00> : vector<1xf32>
    %reduce_sum3A_420 = vector.multi_reduction <add>, %reduce_sum3A_418, %reduce_sum3A_419 [1, 2] : vector<1x8x8xf32> to vector<1xf32>
    %reduce_sum3A_421 = vector.shape_cast %reduce_sum3A_420 : vector<1xf32> to vector<1x1x1xf32>
    %reduce_sum3A_422 = vector.extract %reduce_sum3A_421[0, 0, 0] : f32 from vector<1x1x1xf32>
    %div3A_423 = arith.divf %reduce_sum3A_422, %max3A_412 : f32
    %add3A_424 = arith.addf %reduce_sum3A_357, %div3A_423 : f32
    %max3A_425 = arith.constant 1.000000e+00 : f32
    %max3A_426 = arith.maximumf %reduce_sum3A_408, %max3A_425 : f32
    %div3A_427 = arith.divf %add3A_424, %max3A_426 : f32
    %le3A_428 = arith.constant 1.000000e+00 : f32
    %le3A_429 = arith.cmpf ole, %reduce_sum3A_408, %le3A_428 : f32
    %jit3A_430 = arith.constant 0.000000e+00 : f32
    %select_n3A_431 = arith.select %le3A_429, %jit3A_430, %div3A_427 : f32
    %add3A_432 = arith.addf %add3A_315, %select_n3A_431 : f32
    %slice3A_433 = vector.extract_strided_slice %concatenate3A {offsets = [100, 0], sizes = [48, 8], strides = [1, 1]} : vector<200x8xf32> to vector<48x8xf32>
    %slice3A_434 = vector.extract_strided_slice %concatenate3A {offsets = [148, 0], sizes = [1, 8], strides = [1, 1]} : vector<200x8xf32> to vector<1x8xf32>
    %get3A_435 = arith.constant 2 : index
    %get3A_436 = arith.constant 0 : index
    %get3A_437 = arith.constant 0 : index
    %get3A_438 = vector.load %arg2[%get3A_435, %get3A_436, %get3A_437] : memref<4x1x8xf32, #tpu.memory_space<vmem>>, vector<1x1x8xf32>
    %get3A_439 = vector.shape_cast %get3A_438 : vector<1x1x8xf32> to vector<1x8xf32>
    %add3A_440 = arith.addf %slice3A_434, %get3A_439 : vector<1x8xf32>
    %slice3A_441 = vector.extract_strided_slice %concatenate3A {offsets = [149, 0], sizes = [1, 8], strides = [1, 1]} : vector<200x8xf32> to vector<1x8xf32>
    %get3A_442 = arith.constant 2 : index
    %get3A_443 = arith.constant 0 : index
    %get3A_444 = arith.constant 0 : index
    %get3A_445 = vector.load %arg1[%get3A_442, %get3A_443, %get3A_444] : memref<4x8x48xf32, #tpu.memory_space<vmem>>, vector<1x8x48xf32>
    %get3A_446 = vector.shape_cast %get3A_445 : vector<1x8x48xf32> to vector<8x48xf32>
    %dot_general3A_447 = arith.constant dense<0.000000e+00> : vector<48x8xf32>
    %dot_general3A_448 = tpu.matmul %convert_element_type3A_206, %get3A_446, %dot_general3A_447 {dimension_numbers = #tpu.dot_dimension_numbers<[1], [1], [0], [0], [0, 0, 1, 0], [], []>, transpose_lhs_hint = false} : vector<48x48xf32>, vector<8x48xf32>, vector<48x8xf32> -> vector<48x8xf32>
    %concatenate3A_449 = tpu.concatenate %slice3A_433, %dot_general3A_448 in 0 : vector<48x8xf32>, vector<48x8xf32> -> vector<96x8xf32>
    %max3A_450 = arith.constant 1.000000e+00 : f32
    %max3A_451 = vector.broadcast %max3A_450 : f32 to vector<1x8xf32>
    %max3A_452 = arith.maximumf %slice3A_441, %max3A_451 : vector<1x8xf32>
    %gt3A_453 = arith.constant 5.000000e-01 : f32
    %gt3A_454 = vector.broadcast %gt3A_453 : f32 to vector<1x8xf32>
    %gt3A_455 = arith.cmpf ogt, %slice3A_441, %gt3A_454 : vector<1x8xf32>
    %convert_element_type3A_456 = arith.extui %gt3A_455 : vector<1x8xi1> to vector<1x8xi32>
    %convert_element_type3A_457 = arith.sitofp %convert_element_type3A_456 : vector<1x8xi32> to vector<1x8xf32>
    %mul3A_458 = arith.mulf %concatenate3A_449, %concatenate3A_449 : vector<96x8xf32>
    %reduce_sum3A_459 = arith.constant dense<0.000000e+00> : vector<8xf32>
    %reduce_sum3A_460 = vector.multi_reduction <add>, %mul3A_458, %reduce_sum3A_459 [0] : vector<96x8xf32> to vector<8xf32>
    %broadcast_in_dim3A_461 = vector.shape_cast %reduce_sum3A_460 : vector<8xf32> to vector<1x8xf32>
    %eq3A_462 = arith.constant 0 : i32
    %eq3A_463 = vector.broadcast %eq3A_462 : i32 to vector<1x8xi32>
    %eq3A_464 = arith.cmpi eq, %iota3A_201, %eq3A_463 : vector<1x8xi32>
    %div3A_465 = arith.divf %broadcast_in_dim3A_461, %max3A_452 : vector<1x8xf32>
    %sub3A_466 = arith.subf %add3A_440, %div3A_465 : vector<1x8xf32>
    %select_n3A_467 = arith.select %eq3A_464, %add3A_440, %sub3A_466 : vector<1x8xi1>, vector<1x8xf32>
    %mul3A_468 = arith.mulf %convert_element_type3A_457, %select_n3A_467 : vector<1x8xf32>
    %div3A_469 = arith.divf %mul3A_468, %max3A_452 : vector<1x8xf32>
    %reduce_sum3A_470 = vector.shape_cast %div3A_469 : vector<1x8xf32> to vector<1x1x8xf32>
    %reduce_sum3A_471 = arith.constant dense<0.000000e+00> : vector<1xf32>
    %reduce_sum3A_472 = vector.multi_reduction <add>, %reduce_sum3A_470, %reduce_sum3A_471 [1, 2] : vector<1x1x8xf32> to vector<1xf32>
    %reduce_sum3A_473 = vector.shape_cast %reduce_sum3A_472 : vector<1xf32> to vector<1x1x1xf32>
    %reduce_sum3A_474 = vector.extract %reduce_sum3A_473[0, 0, 0] : f32 from vector<1x1x1xf32>
    %eq3A_475 = arith.constant 0 : i32
    %eq3A_476 = vector.broadcast %eq3A_475 : i32 to vector<1x8xi32>
    %eq3A_477 = arith.cmpi eq, %iota3A_201, %eq3A_476 : vector<1x8xi32>
    %div3A_478 = vector.broadcast %max3A_452 : vector<1x8xf32> to vector<96x8xf32>
    %div3A_479 = arith.divf %concatenate3A_449, %div3A_478 : vector<96x8xf32>
    %jit3A_480 = arith.constant 0.000000e+00 : f32
    %broadcast_in_dim3A_481 = vector.shape_cast %eq3A_477 : vector<1x8xi1> to vector<1x8xi1>
    %broadcast_in_dim3A_482 = vector.broadcast %broadcast_in_dim3A_481 : vector<1x8xi1> to vector<96x8xi1>
    %broadcast_in_dim3A_483 = vector.broadcast %jit3A_480 : f32 to vector<96x8xf32>
    %select_n3A_484 = arith.select %broadcast_in_dim3A_482, %broadcast_in_dim3A_483, %div3A_479 : vector<96x8xi1>, vector<96x8xf32>
    %dot_general3A_485 = arith.constant dense<0.000000e+00> : vector<8x8xf32>
    %dot_general3A_486 = tpu.matmul %select_n3A_484, %select_n3A_484, %dot_general3A_485 {dimension_numbers = #tpu.dot_dimension_numbers<[0], [0], [1], [1], [0, 1, 1, 1], [], []>, transpose_lhs_hint = false} : vector<96x8xf32>, vector<96x8xf32>, vector<8x8xf32> -> vector<8x8xf32>
    %mul3A_487 = arith.mulf %dot_general3A_486, %convert_element_type3A_198 : vector<8x8xf32>
    %reduce_sum3A_488 = arith.constant dense<0.000000e+00> : vector<8xf32>
    %reduce_sum3A_489 = vector.multi_reduction <add>, %mul3A_487, %reduce_sum3A_488 [1] : vector<8x8xf32> to vector<8xf32>
    %broadcast_in_dim3A_490 = vector.shape_cast %reduce_sum3A_489 : vector<8xf32> to vector<8x1xf32>
    %mul3A_491 = arith.mulf %select_n3A_484, %select_n3A_484 : vector<96x8xf32>
    %reduce_sum3A_492 = arith.constant dense<0.000000e+00> : vector<8xf32>
    %reduce_sum3A_493 = vector.multi_reduction <add>, %mul3A_491, %reduce_sum3A_492 [0] : vector<96x8xf32> to vector<8xf32>
    %broadcast_in_dim3A_494 = vector.shape_cast %reduce_sum3A_493 : vector<8xf32> to vector<1x8xf32>
    %add3A_495 = vector.broadcast %broadcast_in_dim3A_490 : vector<8x1xf32> to vector<8x8xf32>
    %add3A_496 = vector.broadcast %broadcast_in_dim3A_494 : vector<1x8xf32> to vector<8x8xf32>
    %add3A_497 = arith.addf %add3A_495, %add3A_496 : vector<8x8xf32>
    %mul3A_498 = arith.constant 2.000000e+00 : f32
    %mul3A_499 = vector.broadcast %mul3A_498 : f32 to vector<8x8xf32>
    %mul3A_500 = arith.mulf %mul3A_499, %dot_general3A_486 : vector<8x8xf32>
    %sub3A_501 = arith.subf %add3A_497, %mul3A_500 : vector<8x8xf32>
    %max3A_502 = arith.constant 0.000000e+00 : f32
    %max3A_503 = vector.broadcast %max3A_502 : f32 to vector<8x8xf32>
    %max3A_504 = arith.maximumf %sub3A_501, %max3A_503 : vector<8x8xf32>
    %sqrt3A_505 = math.sqrt %max3A_504 : vector<8x8xf32>
    %lt3A_506 = arith.constant 4.000000e+00 : f32
    %lt3A_507 = vector.broadcast %lt3A_506 : f32 to vector<8x8xf32>
    %lt3A_508 = arith.cmpf olt, %sqrt3A_505, %lt3A_507 : vector<8x8xf32>
    %sub3A_509 = arith.constant 4.000000e+00 : f32
    %sub3A_510 = vector.broadcast %sub3A_509 : f32 to vector<8x8xf32>
    %sub3A_511 = arith.subf %sub3A_510, %sqrt3A_505 : vector<8x8xf32>
    %integer_pow3A_512 = arith.mulf %sub3A_511, %sub3A_511 : vector<8x8xf32>
    %jit3A_513 = arith.constant 0.000000e+00 : f32
    %broadcast_in_dim3A_514 = vector.broadcast %jit3A_513 : f32 to vector<8x8xf32>
    %select_n3A_515 = arith.select %lt3A_508, %integer_pow3A_512, %broadcast_in_dim3A_514 : vector<8x8xi1>, vector<8x8xf32>
    %mul3A_516 = vector.broadcast %convert_element_type3A_457 : vector<1x8xf32> to vector<8x8xf32>
    %mul3A_517 = arith.mulf %convert_element_type3A_198, %mul3A_516 : vector<8x8xf32>
    %reduce_sum3A_518 = arith.constant dense<0.000000e+00> : vector<8xf32>
    %reduce_sum3A_519 = vector.multi_reduction <add>, %mul3A_517, %reduce_sum3A_518 [1] : vector<8x8xf32> to vector<8xf32>
    %broadcast_in_dim3A_520 = vector.shape_cast %reduce_sum3A_519 : vector<8xf32> to vector<8x1xf32>
    %reduce_sum3A_521 = vector.shape_cast %convert_element_type3A_457 : vector<1x8xf32> to vector<1x1x8xf32>
    %reduce_sum3A_522 = arith.constant dense<0.000000e+00> : vector<1xf32>
    %reduce_sum3A_523 = vector.multi_reduction <add>, %reduce_sum3A_521, %reduce_sum3A_522 [1, 2] : vector<1x1x8xf32> to vector<1xf32>
    %reduce_sum3A_524 = vector.shape_cast %reduce_sum3A_523 : vector<1xf32> to vector<1x1x1xf32>
    %reduce_sum3A_525 = vector.extract %reduce_sum3A_524[0, 0, 0] : f32 from vector<1x1x1xf32>
    %sub3A_526 = arith.constant 1.000000e+00 : f32
    %sub3A_527 = arith.subf %reduce_sum3A_525, %sub3A_526 : f32
    %max3A_528 = arith.constant 1.000000e+00 : f32
    %max3A_529 = arith.maximumf %sub3A_527, %max3A_528 : f32
    %mul3A_530 = vector.broadcast %broadcast_in_dim3A_520 : vector<8x1xf32> to vector<8x8xf32>
    %mul3A_531 = arith.mulf %convert_element_type3A_200, %mul3A_530 : vector<8x8xf32>
    %mul3A_532 = vector.broadcast %convert_element_type3A_457 : vector<1x8xf32> to vector<8x8xf32>
    %mul3A_533 = arith.mulf %mul3A_531, %mul3A_532 : vector<8x8xf32>
    %mul3A_534 = arith.mulf %mul3A_533, %select_n3A_515 : vector<8x8xf32>
    %reduce_sum3A_535 = vector.shape_cast %mul3A_534 : vector<8x8xf32> to vector<1x8x8xf32>
    %reduce_sum3A_536 = arith.constant dense<0.000000e+00> : vector<1xf32>
    %reduce_sum3A_537 = vector.multi_reduction <add>, %reduce_sum3A_535, %reduce_sum3A_536 [1, 2] : vector<1x8x8xf32> to vector<1xf32>
    %reduce_sum3A_538 = vector.shape_cast %reduce_sum3A_537 : vector<1xf32> to vector<1x1x1xf32>
    %reduce_sum3A_539 = vector.extract %reduce_sum3A_538[0, 0, 0] : f32 from vector<1x1x1xf32>
    %div3A_540 = arith.divf %reduce_sum3A_539, %max3A_529 : f32
    %add3A_541 = arith.addf %reduce_sum3A_474, %div3A_540 : f32
    %max3A_542 = arith.constant 1.000000e+00 : f32
    %max3A_543 = arith.maximumf %reduce_sum3A_525, %max3A_542 : f32
    %div3A_544 = arith.divf %add3A_541, %max3A_543 : f32
    %le3A_545 = arith.constant 1.000000e+00 : f32
    %le3A_546 = arith.cmpf ole, %reduce_sum3A_525, %le3A_545 : f32
    %jit3A_547 = arith.constant 0.000000e+00 : f32
    %select_n3A_548 = arith.select %le3A_546, %jit3A_547, %div3A_544 : f32
    %add3A_549 = arith.addf %add3A_432, %select_n3A_548 : f32
    %slice3A_550 = vector.extract_strided_slice %concatenate3A {offsets = [150, 0], sizes = [48, 8], strides = [1, 1]} : vector<200x8xf32> to vector<48x8xf32>
    %slice3A_551 = vector.extract_strided_slice %concatenate3A {offsets = [198, 0], sizes = [1, 8], strides = [1, 1]} : vector<200x8xf32> to vector<1x8xf32>
    %get3A_552 = arith.constant 3 : index
    %get3A_553 = arith.constant 0 : index
    %get3A_554 = arith.constant 0 : index
    %get3A_555 = vector.load %arg2[%get3A_552, %get3A_553, %get3A_554] : memref<4x1x8xf32, #tpu.memory_space<vmem>>, vector<1x1x8xf32>
    %get3A_556 = vector.shape_cast %get3A_555 : vector<1x1x8xf32> to vector<1x8xf32>
    %add3A_557 = arith.addf %slice3A_551, %get3A_556 : vector<1x8xf32>
    %slice3A_558 = vector.extract_strided_slice %concatenate3A {offsets = [199, 0], sizes = [1, 8], strides = [1, 1]} : vector<200x8xf32> to vector<1x8xf32>
    %get3A_559 = arith.constant 3 : index
    %get3A_560 = arith.constant 0 : index
    %get3A_561 = arith.constant 0 : index
    %get3A_562 = vector.load %arg1[%get3A_559, %get3A_560, %get3A_561] : memref<4x8x48xf32, #tpu.memory_space<vmem>>, vector<1x8x48xf32>
    %get3A_563 = vector.shape_cast %get3A_562 : vector<1x8x48xf32> to vector<8x48xf32>
    %dot_general3A_564 = arith.constant dense<0.000000e+00> : vector<48x8xf32>
    %dot_general3A_565 = tpu.matmul %convert_element_type3A_206, %get3A_563, %dot_general3A_564 {dimension_numbers = #tpu.dot_dimension_numbers<[1], [1], [0], [0], [0, 0, 1, 0], [], []>, transpose_lhs_hint = false} : vector<48x48xf32>, vector<8x48xf32>, vector<48x8xf32> -> vector<48x8xf32>
    %concatenate3A_566 = tpu.concatenate %slice3A_550, %dot_general3A_565 in 0 : vector<48x8xf32>, vector<48x8xf32> -> vector<96x8xf32>
    %max3A_567 = arith.constant 1.000000e+00 : f32
    %max3A_568 = vector.broadcast %max3A_567 : f32 to vector<1x8xf32>
    %max3A_569 = arith.maximumf %slice3A_558, %max3A_568 : vector<1x8xf32>
    %gt3A_570 = arith.constant 5.000000e-01 : f32
    %gt3A_571 = vector.broadcast %gt3A_570 : f32 to vector<1x8xf32>
    %gt3A_572 = arith.cmpf ogt, %slice3A_558, %gt3A_571 : vector<1x8xf32>
    %convert_element_type3A_573 = arith.extui %gt3A_572 : vector<1x8xi1> to vector<1x8xi32>
    %convert_element_type3A_574 = arith.sitofp %convert_element_type3A_573 : vector<1x8xi32> to vector<1x8xf32>
    %mul3A_575 = arith.mulf %concatenate3A_566, %concatenate3A_566 : vector<96x8xf32>
    %reduce_sum3A_576 = arith.constant dense<0.000000e+00> : vector<8xf32>
    %reduce_sum3A_577 = vector.multi_reduction <add>, %mul3A_575, %reduce_sum3A_576 [0] : vector<96x8xf32> to vector<8xf32>
    %broadcast_in_dim3A_578 = vector.shape_cast %reduce_sum3A_577 : vector<8xf32> to vector<1x8xf32>
    %eq3A_579 = arith.constant 0 : i32
    %eq3A_580 = vector.broadcast %eq3A_579 : i32 to vector<1x8xi32>
    %eq3A_581 = arith.cmpi eq, %iota3A_201, %eq3A_580 : vector<1x8xi32>
    %div3A_582 = arith.divf %broadcast_in_dim3A_578, %max3A_569 : vector<1x8xf32>
    %sub3A_583 = arith.subf %add3A_557, %div3A_582 : vector<1x8xf32>
    %select_n3A_584 = arith.select %eq3A_581, %add3A_557, %sub3A_583 : vector<1x8xi1>, vector<1x8xf32>
    %mul3A_585 = arith.mulf %convert_element_type3A_574, %select_n3A_584 : vector<1x8xf32>
    %div3A_586 = arith.divf %mul3A_585, %max3A_569 : vector<1x8xf32>
    %reduce_sum3A_587 = vector.shape_cast %div3A_586 : vector<1x8xf32> to vector<1x1x8xf32>
    %reduce_sum3A_588 = arith.constant dense<0.000000e+00> : vector<1xf32>
    %reduce_sum3A_589 = vector.multi_reduction <add>, %reduce_sum3A_587, %reduce_sum3A_588 [1, 2] : vector<1x1x8xf32> to vector<1xf32>
    %reduce_sum3A_590 = vector.shape_cast %reduce_sum3A_589 : vector<1xf32> to vector<1x1x1xf32>
    %reduce_sum3A_591 = vector.extract %reduce_sum3A_590[0, 0, 0] : f32 from vector<1x1x1xf32>
    %eq3A_592 = arith.constant 0 : i32
    %eq3A_593 = vector.broadcast %eq3A_592 : i32 to vector<1x8xi32>
    %eq3A_594 = arith.cmpi eq, %iota3A_201, %eq3A_593 : vector<1x8xi32>
    %div3A_595 = vector.broadcast %max3A_569 : vector<1x8xf32> to vector<96x8xf32>
    %div3A_596 = arith.divf %concatenate3A_566, %div3A_595 : vector<96x8xf32>
    %jit3A_597 = arith.constant 0.000000e+00 : f32
    %broadcast_in_dim3A_598 = vector.shape_cast %eq3A_594 : vector<1x8xi1> to vector<1x8xi1>
    %broadcast_in_dim3A_599 = vector.broadcast %broadcast_in_dim3A_598 : vector<1x8xi1> to vector<96x8xi1>
    %broadcast_in_dim3A_600 = vector.broadcast %jit3A_597 : f32 to vector<96x8xf32>
    %select_n3A_601 = arith.select %broadcast_in_dim3A_599, %broadcast_in_dim3A_600, %div3A_596 : vector<96x8xi1>, vector<96x8xf32>
    %dot_general3A_602 = arith.constant dense<0.000000e+00> : vector<8x8xf32>
    %dot_general3A_603 = tpu.matmul %select_n3A_601, %select_n3A_601, %dot_general3A_602 {dimension_numbers = #tpu.dot_dimension_numbers<[0], [0], [1], [1], [0, 1, 1, 1], [], []>, transpose_lhs_hint = false} : vector<96x8xf32>, vector<96x8xf32>, vector<8x8xf32> -> vector<8x8xf32>
    %mul3A_604 = arith.mulf %dot_general3A_603, %convert_element_type3A_198 : vector<8x8xf32>
    %reduce_sum3A_605 = arith.constant dense<0.000000e+00> : vector<8xf32>
    %reduce_sum3A_606 = vector.multi_reduction <add>, %mul3A_604, %reduce_sum3A_605 [1] : vector<8x8xf32> to vector<8xf32>
    %broadcast_in_dim3A_607 = vector.shape_cast %reduce_sum3A_606 : vector<8xf32> to vector<8x1xf32>
    %mul3A_608 = arith.mulf %select_n3A_601, %select_n3A_601 : vector<96x8xf32>
    %reduce_sum3A_609 = arith.constant dense<0.000000e+00> : vector<8xf32>
    %reduce_sum3A_610 = vector.multi_reduction <add>, %mul3A_608, %reduce_sum3A_609 [0] : vector<96x8xf32> to vector<8xf32>
    %broadcast_in_dim3A_611 = vector.shape_cast %reduce_sum3A_610 : vector<8xf32> to vector<1x8xf32>
    %add3A_612 = vector.broadcast %broadcast_in_dim3A_607 : vector<8x1xf32> to vector<8x8xf32>
    %add3A_613 = vector.broadcast %broadcast_in_dim3A_611 : vector<1x8xf32> to vector<8x8xf32>
    %add3A_614 = arith.addf %add3A_612, %add3A_613 : vector<8x8xf32>
    %mul3A_615 = arith.constant 2.000000e+00 : f32
    %mul3A_616 = vector.broadcast %mul3A_615 : f32 to vector<8x8xf32>
    %mul3A_617 = arith.mulf %mul3A_616, %dot_general3A_603 : vector<8x8xf32>
    %sub3A_618 = arith.subf %add3A_614, %mul3A_617 : vector<8x8xf32>
    %max3A_619 = arith.constant 0.000000e+00 : f32
    %max3A_620 = vector.broadcast %max3A_619 : f32 to vector<8x8xf32>
    %max3A_621 = arith.maximumf %sub3A_618, %max3A_620 : vector<8x8xf32>
    %sqrt3A_622 = math.sqrt %max3A_621 : vector<8x8xf32>
    %lt3A_623 = arith.constant 4.000000e+00 : f32
    %lt3A_624 = vector.broadcast %lt3A_623 : f32 to vector<8x8xf32>
    %lt3A_625 = arith.cmpf olt, %sqrt3A_622, %lt3A_624 : vector<8x8xf32>
    %sub3A_626 = arith.constant 4.000000e+00 : f32
    %sub3A_627 = vector.broadcast %sub3A_626 : f32 to vector<8x8xf32>
    %sub3A_628 = arith.subf %sub3A_627, %sqrt3A_622 : vector<8x8xf32>
    %integer_pow3A_629 = arith.mulf %sub3A_628, %sub3A_628 : vector<8x8xf32>
    %jit3A_630 = arith.constant 0.000000e+00 : f32
    %broadcast_in_dim3A_631 = vector.broadcast %jit3A_630 : f32 to vector<8x8xf32>
    %select_n3A_632 = arith.select %lt3A_625, %integer_pow3A_629, %broadcast_in_dim3A_631 : vector<8x8xi1>, vector<8x8xf32>
    %mul3A_633 = vector.broadcast %convert_element_type3A_574 : vector<1x8xf32> to vector<8x8xf32>
    %mul3A_634 = arith.mulf %convert_element_type3A_198, %mul3A_633 : vector<8x8xf32>
    %reduce_sum3A_635 = arith.constant dense<0.000000e+00> : vector<8xf32>
    %reduce_sum3A_636 = vector.multi_reduction <add>, %mul3A_634, %reduce_sum3A_635 [1] : vector<8x8xf32> to vector<8xf32>
    %broadcast_in_dim3A_637 = vector.shape_cast %reduce_sum3A_636 : vector<8xf32> to vector<8x1xf32>
    %reduce_sum3A_638 = vector.shape_cast %convert_element_type3A_574 : vector<1x8xf32> to vector<1x1x8xf32>
    %reduce_sum3A_639 = arith.constant dense<0.000000e+00> : vector<1xf32>
    %reduce_sum3A_640 = vector.multi_reduction <add>, %reduce_sum3A_638, %reduce_sum3A_639 [1, 2] : vector<1x1x8xf32> to vector<1xf32>
    %reduce_sum3A_641 = vector.shape_cast %reduce_sum3A_640 : vector<1xf32> to vector<1x1x1xf32>
    %reduce_sum3A_642 = vector.extract %reduce_sum3A_641[0, 0, 0] : f32 from vector<1x1x1xf32>
    %sub3A_643 = arith.constant 1.000000e+00 : f32
    %sub3A_644 = arith.subf %reduce_sum3A_642, %sub3A_643 : f32
    %max3A_645 = arith.constant 1.000000e+00 : f32
    %max3A_646 = arith.maximumf %sub3A_644, %max3A_645 : f32
    %mul3A_647 = vector.broadcast %broadcast_in_dim3A_637 : vector<8x1xf32> to vector<8x8xf32>
    %mul3A_648 = arith.mulf %convert_element_type3A_200, %mul3A_647 : vector<8x8xf32>
    %mul3A_649 = vector.broadcast %convert_element_type3A_574 : vector<1x8xf32> to vector<8x8xf32>
    %mul3A_650 = arith.mulf %mul3A_648, %mul3A_649 : vector<8x8xf32>
    %mul3A_651 = arith.mulf %mul3A_650, %select_n3A_632 : vector<8x8xf32>
    %reduce_sum3A_652 = vector.shape_cast %mul3A_651 : vector<8x8xf32> to vector<1x8x8xf32>
    %reduce_sum3A_653 = arith.constant dense<0.000000e+00> : vector<1xf32>
    %reduce_sum3A_654 = vector.multi_reduction <add>, %reduce_sum3A_652, %reduce_sum3A_653 [1, 2] : vector<1x8x8xf32> to vector<1xf32>
    %reduce_sum3A_655 = vector.shape_cast %reduce_sum3A_654 : vector<1xf32> to vector<1x1x1xf32>
    %reduce_sum3A_656 = vector.extract %reduce_sum3A_655[0, 0, 0] : f32 from vector<1x1x1xf32>
    %div3A_657 = arith.divf %reduce_sum3A_656, %max3A_646 : f32
    %add3A_658 = arith.addf %reduce_sum3A_591, %div3A_657 : f32
    %max3A_659 = arith.constant 1.000000e+00 : f32
    %max3A_660 = arith.maximumf %reduce_sum3A_642, %max3A_659 : f32
    %div3A_661 = arith.divf %add3A_658, %max3A_660 : f32
    %le3A_662 = arith.constant 1.000000e+00 : f32
    %le3A_663 = arith.cmpf ole, %reduce_sum3A_642, %le3A_662 : f32
    %jit3A_664 = arith.constant 0.000000e+00 : f32
    %select_n3A_665 = arith.select %le3A_663, %jit3A_664, %div3A_661 : f32
    %add3A_666 = arith.addf %add3A_549, %select_n3A_665 : f32
    %div3A_667 = arith.constant 4.000000e+00 : f32
    %div3A_668 = arith.divf %add3A_666, %div3A_667 : f32
    %reshape3A = vector.broadcast %div3A_668 : f32 to vector<1x1xf32>
    %swap3A = arith.constant 0 : index
    %swap3A_669 = arith.constant 0 : index
    %swap3A_670 = vector.load %arg3[%swap3A, %swap3A_669] : memref<1x1xf32, #tpu.memory_space<vmem>>, vector<1x1xf32>
    tpu.vector_store %arg3[%swap3A, %swap3A_669], %reshape3A {strides = array<i32>} : memref<1x1xf32, #tpu.memory_space<vmem>>, vector<1x1xf32>,
    return
  }
}

</mosaic_0001>

<sc_bundles>
// kernel: kernel.5.cloned.1.call-start
scs
__scs_entry_jumppad:
0x0: {  	(pc) =	sbr.rel $0x88, $3  }
0x1: {  	(tag) =	ssettag $0x0;
	lr =	simm.s32 $0x1  }
0x2: {  	[smem:$0x3F9F] =	sst lr;
	_ =	strace $0xD0000000  }
0x3: {  	_ = 	snop  }
0x4: {  	_ = 	snop  }
0x5: {  	_ = 	snop  }
0x6: {  	_ = 	snop  }
0x7: {  	_ = 	snop  }
__scs_overlays_trampoline_lowered:
0x8: {  	[smem:$0x3FAE] =	sst s0  }
0x9: {  	[smem:$0x3FAF] =	sst s1  }
0xa: {  	[smem:$0x3FB0] =	sst s2  }
0xb: {  	[smem:$0x3FB1] =	sst s3  }
0xc: {  	[smem:$0x3FB2] =	sst s4  }
0xd: {  	[smem:$0x3FB3] =	sst s5  }
0xe: {  	[smem:$0x3FB4] =	sst s6  }
0xf: {  	[smem:$0x3FB5] =	sst s7  }
0x10: {  	[smem:$0x3FB6] =	sst s8  }
0x11: {  	[smem:$0x3FB7] =	sst s9;
	s0 =	simm.s32 @!p0 $0x0  }
0x12: {  	s1 =	sld [smem:$0x3F9D];
	s0 =	simm.s32 @p0 $0x1  }
0x13: {  	[smem:$0x3FB8] =	sst s0;
	s0 =	simm.s32 @!p1 $0x0  }
0x14: {  	s2 =	sld [smem:$0x3F9C];
	s0 =	simm.s32 @p1 $0x1  }
0x15: {  	[smem:$0x3FB9] =	sst s0;
	s0 =	simm.s32 @!p2 $0x0  }
0x16: {  	s3 =	sld [smem:$0x3FDB];
	s0 =	simm.s32 @p2 $0x1  }
0x17: {  	s4 =	simm.s32 $0x1BF5;
	[smem:$0x3FBB] =	sst s0  }
0x18: {  	s0 =	sld [smem:$0x3F9E];
	_ =	swait.ge [sflag:s4], $0x0  }
0x19: {  	s7 =	sld [smem:$0x3F9F]  }
0x1a: {  	s8 =	sadd.s32 $0xFFFFE003, lr  }
0x1b: {  	s9 =	sadd.s32 $0xFFFFFEF7, lr;
	s5 =	simm.s32 $0xFFFFFFFF;
	p2 =	slt.u32 s8, $0xFFFFF086  }
0x1c: {  	p1 =	slt.u32 s9, $0xF7A;
	s5 =	simm.s32 @!p2 $0x0  }
0x1d: {  	s5 =	simm.s32 @p1 $0x1;
	p0 =	seq.s32 s7, s2  }
0x1e: {  	s7 =	smul.u32 @!p0 $0xF7A, s2;
	p2 =	seq.s32 @!p0 s5, $0x0  }
0x1f: {  	s9 =	smul.u32 $0xF7A, s1;
	s8 =	simm.s32 @!p0 $0x1BF5;
	p2 =	por !p2, p0  }
0x20: {  	[sflag:s8] =	ssyncset.s32 @!p0 $0xFFFFF086;
	s6 =	sadd.s32 @!p0 s3, s7;
	s7 =	simm.s32 @!p0 $0x108  }
0x21: {  	s3 =	sadd.s32 s3, s9;
	s6 =	sadd.s32 @!p0 $0x88, s6;
	s7 =	simm.s32 @p2 $0x1082  }
0x22: {  	[simem:s7], [sflag:s8] =	dma.local @!p0 [hbm:s6], $0xF7A  }
0x23: {  	s9 =	sor.u32 $0xD0000000, s2;
	s6 =	simm.s32 $0x108;
	_ =	swait.ge @!p0 [sflag:s8], $0x0  }
0x24: {  	s3 =	sadd.s32 $0x88, s3;
	s6 =	simm.s32 @!p1 $0x1082;
	[sflag:s4] =	ssyncset.s32 $0xFFFFF086  }
0x25: {  	[simem:s6], [sflag:s4] =	dma.local [hbm:s3], $0xF7A  }
0x26: {  	[smem:$0x3F9F] =	sst s1;
	(tag) =	ssettag s2;
	_ =	strace s9  }
0x27: {  	s1 =	sld [smem:$0x3FAF]  }
0x28: {  	s2 =	sld [smem:$0x3FB0]  }
0x29: {  	s4 =	sld [smem:$0x3FB2]  }
0x2a: {  	p0 =	seq.s32 s5, $0x0;
	s5 =	sld [smem:$0x3FB3]  }
0x2b: {  	s6 =	sld [smem:$0x3FB4]  }
0x2c: {  	s7 =	sld [smem:$0x3FB5]  }
0x2d: {  	s3 =	simm.s32 $0x108;
	s8 =	sld [smem:$0x3FB6]  }
0x2e: {  	s3 =	simm.s32 @!p0 $0x1082;
	s9 =	sld [smem:$0x3FB7]  }
0x2f: {  	lr =	sadd.s32 s0, s3;
	s0 =	sld [smem:$0x3FAE]  }
0x30: {  	s3 =	sld [smem:$0x3FB1]  }
0x31: {  	[smem:$0x3FBA] =	sst s10  }
0x32: {  	s10 =	sld [smem:$0x3FB8];
	_ =	sdelay $0x3  }
0x33: {  	p0 =	seq.s32 s10, $0x1;
	s10 =	sld [smem:$0x3FBA];
	_ =	sdelay $0x3  }
0x34: {  	[smem:$0x3FBA] =	sst s10  }
0x35: {  	s10 =	sld [smem:$0x3FB9];
	_ =	sdelay $0x3  }
0x36: {  	p1 =	seq.s32 s10, $0x1;
	s10 =	sld [smem:$0x3FBA];
	_ =	sdelay $0x3  }
0x37: {  	[smem:$0x3FBA] =	sst s10  }
0x38: {  	s10 =	sld [smem:$0x3FBB]  }
0x39: {  	_ = 	snop;
	(pc) =	sbr.ind lr, $3  }
0x3a: {  	_ = 	snop  }
0x3b: {  	_ = 	snop  }
0x3c: {  	p2 =	seq.s32 s10, $0x1;
	s10 =	sld [smem:$0x3FBA]  }
0x3d: {  	_ =	shalt  }
0x3e: {  	_ =	shalt  }
0x3f: {  	_ =	shalt  }
0x40: {  	_ =	shalt  }
0x41: {  	_ =	shalt  }
0x42: {  	_ =	shalt  }
0x43: {  	_ =	shalt  }
0x44: {  	_ =	shalt  }
0x45: {  	_ =	shalt  }
0x46: {  	_ =	shalt  }
0x47: {  	_ =	shalt  }
0x48: {  	_ =	shalt  }
0x49: {  	_ =	shalt  }
0x4a: {  	_ =	shalt  }
0x4b: {  	_ =	shalt  }
0x4c: {  	_ =	shalt  }
0x4d: {  	_ =	shalt  }
0x4e: {  	_ =	shalt  }
0x4f: {  	_ =	shalt  }
0x50: {  	_ =	shalt  }
0x51: {  	_ =	shalt  }
0x52: {  	_ =	shalt  }
0x53: {  	_ =	shalt  }
0x54: {  	_ =	shalt  }
0x55: {  	_ =	shalt  }
0x56: {  	_ =	shalt  }
0x57: {  	_ =	shalt  }
0x58: {  	_ =	shalt  }
0x59: {  	_ =	shalt  }
0x5a: {  	_ =	shalt  }
0x5b: {  	_ =	shalt  }
0x5c: {  	_ =	shalt  }
0x5d: {  	_ =	shalt  }
0x5e: {  	_ =	shalt  }
0x5f: {  	_ =	shalt  }
0x60: {  	_ =	shalt  }
0x61: {  	_ =	shalt  }
0x62: {  	_ =	shalt  }
0x63: {  	_ =	shalt  }
0x64: {  	_ =	shalt  }
0x65: {  	_ =	shalt  }
0x66: {  	_ =	shalt  }
0x67: {  	_ =	shalt  }
0x68: {  	_ =	shalt  }
0x69: {  	_ =	shalt  }
0x6a: {  	_ =	shalt  }
0x6b: {  	_ =	shalt  }
0x6c: {  	_ =	shalt  }
0x6d: {  	_ =	shalt  }
0x6e: {  	_ =	shalt  }
0x6f: {  	_ =	shalt  }
0x70: {  	_ =	shalt  }
0x71: {  	_ =	shalt  }
0x72: {  	_ =	shalt  }
0x73: {  	_ =	shalt  }
0x74: {  	_ =	shalt  }
0x75: {  	_ =	shalt  }
0x76: {  	_ =	shalt  }
0x77: {  	_ =	shalt  }
0x78: {  	_ =	shalt  }
0x79: {  	_ =	shalt  }
0x7a: {  	_ =	shalt  }
0x7b: {  	_ =	shalt  }
0x7c: {  	_ =	shalt  }
0x7d: {  	_ =	shalt  }
0x7e: {  	_ =	shalt  }
0x7f: {  	_ =	shalt  }
0x80: {  	_ =	shalt  }
0x81: {  	_ =	shalt  }
0x82: {  	_ =	shalt  }
0x83: {  	_ =	shalt  }
0x84: {  	_ =	shalt  }
0x85: {  	_ =	shalt  }
0x86: {  	_ =	shalt  }
0x87: {  	_ =	shalt  }
.Lfunc_end0:
.L_simem_size_0:
called_computation_lowered:
.L_overlay_start_0:
0x88: {  	s2 =	sld [smem:$0x3FD9]  }
0x89: {  	s3 =	sld [smem:$0x3FFE];
	_ =	sdelay $0x1  }
0x8a: {  	s1 =	srdreg.scid  }
0x8b: {  	s0 =	sand.u32 $0x1, s1  }
0x8c: {  	s17 =	sshll.u32 s0, $0xA;
	s2 =	sadd.s32 s3, s2  }
0x8d: {  	s2 =	sadd.s32 s2, s17  }
0x8e: {  	[smem:$0x3FC6] =	sst s2  }
0x8f: {  	_ = 	snop  }
0x90: {  	s2 =	sld [smem:$0x3FC9]  }
0x91: {  	s18 =	sld [smem:$0x3FC8];
	(tm) =	ssettm $0x1  }
0x92: {  	s4 =	sld [smem:$0x3FFB];
	_ =	sdelay $0x3  }
0x93: {  	_ =	strace s4  }
0x94: {  	s4 =	sld [smem:$0x3FFC];
	_ =	sdelay $0x3  }
0x95: {  	_ =	strace s4  }
0x96: {  	s4 =	sld [smem:$0x3FFD];
	_ =	sdelay $0x3  }
0x97: {  	_ =	strace s4  }
0x98: {  	_ =	strace $0x8FFFFFFF  }
0x99: {  	s19 =	sld [smem:$0x3FDB];
	_ =	sdelay $0x1  }
0x9a: {  	s5 =	simm.s32 $_scs_section_size  }
0x9b: {  	s6 =	simm.s32 $_size__tile_overlayer_lowered;
	s7 =	simm.s32 $_tile_overlayer_lowered  }
0x9c: {  	s22 =	simm.s32 $0x1BFF;
	s21 =	sshll.u32 s7, $0x1;
	s4 =	sadd.s32 s5, s19  }
0x9d: {  	s8 =	simm.s32 $0x0;
	s20 =	sshll.u32 s6, $0x1;
	s6 =	sadd.s32 s21, s4  }
0x9e: {  	[timem:s8], [sflag:s22] =	dma.local [hbm:s6], s20  }
0x9f: {  	_ =	swait.ge [sflag:s22], s20  }
0xa0: {  	s5 =	ssub.s32 $0x0, s20;
	[sflag:s22] =	ssyncset.done $0x0  }
0xa1: {  	[sflag:s22] =	ssyncadd.s32 s5;
	_ =	sdelay $0x1  }
0xa2: {  	s23 =	simm.s32 $0x1B8B  }
0xa3: {  	_ =	swait.ge [sflag:s23], $0x1  }
0xa4: {  	[sflag:s23] =	ssyncset.done $0x0  }
0xa5: {  	s25 =	simm.s32 $0x1B8E;
	s24 =	sld [smem:$0x3FFE];
	[sflag:s23] =	ssyncadd.s32 $0xFFFFFFFF  }
0xa6: {  	s26 =	simm.s32 $execute0_lowered;
	[smem:$0x3FD2] =	sst s25  }
0xa7: {  	s6 =	sshll.u32 s26, $0x1;
	_ =	strace $0x80000046;
	[dreg:$0x1] =	wrdreg $0xFFFFFFFF  }
0xa8: {  	s28 =	simm.s32 $_size_execute0_lowered;
	s4 =	sadd.s32 s4, s6;
	[dreg:$0x0] =	wrdreg $0x0  }
0xa9: {  	s6 =	sshll.u32 s28, $0x1;
	[dreg:$0x2] =	wrdreg s4  }
0xaa: {  	[dreg:$0x3] =	wrdreg s6  }
0xab: {  	[dreg:$0x4] =	wrdreg $0xC0  }
0xac: {  	_ =	task [dreg:s8], $0x5FFFF  }
0xad: {  	[dreg:$0x1] =	wrdreg $0xFFFFFFFF  }
0xae: {  	[dreg:$0x0] =	wrdreg $0x60  }
0xaf: {  	[dreg:$0x2] =	wrdreg s2  }
0xb0: {  	[dreg:$0x3] =	wrdreg s18  }
0xb1: {  	[dreg:$0x4] =	wrdreg s24  }
0xb2: {  	[dreg:$0x5] =	wrdreg $0x9  }
0xb3: {  	_ =	task.clear_ibuf [dreg:s8], $0x6FFFF;
	_ =	strace $0x90000046  }
0xb4: {  	s29 =	simm.s32 $0x9;
	_ =	strace $0x80000048  }
0xb5: {  	_ =	swait.ge [sflag:s29], $0x1  }
0xb6: {  	[sflag:s29] =	ssyncadd.s32 $0xFFFFFFFF  }
0xb7: {  	_ =	strace $0x90000048  }
0xb8: {  	_ =	sfence  }
0xb9: {  	s30 =	sld [smem:$0x0];
	_ =	sdelay $0x2  }
0xba: {  	s31 =	sshll.u32 s1, $0xD;
	s1 =	sshrl.u32 s1, $0x2  }
0xbb: {  	s3 =	sand.u32 $0x4000, s31;
	s1 =	sadd.s32 s1, s30  }
0xbc: {  	s0 =	sor.u32 s3, s0;
	s1 =	sshll.u32 s1, $0x11  }
0xbd: {  	s0 =	sor.u32 s1, s0  }
0xbe: {  	s0 =	sadd.s32 $0x8F2B, s0  }
0xbf: {  	[sflag:s0] =	ssyncadd.remote.s32 $0x1  }
0xc0: {  	_ =	sfence.sel $0xFFFF  }
0xc1: {  	[dreg:$0x0] =	wrdreg $0xFFFFFFFF;
	(pc) =	sbr.abs _section_cstart, $3  }
0xc2: {  	[dreg:$0x1] =	wrdreg $0xFFFFFFFF  }
0xc3: {  	_ =	task.clear_ibuf [dreg:s8], $0x2FFFF;
	_ =	strace $0x9FFFFFFF  }
0xc4: {  	(tm) =	ssettm $0x7FFFFFFF  }
0xc5: {  	_ =	shalt  }
tec
execute0_lowered:
.L_overlay_start_1:
0x0: {  	(tag) =	ssettag $0x1  }
0x1: {  	s2 =	stileid.u32  }
0x2: {  	p0 =	sgt.u32 s2, $0xD  }
.Ltmp0:
0x3: {  	s1 =	rddreg [dreg:$0x0];
	(pc) =	sbr.rel @p0 .LBB2_13-.Ltmp0, $4  }
0x4: {  	s10 =	rddreg [dreg:$0x1]  }
0x5: {  	s6 =	rddreg [dreg:$0x2];
	s3 =	simm.s32 $0x0  }
0x6: {  	[smem:$0x7FF] =	sst s3  }
0x7: {  	s0 =	rddreg [dreg:$0x3];
	_ =	strace $0x80000047  }
0x8: {  	s4 =	srdreg.scid  }
0x9: {  	s28 =	sshll.u32 s2, $0x1;
	s7 =	sand.u32 $0x1, s4  }
0xa: {  	s5 =	sor.u32 s7, s28  }
0xb: {  	s4 =	smul.u32 $0x25, s5  }
0xc: {  	s15 =	simm.s32 $0x4000;
	s16 =	simm.s32 $0x10000;
	s17 =	simm.s32 $0x1C000  }
0xd: {  	s18 =	simm.s32 $0x1;
	s11 =	smul.u32 $0x320, s5;
	s8 =	sshrl.u32 s4, $0x8  }
0xe: {  	s19 =	simm.s32 $0x2;
	s12 =	ssub.s32 $0x2, s7;
	s4 =	smul.u32 $0x7, s8  }
0xf: {  	s20 =	simm.s32 $0x0;
	s13 =	sshrl.u32 s12, $0x1;
	s9 =	smul.u32 $0x540000, s8  }
0x10: {  	s12 =	ssub.s32 s12, s13;
	s30 =	smul.u32 $0x60, s8;
	s4 =	ssub.s32 s5, s4  }
0x11: {  	s13 =	simm.s32 $0x2000;
	s8 =	smul.u32 $0xE000, s8;
	s4 =	sand.u32 $0xFF, s4  }
0x12: {  	s11 =	sadd.s32 s11, s6;
	s7 =	sor.u32 $0xC, s30;
	s4 =	sshll.u32 s4, $0xD  }
0x13: {  	s29 =	sor.u32 s4, s9;
	s14 =	sadd.s32 s4, s8;
	s8 =	sor.u32 $0x12, s30  }
0x14: {  	s9 =	sadd.s32 $0x800, s11;
	s11 =	smax.u32 s12, $0x1;
	s5 =	sshrl.u32 s29, $0x3  }
0x15: {  	v0 =	vlaneseq.u32;
	s12 =	simm.s32 $0x3;
	s31 =	sshrl.u32 s14, $0x3;
	s5 =	sadd.s32 s1, s5  }
0x16: {  	v1 =	vimm.f32 $0.0e+00;
	v3 =	vimm.f32 $1.000000000e+00;
	v2 =	vor.u32 $0x1880, v0;
	s14 =	simm.s32 $0xE000;
	s10 =	sadd.s32 s10, s31;
	s6 =	sadd.s32 $0xA800, s5  }
.LBB2_2:
0x17: {  	s22 =	simm.s32 $0x0  }
0x18: {  	[tilespmem:s22], [sflag:$0x3] =	stream.linear.gather [hbm4b:s10+s22], $0x2000, $0x38;
	[tilespmem:$0x1D900] =	vst v63  }
0x19: {  	_ =	swait.ge [sflag:s12], $0x2000  }
0x1a: {  	[sflag:s12] =	ssyncset.done $0x0  }
0x1b: {  	[sflag:s12] =	ssyncadd.s32 $0xFFFFE000  }
0x1c: {  	[tilespmem:s15], [sflag:$0x1] =	stream.strided.gather [hbm4b:s5+s13], $0xC000, s14, s13, $0x38;
	[tilespmem:$0x1D900] =	vst v63  }
0x1d: {  	s21 =	simm.s32 $0x0;
	s23 =	simm.s32 $0x200  }
0x1e: {  	[tilespmem:s16], [sflag:$0x2] =	stream.strided.gather [hbm4b:s6+s13], $0xC000, s14, s13, $0x38;
	[tilespmem:$0x1D900] =	vst v63  }
.LBB2_3:
0x1f: {  	p0 =	sne.s32 s23, $0x6200;
	[tilespmem:s21+$0x1C070] =	vst v1  }
0x20: {  	[tilespmem:s21+$0x1C000] =	vst v1  }
0x21: {  	[tilespmem:s21+$0x1C010] =	vst v1  }
.Ltmp1:
0x22: {  	[tilespmem:s21+$0x1C020] =	vst v1;
	(pc) =	sbr.rel @p0 .LBB2_3-.Ltmp1, $4  }
0x23: {  	[tilespmem:s21+$0x1C030] =	vst v1  }
0x24: {  	[tilespmem:s21+$0x1C040] =	vst v1  }
0x25: {  	[tilespmem:s21+$0x1C050] =	vst v1  }
0x26: {  	[tilespmem:s21+$0x1C060] =	vst v1;
	s21 =	sshra.s32 s23, $0x2;
	s23 =	sadd.s32 $0x200, s23  }
0x27: {  	[tilespmem:s21+$0x1C070] =	vst v1  }
0x28: {  	[tilespmem:s21+$0x1C000] =	vst v1  }
0x29: {  	[tilespmem:s21+$0x1C010] =	vst v1  }
0x2a: {  	[tilespmem:s21+$0x1C020] =	vst v1  }
0x2b: {  	[tilespmem:s21+$0x1C030] =	vst v1  }
0x2c: {  	[tilespmem:s21+$0x1C040] =	vst v1  }
0x2d: {  	[tilespmem:s21+$0x1C050] =	vst v1  }
0x2e: {  	[tilespmem:s21+$0x1C060] =	vst v1;
	s23 =	simm.s32 $0x0  }
.LBB2_5:
0x2f: {  	s21 =	sand.u32 $0x1800, s23;
	s24 =	sand.u32 $0x380, s22  }
0x30: {  	s21 =	sor.u32 s24, s21  }
0x31: {  	v4 =	vld [tilespmem:s21+$0x0];
	_ =	sdelay $0x4  }
0x32: {  	v4 =	vshll.u32 v4, $0x4  }
0x33: {  	v5 =	vadd.s32 v2, v4;
	_ =	sdelay $0x2  }
0x34: {  	v4 =	vor.u32 v0, v4  }
0x35: {  	[tilespmem:s21+$0x2000] =	vst v4  }
0x36: {  	[tilespmem:v5+s17+$0x0] =	vst.idx.add.f32.msk $0xffff, v3  }
0x37: {  	v4 =	vld [tilespmem:s21+$0x10];
	_ =	sdelay $0x4  }
0x38: {  	v4 =	vshll.u32 v4, $0x4  }
0x39: {  	v5 =	vadd.s32 v2, v4;
	_ =	sdelay $0x2  }
0x3a: {  	v4 =	vor.u32 v0, v4  }
0x3b: {  	[tilespmem:s21+$0x2010] =	vst v4  }
0x3c: {  	[tilespmem:v5+s17+$0x0] =	vst.idx.add.f32.msk $0xffff, v3  }
0x3d: {  	v4 =	vld [tilespmem:s21+$0x20];
	_ =	sdelay $0x4  }
0x3e: {  	v4 =	vshll.u32 v4, $0x4  }
0x3f: {  	v5 =	vadd.s32 v2, v4;
	_ =	sdelay $0x2  }
0x40: {  	v4 =	vor.u32 v0, v4  }
0x41: {  	[tilespmem:s21+$0x2020] =	vst v4  }
0x42: {  	[tilespmem:v5+s17+$0x0] =	vst.idx.add.f32.msk $0xffff, v3  }
0x43: {  	v4 =	vld [tilespmem:s21+$0x30];
	_ =	sdelay $0x4  }
0x44: {  	v4 =	vshll.u32 v4, $0x4  }
0x45: {  	v5 =	vadd.s32 v2, v4;
	_ =	sdelay $0x2  }
0x46: {  	v4 =	vor.u32 v0, v4  }
0x47: {  	[tilespmem:s21+$0x2030] =	vst v4  }
0x48: {  	[tilespmem:v5+s17+$0x0] =	vst.idx.add.f32.msk $0xffff, v3  }
0x49: {  	v4 =	vld [tilespmem:s21+$0x40];
	_ =	sdelay $0x4  }
0x4a: {  	v4 =	vshll.u32 v4, $0x4  }
0x4b: {  	v5 =	vadd.s32 v2, v4;
	_ =	sdelay $0x2  }
0x4c: {  	v4 =	vor.u32 v0, v4  }
0x4d: {  	[tilespmem:s21+$0x2040] =	vst v4  }
0x4e: {  	[tilespmem:v5+s17+$0x0] =	vst.idx.add.f32.msk $0xffff, v3  }
0x4f: {  	v4 =	vld [tilespmem:s21+$0x50];
	_ =	sdelay $0x4  }
0x50: {  	v4 =	vshll.u32 v4, $0x4  }
0x51: {  	v5 =	vadd.s32 v2, v4;
	_ =	sdelay $0x2  }
0x52: {  	v4 =	vor.u32 v0, v4  }
0x53: {  	[tilespmem:s21+$0x2050] =	vst v4  }
0x54: {  	[tilespmem:v5+s17+$0x0] =	vst.idx.add.f32.msk $0xffff, v3  }
0x55: {  	v4 =	vld [tilespmem:s21+$0x60];
	_ =	sdelay $0x4  }
0x56: {  	v4 =	vshll.u32 v4, $0x4  }
0x57: {  	v5 =	vadd.s32 v2, v4;
	_ =	sdelay $0x2  }
0x58: {  	v4 =	vor.u32 v0, v4  }
0x59: {  	[tilespmem:s21+$0x2060] =	vst v4  }
0x5a: {  	[tilespmem:v5+s17+$0x0] =	vst.idx.add.f32.msk $0xffff, v3  }
0x5b: {  	v4 =	vld [tilespmem:s21+$0x70];
	_ =	sdelay $0x4  }
0x5c: {  	v4 =	vshll.u32 v4, $0x4  }
0x5d: {  	v5 =	vadd.s32 v2, v4;
	_ =	sdelay $0x2  }
0x5e: {  	v4 =	vor.u32 v0, v4  }
0x5f: {  	[tilespmem:s21+$0x2070] =	vst v4  }
0x60: {  	[tilespmem:v5+s17+$0x0] =	vst.idx.add.f32.msk $0xffff, v3  }
0x61: {  	v4 =	vld [tilespmem:s21+$0x400];
	_ =	sdelay $0x4  }
0x62: {  	v4 =	vshll.u32 v4, $0x4  }
0x63: {  	v5 =	vadd.s32 v2, v4;
	_ =	sdelay $0x2  }
0x64: {  	v4 =	vor.u32 v0, v4  }
0x65: {  	[tilespmem:s21+$0x2400] =	vst v4  }
0x66: {  	[tilespmem:v5+s17+$0x0] =	vst.idx.add.f32.msk $0xffff, v3  }
0x67: {  	v4 =	vld [tilespmem:s21+$0x410];
	_ =	sdelay $0x4  }
0x68: {  	v4 =	vshll.u32 v4, $0x4  }
0x69: {  	v5 =	vadd.s32 v2, v4;
	_ =	sdelay $0x2  }
0x6a: {  	v4 =	vor.u32 v0, v4  }
0x6b: {  	[tilespmem:s21+$0x2410] =	vst v4  }
0x6c: {  	[tilespmem:v5+s17+$0x0] =	vst.idx.add.f32.msk $0xffff, v3  }
0x6d: {  	v4 =	vld [tilespmem:s21+$0x420];
	_ =	sdelay $0x4  }
0x6e: {  	v4 =	vshll.u32 v4, $0x4  }
0x6f: {  	v5 =	vadd.s32 v2, v4;
	_ =	sdelay $0x2  }
0x70: {  	v4 =	vor.u32 v0, v4  }
0x71: {  	[tilespmem:s21+$0x2420] =	vst v4  }
0x72: {  	[tilespmem:v5+s17+$0x0] =	vst.idx.add.f32.msk $0xffff, v3  }
0x73: {  	v4 =	vld [tilespmem:s21+$0x430];
	_ =	sdelay $0x4  }
0x74: {  	v4 =	vshll.u32 v4, $0x4  }
0x75: {  	v5 =	vadd.s32 v2, v4;
	_ =	sdelay $0x2  }
0x76: {  	v4 =	vor.u32 v0, v4  }
0x77: {  	[tilespmem:s21+$0x2430] =	vst v4  }
0x78: {  	[tilespmem:v5+s17+$0x0] =	vst.idx.add.f32.msk $0xffff, v3  }
0x79: {  	v4 =	vld [tilespmem:s21+$0x440];
	_ =	sdelay $0x4  }
0x7a: {  	v4 =	vshll.u32 v4, $0x4  }
0x7b: {  	v5 =	vadd.s32 v2, v4;
	_ =	sdelay $0x2  }
0x7c: {  	v4 =	vor.u32 v0, v4  }
0x7d: {  	[tilespmem:s21+$0x2440] =	vst v4  }
0x7e: {  	[tilespmem:v5+s17+$0x0] =	vst.idx.add.f32.msk $0xffff, v3  }
0x7f: {  	v4 =	vld [tilespmem:s21+$0x450];
	_ =	sdelay $0x4  }
0x80: {  	v4 =	vshll.u32 v4, $0x4  }
0x81: {  	p0 =	sne.s32 s23, $0x1F00;
	v5 =	vadd.s32 v2, v4  }
.Ltmp2:
0x82: {  	_ = 	snop;
	(pc) =	sbr.rel @p0 .LBB2_5-.Ltmp2, $4  }
0x83: {  	_ = 	snop  }
0x84: {  	v4 =	vor.u32 v0, v4  }
0x85: {  	[tilespmem:s21+$0x2450] =	vst v4  }
0x86: {  	s22 =	sadd.s32 $0x80, s22;
	s23 =	sadd.s32 $0x100, s23;
	s21 =	simm.s32 $0x0;
	[tilespmem:v5+s17+$0x0] =	vst.idx.add.f32.msk $0xffff, v3  }
.Ltmp3:
0x87: {  	_ = 	snop;
	(pc) =	sbr.rel .LBB2_6-.Ltmp3, $1  }
0x88: {  	_ =	sdelay $0x3  }
.LBB2_11:
0x89: {  	s22 =	smul.u32 $0xC, s21;
	_ =	sdelay $0x1  }
0x8a: {  	s22 =	sadd.s32 s22, s8  }
0x8b: {  	s22 =	smul.u32 $0xE000, s22;
	_ =	sdelay $0x1  }
0x8c: {  	s22 =	sadd.s32 s4, s22  }
0x8d: {  	s22 =	sshrl.u32 s22, $0x3  }
0x8e: {  	s21 =	sadd.s32 $0x1, s21;
	s22 =	sadd.s32 s1, s22  }
0x8f: {  	[tilespmem:s16], [sflag:$0x2] =	stream.strided.gather [hbm4b:s22+s13], $0xC000, s14, s13, $0x38;
	[tilespmem:$0x1D900] =	vst v63  }
.LBB2_6:
0x90: {  	s22 =	smul.u32 $0x600, s21  }
0x91: {  	_ =	swait.ge [sflag:s18], $0xC000  }
0x92: {  	[sflag:s18] =	ssyncset.done $0x0;
	s23 =	sor.u32 $0x80, s22;
	s24 =	sor.u32 $0x100, s22  }
0x93: {  	s25 =	sor.u32 $0x180, s22;
	s26 =	sadd.s32 $0x200, s22;
	s28 =	sadd.s32 $0x280, s22;
	v4 =	vmov s22;
	v5 =	vmov s23;
	v6 =	vmov s24  }
0x94: {  	[sflag:s18] =	ssyncadd.s32 $0xFFFF4000;
	v7 =	vmov s25;
	v8 =	vmov s26;
	v9 =	vmov s28;
	s23 =	simm.s32 $0x0;
	s24 =	simm.s32 $0x0  }
.LBB2_7:
0x95: {  	s25 =	sand.u32 $0x1800, s24;
	s26 =	sand.u32 $0x380, s23  }
0x96: {  	s25 =	sor.u32 s26, s25  }
0x97: {  	v10 =	vld [tilespmem:s25+$0x2000];
	_ =	sdelay $0x1  }
0x98: {  	v11 =	vld [tilespmem:s25+$0x4000]  }
0x99: {  	v12 =	vld [tilespmem:s25+$0x6000]  }
0x9a: {  	v14 =	vld [tilespmem:s25+$0x8000]  }
0x9b: {  	v15 =	vld [tilespmem:s25+$0xA000];
	v13 =	vadd.s32 v4, v10  }
0x9c: {  	v16 =	vld [tilespmem:s25+$0xC000]  }
0x9d: {  	v17 =	vld [tilespmem:s25+$0xE000]  }
0x9e: {  	v37 =	vadd.s32 v5, v10;
	v18 =	vadd.s32 v6, v10  }
0x9f: {  	v19 =	vmul.f32 v12, v12;
	v20 =	vadd.s32 v7, v10;
	v21 =	vmul.f32 v14, v14  }
0xa0: {  	v22 =	vmul.f32 v15, v15;
	[tilespmem:v13+s17+$0x0] =	vst.idx.add.f32.msk $0xffff, v11;
	v11 =	vmul.f32 v11, v11  }
0xa1: {  	v23 =	vadd.s32 v8, v10;
	v24 =	vadd.s32 v9, v10;
	v38 =	vmul.f32 v16, v16  }
0xa2: {  	v39 =	vmul.f32 v17, v17;
	v21 =	vadd.f32 v22, v21;
	v11 =	vadd.f32 v19, v11  }
0xa3: {  	v10 =	vadd.s32 $0x1800, v10;
	[tilespmem:v37+s17+$0x0] =	vst.idx.add.f32.msk $0xffff, v12  }
0xa4: {  	v40 =	vadd.f32 v39, v38;
	[tilespmem:v18+s17+$0x0] =	vst.idx.add.f32.msk $0xffff, v14;
	v11 =	vadd.f32 v21, v11  }
0xa5: {  	[tilespmem:v20+s17+$0x0] =	vst.idx.add.f32.msk $0xffff, v15  }
0xa6: {  	[tilespmem:v23+s17+$0x0] =	vst.idx.add.f32.msk $0xffff, v16;
	v11 =	vadd.f32 v40, v11  }
0xa7: {  	[tilespmem:v24+s17+$0x0] =	vst.idx.add.f32.msk $0xffff, v17  }
0xa8: {  	[tilespmem:v10+s17+$0x0] =	vst.idx.add.f32.msk $0xffff, v11  }
0xa9: {  	v10 =	vld [tilespmem:s25+$0x2010];
	_ =	sdelay $0x1  }
0xaa: {  	v11 =	vld [tilespmem:s25+$0x4010]  }
0xab: {  	v41 =	vld [tilespmem:s25+$0x6010]  }
0xac: {  	v14 =	vld [tilespmem:s25+$0x8010]  }
0xad: {  	v15 =	vld [tilespmem:s25+$0xA010];
	v42 =	vadd.s32 v4, v10  }
0xae: {  	v16 =	vld [tilespmem:s25+$0xC010]  }
0xaf: {  	v17 =	vld [tilespmem:s25+$0xE010]  }
0xb0: {  	v43 =	vadd.s32 v5, v10;
	v44 =	vadd.s32 v6, v10  }
0xb1: {  	v45 =	vmul.f32 v41, v41;
	v46 =	vadd.s32 v7, v10;
	v47 =	vmul.f32 v14, v14  }
0xb2: {  	v48 =	vmul.f32 v15, v15;
	[tilespmem:v42+s17+$0x0] =	vst.idx.add.f32.msk $0xffff, v11;
	v11 =	vmul.f32 v11, v11  }
0xb3: {  	v49 =	vadd.s32 v8, v10;
	v50 =	vadd.s32 v9, v10;
	v51 =	vmul.f32 v16, v16  }
0xb4: {  	v52 =	vmul.f32 v17, v17;
	v21 =	vadd.f32 v48, v47;
	v11 =	vadd.f32 v45, v11  }
0xb5: {  	v10 =	vadd.s32 $0x1800, v10;
	[tilespmem:v43+s17+$0x0] =	vst.idx.add.f32.msk $0xffff, v41  }
0xb6: {  	v53 =	vadd.f32 v52, v51;
	[tilespmem:v44+s17+$0x0] =	vst.idx.add.f32.msk $0xffff, v14;
	v11 =	vadd.f32 v21, v11  }
0xb7: {  	[tilespmem:v46+s17+$0x0] =	vst.idx.add.f32.msk $0xffff, v15  }
0xb8: {  	[tilespmem:v49+s17+$0x0] =	vst.idx.add.f32.msk $0xffff, v16;
	v11 =	vadd.f32 v53, v11  }
0xb9: {  	[tilespmem:v50+s17+$0x0] =	vst.idx.add.f32.msk $0xffff, v17  }
0xba: {  	[tilespmem:v10+s17+$0x0] =	vst.idx.add.f32.msk $0xffff, v11  }
0xbb: {  	v10 =	vld [tilespmem:s25+$0x2020];
	_ =	sdelay $0x1  }
0xbc: {  	v11 =	vld [tilespmem:s25+$0x4020]  }
0xbd: {  	v54 =	vld [tilespmem:s25+$0x6020]  }
0xbe: {  	v14 =	vld [tilespmem:s25+$0x8020]  }
0xbf: {  	v15 =	vld [tilespmem:s25+$0xA020];
	v55 =	vadd.s32 v4, v10  }
0xc0: {  	v16 =	vld [tilespmem:s25+$0xC020]  }
0xc1: {  	v17 =	vld [tilespmem:s25+$0xE020]  }
0xc2: {  	v56 =	vadd.s32 v5, v10;
	v57 =	vadd.s32 v6, v10  }
0xc3: {  	v58 =	vmul.f32 v54, v54;
	v59 =	vadd.s32 v7, v10;
	v60 =	vmul.f32 v14, v14  }
0xc4: {  	v61 =	vmul.f32 v15, v15;
	[tilespmem:v55+s17+$0x0] =	vst.idx.add.f32.msk $0xffff, v11;
	v11 =	vmul.f32 v11, v11  }
0xc5: {  	v62 =	vadd.s32 v8, v10;
	v63 =	vadd.s32 v9, v10;
	v26 =	vmul.f32 v16, v16  }
0xc6: {  	v27 =	vmul.f32 v17, v17;
	v21 =	vadd.f32 v61, v60;
	v11 =	vadd.f32 v58, v11  }
0xc7: {  	v10 =	vadd.s32 $0x1800, v10;
	[tilespmem:v56+s17+$0x0] =	vst.idx.add.f32.msk $0xffff, v54  }
0xc8: {  	v28 =	vadd.f32 v27, v26;
	[tilespmem:v57+s17+$0x0] =	vst.idx.add.f32.msk $0xffff, v14;
	v11 =	vadd.f32 v21, v11  }
0xc9: {  	[tilespmem:v59+s17+$0x0] =	vst.idx.add.f32.msk $0xffff, v15  }
0xca: {  	[tilespmem:v62+s17+$0x0] =	vst.idx.add.f32.msk $0xffff, v16;
	v11 =	vadd.f32 v28, v11  }
0xcb: {  	[tilespmem:v63+s17+$0x0] =	vst.idx.add.f32.msk $0xffff, v17  }
0xcc: {  	[tilespmem:v10+s17+$0x0] =	vst.idx.add.f32.msk $0xffff, v11  }
0xcd: {  	v10 =	vld [tilespmem:s25+$0x2030];
	_ =	sdelay $0x1  }
0xce: {  	v11 =	vld [tilespmem:s25+$0x4030]  }
0xcf: {  	v29 =	vld [tilespmem:s25+$0x6030]  }
0xd0: {  	v14 =	vld [tilespmem:s25+$0x8030]  }
0xd1: {  	v15 =	vld [tilespmem:s25+$0xA030];
	v30 =	vadd.s32 v4, v10  }
0xd2: {  	v16 =	vld [tilespmem:s25+$0xC030]  }
0xd3: {  	v17 =	vld [tilespmem:s25+$0xE030]  }
0xd4: {  	v31 =	vadd.s32 v5, v10;
	v32 =	vadd.s32 v6, v10  }
0xd5: {  	v33 =	vmul.f32 v29, v29;
	v34 =	vadd.s32 v7, v10;
	v35 =	vmul.f32 v14, v14  }
0xd6: {  	v36 =	vmul.f32 v15, v15;
	[tilespmem:v30+s17+$0x0] =	vst.idx.add.f32.msk $0xffff, v11;
	v11 =	vmul.f32 v11, v11  }
0xd7: {  	v37 =	vadd.s32 v8, v10;
	v38 =	vadd.s32 v9, v10;
	v39 =	vmul.f32 v16, v16  }
0xd8: {  	v40 =	vmul.f32 v17, v17;
	v21 =	vadd.f32 v36, v35;
	v11 =	vadd.f32 v33, v11  }
0xd9: {  	v10 =	vadd.s32 $0x1800, v10;
	[tilespmem:v31+s17+$0x0] =	vst.idx.add.f32.msk $0xffff, v29  }
0xda: {  	v41 =	vadd.f32 v40, v39;
	[tilespmem:v32+s17+$0x0] =	vst.idx.add.f32.msk $0xffff, v14;
	v11 =	vadd.f32 v21, v11  }
0xdb: {  	[tilespmem:v34+s17+$0x0] =	vst.idx.add.f32.msk $0xffff, v15  }
0xdc: {  	[tilespmem:v37+s17+$0x0] =	vst.idx.add.f32.msk $0xffff, v16;
	v11 =	vadd.f32 v41, v11  }
0xdd: {  	[tilespmem:v38+s17+$0x0] =	vst.idx.add.f32.msk $0xffff, v17  }
0xde: {  	[tilespmem:v10+s17+$0x0] =	vst.idx.add.f32.msk $0xffff, v11  }
0xdf: {  	v10 =	vld [tilespmem:s25+$0x2040];
	_ =	sdelay $0x1  }
0xe0: {  	v11 =	vld [tilespmem:s25+$0x4040]  }
0xe1: {  	v42 =	vld [tilespmem:s25+$0x6040]  }
0xe2: {  	v14 =	vld [tilespmem:s25+$0x8040]  }
0xe3: {  	v15 =	vld [tilespmem:s25+$0xA040];
	v43 =	vadd.s32 v4, v10  }
0xe4: {  	v16 =	vld [tilespmem:s25+$0xC040]  }
0xe5: {  	v17 =	vld [tilespmem:s25+$0xE040]  }
0xe6: {  	v44 =	vadd.s32 v5, v10;
	v45 =	vadd.s32 v6, v10  }
0xe7: {  	v46 =	vmul.f32 v42, v42;
	v47 =	vadd.s32 v7, v10;
	v48 =	vmul.f32 v14, v14  }
0xe8: {  	v49 =	vmul.f32 v15, v15;
	[tilespmem:v43+s17+$0x0] =	vst.idx.add.f32.msk $0xffff, v11;
	v11 =	vmul.f32 v11, v11  }
0xe9: {  	v50 =	vadd.s32 v8, v10;
	v51 =	vadd.s32 v9, v10;
	v52 =	vmul.f32 v16, v16  }
0xea: {  	v53 =	vmul.f32 v17, v17;
	v21 =	vadd.f32 v49, v48;
	v11 =	vadd.f32 v46, v11  }
0xeb: {  	v10 =	vadd.s32 $0x1800, v10;
	[tilespmem:v44+s17+$0x0] =	vst.idx.add.f32.msk $0xffff, v42  }
0xec: {  	v54 =	vadd.f32 v53, v52;
	[tilespmem:v45+s17+$0x0] =	vst.idx.add.f32.msk $0xffff, v14;
	v11 =	vadd.f32 v21, v11  }
0xed: {  	[tilespmem:v47+s17+$0x0] =	vst.idx.add.f32.msk $0xffff, v15  }
0xee: {  	[tilespmem:v50+s17+$0x0] =	vst.idx.add.f32.msk $0xffff, v16;
	v11 =	vadd.f32 v54, v11  }
0xef: {  	[tilespmem:v51+s17+$0x0] =	vst.idx.add.f32.msk $0xffff, v17  }
0xf0: {  	[tilespmem:v10+s17+$0x0] =	vst.idx.add.f32.msk $0xffff, v11  }
0xf1: {  	v10 =	vld [tilespmem:s25+$0x2050];
	_ =	sdelay $0x1  }
0xf2: {  	v11 =	vld [tilespmem:s25+$0x4050]  }
0xf3: {  	v55 =	vld [tilespmem:s25+$0x6050]  }
0xf4: {  	v14 =	vld [tilespmem:s25+$0x8050]  }
0xf5: {  	v15 =	vld [tilespmem:s25+$0xA050];
	v56 =	vadd.s32 v4, v10  }
0xf6: {  	v16 =	vld [tilespmem:s25+$0xC050]  }
0xf7: {  	v17 =	vld [tilespmem:s25+$0xE050]  }
0xf8: {  	v57 =	vadd.s32 v5, v10;
	v58 =	vadd.s32 v6, v10  }
0xf9: {  	v59 =	vmul.f32 v55, v55;
	v60 =	vadd.s32 v7, v10;
	v61 =	vmul.f32 v14, v14  }
0xfa: {  	v62 =	vmul.f32 v15, v15;
	[tilespmem:v56+s17+$0x0] =	vst.idx.add.f32.msk $0xffff, v11;
	v11 =	vmul.f32 v11, v11  }
0xfb: {  	v63 =	vadd.s32 v8, v10;
	v28 =	vadd.s32 v9, v10;
	v29 =	vmul.f32 v16, v16  }
0xfc: {  	v30 =	vmul.f32 v17, v17;
	v21 =	vadd.f32 v62, v61;
	v11 =	vadd.f32 v59, v11  }
0xfd: {  	v10 =	vadd.s32 $0x1800, v10;
	[tilespmem:v57+s17+$0x0] =	vst.idx.add.f32.msk $0xffff, v55  }
0xfe: {  	v31 =	vadd.f32 v30, v29;
	[tilespmem:v58+s17+$0x0] =	vst.idx.add.f32.msk $0xffff, v14;
	v11 =	vadd.f32 v21, v11  }
0xff: {  	[tilespmem:v60+s17+$0x0] =	vst.idx.add.f32.msk $0xffff, v15  }
0x100: {  	[tilespmem:v63+s17+$0x0] =	vst.idx.add.f32.msk $0xffff, v16;
	v11 =	vadd.f32 v31, v11  }
0x101: {  	[tilespmem:v28+s17+$0x0] =	vst.idx.add.f32.msk $0xffff, v17  }
0x102: {  	[tilespmem:v10+s17+$0x0] =	vst.idx.add.f32.msk $0xffff, v11  }
0x103: {  	v10 =	vld [tilespmem:s25+$0x2060];
	_ =	sdelay $0x1  }
0x104: {  	v11 =	vld [tilespmem:s25+$0x4060]  }
0x105: {  	v32 =	vld [tilespmem:s25+$0x6060]  }
0x106: {  	v14 =	vld [tilespmem:s25+$0x8060]  }
0x107: {  	v15 =	vld [tilespmem:s25+$0xA060];
	v33 =	vadd.s32 v4, v10  }
0x108: {  	v16 =	vld [tilespmem:s25+$0xC060]  }
0x109: {  	v17 =	vld [tilespmem:s25+$0xE060]  }
0x10a: {  	v34 =	vadd.s32 v5, v10;
	v35 =	vadd.s32 v6, v10  }
0x10b: {  	v36 =	vmul.f32 v32, v32;
	v37 =	vadd.s32 v7, v10;
	v38 =	vmul.f32 v14, v14  }
0x10c: {  	v39 =	vmul.f32 v15, v15;
	[tilespmem:v33+s17+$0x0] =	vst.idx.add.f32.msk $0xffff, v11;
	v11 =	vmul.f32 v11, v11  }
0x10d: {  	v40 =	vadd.s32 v8, v10;
	v41 =	vadd.s32 v9, v10;
	v42 =	vmul.f32 v16, v16  }
0x10e: {  	v43 =	vmul.f32 v17, v17;
	v21 =	vadd.f32 v39, v38;
	v11 =	vadd.f32 v36, v11  }
0x10f: {  	v10 =	vadd.s32 $0x1800, v10;
	[tilespmem:v34+s17+$0x0] =	vst.idx.add.f32.msk $0xffff, v32  }
0x110: {  	v44 =	vadd.f32 v43, v42;
	[tilespmem:v35+s17+$0x0] =	vst.idx.add.f32.msk $0xffff, v14;
	v11 =	vadd.f32 v21, v11  }
0x111: {  	[tilespmem:v37+s17+$0x0] =	vst.idx.add.f32.msk $0xffff, v15  }
0x112: {  	[tilespmem:v40+s17+$0x0] =	vst.idx.add.f32.msk $0xffff, v16;
	v11 =	vadd.f32 v44, v11  }
0x113: {  	[tilespmem:v41+s17+$0x0] =	vst.idx.add.f32.msk $0xffff, v17  }
0x114: {  	[tilespmem:v10+s17+$0x0] =	vst.idx.add.f32.msk $0xffff, v11  }
0x115: {  	v10 =	vld [tilespmem:s25+$0x2070];
	_ =	sdelay $0x1  }
0x116: {  	v11 =	vld [tilespmem:s25+$0x4070]  }
0x117: {  	v45 =	vld [tilespmem:s25+$0x6070]  }
0x118: {  	v14 =	vld [tilespmem:s25+$0x8070]  }
0x119: {  	v15 =	vld [tilespmem:s25+$0xA070];
	v46 =	vadd.s32 v4, v10  }
0x11a: {  	v16 =	vld [tilespmem:s25+$0xC070]  }
0x11b: {  	v17 =	vld [tilespmem:s25+$0xE070]  }
0x11c: {  	v47 =	vadd.s32 v5, v10;
	v48 =	vadd.s32 v6, v10  }
0x11d: {  	v49 =	vmul.f32 v45, v45;
	v50 =	vadd.s32 v7, v10;
	v51 =	vmul.f32 v14, v14  }
0x11e: {  	v52 =	vmul.f32 v15, v15;
	[tilespmem:v46+s17+$0x0] =	vst.idx.add.f32.msk $0xffff, v11;
	v11 =	vmul.f32 v11, v11  }
0x11f: {  	v53 =	vadd.s32 v8, v10;
	v54 =	vadd.s32 v9, v10;
	v55 =	vmul.f32 v16, v16  }
0x120: {  	v56 =	vmul.f32 v17, v17;
	v21 =	vadd.f32 v52, v51;
	v11 =	vadd.f32 v49, v11  }
0x121: {  	v10 =	vadd.s32 $0x1800, v10;
	[tilespmem:v47+s17+$0x0] =	vst.idx.add.f32.msk $0xffff, v45  }
0x122: {  	v57 =	vadd.f32 v56, v55;
	[tilespmem:v48+s17+$0x0] =	vst.idx.add.f32.msk $0xffff, v14;
	v11 =	vadd.f32 v21, v11  }
0x123: {  	[tilespmem:v50+s17+$0x0] =	vst.idx.add.f32.msk $0xffff, v15  }
0x124: {  	[tilespmem:v53+s17+$0x0] =	vst.idx.add.f32.msk $0xffff, v16;
	v11 =	vadd.f32 v57, v11  }
0x125: {  	[tilespmem:v54+s17+$0x0] =	vst.idx.add.f32.msk $0xffff, v17  }
0x126: {  	[tilespmem:v10+s17+$0x0] =	vst.idx.add.f32.msk $0xffff, v11  }
0x127: {  	v10 =	vld [tilespmem:s25+$0x2400];
	_ =	sdelay $0x1  }
0x128: {  	v11 =	vld [tilespmem:s25+$0x4400]  }
0x129: {  	v58 =	vld [tilespmem:s25+$0x6400]  }
0x12a: {  	v14 =	vld [tilespmem:s25+$0x8400]  }
0x12b: {  	v15 =	vld [tilespmem:s25+$0xA400];
	v59 =	vadd.s32 v4, v10  }
0x12c: {  	v16 =	vld [tilespmem:s25+$0xC400]  }
0x12d: {  	v17 =	vld [tilespmem:s25+$0xE400]  }
0x12e: {  	v60 =	vadd.s32 v5, v10;
	v61 =	vadd.s32 v6, v10  }
0x12f: {  	v62 =	vmul.f32 v58, v58;
	v63 =	vadd.s32 v7, v10;
	v28 =	vmul.f32 v14, v14  }
0x130: {  	v29 =	vmul.f32 v15, v15;
	[tilespmem:v59+s17+$0x0] =	vst.idx.add.f32.msk $0xffff, v11;
	v11 =	vmul.f32 v11, v11  }
0x131: {  	v30 =	vadd.s32 v8, v10;
	v31 =	vadd.s32 v9, v10;
	v32 =	vmul.f32 v16, v16  }
0x132: {  	v33 =	vmul.f32 v17, v17;
	v21 =	vadd.f32 v29, v28;
	v11 =	vadd.f32 v62, v11  }
0x133: {  	v10 =	vadd.s32 $0x1800, v10;
	[tilespmem:v60+s17+$0x0] =	vst.idx.add.f32.msk $0xffff, v58  }
0x134: {  	v34 =	vadd.f32 v33, v32;
	[tilespmem:v61+s17+$0x0] =	vst.idx.add.f32.msk $0xffff, v14;
	v11 =	vadd.f32 v21, v11  }
0x135: {  	[tilespmem:v63+s17+$0x0] =	vst.idx.add.f32.msk $0xffff, v15  }
0x136: {  	[tilespmem:v30+s17+$0x0] =	vst.idx.add.f32.msk $0xffff, v16;
	v11 =	vadd.f32 v34, v11  }
0x137: {  	[tilespmem:v31+s17+$0x0] =	vst.idx.add.f32.msk $0xffff, v17  }
0x138: {  	[tilespmem:v10+s17+$0x0] =	vst.idx.add.f32.msk $0xffff, v11  }
0x139: {  	v10 =	vld [tilespmem:s25+$0x2410];
	_ =	sdelay $0x1  }
0x13a: {  	v11 =	vld [tilespmem:s25+$0x4410]  }
0x13b: {  	v35 =	vld [tilespmem:s25+$0x6410]  }
0x13c: {  	v14 =	vld [tilespmem:s25+$0x8410]  }
0x13d: {  	v15 =	vld [tilespmem:s25+$0xA410];
	v36 =	vadd.s32 v4, v10  }
0x13e: {  	v16 =	vld [tilespmem:s25+$0xC410]  }
0x13f: {  	v17 =	vld [tilespmem:s25+$0xE410]  }
0x140: {  	v37 =	vadd.s32 v5, v10;
	v38 =	vadd.s32 v6, v10  }
0x141: {  	v39 =	vmul.f32 v35, v35;
	v40 =	vadd.s32 v7, v10;
	v41 =	vmul.f32 v14, v14  }
0x142: {  	v42 =	vmul.f32 v15, v15;
	[tilespmem:v36+s17+$0x0] =	vst.idx.add.f32.msk $0xffff, v11;
	v11 =	vmul.f32 v11, v11  }
0x143: {  	v43 =	vadd.s32 v8, v10;
	v44 =	vadd.s32 v9, v10;
	v45 =	vmul.f32 v16, v16  }
0x144: {  	v46 =	vmul.f32 v17, v17;
	v21 =	vadd.f32 v42, v41;
	v11 =	vadd.f32 v39, v11  }
0x145: {  	v10 =	vadd.s32 $0x1800, v10;
	[tilespmem:v37+s17+$0x0] =	vst.idx.add.f32.msk $0xffff, v35  }
0x146: {  	v47 =	vadd.f32 v46, v45;
	[tilespmem:v38+s17+$0x0] =	vst.idx.add.f32.msk $0xffff, v14;
	v11 =	vadd.f32 v21, v11  }
0x147: {  	[tilespmem:v40+s17+$0x0] =	vst.idx.add.f32.msk $0xffff, v15  }
0x148: {  	[tilespmem:v43+s17+$0x0] =	vst.idx.add.f32.msk $0xffff, v16;
	v11 =	vadd.f32 v47, v11  }
0x149: {  	[tilespmem:v44+s17+$0x0] =	vst.idx.add.f32.msk $0xffff, v17  }
0x14a: {  	[tilespmem:v10+s17+$0x0] =	vst.idx.add.f32.msk $0xffff, v11  }
0x14b: {  	v10 =	vld [tilespmem:s25+$0x2420];
	_ =	sdelay $0x1  }
0x14c: {  	v11 =	vld [tilespmem:s25+$0x4420]  }
0x14d: {  	v48 =	vld [tilespmem:s25+$0x6420]  }
0x14e: {  	v14 =	vld [tilespmem:s25+$0x8420]  }
0x14f: {  	v15 =	vld [tilespmem:s25+$0xA420];
	v49 =	vadd.s32 v4, v10  }
0x150: {  	v16 =	vld [tilespmem:s25+$0xC420]  }
0x151: {  	v17 =	vld [tilespmem:s25+$0xE420]  }
0x152: {  	v50 =	vadd.s32 v5, v10;
	v51 =	vadd.s32 v6, v10  }
0x153: {  	v52 =	vmul.f32 v48, v48;
	v53 =	vadd.s32 v7, v10;
	v54 =	vmul.f32 v14, v14  }
0x154: {  	v55 =	vmul.f32 v15, v15;
	[tilespmem:v49+s17+$0x0] =	vst.idx.add.f32.msk $0xffff, v11;
	v11 =	vmul.f32 v11, v11  }
0x155: {  	v56 =	vadd.s32 v8, v10;
	v57 =	vadd.s32 v9, v10;
	v58 =	vmul.f32 v16, v16  }
0x156: {  	v59 =	vmul.f32 v17, v17;
	v21 =	vadd.f32 v55, v54;
	v11 =	vadd.f32 v52, v11  }
0x157: {  	v10 =	vadd.s32 $0x1800, v10;
	[tilespmem:v50+s17+$0x0] =	vst.idx.add.f32.msk $0xffff, v48  }
0x158: {  	v60 =	vadd.f32 v59, v58;
	[tilespmem:v51+s17+$0x0] =	vst.idx.add.f32.msk $0xffff, v14;
	v11 =	vadd.f32 v21, v11  }
0x159: {  	[tilespmem:v53+s17+$0x0] =	vst.idx.add.f32.msk $0xffff, v15  }
0x15a: {  	[tilespmem:v56+s17+$0x0] =	vst.idx.add.f32.msk $0xffff, v16;
	v11 =	vadd.f32 v60, v11  }
0x15b: {  	[tilespmem:v57+s17+$0x0] =	vst.idx.add.f32.msk $0xffff, v17  }
0x15c: {  	[tilespmem:v10+s17+$0x0] =	vst.idx.add.f32.msk $0xffff, v11  }
0x15d: {  	v10 =	vld [tilespmem:s25+$0x2430];
	_ =	sdelay $0x1  }
0x15e: {  	v11 =	vld [tilespmem:s25+$0x4430]  }
0x15f: {  	v61 =	vld [tilespmem:s25+$0x6430]  }
0x160: {  	v14 =	vld [tilespmem:s25+$0x8430]  }
0x161: {  	v15 =	vld [tilespmem:s25+$0xA430];
	v62 =	vadd.s32 v4, v10  }
0x162: {  	v16 =	vld [tilespmem:s25+$0xC430]  }
0x163: {  	v17 =	vld [tilespmem:s25+$0xE430]  }
0x164: {  	v63 =	vadd.s32 v5, v10;
	v28 =	vadd.s32 v6, v10  }
0x165: {  	v29 =	vmul.f32 v61, v61;
	v30 =	vadd.s32 v7, v10;
	v31 =	vmul.f32 v14, v14  }
0x166: {  	v32 =	vmul.f32 v15, v15;
	[tilespmem:v62+s17+$0x0] =	vst.idx.add.f32.msk $0xffff, v11;
	v11 =	vmul.f32 v11, v11  }
0x167: {  	v33 =	vadd.s32 v8, v10;
	v34 =	vadd.s32 v9, v10;
	v35 =	vmul.f32 v16, v16  }
0x168: {  	v36 =	vmul.f32 v17, v17;
	v21 =	vadd.f32 v32, v31;
	v11 =	vadd.f32 v29, v11  }
0x169: {  	v10 =	vadd.s32 $0x1800, v10;
	[tilespmem:v63+s17+$0x0] =	vst.idx.add.f32.msk $0xffff, v61  }
0x16a: {  	v37 =	vadd.f32 v36, v35;
	[tilespmem:v28+s17+$0x0] =	vst.idx.add.f32.msk $0xffff, v14;
	v11 =	vadd.f32 v21, v11  }
0x16b: {  	[tilespmem:v30+s17+$0x0] =	vst.idx.add.f32.msk $0xffff, v15  }
0x16c: {  	[tilespmem:v33+s17+$0x0] =	vst.idx.add.f32.msk $0xffff, v16;
	v11 =	vadd.f32 v37, v11  }
0x16d: {  	[tilespmem:v34+s17+$0x0] =	vst.idx.add.f32.msk $0xffff, v17  }
0x16e: {  	[tilespmem:v10+s17+$0x0] =	vst.idx.add.f32.msk $0xffff, v11  }
0x16f: {  	v10 =	vld [tilespmem:s25+$0x2440];
	_ =	sdelay $0x1  }
0x170: {  	v11 =	vld [tilespmem:s25+$0x4440]  }
0x171: {  	v38 =	vld [tilespmem:s25+$0x6440]  }
0x172: {  	v14 =	vld [tilespmem:s25+$0x8440]  }
0x173: {  	v15 =	vld [tilespmem:s25+$0xA440];
	v39 =	vadd.s32 v4, v10  }
0x174: {  	v16 =	vld [tilespmem:s25+$0xC440]  }
0x175: {  	v17 =	vld [tilespmem:s25+$0xE440]  }
0x176: {  	v40 =	vadd.s32 v5, v10;
	v41 =	vadd.s32 v6, v10  }
0x177: {  	v42 =	vmul.f32 v38, v38;
	v43 =	vadd.s32 v7, v10;
	v44 =	vmul.f32 v14, v14  }
0x178: {  	v45 =	vmul.f32 v15, v15;
	[tilespmem:v39+s17+$0x0] =	vst.idx.add.f32.msk $0xffff, v11;
	v11 =	vmul.f32 v11, v11  }
0x179: {  	v46 =	vadd.s32 v8, v10;
	v47 =	vadd.s32 v9, v10;
	v48 =	vmul.f32 v16, v16  }
0x17a: {  	v49 =	vmul.f32 v17, v17;
	v21 =	vadd.f32 v45, v44;
	v11 =	vadd.f32 v42, v11  }
0x17b: {  	v10 =	vadd.s32 $0x1800, v10;
	[tilespmem:v40+s17+$0x0] =	vst.idx.add.f32.msk $0xffff, v38  }
0x17c: {  	v50 =	vadd.f32 v49, v48;
	[tilespmem:v41+s17+$0x0] =	vst.idx.add.f32.msk $0xffff, v14;
	v11 =	vadd.f32 v21, v11  }
0x17d: {  	[tilespmem:v43+s17+$0x0] =	vst.idx.add.f32.msk $0xffff, v15  }
0x17e: {  	[tilespmem:v46+s17+$0x0] =	vst.idx.add.f32.msk $0xffff, v16;
	v11 =	vadd.f32 v50, v11  }
0x17f: {  	[tilespmem:v47+s17+$0x0] =	vst.idx.add.f32.msk $0xffff, v17  }
0x180: {  	[tilespmem:v10+s17+$0x0] =	vst.idx.add.f32.msk $0xffff, v11  }
0x181: {  	v10 =	vld [tilespmem:s25+$0x2450];
	_ =	sdelay $0x1  }
0x182: {  	v11 =	vld [tilespmem:s25+$0x4450]  }
0x183: {  	v51 =	vld [tilespmem:s25+$0x6450]  }
0x184: {  	v14 =	vld [tilespmem:s25+$0x8450]  }
0x185: {  	v15 =	vld [tilespmem:s25+$0xA450];
	v52 =	vadd.s32 v4, v10  }
0x186: {  	v16 =	vld [tilespmem:s25+$0xC450]  }
0x187: {  	v17 =	vld [tilespmem:s25+$0xE450]  }
0x188: {  	v53 =	vadd.s32 v5, v10;
	v54 =	vadd.s32 v6, v10  }
0x189: {  	v55 =	vmul.f32 v51, v51;
	v56 =	vadd.s32 v7, v10;
	v57 =	vmul.f32 v14, v14  }
0x18a: {  	v58 =	vmul.f32 v15, v15;
	[tilespmem:v52+s17+$0x0] =	vst.idx.add.f32.msk $0xffff, v11;
	v11 =	vmul.f32 v11, v11  }
0x18b: {  	v59 =	vadd.s32 v8, v10;
	v60 =	vadd.s32 v9, v10;
	v61 =	vmul.f32 v16, v16  }
0x18c: {  	v62 =	vmul.f32 v17, v17;
	v21 =	vadd.f32 v58, v57;
	v11 =	vadd.f32 v55, v11  }
0x18d: {  	p0 =	sne.s32 s24, $0x1F00;
	v10 =	vadd.s32 $0x1800, v10;
	[tilespmem:v53+s17+$0x0] =	vst.idx.add.f32.msk $0xffff, v51  }
.Ltmp4:
0x18e: {  	v63 =	vadd.f32 v62, v61;
	[tilespmem:v54+s17+$0x0] =	vst.idx.add.f32.msk $0xffff, v14;
	v11 =	vadd.f32 v21, v11;
	(pc) =	sbr.rel @p0 .LBB2_7-.Ltmp4, $4  }
0x18f: {  	[tilespmem:v56+s17+$0x0] =	vst.idx.add.f32.msk $0xffff, v15  }
0x190: {  	[tilespmem:v59+s17+$0x0] =	vst.idx.add.f32.msk $0xffff, v16;
	v11 =	vadd.f32 v63, v11  }
0x191: {  	[tilespmem:v60+s17+$0x0] =	vst.idx.add.f32.msk $0xffff, v17  }
0x192: {  	s23 =	sadd.s32 $0x80, s23;
	s24 =	sadd.s32 $0x100, s24;
	[tilespmem:v10+s17+$0x0] =	vst.idx.add.f32.msk $0xffff, v11  }
0x193: {  	p0 =	seq.s32 s21, $0x3  }
0x194: {  	s23 =	smul.u32 @!p0 $0xC, s21;
	_ =	sdelay $0x1  }
0x195: {  	s23 =	sadd.s32 @!p0 s23, s7  }
0x196: {  	s23 =	smul.u32 @!p0 $0xE000, s23;
	_ =	sdelay $0x1  }
0x197: {  	s29 =	sadd.s32 $0x400, s22;
	s23 =	sadd.s32 @!p0 s4, s23  }
0x198: {  	s30 =	sadd.s32 $0x480, s22;
	s24 =	simm.s32 @!p0 $0x2000;
	s23 =	sshrl.u32 @!p0 s23, $0x3  }
0x199: {  	s25 =	simm.s32 @!p0 $0xE000;
	s26 =	simm.s32 @!p0 $0x4000;
	s23 =	sadd.s32 @!p0 s1, s23  }
0x19a: {  	[tilespmem:s26], [sflag:$0x1] =	stream.strided.gather @!p0 [hbm4b:s23+s24], $0xC000, s25, s24, $0x38;
	[tilespmem:$0x1D900] =	vst v63  }
0x19b: {  	s28 =	sadd.s32 $0x500, s22;
	s31 =	sadd.s32 $0x580, s22;
	_ =	swait.ge [sflag:s19], $0xC000  }
0x19c: {  	v6 =	vmov s29;
	v7 =	vmov s30;
	v8 =	vmov s28;
	s25 =	sadd.s32 $0x300, s22;
	s26 =	sadd.s32 $0x380, s22;
	[sflag:s19] =	ssyncset.done $0x0  }
0x19d: {  	v9 =	vmov s31;
	s22 =	simm.s32 $0x0;
	s23 =	simm.s32 $0x0;
	v4 =	vmov s25;
	v5 =	vmov s26;
	[sflag:s19] =	ssyncadd.s32 $0xFFFF4000  }
.LBB2_9:
0x19e: {  	s24 =	sand.u32 $0x1800, s23;
	s25 =	sand.u32 $0x380, s22  }
0x19f: {  	s24 =	sor.u32 s25, s24  }
0x1a0: {  	v10 =	vld [tilespmem:s24+$0x2000];
	_ =	sdelay $0x1  }
0x1a1: {  	v11 =	vld [tilespmem:s24+$0x10000]  }
0x1a2: {  	v12 =	vld [tilespmem:s24+$0x12000]  }
0x1a3: {  	v14 =	vld [tilespmem:s24+$0x14000]  }
0x1a4: {  	v15 =	vld [tilespmem:s24+$0x16000];
	v13 =	vadd.s32 v4, v10  }
0x1a5: {  	v16 =	vld [tilespmem:s24+$0x18000]  }
0x1a6: {  	v17 =	vld [tilespmem:s24+$0x1A000]  }
0x1a7: {  	v37 =	vadd.s32 v5, v10;
	v18 =	vadd.s32 v6, v10  }
0x1a8: {  	v19 =	vmul.f32 v12, v12;
	v20 =	vadd.s32 v7, v10;
	v21 =	vmul.f32 v14, v14  }
0x1a9: {  	v22 =	vmul.f32 v15, v15;
	[tilespmem:v13+s17+$0x0] =	vst.idx.add.f32.msk $0xffff, v11;
	v11 =	vmul.f32 v11, v11  }
0x1aa: {  	v23 =	vadd.s32 v8, v10;
	v24 =	vadd.s32 v9, v10;
	v38 =	vmul.f32 v16, v16  }
0x1ab: {  	v39 =	vmul.f32 v17, v17;
	v21 =	vadd.f32 v22, v21;
	v11 =	vadd.f32 v19, v11  }
0x1ac: {  	v10 =	vadd.s32 $0x1800, v10;
	[tilespmem:v37+s17+$0x0] =	vst.idx.add.f32.msk $0xffff, v12  }
0x1ad: {  	v40 =	vadd.f32 v39, v38;
	[tilespmem:v18+s17+$0x0] =	vst.idx.add.f32.msk $0xffff, v14;
	v11 =	vadd.f32 v21, v11  }
0x1ae: {  	[tilespmem:v20+s17+$0x0] =	vst.idx.add.f32.msk $0xffff, v15  }
0x1af: {  	[tilespmem:v23+s17+$0x0] =	vst.idx.add.f32.msk $0xffff, v16;
	v11 =	vadd.f32 v40, v11  }
0x1b0: {  	[tilespmem:v24+s17+$0x0] =	vst.idx.add.f32.msk $0xffff, v17  }
0x1b1: {  	[tilespmem:v10+s17+$0x0] =	vst.idx.add.f32.msk $0xffff, v11  }
0x1b2: {  	v10 =	vld [tilespmem:s24+$0x2010];
	_ =	sdelay $0x1  }
0x1b3: {  	v11 =	vld [tilespmem:s24+$0x10010]  }
0x1b4: {  	v41 =	vld [tilespmem:s24+$0x12010]  }
0x1b5: {  	v14 =	vld [tilespmem:s24+$0x14010]  }
0x1b6: {  	v15 =	vld [tilespmem:s24+$0x16010];
	v42 =	vadd.s32 v4, v10  }
0x1b7: {  	v16 =	vld [tilespmem:s24+$0x18010]  }
0x1b8: {  	v17 =	vld [tilespmem:s24+$0x1A010]  }
0x1b9: {  	v43 =	vadd.s32 v5, v10;
	v44 =	vadd.s32 v6, v10  }
0x1ba: {  	v45 =	vmul.f32 v41, v41;
	v46 =	vadd.s32 v7, v10;
	v47 =	vmul.f32 v14, v14  }
0x1bb: {  	v48 =	vmul.f32 v15, v15;
	[tilespmem:v42+s17+$0x0] =	vst.idx.add.f32.msk $0xffff, v11;
	v11 =	vmul.f32 v11, v11  }
0x1bc: {  	v49 =	vadd.s32 v8, v10;
	v50 =	vadd.s32 v9, v10;
	v51 =	vmul.f32 v16, v16  }
0x1bd: {  	v52 =	vmul.f32 v17, v17;
	v21 =	vadd.f32 v48, v47;
	v11 =	vadd.f32 v45, v11  }
0x1be: {  	v10 =	vadd.s32 $0x1800, v10;
	[tilespmem:v43+s17+$0x0] =	vst.idx.add.f32.msk $0xffff, v41  }
0x1bf: {  	v53 =	vadd.f32 v52, v51;
	[tilespmem:v44+s17+$0x0] =	vst.idx.add.f32.msk $0xffff, v14;
	v11 =	vadd.f32 v21, v11  }
0x1c0: {  	[tilespmem:v46+s17+$0x0] =	vst.idx.add.f32.msk $0xffff, v15  }
0x1c1: {  	[tilespmem:v49+s17+$0x0] =	vst.idx.add.f32.msk $0xffff, v16;
	v11 =	vadd.f32 v53, v11  }
0x1c2: {  	[tilespmem:v50+s17+$0x0] =	vst.idx.add.f32.msk $0xffff, v17  }
0x1c3: {  	[tilespmem:v10+s17+$0x0] =	vst.idx.add.f32.msk $0xffff, v11  }
0x1c4: {  	v10 =	vld [tilespmem:s24+$0x2020];
	_ =	sdelay $0x1  }
0x1c5: {  	v11 =	vld [tilespmem:s24+$0x10020]  }
0x1c6: {  	v54 =	vld [tilespmem:s24+$0x12020]  }
0x1c7: {  	v14 =	vld [tilespmem:s24+$0x14020]  }
0x1c8: {  	v15 =	vld [tilespmem:s24+$0x16020];
	v55 =	vadd.s32 v4, v10  }
0x1c9: {  	v16 =	vld [tilespmem:s24+$0x18020]  }
0x1ca: {  	v17 =	vld [tilespmem:s24+$0x1A020]  }
0x1cb: {  	v56 =	vadd.s32 v5, v10;
	v57 =	vadd.s32 v6, v10  }
0x1cc: {  	v58 =	vmul.f32 v54, v54;
	v59 =	vadd.s32 v7, v10;
	v60 =	vmul.f32 v14, v14  }
0x1cd: {  	v61 =	vmul.f32 v15, v15;
	[tilespmem:v55+s17+$0x0] =	vst.idx.add.f32.msk $0xffff, v11;
	v11 =	vmul.f32 v11, v11  }
0x1ce: {  	v62 =	vadd.s32 v8, v10;
	v63 =	vadd.s32 v9, v10;
	v26 =	vmul.f32 v16, v16  }
0x1cf: {  	v27 =	vmul.f32 v17, v17;
	v21 =	vadd.f32 v61, v60;
	v11 =	vadd.f32 v58, v11  }
0x1d0: {  	v10 =	vadd.s32 $0x1800, v10;
	[tilespmem:v56+s17+$0x0] =	vst.idx.add.f32.msk $0xffff, v54  }
0x1d1: {  	v28 =	vadd.f32 v27, v26;
	[tilespmem:v57+s17+$0x0] =	vst.idx.add.f32.msk $0xffff, v14;
	v11 =	vadd.f32 v21, v11  }
0x1d2: {  	[tilespmem:v59+s17+$0x0] =	vst.idx.add.f32.msk $0xffff, v15  }
0x1d3: {  	[tilespmem:v62+s17+$0x0] =	vst.idx.add.f32.msk $0xffff, v16;
	v11 =	vadd.f32 v28, v11  }
0x1d4: {  	[tilespmem:v63+s17+$0x0] =	vst.idx.add.f32.msk $0xffff, v17  }
0x1d5: {  	[tilespmem:v10+s17+$0x0] =	vst.idx.add.f32.msk $0xffff, v11  }
0x1d6: {  	v10 =	vld [tilespmem:s24+$0x2030];
	_ =	sdelay $0x1  }
0x1d7: {  	v11 =	vld [tilespmem:s24+$0x10030]  }
0x1d8: {  	v29 =	vld [tilespmem:s24+$0x12030]  }
0x1d9: {  	v14 =	vld [tilespmem:s24+$0x14030]  }
0x1da: {  	v15 =	vld [tilespmem:s24+$0x16030];
	v30 =	vadd.s32 v4, v10  }
0x1db: {  	v16 =	vld [tilespmem:s24+$0x18030]  }
0x1dc: {  	v17 =	vld [tilespmem:s24+$0x1A030]  }
0x1dd: {  	v31 =	vadd.s32 v5, v10;
	v32 =	vadd.s32 v6, v10  }
0x1de: {  	v33 =	vmul.f32 v29, v29;
	v34 =	vadd.s32 v7, v10;
	v35 =	vmul.f32 v14, v14  }
0x1df: {  	v36 =	vmul.f32 v15, v15;
	[tilespmem:v30+s17+$0x0] =	vst.idx.add.f32.msk $0xffff, v11;
	v11 =	vmul.f32 v11, v11  }
0x1e0: {  	v37 =	vadd.s32 v8, v10;
	v38 =	vadd.s32 v9, v10;
	v39 =	vmul.f32 v16, v16  }
0x1e1: {  	v40 =	vmul.f32 v17, v17;
	v21 =	vadd.f32 v36, v35;
	v11 =	vadd.f32 v33, v11  }
0x1e2: {  	v10 =	vadd.s32 $0x1800, v10;
	[tilespmem:v31+s17+$0x0] =	vst.idx.add.f32.msk $0xffff, v29  }
0x1e3: {  	v41 =	vadd.f32 v40, v39;
	[tilespmem:v32+s17+$0x0] =	vst.idx.add.f32.msk $0xffff, v14;
	v11 =	vadd.f32 v21, v11  }
0x1e4: {  	[tilespmem:v34+s17+$0x0] =	vst.idx.add.f32.msk $0xffff, v15  }
0x1e5: {  	[tilespmem:v37+s17+$0x0] =	vst.idx.add.f32.msk $0xffff, v16;
	v11 =	vadd.f32 v41, v11  }
0x1e6: {  	[tilespmem:v38+s17+$0x0] =	vst.idx.add.f32.msk $0xffff, v17  }
0x1e7: {  	[tilespmem:v10+s17+$0x0] =	vst.idx.add.f32.msk $0xffff, v11  }
0x1e8: {  	v10 =	vld [tilespmem:s24+$0x2040];
	_ =	sdelay $0x1  }
0x1e9: {  	v11 =	vld [tilespmem:s24+$0x10040]  }
0x1ea: {  	v42 =	vld [tilespmem:s24+$0x12040]  }
0x1eb: {  	v14 =	vld [tilespmem:s24+$0x14040]  }
0x1ec: {  	v15 =	vld [tilespmem:s24+$0x16040];
	v43 =	vadd.s32 v4, v10  }
0x1ed: {  	v16 =	vld [tilespmem:s24+$0x18040]  }
0x1ee: {  	v17 =	vld [tilespmem:s24+$0x1A040]  }
0x1ef: {  	v44 =	vadd.s32 v5, v10;
	v45 =	vadd.s32 v6, v10  }
0x1f0: {  	v46 =	vmul.f32 v42, v42;
	v47 =	vadd.s32 v7, v10;
	v48 =	vmul.f32 v14, v14  }
0x1f1: {  	v49 =	vmul.f32 v15, v15;
	[tilespmem:v43+s17+$0x0] =	vst.idx.add.f32.msk $0xffff, v11;
	v11 =	vmul.f32 v11, v11  }
0x1f2: {  	v50 =	vadd.s32 v8, v10;
	v51 =	vadd.s32 v9, v10;
	v52 =	vmul.f32 v16, v16  }
0x1f3: {  	v53 =	vmul.f32 v17, v17;
	v21 =	vadd.f32 v49, v48;
	v11 =	vadd.f32 v46, v11  }
0x1f4: {  	v10 =	vadd.s32 $0x1800, v10;
	[tilespmem:v44+s17+$0x0] =	vst.idx.add.f32.msk $0xffff, v42  }
0x1f5: {  	v54 =	vadd.f32 v53, v52;
	[tilespmem:v45+s17+$0x0] =	vst.idx.add.f32.msk $0xffff, v14;
	v11 =	vadd.f32 v21, v11  }
0x1f6: {  	[tilespmem:v47+s17+$0x0] =	vst.idx.add.f32.msk $0xffff, v15  }
0x1f7: {  	[tilespmem:v50+s17+$0x0] =	vst.idx.add.f32.msk $0xffff, v16;
	v11 =	vadd.f32 v54, v11  }
0x1f8: {  	[tilespmem:v51+s17+$0x0] =	vst.idx.add.f32.msk $0xffff, v17  }
0x1f9: {  	[tilespmem:v10+s17+$0x0] =	vst.idx.add.f32.msk $0xffff, v11  }
0x1fa: {  	v10 =	vld [tilespmem:s24+$0x2050];
	_ =	sdelay $0x1  }
0x1fb: {  	v11 =	vld [tilespmem:s24+$0x10050]  }
0x1fc: {  	v55 =	vld [tilespmem:s24+$0x12050]  }
0x1fd: {  	v14 =	vld [tilespmem:s24+$0x14050]  }
0x1fe: {  	v15 =	vld [tilespmem:s24+$0x16050];
	v56 =	vadd.s32 v4, v10  }
0x1ff: {  	v16 =	vld [tilespmem:s24+$0x18050]  }
0x200: {  	v17 =	vld [tilespmem:s24+$0x1A050]  }
0x201: {  	v57 =	vadd.s32 v5, v10;
	v58 =	vadd.s32 v6, v10  }
0x202: {  	v59 =	vmul.f32 v55, v55;
	v60 =	vadd.s32 v7, v10;
	v61 =	vmul.f32 v14, v14  }
0x203: {  	v62 =	vmul.f32 v15, v15;
	[tilespmem:v56+s17+$0x0] =	vst.idx.add.f32.msk $0xffff, v11;
	v11 =	vmul.f32 v11, v11  }
0x204: {  	v63 =	vadd.s32 v8, v10;
	v28 =	vadd.s32 v9, v10;
	v29 =	vmul.f32 v16, v16  }
0x205: {  	v30 =	vmul.f32 v17, v17;
	v21 =	vadd.f32 v62, v61;
	v11 =	vadd.f32 v59, v11  }
0x206: {  	v10 =	vadd.s32 $0x1800, v10;
	[tilespmem:v57+s17+$0x0] =	vst.idx.add.f32.msk $0xffff, v55  }
0x207: {  	v31 =	vadd.f32 v30, v29;
	[tilespmem:v58+s17+$0x0] =	vst.idx.add.f32.msk $0xffff, v14;
	v11 =	vadd.f32 v21, v11  }
0x208: {  	[tilespmem:v60+s17+$0x0] =	vst.idx.add.f32.msk $0xffff, v15  }
0x209: {  	[tilespmem:v63+s17+$0x0] =	vst.idx.add.f32.msk $0xffff, v16;
	v11 =	vadd.f32 v31, v11  }
0x20a: {  	[tilespmem:v28+s17+$0x0] =	vst.idx.add.f32.msk $0xffff, v17  }
0x20b: {  	[tilespmem:v10+s17+$0x0] =	vst.idx.add.f32.msk $0xffff, v11  }
0x20c: {  	v10 =	vld [tilespmem:s24+$0x2060];
	_ =	sdelay $0x1  }
0x20d: {  	v11 =	vld [tilespmem:s24+$0x10060]  }
0x20e: {  	v32 =	vld [tilespmem:s24+$0x12060]  }
0x20f: {  	v14 =	vld [tilespmem:s24+$0x14060]  }
0x210: {  	v15 =	vld [tilespmem:s24+$0x16060];
	v33 =	vadd.s32 v4, v10  }
0x211: {  	v16 =	vld [tilespmem:s24+$0x18060]  }
0x212: {  	v17 =	vld [tilespmem:s24+$0x1A060]  }
0x213: {  	v34 =	vadd.s32 v5, v10;
	v35 =	vadd.s32 v6, v10  }
0x214: {  	v36 =	vmul.f32 v32, v32;
	v37 =	vadd.s32 v7, v10;
	v38 =	vmul.f32 v14, v14  }
0x215: {  	v39 =	vmul.f32 v15, v15;
	[tilespmem:v33+s17+$0x0] =	vst.idx.add.f32.msk $0xffff, v11;
	v11 =	vmul.f32 v11, v11  }
0x216: {  	v40 =	vadd.s32 v8, v10;
	v41 =	vadd.s32 v9, v10;
	v42 =	vmul.f32 v16, v16  }
0x217: {  	v43 =	vmul.f32 v17, v17;
	v21 =	vadd.f32 v39, v38;
	v11 =	vadd.f32 v36, v11  }
0x218: {  	v10 =	vadd.s32 $0x1800, v10;
	[tilespmem:v34+s17+$0x0] =	vst.idx.add.f32.msk $0xffff, v32  }
0x219: {  	v44 =	vadd.f32 v43, v42;
	[tilespmem:v35+s17+$0x0] =	vst.idx.add.f32.msk $0xffff, v14;
	v11 =	vadd.f32 v21, v11  }
0x21a: {  	[tilespmem:v37+s17+$0x0] =	vst.idx.add.f32.msk $0xffff, v15  }
0x21b: {  	[tilespmem:v40+s17+$0x0] =	vst.idx.add.f32.msk $0xffff, v16;
	v11 =	vadd.f32 v44, v11  }
0x21c: {  	[tilespmem:v41+s17+$0x0] =	vst.idx.add.f32.msk $0xffff, v17  }
0x21d: {  	[tilespmem:v10+s17+$0x0] =	vst.idx.add.f32.msk $0xffff, v11  }
0x21e: {  	v10 =	vld [tilespmem:s24+$0x2070];
	_ =	sdelay $0x1  }
0x21f: {  	v11 =	vld [tilespmem:s24+$0x10070]  }
0x220: {  	v45 =	vld [tilespmem:s24+$0x12070]  }
0x221: {  	v14 =	vld [tilespmem:s24+$0x14070]  }
0x222: {  	v15 =	vld [tilespmem:s24+$0x16070];
	v46 =	vadd.s32 v4, v10  }
0x223: {  	v16 =	vld [tilespmem:s24+$0x18070]  }
0x224: {  	v17 =	vld [tilespmem:s24+$0x1A070]  }
0x225: {  	v47 =	vadd.s32 v5, v10;
	v48 =	vadd.s32 v6, v10  }
0x226: {  	v49 =	vmul.f32 v45, v45;
	v50 =	vadd.s32 v7, v10;
	v51 =	vmul.f32 v14, v14  }
0x227: {  	v52 =	vmul.f32 v15, v15;
	[tilespmem:v46+s17+$0x0] =	vst.idx.add.f32.msk $0xffff, v11;
	v11 =	vmul.f32 v11, v11  }
0x228: {  	v53 =	vadd.s32 v8, v10;
	v54 =	vadd.s32 v9, v10;
	v55 =	vmul.f32 v16, v16  }
0x229: {  	v56 =	vmul.f32 v17, v17;
	v21 =	vadd.f32 v52, v51;
	v11 =	vadd.f32 v49, v11  }
0x22a: {  	v10 =	vadd.s32 $0x1800, v10;
	[tilespmem:v47+s17+$0x0] =	vst.idx.add.f32.msk $0xffff, v45  }
0x22b: {  	v57 =	vadd.f32 v56, v55;
	[tilespmem:v48+s17+$0x0] =	vst.idx.add.f32.msk $0xffff, v14;
	v11 =	vadd.f32 v21, v11  }
0x22c: {  	[tilespmem:v50+s17+$0x0] =	vst.idx.add.f32.msk $0xffff, v15  }
0x22d: {  	[tilespmem:v53+s17+$0x0] =	vst.idx.add.f32.msk $0xffff, v16;
	v11 =	vadd.f32 v57, v11  }
0x22e: {  	[tilespmem:v54+s17+$0x0] =	vst.idx.add.f32.msk $0xffff, v17  }
0x22f: {  	[tilespmem:v10+s17+$0x0] =	vst.idx.add.f32.msk $0xffff, v11  }
0x230: {  	v10 =	vld [tilespmem:s24+$0x2400];
	_ =	sdelay $0x1  }
0x231: {  	v11 =	vld [tilespmem:s24+$0x10400]  }
0x232: {  	v58 =	vld [tilespmem:s24+$0x12400]  }
0x233: {  	v14 =	vld [tilespmem:s24+$0x14400]  }
0x234: {  	v15 =	vld [tilespmem:s24+$0x16400];
	v59 =	vadd.s32 v4, v10  }
0x235: {  	v16 =	vld [tilespmem:s24+$0x18400]  }
0x236: {  	v17 =	vld [tilespmem:s24+$0x1A400]  }
0x237: {  	v60 =	vadd.s32 v5, v10;
	v61 =	vadd.s32 v6, v10  }
0x238: {  	v62 =	vmul.f32 v58, v58;
	v63 =	vadd.s32 v7, v10;
	v28 =	vmul.f32 v14, v14  }
0x239: {  	v29 =	vmul.f32 v15, v15;
	[tilespmem:v59+s17+$0x0] =	vst.idx.add.f32.msk $0xffff, v11;
	v11 =	vmul.f32 v11, v11  }
0x23a: {  	v30 =	vadd.s32 v8, v10;
	v31 =	vadd.s32 v9, v10;
	v32 =	vmul.f32 v16, v16  }
0x23b: {  	v33 =	vmul.f32 v17, v17;
	v21 =	vadd.f32 v29, v28;
	v11 =	vadd.f32 v62, v11  }
0x23c: {  	v10 =	vadd.s32 $0x1800, v10;
	[tilespmem:v60+s17+$0x0] =	vst.idx.add.f32.msk $0xffff, v58  }
0x23d: {  	v34 =	vadd.f32 v33, v32;
	[tilespmem:v61+s17+$0x0] =	vst.idx.add.f32.msk $0xffff, v14;
	v11 =	vadd.f32 v21, v11  }
0x23e: {  	[tilespmem:v63+s17+$0x0] =	vst.idx.add.f32.msk $0xffff, v15  }
0x23f: {  	[tilespmem:v30+s17+$0x0] =	vst.idx.add.f32.msk $0xffff, v16;
	v11 =	vadd.f32 v34, v11  }
0x240: {  	[tilespmem:v31+s17+$0x0] =	vst.idx.add.f32.msk $0xffff, v17  }
0x241: {  	[tilespmem:v10+s17+$0x0] =	vst.idx.add.f32.msk $0xffff, v11  }
0x242: {  	v10 =	vld [tilespmem:s24+$0x2410];
	_ =	sdelay $0x1  }
0x243: {  	v11 =	vld [tilespmem:s24+$0x10410]  }
0x244: {  	v35 =	vld [tilespmem:s24+$0x12410]  }
0x245: {  	v14 =	vld [tilespmem:s24+$0x14410]  }
0x246: {  	v15 =	vld [tilespmem:s24+$0x16410];
	v36 =	vadd.s32 v4, v10  }
0x247: {  	v16 =	vld [tilespmem:s24+$0x18410]  }
0x248: {  	v17 =	vld [tilespmem:s24+$0x1A410]  }
0x249: {  	v37 =	vadd.s32 v5, v10;
	v38 =	vadd.s32 v6, v10  }
0x24a: {  	v39 =	vmul.f32 v35, v35;
	v40 =	vadd.s32 v7, v10;
	v41 =	vmul.f32 v14, v14  }
0x24b: {  	v42 =	vmul.f32 v15, v15;
	[tilespmem:v36+s17+$0x0] =	vst.idx.add.f32.msk $0xffff, v11;
	v11 =	vmul.f32 v11, v11  }
0x24c: {  	v43 =	vadd.s32 v8, v10;
	v44 =	vadd.s32 v9, v10;
	v45 =	vmul.f32 v16, v16  }
0x24d: {  	v46 =	vmul.f32 v17, v17;
	v21 =	vadd.f32 v42, v41;
	v11 =	vadd.f32 v39, v11  }
0x24e: {  	v10 =	vadd.s32 $0x1800, v10;
	[tilespmem:v37+s17+$0x0] =	vst.idx.add.f32.msk $0xffff, v35  }
0x24f: {  	v47 =	vadd.f32 v46, v45;
	[tilespmem:v38+s17+$0x0] =	vst.idx.add.f32.msk $0xffff, v14;
	v11 =	vadd.f32 v21, v11  }
0x250: {  	[tilespmem:v40+s17+$0x0] =	vst.idx.add.f32.msk $0xffff, v15  }
0x251: {  	[tilespmem:v43+s17+$0x0] =	vst.idx.add.f32.msk $0xffff, v16;
	v11 =	vadd.f32 v47, v11  }
0x252: {  	[tilespmem:v44+s17+$0x0] =	vst.idx.add.f32.msk $0xffff, v17  }
0x253: {  	[tilespmem:v10+s17+$0x0] =	vst.idx.add.f32.msk $0xffff, v11  }
0x254: {  	v10 =	vld [tilespmem:s24+$0x2420];
	_ =	sdelay $0x1  }
0x255: {  	v11 =	vld [tilespmem:s24+$0x10420]  }
0x256: {  	v48 =	vld [tilespmem:s24+$0x12420]  }
0x257: {  	v14 =	vld [tilespmem:s24+$0x14420]  }
0x258: {  	v15 =	vld [tilespmem:s24+$0x16420];
	v49 =	vadd.s32 v4, v10  }
0x259: {  	v16 =	vld [tilespmem:s24+$0x18420]  }
0x25a: {  	v17 =	vld [tilespmem:s24+$0x1A420]  }
0x25b: {  	v50 =	vadd.s32 v5, v10;
	v51 =	vadd.s32 v6, v10  }
0x25c: {  	v52 =	vmul.f32 v48, v48;
	v53 =	vadd.s32 v7, v10;
	v54 =	vmul.f32 v14, v14  }
0x25d: {  	v55 =	vmul.f32 v15, v15;
	[tilespmem:v49+s17+$0x0] =	vst.idx.add.f32.msk $0xffff, v11;
	v11 =	vmul.f32 v11, v11  }
0x25e: {  	v56 =	vadd.s32 v8, v10;
	v57 =	vadd.s32 v9, v10;
	v58 =	vmul.f32 v16, v16  }
0x25f: {  	v59 =	vmul.f32 v17, v17;
	v21 =	vadd.f32 v55, v54;
	v11 =	vadd.f32 v52, v11  }
0x260: {  	v10 =	vadd.s32 $0x1800, v10;
	[tilespmem:v50+s17+$0x0] =	vst.idx.add.f32.msk $0xffff, v48  }
0x261: {  	v60 =	vadd.f32 v59, v58;
	[tilespmem:v51+s17+$0x0] =	vst.idx.add.f32.msk $0xffff, v14;
	v11 =	vadd.f32 v21, v11  }
0x262: {  	[tilespmem:v53+s17+$0x0] =	vst.idx.add.f32.msk $0xffff, v15  }
0x263: {  	[tilespmem:v56+s17+$0x0] =	vst.idx.add.f32.msk $0xffff, v16;
	v11 =	vadd.f32 v60, v11  }
0x264: {  	[tilespmem:v57+s17+$0x0] =	vst.idx.add.f32.msk $0xffff, v17  }
0x265: {  	[tilespmem:v10+s17+$0x0] =	vst.idx.add.f32.msk $0xffff, v11  }
0x266: {  	v10 =	vld [tilespmem:s24+$0x2430];
	_ =	sdelay $0x1  }
0x267: {  	v11 =	vld [tilespmem:s24+$0x10430]  }
0x268: {  	v61 =	vld [tilespmem:s24+$0x12430]  }
0x269: {  	v14 =	vld [tilespmem:s24+$0x14430]  }
0x26a: {  	v15 =	vld [tilespmem:s24+$0x16430];
	v62 =	vadd.s32 v4, v10  }
0x26b: {  	v16 =	vld [tilespmem:s24+$0x18430]  }
0x26c: {  	v17 =	vld [tilespmem:s24+$0x1A430]  }
0x26d: {  	v63 =	vadd.s32 v5, v10;
	v28 =	vadd.s32 v6, v10  }
0x26e: {  	v29 =	vmul.f32 v61, v61;
	v30 =	vadd.s32 v7, v10;
	v31 =	vmul.f32 v14, v14  }
0x26f: {  	v32 =	vmul.f32 v15, v15;
	[tilespmem:v62+s17+$0x0] =	vst.idx.add.f32.msk $0xffff, v11;
	v11 =	vmul.f32 v11, v11  }
0x270: {  	v33 =	vadd.s32 v8, v10;
	v34 =	vadd.s32 v9, v10;
	v35 =	vmul.f32 v16, v16  }
0x271: {  	v36 =	vmul.f32 v17, v17;
	v21 =	vadd.f32 v32, v31;
	v11 =	vadd.f32 v29, v11  }
0x272: {  	v10 =	vadd.s32 $0x1800, v10;
	[tilespmem:v63+s17+$0x0] =	vst.idx.add.f32.msk $0xffff, v61  }
0x273: {  	v37 =	vadd.f32 v36, v35;
	[tilespmem:v28+s17+$0x0] =	vst.idx.add.f32.msk $0xffff, v14;
	v11 =	vadd.f32 v21, v11  }
0x274: {  	[tilespmem:v30+s17+$0x0] =	vst.idx.add.f32.msk $0xffff, v15  }
0x275: {  	[tilespmem:v33+s17+$0x0] =	vst.idx.add.f32.msk $0xffff, v16;
	v11 =	vadd.f32 v37, v11  }
0x276: {  	[tilespmem:v34+s17+$0x0] =	vst.idx.add.f32.msk $0xffff, v17  }
0x277: {  	[tilespmem:v10+s17+$0x0] =	vst.idx.add.f32.msk $0xffff, v11  }
0x278: {  	v10 =	vld [tilespmem:s24+$0x2440];
	_ =	sdelay $0x1  }
0x279: {  	v11 =	vld [tilespmem:s24+$0x10440]  }
0x27a: {  	v38 =	vld [tilespmem:s24+$0x12440]  }
0x27b: {  	v14 =	vld [tilespmem:s24+$0x14440]  }
0x27c: {  	v15 =	vld [tilespmem:s24+$0x16440];
	v39 =	vadd.s32 v4, v10  }
0x27d: {  	v16 =	vld [tilespmem:s24+$0x18440]  }
0x27e: {  	v17 =	vld [tilespmem:s24+$0x1A440]  }
0x27f: {  	v40 =	vadd.s32 v5, v10;
	v41 =	vadd.s32 v6, v10  }
0x280: {  	v42 =	vmul.f32 v38, v38;
	v43 =	vadd.s32 v7, v10;
	v44 =	vmul.f32 v14, v14  }
0x281: {  	v45 =	vmul.f32 v15, v15;
	[tilespmem:v39+s17+$0x0] =	vst.idx.add.f32.msk $0xffff, v11;
	v11 =	vmul.f32 v11, v11  }
0x282: {  	v46 =	vadd.s32 v8, v10;
	v47 =	vadd.s32 v9, v10;
	v48 =	vmul.f32 v16, v16  }
0x283: {  	v49 =	vmul.f32 v17, v17;
	v21 =	vadd.f32 v45, v44;
	v11 =	vadd.f32 v42, v11  }
0x284: {  	v10 =	vadd.s32 $0x1800, v10;
	[tilespmem:v40+s17+$0x0] =	vst.idx.add.f32.msk $0xffff, v38  }
0x285: {  	v50 =	vadd.f32 v49, v48;
	[tilespmem:v41+s17+$0x0] =	vst.idx.add.f32.msk $0xffff, v14;
	v11 =	vadd.f32 v21, v11  }
0x286: {  	[tilespmem:v43+s17+$0x0] =	vst.idx.add.f32.msk $0xffff, v15  }
0x287: {  	[tilespmem:v46+s17+$0x0] =	vst.idx.add.f32.msk $0xffff, v16;
	v11 =	vadd.f32 v50, v11  }
0x288: {  	[tilespmem:v47+s17+$0x0] =	vst.idx.add.f32.msk $0xffff, v17  }
0x289: {  	[tilespmem:v10+s17+$0x0] =	vst.idx.add.f32.msk $0xffff, v11  }
0x28a: {  	v10 =	vld [tilespmem:s24+$0x2450];
	_ =	sdelay $0x1  }
0x28b: {  	v11 =	vld [tilespmem:s24+$0x10450]  }
0x28c: {  	v51 =	vld [tilespmem:s24+$0x12450]  }
0x28d: {  	v14 =	vld [tilespmem:s24+$0x14450]  }
0x28e: {  	v15 =	vld [tilespmem:s24+$0x16450];
	v52 =	vadd.s32 v4, v10  }
0x28f: {  	v16 =	vld [tilespmem:s24+$0x18450]  }
0x290: {  	v17 =	vld [tilespmem:s24+$0x1A450]  }
0x291: {  	v53 =	vadd.s32 v5, v10;
	v54 =	vadd.s32 v6, v10  }
0x292: {  	v55 =	vmul.f32 v51, v51;
	v56 =	vadd.s32 v7, v10;
	v57 =	vmul.f32 v14, v14  }
0x293: {  	v58 =	vmul.f32 v15, v15;
	[tilespmem:v52+s17+$0x0] =	vst.idx.add.f32.msk $0xffff, v11;
	v11 =	vmul.f32 v11, v11  }
0x294: {  	v59 =	vadd.s32 v8, v10;
	v60 =	vadd.s32 v9, v10;
	v61 =	vmul.f32 v16, v16  }
0x295: {  	v62 =	vmul.f32 v17, v17;
	v21 =	vadd.f32 v58, v57;
	v11 =	vadd.f32 v55, v11  }
0x296: {  	p1 =	sne.s32 s23, $0x1F00;
	v10 =	vadd.s32 $0x1800, v10;
	[tilespmem:v53+s17+$0x0] =	vst.idx.add.f32.msk $0xffff, v51  }
.Ltmp5:
0x297: {  	v63 =	vadd.f32 v62, v61;
	[tilespmem:v54+s17+$0x0] =	vst.idx.add.f32.msk $0xffff, v14;
	v11 =	vadd.f32 v21, v11;
	(pc) =	sbr.rel @p1 .LBB2_9-.Ltmp5, $4  }
0x298: {  	[tilespmem:v56+s17+$0x0] =	vst.idx.add.f32.msk $0xffff, v15  }
0x299: {  	[tilespmem:v59+s17+$0x0] =	vst.idx.add.f32.msk $0xffff, v16;
	v11 =	vadd.f32 v63, v11  }
0x29a: {  	[tilespmem:v60+s17+$0x0] =	vst.idx.add.f32.msk $0xffff, v17  }
0x29b: {  	s22 =	sadd.s32 $0x80, s22;
	s23 =	sadd.s32 $0x100, s23;
	[tilespmem:v10+s17+$0x0] =	vst.idx.add.f32.msk $0xffff, v11  }
.Ltmp6:
0x29c: {  	(pc) =	sbr.rel @!p0 .LBB2_11-.Ltmp6, $1  }
0x29d: {  	_ =	sdelay $0x3  }
0x29e: {  	s20 =	sadd.s32 $0x1, s20  }
0x29f: {  	p0 =	sne.s32 s20, s11  }
.Ltmp7:
0x2a0: {  	_ = 	snop;
	(pc) =	sbr.rel @p0 .LBB2_2-.Ltmp7, $4  }
0x2a1: {  	[hbm4b:s9+s3] =	stream.linear.scatter [tilespmem:s17], [sflag:$0x3], $0x1900, $0x38;
	[tilespmem:$0x1D900] =	vst v63  }
0x2a2: {  	_ =	swait.ge [sflag:s12], $0x1900  }
0x2a3: {  	[sflag:s12] =	ssyncset.done $0x0  }
0x2a4: {  	[sflag:s12] =	ssyncadd.s32 $0xFFFFE700  }
.LBB2_13:
0x2a5: {  	_ =	sfence.sel $0x180000  }
0x2a6: {  	[bflag:$0x0] =	sbarrier.arrive $0xFFFF  }
0x2a7: {  	p0 =	sne.s32 s2, $0x0;
	_ =	strace $0x90000047  }
0x2a8: {  	s0 =	sadd.s32 @!p0 $0x100000, s0;
	[bflag:$0x2] =	sbarrier.arrive $0xFFFF  }
0x2a9: {  	[sflag:s0] =	ssyncadd.tile.s32 @!p0 $0x1;
	_ =	shalt  }
.Lfunc_end2:
_tile_overlayer_lowered:
.L_overlay_start_2:
0x2aa: {  	(tag) =	ssettag $0x2  }
0x2ab: {  	s0 =	rddreg [dreg:$0x0];
	s2 =	stileid.u32  }
0x2ac: {  	s1 =	rddreg [dreg:$0x1];
	p0 =	sne.s32 s2, $0x0  }
0x2ad: {  	s3 =	rddreg [dreg:$0x2];
	[bflag:$0x3] =	sbarrier.arrive $0xFFFF;
	s2 =	simm.s32 @!p0 $0x1C03  }
0x2ae: {  	[timem:s3], [sflag:s2] =	dma.local @!p0 [hbm:s0], s1  }
0x2af: {  	s0 =	simm.s32 @!p0 $0x3  }
0x2b0: {  	_ =	swait.ge @!p0 [sflag:s0], s1  }
0x2b1: {  	s1 =	ssub.s32 @!p0 $0x0, s1;
	[sflag:s0] =	ssyncset.done @!p0 $0x0  }
0x2b2: {  	[sflag:s0] =	ssyncadd.s32 @!p0 s1  }
0x2b3: {  	[bflag:$0x3] =	sbarrier.arrive $0xFFFF  }
0x2b4: {  	_ =	shalt  }

</sc_bundles>
